<compile_context>
chip_gen: v7x
topology: tpu7x:2x2x1
jax: 0.10.2.dev20260603
libtpu: 0.0.44.dev20260713+nightly
codegen_flags: <defaults>
</compile_context>

<pallas_src>
import functools

import jax
import jax.numpy as jnp
from jax import lax
from jax.experimental import pallas as pl
from jax.experimental.pallas import tpu as pltpu
from jax.experimental.pallas import tpu_sc as plsc

N = 10000
E = 320000
D = 128

NC = 2
NS = 16
NW = NC * NS
LANES = 16

CH = 120
NCHUNK = 84
TPE = NCHUNK * CH
EPAD = NW * TPE
NPAD = 10112
RPT = NPAD // NS
NPAD_DEG = 10240
RPT_DEG = NPAD_DEG // NS
BLK = 1000

_mesh = plsc.VectorSubcoreMesh(core_axis_name="c", subcore_axis_name="s")


@functools.partial(
    pl.kernel,
    mesh=_mesh,
    out_type=jax.ShapeDtypeStruct((NC, NPAD_DEG), jnp.float32),
    compiler_params=pltpu.CompilerParams(needs_layout_passes=False),
    scratch_types=[
        pltpu.VMEM_SHARED((NPAD_DEG,), jnp.float32),
        pltpu.VMEM((NCHUNK, CH), jnp.int32),
        pltpu.VMEM((NCHUNK, CH), jnp.float32),
        pltpu.VMEM((RPT_DEG,), jnp.float32),
        pltpu.SemaphoreType.DMA,
    ],
)
def _deg_kernel(col_hbm, ew_hbm, deg_out, dacc, cbuf, wbuf, zbuf, dsem):
    cid = lax.axis_index("c")
    sid = lax.axis_index("s")
    wid = cid * NS + sid
    pltpu.sync_copy(col_hbm.at[wid], cbuf)
    pltpu.sync_copy(ew_hbm.at[wid], wbuf)
    zeros16 = jnp.zeros((LANES,), jnp.float32)

    def _zero(i, carry):
        zbuf[pl.ds(i * LANES, LANES)] = zeros16
        return carry

    lax.fori_loop(0, RPT_DEG // LANES, _zero, 0)
    pltpu.sync_copy(zbuf, dacc.at[pl.ds(sid * RPT_DEG, RPT_DEG)])
    plsc.subcore_barrier()

    def _scat(j, carry):
        pltpu.async_copy(wbuf.at[j], dacc.at[cbuf.at[j]], dsem, add=True)
        return carry

    lax.fori_loop(0, NCHUNK, _scat, 0)

    def _drain(j, carry):
        pltpu.make_async_copy(wbuf.at[0], dacc.at[cbuf.at[0]], dsem).wait()
        return carry

    lax.fori_loop(0, NCHUNK, _drain, 0)
    plsc.subcore_barrier()
    pltpu.sync_copy(dacc.at[pl.ds(sid * RPT_DEG, RPT_DEG)],
                    deg_out.at[cid, pl.ds(sid * RPT_DEG, RPT_DEG)])


@functools.partial(
    pl.kernel,
    mesh=_mesh,
    out_type=jax.ShapeDtypeStruct((NC, NPAD, D), jnp.float32),
    compiler_params=pltpu.CompilerParams(needs_layout_passes=False),
    scratch_types=[
        pltpu.VMEM_SHARED((NPAD, D), jnp.float32),
        pltpu.VMEM((3, CH), jnp.int32),
        pltpu.VMEM((3, CH), jnp.int32),
        pltpu.VMEM((3, CH), jnp.float32),
        pltpu.VMEM((CH, D), jnp.float32),
        pltpu.VMEM((CH, D), jnp.float32),
        pltpu.VMEM((CH, D), jnp.float32),
        pltpu.SemaphoreType.DMA,
        pltpu.SemaphoreType.DMA,
        pltpu.SemaphoreType.DMA,
        pltpu.SemaphoreType.DMA,
        pltpu.SemaphoreType.DMA,
        pltpu.SemaphoreType.DMA,
        pltpu.SemaphoreType.DMA,
        pltpu.SemaphoreType.DMA,
        pltpu.SemaphoreType.DMA,
        pltpu.SemaphoreType.DMA,
        pltpu.SemaphoreType.DMA,
        pltpu.SemaphoreType.DMA,
    ],
)
def _agg_kernel(g_hbm, row_hbm, col_hbm, ewb_hbm, agg_out, acc,
                rbuf, cbuf, wbuf, buf0, buf1, buf2,
                gsem0, gsem1, gsem2, ssem0, ssem1, ssem2,
                rsem0, rsem1, rsem2, csem0, csem1, csem2):
    cid = lax.axis_index("c")
    sid = lax.axis_index("s")
    wid = cid * NS + sid
    bufs = (buf0, buf1, buf2)
    gsems = (gsem0, gsem1, gsem2)
    ssems = (ssem0, ssem1, ssem2)
    rsems = (rsem0, rsem1, rsem2)
    csems = (csem0, csem1, csem2)

    zeros16 = jnp.zeros((LANES,), jnp.float32)

    def _zero(r, carry):
        for f in range(D // LANES):
            buf0[r, pl.ds(f * LANES, LANES)] = zeros16
        return carry

    lax.fori_loop(0, CH, _zero, 0)
    for t in range(RPT // CH):
        pltpu.sync_copy(buf0, acc.at[pl.ds(sid * RPT + t * CH, CH)])
    rem = RPT - (RPT // CH) * CH
    if rem:
        pltpu.sync_copy(buf0.at[pl.ds(0, rem)],
                        acc.at[pl.ds(sid * RPT + (RPT // CH) * CH, rem)])
    plsc.subcore_barrier()

    def _row_load(j, s):
        pltpu.async_copy(row_hbm.at[wid, j], rbuf.at[s], rsems[s])

    def _row_wait(j, s):
        pltpu.make_async_copy(row_hbm.at[wid, j], rbuf.at[s], rsems[s]).wait()

    def _ce_load(j, s):
        pltpu.async_copy(col_hbm.at[wid, j], cbuf.at[s], csems[s])
        pltpu.async_copy(ewb_hbm.at[wid, j], wbuf.at[s], csems[s])

    def _ce_wait(j, s):
        pltpu.make_async_copy(col_hbm.at[wid, j], cbuf.at[s], csems[s]).wait()
        pltpu.make_async_copy(ewb_hbm.at[wid, j], wbuf.at[s], csems[s]).wait()

    def _gather_start(s):
        pltpu.async_copy(g_hbm.at[rbuf.at[s]], bufs[s], gsems[s])

    def _gather_wait(s):
        pltpu.make_async_copy(g_hbm.at[rbuf.at[s]], bufs[s], gsems[s]).wait()

    def _scatter_start(s):
        pltpu.async_copy(bufs[s], acc.at[cbuf.at[s]], ssems[s], add=True)

    def _scatter_wait(s):
        pltpu.make_async_copy(bufs[s], acc.at[cbuf.at[s]], ssems[s]).wait()

    def _scale(s):
        buf = bufs[s]

        def _edge(e, carry):
            w16 = plsc.load_gather(
                wbuf, [jnp.full((LANES,), s, jnp.int32),
                       jnp.full((LANES,), e, jnp.int32)])
            for f in range(D // LANES):
                sl = pl.ds(f * LANES, LANES)
                buf[e, sl] = buf[e, sl] * w16
            return carry

        lax.fori_loop(0, CH, _edge, 0)

    for s in range(3):
        _row_load(s, s)
    for s in range(2):
        _ce_load(s, s)
    for s in range(2):
        _row_wait(s, s)
        _gather_start(s)

    def _triple(t, carry):
        for u in range(3):
            j = t * 3 + u
            s = u
            s1 = (u + 2) % 3
            _gather_wait(s)

            @pl.when(j <= NCHUNK - 4)
            def _():
                _row_load(j + 3, s)

            _ce_wait(j, s)
            _scale(s)
            _scatter_start(s)

            @pl.when(j >= 1)
            def _():
                _scatter_wait(s1)

            @pl.when(j <= NCHUNK - 3)
            def _():
                _ce_load(j + 2, s1)
                _row_wait(j + 2, s1)
                _gather_start(s1)

        return carry

    lax.fori_loop(0, NCHUNK // 3, _triple, 0)
    _scatter_wait((NCHUNK - 1) % 3)
    plsc.subcore_barrier()
    pltpu.sync_copy(acc.at[pl.ds(sid * RPT, RPT)],
                    agg_out.at[cid, pl.ds(sid * RPT, RPT)])


def _mm1_body(x_ref, w_ref, d0_ref, d1_ref, g_ref, dv_ref):
    deg = d0_ref[...] + d1_ref[...] + 1.0
    dv = jnp.where(deg > 0, lax.rsqrt(jnp.where(deg > 0, deg, 1.0)), 0.0)
    h = jnp.dot(x_ref[...], w_ref[...], preferred_element_type=jnp.float32)
    g_ref[...] = h * dv
    dv_ref[...] = dv


def _mm2_body(agg_ref, g_ref, dv_ref, b_ref, w_ref, g2_ref):
    dv = dv_ref[...]
    pre = dv * (agg_ref[0] + agg_ref[1] + g_ref[...]) + b_ref[...]
    h = jnp.maximum(pre, 0.0)
    g2_ref[...] = dv * jnp.dot(h, w_ref[...], preferred_element_type=jnp.float32)


def _fin_body(agg_ref, g_ref, dv_ref, b_ref, o_ref):
    dv = dv_ref[...]
    pre = dv * (agg_ref[0] + agg_ref[1] + g_ref[...]) + b_ref[...]
    o_ref[...] = jnp.maximum(pre, 0.0)


_row_spec = pl.BlockSpec((BLK, D), lambda i: (i, 0))
_col_spec = pl.BlockSpec((BLK, 1), lambda i: (i, 0))
_agg_spec = pl.BlockSpec((2, BLK, D), lambda i: (0, i, 0))
_w_spec = pl.BlockSpec((D, D), lambda i: (0, 0))
_b_spec = pl.BlockSpec((1, D), lambda i: (0, 0))
_GRID = (N // BLK,)


def _mm1(x, w1t, d0, d1):
    return pl.pallas_call(
        _mm1_body,
        grid=_GRID,
        in_specs=[_row_spec, _w_spec, _col_spec, _col_spec],
        out_specs=[_row_spec, _col_spec],
        out_shape=[jax.ShapeDtypeStruct((N, D), jnp.float32),
                   jax.ShapeDtypeStruct((N, 1), jnp.float32)],
    )(x, w1t, d0, d1)


def _mm2(agg, g, dv, b, w2t):
    return pl.pallas_call(
        _mm2_body,
        grid=_GRID,
        in_specs=[_agg_spec, _row_spec, _col_spec, _b_spec, _w_spec],
        out_specs=[_row_spec],
        out_shape=[jax.ShapeDtypeStruct((N, D), jnp.float32)],
    )(agg, g, dv, b, w2t)[0]


def _fin(agg, g, dv, b):
    return pl.pallas_call(
        _fin_body,
        grid=_GRID,
        in_specs=[_agg_spec, _row_spec, _col_spec, _b_spec],
        out_specs=[_row_spec],
        out_shape=[jax.ShapeDtypeStruct((N, D), jnp.float32)],
    )(agg, g, dv, b)[0]


def kernel(x, edge_index, edge_weights, W1, b1, W2, b2):
    f32, i32 = jnp.float32, jnp.int32
    row = edge_index[0]
    col = edge_index[1]
    pad = EPAD - E
    ar = jnp.arange(pad, dtype=i32)
    row_p = jnp.concatenate([row, ar % N])
    col_p = jnp.concatenate([col, N + ar % (NPAD - N)])
    ew_p = jnp.concatenate([edge_weights.astype(f32), jnp.zeros((pad,), f32)])
    rowarr = row_p.reshape(NW, NCHUNK, CH)
    colarr = col_p.reshape(NW, NCHUNK, CH)
    ewarr = ew_p.reshape(NW, NCHUNK, CH)
    w1t = W1.astype(f32).T
    w2t = W2.astype(f32).T
    b1r = b1.astype(f32).reshape(1, D)
    b2r = b2.astype(f32).reshape(1, D)

    deg_parts = _deg_kernel(colarr, ewarr)
    d0 = deg_parts[0, :N].reshape(N, 1)
    d1 = deg_parts[1, :N].reshape(N, 1)

    g1, dv = _mm1(x.astype(f32), w1t, d0, d1)
    agg1 = _agg_kernel(g1, rowarr, colarr, ewarr)
    g2 = _mm2(agg1, g1, dv, b1r, w2t)
    agg2 = _agg_kernel(g2, rowarr, colarr, ewarr)
    return _fin(agg2, g2, dv, b2r)

# --- scband reference (transcript-rebuilt; emitter-appended) ---
"""Pipeline reference for scband-hybrid-model-11295763988685 (READ-ONLY COPY).

The authoritative reference and input builder live on the scoring server;
editing this copy changes nothing except your own understanding.
"""

import jax, jax.numpy as jnp
import numpy as np

N = 10000
E = 320000
D = 128


def setup_inputs(seed: int = 0) -> dict:
    key = jax.random.key(seed)
    ks = jax.random.split(key, 8)
    x = jax.random.normal(ks[0], (N, D), dtype=jnp.float32)
    edge_index = jax.random.randint(ks[1], (2, E), 0, N, dtype=jnp.int32)
    edge_weights = jax.random.uniform(ks[2], (E,), dtype=jnp.float32)
    # GCNConv learned params (glorot-style init), layer1: D->128, layer2: 128->128
    std1 = (2.0 / (D + 128)) ** 0.5
    W1 = jax.random.normal(ks[3], (128, D), dtype=jnp.float32) * std1
    b1 = jnp.zeros((128,), dtype=jnp.float32)
    std2 = (2.0 / (128 + 128)) ** 0.5
    W2 = jax.random.normal(ks[4], (128, 128), dtype=jnp.float32) * std2
    b2 = jnp.zeros((128,), dtype=jnp.float32)
    return {"x": x, "edge_index": edge_index, "edge_weights": edge_weights,
            "W1": W1, "b1": b1, "W2": W2, "b2": b2}


def _gcn_conv(x, edge_index, edge_weight, W, b):
    # Faithful torch_geometric GCNConv: add self-loops (fill=1.0),
    # symmetric normalization D^{-1/2} A D^{-1/2}, linear transform, scatter-add, bias.
    n = x.shape[0]
    row = edge_index[0]
    col = edge_index[1]
    loop = jnp.arange(n, dtype=row.dtype)
    row = jnp.concatenate([row, loop])
    col = jnp.concatenate([col, loop])
    ew = jnp.concatenate([edge_weight, jnp.ones((n,), dtype=edge_weight.dtype)])
    deg = jnp.zeros((n,), dtype=ew.dtype).at[col].add(ew)
    deg_inv_sqrt = jnp.where(deg > 0, jax.lax.rsqrt(jnp.where(deg > 0, deg, 1.0)), 0.0)
    norm = deg_inv_sqrt[row] * ew * deg_inv_sqrt[col]
    h = x @ W.T
    msg = norm[:, None] * jnp.take(h, row, axis=0)
    out = jnp.zeros((n, h.shape[1]), dtype=h.dtype).at[col].add(msg)
    return out + b


def reference(x, edge_index, edge_weights, W1, b1, W2, b2):
    # BasicGcn.forward: two GCNConv layers, dropout p=0.0 (identity), relu activations
    h = _gcn_conv(x, edge_index, edge_weights, W1, b1)
    h = jax.nn.relu(h)
    h = _gcn_conv(h, edge_index, edge_weights, W2, b2)
    h = jax.nn.relu(h)
    return h

if __name__ == "__main__":
    import jax
    _d = setup_inputs()
    print(jax.jit(kernel)(*tuple(_d.values())))

</pallas_src>

<mosaic_0001>
#map = affine_map<(d0, d1) -> (0, 0, 0)>
#map1 = affine_map<(d0, d1) -> (0, 0)>
module attributes {stable_mosaic.version = 14 : i64} {
  func.func @_deg_kernel(%arg0: i32, %arg1: i32, %arg2: memref<32x84x120xi32, #tpu.memory_space<hbm>>, %arg3: memref<32x84x120xf32, #tpu.memory_space<hbm>>, %arg4: memref<2x10240xf32, #tpu.memory_space<hbm>>, %arg5: memref<10240xf32, #tpu.memory_space<vmem_shared>>, %arg6: memref<84x120xi32, #tpu.memory_space<vmem>>, %arg7: memref<84x120xf32, #tpu.memory_space<vmem>>, %arg8: memref<640xf32, #tpu.memory_space<vmem>>, %arg9: memref<!tpu.dma_semaphore, #tpu.memory_space<semaphore_mem>>) attributes {dimension_semantics = [#tpu.dimension_semantics<core_parallel>, #tpu.dimension_semantics<subcore_parallel>], iteration_bounds = array<i64: 2, 16>, scalar_prefetch = 0 : i64, scratch_operands = 5 : i64, tpu.core_type = #tpu.core_type<sc_vector_subcore>, window_params = [{transform_indices = #map}, {transform_indices = #map}, {transform_indices = #map1}]} {
    %mul3A = arith.constant 16 : i32
    %mul3A_0 = arith.muli %arg0, %mul3A : i32
    %add3A = arith.addi %mul3A_0, %arg1 : i32
    "tpu.region"() ({
      %run_scoped3A = tpu.sem_alloc : memref<!tpu.dma_semaphore, #tpu.memory_space<semaphore_mem>>
      %dma_start3A = arith.constant 0 : i32
      %dma_start3A_26 = arith.constant 0 : i32
      %dma_start3A_27 = tpu.memref_slice %arg2[%add3A, %dma_start3A, %dma_start3A_26] : memref<32x84x120xi32, #tpu.memory_space<hbm>> -> memref<1x84x120xi32, #tpu.memory_space<hbm>>
      %dma_start3A_28 = tpu.memref_squeeze %dma_start3A_27 : memref<1x84x120xi32, #tpu.memory_space<hbm>> -> memref<84x120xi32, #tpu.memory_space<hbm>>
      %dma_start3A_29 = arith.constant 0 : i32
      %dma_start3A_30 = arith.constant 0 : i32
      %dma_start3A_31 = tpu.memref_slice %arg2[%add3A, %dma_start3A_29, %dma_start3A_30] : memref<32x84x120xi32, #tpu.memory_space<hbm>> -> memref<1x84x120xi32, #tpu.memory_space<hbm>>
      %dma_start3A_32 = tpu.memref_squeeze %dma_start3A_31 : memref<1x84x120xi32, #tpu.memory_space<hbm>> -> memref<84x120xi32, #tpu.memory_space<hbm>>
      tpu.enqueue_dma source(%dma_start3A_32 : memref<84x120xi32, #tpu.memory_space<hbm>>) target(%arg6 : memref<84x120xi32, #tpu.memory_space<vmem>>) target_semaphore(%run_scoped3A : memref<!tpu.dma_semaphore, #tpu.memory_space<semaphore_mem>>)
      %dma_wait3A = arith.constant 0 : i32
      %dma_wait3A_33 = arith.constant 0 : i32
      %dma_wait3A_34 = tpu.memref_slice %arg2[%add3A, %dma_wait3A, %dma_wait3A_33] : memref<32x84x120xi32, #tpu.memory_space<hbm>> -> memref<1x84x120xi32, #tpu.memory_space<hbm>>
      %dma_wait3A_35 = tpu.memref_squeeze %dma_wait3A_34 : memref<1x84x120xi32, #tpu.memory_space<hbm>> -> memref<84x120xi32, #tpu.memory_space<hbm>>
      %dma_wait3A_36 = arith.constant 0 : i32
      %dma_wait3A_37 = arith.constant 0 : i32
      %dma_wait3A_38 = tpu.memref_slice %arg2[%add3A, %dma_wait3A_36, %dma_wait3A_37] : memref<32x84x120xi32, #tpu.memory_space<hbm>> -> memref<1x84x120xi32, #tpu.memory_space<hbm>>
      %dma_wait3A_39 = tpu.memref_squeeze %dma_wait3A_38 : memref<1x84x120xi32, #tpu.memory_space<hbm>> -> memref<84x120xi32, #tpu.memory_space<hbm>>
      tpu.wait_dma2 semaphore(%run_scoped3A : memref<!tpu.dma_semaphore, #tpu.memory_space<semaphore_mem>>) src(%dma_wait3A_39 : memref<84x120xi32, #tpu.memory_space<hbm>>) dst(%arg6 : memref<84x120xi32, #tpu.memory_space<vmem>>)
      tpu.yield
    }) : () -> ()
    "tpu.region"() ({
      %run_scoped3A = tpu.sem_alloc : memref<!tpu.dma_semaphore, #tpu.memory_space<semaphore_mem>>
      %dma_start3A = arith.constant 0 : i32
      %dma_start3A_26 = arith.constant 0 : i32
      %dma_start3A_27 = tpu.memref_slice %arg3[%add3A, %dma_start3A, %dma_start3A_26] : memref<32x84x120xf32, #tpu.memory_space<hbm>> -> memref<1x84x120xf32, #tpu.memory_space<hbm>>
      %dma_start3A_28 = tpu.memref_squeeze %dma_start3A_27 : memref<1x84x120xf32, #tpu.memory_space<hbm>> -> memref<84x120xf32, #tpu.memory_space<hbm>>
      %dma_start3A_29 = arith.constant 0 : i32
      %dma_start3A_30 = arith.constant 0 : i32
      %dma_start3A_31 = tpu.memref_slice %arg3[%add3A, %dma_start3A_29, %dma_start3A_30] : memref<32x84x120xf32, #tpu.memory_space<hbm>> -> memref<1x84x120xf32, #tpu.memory_space<hbm>>
      %dma_start3A_32 = tpu.memref_squeeze %dma_start3A_31 : memref<1x84x120xf32, #tpu.memory_space<hbm>> -> memref<84x120xf32, #tpu.memory_space<hbm>>
      tpu.enqueue_dma source(%dma_start3A_32 : memref<84x120xf32, #tpu.memory_space<hbm>>) target(%arg7 : memref<84x120xf32, #tpu.memory_space<vmem>>) target_semaphore(%run_scoped3A : memref<!tpu.dma_semaphore, #tpu.memory_space<semaphore_mem>>)
      %dma_wait3A = arith.constant 0 : i32
      %dma_wait3A_33 = arith.constant 0 : i32
      %dma_wait3A_34 = tpu.memref_slice %arg3[%add3A, %dma_wait3A, %dma_wait3A_33] : memref<32x84x120xf32, #tpu.memory_space<hbm>> -> memref<1x84x120xf32, #tpu.memory_space<hbm>>
      %dma_wait3A_35 = tpu.memref_squeeze %dma_wait3A_34 : memref<1x84x120xf32, #tpu.memory_space<hbm>> -> memref<84x120xf32, #tpu.memory_space<hbm>>
      %dma_wait3A_36 = arith.constant 0 : i32
      %dma_wait3A_37 = arith.constant 0 : i32
      %dma_wait3A_38 = tpu.memref_slice %arg3[%add3A, %dma_wait3A_36, %dma_wait3A_37] : memref<32x84x120xf32, #tpu.memory_space<hbm>> -> memref<1x84x120xf32, #tpu.memory_space<hbm>>
      %dma_wait3A_39 = tpu.memref_squeeze %dma_wait3A_38 : memref<1x84x120xf32, #tpu.memory_space<hbm>> -> memref<84x120xf32, #tpu.memory_space<hbm>>
      tpu.wait_dma2 semaphore(%run_scoped3A : memref<!tpu.dma_semaphore, #tpu.memory_space<semaphore_mem>>) src(%dma_wait3A_39 : memref<84x120xf32, #tpu.memory_space<hbm>>) dst(%arg7 : memref<84x120xf32, #tpu.memory_space<vmem>>)
      tpu.yield
    }) : () -> ()
    %broadcast_in_dim3A = arith.constant 0.000000e+00 : f32
    %broadcast_in_dim3A_1 = vector.broadcast %broadcast_in_dim3A : f32 to vector<16xf32>
    %scan3A = arith.constant 0 : i32
    %scan3A_2 = arith.constant 0 : i32
    %scan3A_3 = arith.constant 40 : i32
    %scan3A_4 = arith.addi %scan3A_2, %scan3A_3 : i32
    %scan3A_5 = arith.constant 1 : i32
    scf.for %scan3A_26 = %scan3A_2 to %scan3A_4 step %scan3A_5  : i32 {
      %mul3A_27 = arith.constant 16 : i32
      %mul3A_28 = arith.muli %scan3A_26, %mul3A_27 : i32
      %swap3A = arith.index_cast %mul3A_28 : i32 to index
      %swap3A_29 = tpu.vector_load %arg8[%swap3A] {strides = array<i32>} : memref<640xf32, #tpu.memory_space<vmem>>, vector<16xf32>,
      tpu.vector_store %arg8[%swap3A], %broadcast_in_dim3A_1 {strides = array<i32>} : memref<640xf32, #tpu.memory_space<vmem>>, vector<16xf32>,
    }
    %scan3A_6 = arith.constant 40 : i32
    %mul3A_7 = arith.constant 640 : i32
    %mul3A_8 = arith.muli %arg1, %mul3A_7 : i32
    "tpu.region"() ({
      %run_scoped3A = tpu.sem_alloc : memref<!tpu.dma_semaphore, #tpu.memory_space<semaphore_mem>>
      %dma_start3A = tpu.memref_slice %arg5[%mul3A_8] : memref<10240xf32, #tpu.memory_space<vmem_shared>> -> memref<640xf32, #tpu.memory_space<vmem_shared>>
      %dma_start3A_26 = tpu.memref_slice %arg5[%mul3A_8] : memref<10240xf32, #tpu.memory_space<vmem_shared>> -> memref<640xf32, #tpu.memory_space<vmem_shared>>
      tpu.enqueue_dma source(%arg8 : memref<640xf32, #tpu.memory_space<vmem>>) target(%dma_start3A_26 : memref<640xf32, #tpu.memory_space<vmem_shared>>) target_semaphore(%run_scoped3A : memref<!tpu.dma_semaphore, #tpu.memory_space<semaphore_mem>>)
      %dma_wait3A = tpu.memref_slice %arg5[%mul3A_8] : memref<10240xf32, #tpu.memory_space<vmem_shared>> -> memref<640xf32, #tpu.memory_space<vmem_shared>>
      %dma_wait3A_27 = tpu.memref_slice %arg5[%mul3A_8] : memref<10240xf32, #tpu.memory_space<vmem_shared>> -> memref<640xf32, #tpu.memory_space<vmem_shared>>
      tpu.wait_dma2 semaphore(%run_scoped3A : memref<!tpu.dma_semaphore, #tpu.memory_space<semaphore_mem>>) src(%arg8 : memref<640xf32, #tpu.memory_space<vmem>>) dst(%dma_wait3A_27 : memref<640xf32, #tpu.memory_space<vmem_shared>>)
      tpu.yield
    }) : () -> ()
    %barrier3A = arith.constant 0 : index
    tpu.barrier barrier_id(%barrier3A)
    %scan3A_9 = arith.constant 0 : i32
    %scan3A_10 = arith.constant 0 : i32
    %scan3A_11 = arith.constant 84 : i32
    %scan3A_12 = arith.addi %scan3A_10, %scan3A_11 : i32
    %scan3A_13 = arith.constant 1 : i32
    scf.for %scan3A_26 = %scan3A_10 to %scan3A_12 step %scan3A_13  : i32 {
      %dma_start3A = arith.constant 0 : i32
      %dma_start3A_27 = tpu.memref_slice %arg7[%scan3A_26, %dma_start3A] : memref<84x120xf32, #tpu.memory_space<vmem>> -> memref<1x120xf32, #tpu.memory_space<vmem>>
      %dma_start3A_28 = tpu.memref_squeeze %dma_start3A_27 : memref<1x120xf32, #tpu.memory_space<vmem>> -> memref<120xf32, #tpu.memory_space<vmem>>
      %dma_start3A_29 = arith.constant 0 : i32
      %dma_start3A_30 = tpu.memref_slice %arg6[%scan3A_26, %dma_start3A_29] : memref<84x120xi32, #tpu.memory_space<vmem>> -> memref<1x120xi32, #tpu.memory_space<vmem>>
      %dma_start3A_31 = tpu.memref_squeeze %dma_start3A_30 : memref<1x120xi32, #tpu.memory_space<vmem>> -> memref<120xi32, #tpu.memory_space<vmem>>
      %dma_start3A_32 = arith.constant 0 : i32
      %dma_start3A_33 = tpu.memref_slice %arg5[%dma_start3A_32] : memref<10240xf32, #tpu.memory_space<vmem_shared>> -> memref<10240xf32, #tpu.memory_space<vmem_shared>>
      tpu.enqueue_indirect_dma source(%dma_start3A_28 : memref<120xf32, #tpu.memory_space<vmem>>) target(%dma_start3A_33 : memref<10240xf32, #tpu.memory_space<vmem_shared>>) offsets(%dma_start3A_31 : memref<120xi32, #tpu.memory_space<vmem>>) semaphore(%arg9 : memref<!tpu.dma_semaphore, #tpu.memory_space<semaphore_mem>>) {add = true}
    }
    %scan3A_14 = arith.constant 84 : i32
    %scan3A_15 = arith.constant 0 : i32
    %scan3A_16 = arith.constant 0 : i32
    %scan3A_17 = arith.constant 84 : i32
    %scan3A_18 = arith.addi %scan3A_16, %scan3A_17 : i32
    %scan3A_19 = arith.constant 1 : i32
    scf.for %scan3A_26 = %scan3A_16 to %scan3A_18 step %scan3A_19  : i32 {
      %dma_wait3A = arith.constant 0 : i32
      %dma_wait3A_27 = arith.constant 0 : i32
      %dma_wait3A_28 = arith.constant 0 : i32
      %dma_wait3A_29 = tpu.memref_slice %arg7[%dma_wait3A, %dma_wait3A_28] : memref<84x120xf32, #tpu.memory_space<vmem>> -> memref<1x120xf32, #tpu.memory_space<vmem>>
      %dma_wait3A_30 = tpu.memref_squeeze %dma_wait3A_29 : memref<1x120xf32, #tpu.memory_space<vmem>> -> memref<120xf32, #tpu.memory_space<vmem>>
      %dma_wait3A_31 = arith.constant 0 : i32
      %dma_wait3A_32 = tpu.memref_slice %arg6[%dma_wait3A_27, %dma_wait3A_31] : memref<84x120xi32, #tpu.memory_space<vmem>> -> memref<1x120xi32, #tpu.memory_space<vmem>>
      %dma_wait3A_33 = tpu.memref_squeeze %dma_wait3A_32 : memref<1x120xi32, #tpu.memory_space<vmem>> -> memref<120xi32, #tpu.memory_space<vmem>>
      %dma_wait3A_34 = arith.constant 0 : i32
      %dma_wait3A_35 = tpu.memref_slice %arg5[%dma_wait3A_34] : memref<10240xf32, #tpu.memory_space<vmem_shared>> -> memref<10240xf32, #tpu.memory_space<vmem_shared>>
      tpu.wait_indirect_dma semaphore(%arg9 : memref<!tpu.dma_semaphore, #tpu.memory_space<semaphore_mem>>) src(%dma_wait3A_30 : memref<120xf32, #tpu.memory_space<vmem>>) dst(%dma_wait3A_35 : memref<10240xf32, #tpu.memory_space<vmem_shared>>)
    }
    %scan3A_20 = arith.constant 84 : i32
    %barrier3A_21 = arith.constant 0 : index
    tpu.barrier barrier_id(%barrier3A_21)
    %mul3A_22 = arith.constant 640 : i32
    %mul3A_23 = arith.muli %arg1, %mul3A_22 : i32
    %mul3A_24 = arith.constant 640 : i32
    %mul3A_25 = arith.muli %arg1, %mul3A_24 : i32
    "tpu.region"() ({
      %run_scoped3A = tpu.sem_alloc : memref<!tpu.dma_semaphore, #tpu.memory_space<semaphore_mem>>
      %dma_start3A = tpu.memref_slice %arg4[%arg0, %mul3A_25] : memref<2x10240xf32, #tpu.memory_space<hbm>> -> memref<1x640xf32, #tpu.memory_space<hbm>>
      %dma_start3A_26 = tpu.memref_squeeze %dma_start3A : memref<1x640xf32, #tpu.memory_space<hbm>> -> memref<640xf32, #tpu.memory_space<hbm>>
      %dma_start3A_27 = tpu.memref_slice %arg5[%mul3A_23] : memref<10240xf32, #tpu.memory_space<vmem_shared>> -> memref<640xf32, #tpu.memory_space<vmem_shared>>
      tpu.enqueue_dma source(%dma_start3A_27 : memref<640xf32, #tpu.memory_space<vmem_shared>>) target(%dma_start3A_26 : memref<640xf32, #tpu.memory_space<hbm>>) target_semaphore(%run_scoped3A : memref<!tpu.dma_semaphore, #tpu.memory_space<semaphore_mem>>)
      %dma_wait3A = tpu.memref_slice %arg4[%arg0, %mul3A_25] : memref<2x10240xf32, #tpu.memory_space<hbm>> -> memref<1x640xf32, #tpu.memory_space<hbm>>
      %dma_wait3A_28 = tpu.memref_squeeze %dma_wait3A : memref<1x640xf32, #tpu.memory_space<hbm>> -> memref<640xf32, #tpu.memory_space<hbm>>
      %dma_wait3A_29 = tpu.memref_slice %arg5[%mul3A_23] : memref<10240xf32, #tpu.memory_space<vmem_shared>> -> memref<640xf32, #tpu.memory_space<vmem_shared>>
      tpu.wait_dma2 semaphore(%run_scoped3A : memref<!tpu.dma_semaphore, #tpu.memory_space<semaphore_mem>>) src(%dma_wait3A_29 : memref<640xf32, #tpu.memory_space<vmem_shared>>) dst(%dma_wait3A_28 : memref<640xf32, #tpu.memory_space<hbm>>)
      tpu.yield
    }) : () -> ()
    return
  }
}

#map = affine_map<(d0, d1) -> (0, 0)>
#map1 = affine_map<(d0, d1) -> (0, 0, 0)>
module attributes {stable_mosaic.version = 14 : i64} {
  func.func @_agg_kernel(%arg0: i32, %arg1: i32, %arg2: memref<10000x128xf32, #tpu.memory_space<hbm>>, %arg3: memref<32x84x120xi32, #tpu.memory_space<hbm>>, %arg4: memref<32x84x120xi32, #tpu.memory_space<hbm>>, %arg5: memref<32x84x120xf32, #tpu.memory_space<hbm>>, %arg6: memref<2x10112x128xf32, #tpu.memory_space<hbm>>, %arg7: memref<10112x128xf32, #tpu.memory_space<vmem_shared>>, %arg8: memref<3x120xi32, #tpu.memory_space<vmem>>, %arg9: memref<3x120xi32, #tpu.memory_space<vmem>>, %arg10: memref<3x120xf32, #tpu.memory_space<vmem>>, %arg11: memref<120x128xf32, #tpu.memory_space<vmem>>, %arg12: memref<120x128xf32, #tpu.memory_space<vmem>>, %arg13: memref<120x128xf32, #tpu.memory_space<vmem>>, %arg14: memref<!tpu.dma_semaphore, #tpu.memory_space<semaphore_mem>>, %arg15: memref<!tpu.dma_semaphore, #tpu.memory_space<semaphore_mem>>, %arg16: memref<!tpu.dma_semaphore, #tpu.memory_space<semaphore_mem>>, %arg17: memref<!tpu.dma_semaphore, #tpu.memory_space<semaphore_mem>>, %arg18: memref<!tpu.dma_semaphore, #tpu.memory_space<semaphore_mem>>, %arg19: memref<!tpu.dma_semaphore, #tpu.memory_space<semaphore_mem>>, %arg20: memref<!tpu.dma_semaphore, #tpu.memory_space<semaphore_mem>>, %arg21: memref<!tpu.dma_semaphore, #tpu.memory_space<semaphore_mem>>, %arg22: memref<!tpu.dma_semaphore, #tpu.memory_space<semaphore_mem>>, %arg23: memref<!tpu.dma_semaphore, #tpu.memory_space<semaphore_mem>>, %arg24: memref<!tpu.dma_semaphore, #tpu.memory_space<semaphore_mem>>, %arg25: memref<!tpu.dma_semaphore, #tpu.memory_space<semaphore_mem>>) attributes {dimension_semantics = [#tpu.dimension_semantics<core_parallel>, #tpu.dimension_semantics<subcore_parallel>], iteration_bounds = array<i64: 2, 16>, scalar_prefetch = 0 : i64, scratch_operands = 19 : i64, tpu.core_type = #tpu.core_type<sc_vector_subcore>, window_params = [{transform_indices = #map}, {transform_indices = #map1}, {transform_indices = #map1}, {transform_indices = #map1}, {transform_indices = #map1}]} {
    %mul3A = arith.constant 16 : i32
    %mul3A_0 = arith.muli %arg0, %mul3A : i32
    %add3A = arith.addi %mul3A_0, %arg1 : i32
    %broadcast_in_dim3A = arith.constant 0.000000e+00 : f32
    %broadcast_in_dim3A_1 = vector.broadcast %broadcast_in_dim3A : f32 to vector<16xf32>
    %scan3A = arith.constant 0 : i32
    %scan3A_2 = arith.constant 0 : i32
    %scan3A_3 = arith.constant 120 : i32
    %scan3A_4 = arith.addi %scan3A_2, %scan3A_3 : i32
    %scan3A_5 = arith.constant 1 : i32
    scf.for %scan3A_187 = %scan3A_2 to %scan3A_4 step %scan3A_5  : i32 {
      %swap3A = arith.index_cast %scan3A_187 : i32 to index
      %swap3A_188 = arith.constant 0 : index
      %swap3A_189 = tpu.vector_load %arg11[%swap3A, %swap3A_188] {strides = array<i32>} : memref<120x128xf32, #tpu.memory_space<vmem>>, vector<16xf32>,
      tpu.vector_store %arg11[%swap3A, %swap3A_188], %broadcast_in_dim3A_1 {strides = array<i32>} : memref<120x128xf32, #tpu.memory_space<vmem>>, vector<16xf32>,
      %swap3A_190 = arith.index_cast %scan3A_187 : i32 to index
      %swap3A_191 = arith.constant 16 : index
      %swap3A_192 = tpu.vector_load %arg11[%swap3A_190, %swap3A_191] {strides = array<i32>} : memref<120x128xf32, #tpu.memory_space<vmem>>, vector<16xf32>,
      tpu.vector_store %arg11[%swap3A_190, %swap3A_191], %broadcast_in_dim3A_1 {strides = array<i32>} : memref<120x128xf32, #tpu.memory_space<vmem>>, vector<16xf32>,
      %swap3A_193 = arith.index_cast %scan3A_187 : i32 to index
      %swap3A_194 = arith.constant 32 : index
      %swap3A_195 = tpu.vector_load %arg11[%swap3A_193, %swap3A_194] {strides = array<i32>} : memref<120x128xf32, #tpu.memory_space<vmem>>, vector<16xf32>,
      tpu.vector_store %arg11[%swap3A_193, %swap3A_194], %broadcast_in_dim3A_1 {strides = array<i32>} : memref<120x128xf32, #tpu.memory_space<vmem>>, vector<16xf32>,
      %swap3A_196 = arith.index_cast %scan3A_187 : i32 to index
      %swap3A_197 = arith.constant 48 : index
      %swap3A_198 = tpu.vector_load %arg11[%swap3A_196, %swap3A_197] {strides = array<i32>} : memref<120x128xf32, #tpu.memory_space<vmem>>, vector<16xf32>,
      tpu.vector_store %arg11[%swap3A_196, %swap3A_197], %broadcast_in_dim3A_1 {strides = array<i32>} : memref<120x128xf32, #tpu.memory_space<vmem>>, vector<16xf32>,
      %swap3A_199 = arith.index_cast %scan3A_187 : i32 to index
      %swap3A_200 = arith.constant 64 : index
      %swap3A_201 = tpu.vector_load %arg11[%swap3A_199, %swap3A_200] {strides = array<i32>} : memref<120x128xf32, #tpu.memory_space<vmem>>, vector<16xf32>,
      tpu.vector_store %arg11[%swap3A_199, %swap3A_200], %broadcast_in_dim3A_1 {strides = array<i32>} : memref<120x128xf32, #tpu.memory_space<vmem>>, vector<16xf32>,
      %swap3A_202 = arith.index_cast %scan3A_187 : i32 to index
      %swap3A_203 = arith.constant 80 : index
      %swap3A_204 = tpu.vector_load %arg11[%swap3A_202, %swap3A_203] {strides = array<i32>} : memref<120x128xf32, #tpu.memory_space<vmem>>, vector<16xf32>,
      tpu.vector_store %arg11[%swap3A_202, %swap3A_203], %broadcast_in_dim3A_1 {strides = array<i32>} : memref<120x128xf32, #tpu.memory_space<vmem>>, vector<16xf32>,
      %swap3A_205 = arith.index_cast %scan3A_187 : i32 to index
      %swap3A_206 = arith.constant 96 : index
      %swap3A_207 = tpu.vector_load %arg11[%swap3A_205, %swap3A_206] {strides = array<i32>} : memref<120x128xf32, #tpu.memory_space<vmem>>, vector<16xf32>,
      tpu.vector_store %arg11[%swap3A_205, %swap3A_206], %broadcast_in_dim3A_1 {strides = array<i32>} : memref<120x128xf32, #tpu.memory_space<vmem>>, vector<16xf32>,
      %swap3A_208 = arith.index_cast %scan3A_187 : i32 to index
      %swap3A_209 = arith.constant 112 : index
      %swap3A_210 = tpu.vector_load %arg11[%swap3A_208, %swap3A_209] {strides = array<i32>} : memref<120x128xf32, #tpu.memory_space<vmem>>, vector<16xf32>,
      tpu.vector_store %arg11[%swap3A_208, %swap3A_209], %broadcast_in_dim3A_1 {strides = array<i32>} : memref<120x128xf32, #tpu.memory_space<vmem>>, vector<16xf32>,
    }
    %scan3A_6 = arith.constant 120 : i32
    %mul3A_7 = arith.constant 632 : i32
    %mul3A_8 = arith.muli %arg1, %mul3A_7 : i32
    %add3A_9 = arith.constant 0 : i32
    %add3A_10 = arith.addi %mul3A_8, %add3A_9 : i32
    "tpu.region"() ({
      %run_scoped3A = tpu.sem_alloc : memref<!tpu.dma_semaphore, #tpu.memory_space<semaphore_mem>>
      %dma_start3A_187 = arith.constant 0 : i32
      %dma_start3A_188 = tpu.memref_slice %arg7[%add3A_10, %dma_start3A_187] : memref<10112x128xf32, #tpu.memory_space<vmem_shared>> -> memref<120x128xf32, #tpu.memory_space<vmem_shared>>
      %dma_start3A_189 = arith.constant 0 : i32
      %dma_start3A_190 = tpu.memref_slice %arg7[%add3A_10, %dma_start3A_189] : memref<10112x128xf32, #tpu.memory_space<vmem_shared>> -> memref<120x128xf32, #tpu.memory_space<vmem_shared>>
      tpu.enqueue_dma source(%arg11 : memref<120x128xf32, #tpu.memory_space<vmem>>) target(%dma_start3A_190 : memref<120x128xf32, #tpu.memory_space<vmem_shared>>) target_semaphore(%run_scoped3A : memref<!tpu.dma_semaphore, #tpu.memory_space<semaphore_mem>>)
      %dma_wait3A_191 = arith.constant 0 : i32
      %dma_wait3A_192 = tpu.memref_slice %arg7[%add3A_10, %dma_wait3A_191] : memref<10112x128xf32, #tpu.memory_space<vmem_shared>> -> memref<120x128xf32, #tpu.memory_space<vmem_shared>>
      %dma_wait3A_193 = arith.constant 0 : i32
      %dma_wait3A_194 = tpu.memref_slice %arg7[%add3A_10, %dma_wait3A_193] : memref<10112x128xf32, #tpu.memory_space<vmem_shared>> -> memref<120x128xf32, #tpu.memory_space<vmem_shared>>
      tpu.wait_dma2 semaphore(%run_scoped3A : memref<!tpu.dma_semaphore, #tpu.memory_space<semaphore_mem>>) src(%arg11 : memref<120x128xf32, #tpu.memory_space<vmem>>) dst(%dma_wait3A_194 : memref<120x128xf32, #tpu.memory_space<vmem_shared>>)
      tpu.yield
    }) : () -> ()
    %mul3A_11 = arith.constant 632 : i32
    %mul3A_12 = arith.muli %arg1, %mul3A_11 : i32
    %add3A_13 = arith.constant 120 : i32
    %add3A_14 = arith.addi %mul3A_12, %add3A_13 : i32
    "tpu.region"() ({
      %run_scoped3A = tpu.sem_alloc : memref<!tpu.dma_semaphore, #tpu.memory_space<semaphore_mem>>
      %dma_start3A_187 = arith.constant 0 : i32
      %dma_start3A_188 = tpu.memref_slice %arg7[%add3A_14, %dma_start3A_187] : memref<10112x128xf32, #tpu.memory_space<vmem_shared>> -> memref<120x128xf32, #tpu.memory_space<vmem_shared>>
      %dma_start3A_189 = arith.constant 0 : i32
      %dma_start3A_190 = tpu.memref_slice %arg7[%add3A_14, %dma_start3A_189] : memref<10112x128xf32, #tpu.memory_space<vmem_shared>> -> memref<120x128xf32, #tpu.memory_space<vmem_shared>>
      tpu.enqueue_dma source(%arg11 : memref<120x128xf32, #tpu.memory_space<vmem>>) target(%dma_start3A_190 : memref<120x128xf32, #tpu.memory_space<vmem_shared>>) target_semaphore(%run_scoped3A : memref<!tpu.dma_semaphore, #tpu.memory_space<semaphore_mem>>)
      %dma_wait3A_191 = arith.constant 0 : i32
      %dma_wait3A_192 = tpu.memref_slice %arg7[%add3A_14, %dma_wait3A_191] : memref<10112x128xf32, #tpu.memory_space<vmem_shared>> -> memref<120x128xf32, #tpu.memory_space<vmem_shared>>
      %dma_wait3A_193 = arith.constant 0 : i32
      %dma_wait3A_194 = tpu.memref_slice %arg7[%add3A_14, %dma_wait3A_193] : memref<10112x128xf32, #tpu.memory_space<vmem_shared>> -> memref<120x128xf32, #tpu.memory_space<vmem_shared>>
      tpu.wait_dma2 semaphore(%run_scoped3A : memref<!tpu.dma_semaphore, #tpu.memory_space<semaphore_mem>>) src(%arg11 : memref<120x128xf32, #tpu.memory_space<vmem>>) dst(%dma_wait3A_194 : memref<120x128xf32, #tpu.memory_space<vmem_shared>>)
      tpu.yield
    }) : () -> ()
    %mul3A_15 = arith.constant 632 : i32
    %mul3A_16 = arith.muli %arg1, %mul3A_15 : i32
    %add3A_17 = arith.constant 240 : i32
    %add3A_18 = arith.addi %mul3A_16, %add3A_17 : i32
    "tpu.region"() ({
      %run_scoped3A = tpu.sem_alloc : memref<!tpu.dma_semaphore, #tpu.memory_space<semaphore_mem>>
      %dma_start3A_187 = arith.constant 0 : i32
      %dma_start3A_188 = tpu.memref_slice %arg7[%add3A_18, %dma_start3A_187] : memref<10112x128xf32, #tpu.memory_space<vmem_shared>> -> memref<120x128xf32, #tpu.memory_space<vmem_shared>>
      %dma_start3A_189 = arith.constant 0 : i32
      %dma_start3A_190 = tpu.memref_slice %arg7[%add3A_18, %dma_start3A_189] : memref<10112x128xf32, #tpu.memory_space<vmem_shared>> -> memref<120x128xf32, #tpu.memory_space<vmem_shared>>
      tpu.enqueue_dma source(%arg11 : memref<120x128xf32, #tpu.memory_space<vmem>>) target(%dma_start3A_190 : memref<120x128xf32, #tpu.memory_space<vmem_shared>>) target_semaphore(%run_scoped3A : memref<!tpu.dma_semaphore, #tpu.memory_space<semaphore_mem>>)
      %dma_wait3A_191 = arith.constant 0 : i32
      %dma_wait3A_192 = tpu.memref_slice %arg7[%add3A_18, %dma_wait3A_191] : memref<10112x128xf32, #tpu.memory_space<vmem_shared>> -> memref<120x128xf32, #tpu.memory_space<vmem_shared>>
      %dma_wait3A_193 = arith.constant 0 : i32
      %dma_wait3A_194 = tpu.memref_slice %arg7[%add3A_18, %dma_wait3A_193] : memref<10112x128xf32, #tpu.memory_space<vmem_shared>> -> memref<120x128xf32, #tpu.memory_space<vmem_shared>>
      tpu.wait_dma2 semaphore(%run_scoped3A : memref<!tpu.dma_semaphore, #tpu.memory_space<semaphore_mem>>) src(%arg11 : memref<120x128xf32, #tpu.memory_space<vmem>>) dst(%dma_wait3A_194 : memref<120x128xf32, #tpu.memory_space<vmem_shared>>)
      tpu.yield
    }) : () -> ()
    %mul3A_19 = arith.constant 632 : i32
    %mul3A_20 = arith.muli %arg1, %mul3A_19 : i32
    %add3A_21 = arith.constant 360 : i32
    %add3A_22 = arith.addi %mul3A_20, %add3A_21 : i32
    "tpu.region"() ({
      %run_scoped3A = tpu.sem_alloc : memref<!tpu.dma_semaphore, #tpu.memory_space<semaphore_mem>>
      %dma_start3A_187 = arith.constant 0 : i32
      %dma_start3A_188 = tpu.memref_slice %arg7[%add3A_22, %dma_start3A_187] : memref<10112x128xf32, #tpu.memory_space<vmem_shared>> -> memref<120x128xf32, #tpu.memory_space<vmem_shared>>
      %dma_start3A_189 = arith.constant 0 : i32
      %dma_start3A_190 = tpu.memref_slice %arg7[%add3A_22, %dma_start3A_189] : memref<10112x128xf32, #tpu.memory_space<vmem_shared>> -> memref<120x128xf32, #tpu.memory_space<vmem_shared>>
      tpu.enqueue_dma source(%arg11 : memref<120x128xf32, #tpu.memory_space<vmem>>) target(%dma_start3A_190 : memref<120x128xf32, #tpu.memory_space<vmem_shared>>) target_semaphore(%run_scoped3A : memref<!tpu.dma_semaphore, #tpu.memory_space<semaphore_mem>>)
      %dma_wait3A_191 = arith.constant 0 : i32
      %dma_wait3A_192 = tpu.memref_slice %arg7[%add3A_22, %dma_wait3A_191] : memref<10112x128xf32, #tpu.memory_space<vmem_shared>> -> memref<120x128xf32, #tpu.memory_space<vmem_shared>>
      %dma_wait3A_193 = arith.constant 0 : i32
      %dma_wait3A_194 = tpu.memref_slice %arg7[%add3A_22, %dma_wait3A_193] : memref<10112x128xf32, #tpu.memory_space<vmem_shared>> -> memref<120x128xf32, #tpu.memory_space<vmem_shared>>
      tpu.wait_dma2 semaphore(%run_scoped3A : memref<!tpu.dma_semaphore, #tpu.memory_space<semaphore_mem>>) src(%arg11 : memref<120x128xf32, #tpu.memory_space<vmem>>) dst(%dma_wait3A_194 : memref<120x128xf32, #tpu.memory_space<vmem_shared>>)
      tpu.yield
    }) : () -> ()
    %mul3A_23 = arith.constant 632 : i32
    %mul3A_24 = arith.muli %arg1, %mul3A_23 : i32
    %add3A_25 = arith.constant 480 : i32
    %add3A_26 = arith.addi %mul3A_24, %add3A_25 : i32
    "tpu.region"() ({
      %run_scoped3A = tpu.sem_alloc : memref<!tpu.dma_semaphore, #tpu.memory_space<semaphore_mem>>
      %dma_start3A_187 = arith.constant 0 : i32
      %dma_start3A_188 = tpu.memref_slice %arg7[%add3A_26, %dma_start3A_187] : memref<10112x128xf32, #tpu.memory_space<vmem_shared>> -> memref<120x128xf32, #tpu.memory_space<vmem_shared>>
      %dma_start3A_189 = arith.constant 0 : i32
      %dma_start3A_190 = tpu.memref_slice %arg7[%add3A_26, %dma_start3A_189] : memref<10112x128xf32, #tpu.memory_space<vmem_shared>> -> memref<120x128xf32, #tpu.memory_space<vmem_shared>>
      tpu.enqueue_dma source(%arg11 : memref<120x128xf32, #tpu.memory_space<vmem>>) target(%dma_start3A_190 : memref<120x128xf32, #tpu.memory_space<vmem_shared>>) target_semaphore(%run_scoped3A : memref<!tpu.dma_semaphore, #tpu.memory_space<semaphore_mem>>)
      %dma_wait3A_191 = arith.constant 0 : i32
      %dma_wait3A_192 = tpu.memref_slice %arg7[%add3A_26, %dma_wait3A_191] : memref<10112x128xf32, #tpu.memory_space<vmem_shared>> -> memref<120x128xf32, #tpu.memory_space<vmem_shared>>
      %dma_wait3A_193 = arith.constant 0 : i32
      %dma_wait3A_194 = tpu.memref_slice %arg7[%add3A_26, %dma_wait3A_193] : memref<10112x128xf32, #tpu.memory_space<vmem_shared>> -> memref<120x128xf32, #tpu.memory_space<vmem_shared>>
      tpu.wait_dma2 semaphore(%run_scoped3A : memref<!tpu.dma_semaphore, #tpu.memory_space<semaphore_mem>>) src(%arg11 : memref<120x128xf32, #tpu.memory_space<vmem>>) dst(%dma_wait3A_194 : memref<120x128xf32, #tpu.memory_space<vmem_shared>>)
      tpu.yield
    }) : () -> ()
    %mul3A_27 = arith.constant 632 : i32
    %mul3A_28 = arith.muli %arg1, %mul3A_27 : i32
    %add3A_29 = arith.constant 600 : i32
    %add3A_30 = arith.addi %mul3A_28, %add3A_29 : i32
    "tpu.region"() ({
      %run_scoped3A = tpu.sem_alloc : memref<!tpu.dma_semaphore, #tpu.memory_space<semaphore_mem>>
      %dma_start3A_187 = arith.constant 0 : i32
      %dma_start3A_188 = arith.constant 0 : i32
      %dma_start3A_189 = tpu.memref_slice %arg11[%dma_start3A_187, %dma_start3A_188] : memref<120x128xf32, #tpu.memory_space<vmem>> -> memref<32x128xf32, #tpu.memory_space<vmem>>
      %dma_start3A_190 = arith.constant 0 : i32
      %dma_start3A_191 = tpu.memref_slice %arg7[%add3A_30, %dma_start3A_190] : memref<10112x128xf32, #tpu.memory_space<vmem_shared>> -> memref<32x128xf32, #tpu.memory_space<vmem_shared>>
      %dma_start3A_192 = arith.constant 0 : i32
      %dma_start3A_193 = tpu.memref_slice %arg7[%add3A_30, %dma_start3A_192] : memref<10112x128xf32, #tpu.memory_space<vmem_shared>> -> memref<32x128xf32, #tpu.memory_space<vmem_shared>>
      %dma_start3A_194 = arith.constant 0 : i32
      %dma_start3A_195 = arith.constant 0 : i32
      %dma_start3A_196 = tpu.memref_slice %arg11[%dma_start3A_194, %dma_start3A_195] : memref<120x128xf32, #tpu.memory_space<vmem>> -> memref<32x128xf32, #tpu.memory_space<vmem>>
      tpu.enqueue_dma source(%dma_start3A_196 : memref<32x128xf32, #tpu.memory_space<vmem>>) target(%dma_start3A_193 : memref<32x128xf32, #tpu.memory_space<vmem_shared>>) target_semaphore(%run_scoped3A : memref<!tpu.dma_semaphore, #tpu.memory_space<semaphore_mem>>)
      %dma_wait3A_197 = arith.constant 0 : i32
      %dma_wait3A_198 = arith.constant 0 : i32
      %dma_wait3A_199 = tpu.memref_slice %arg11[%dma_wait3A_197, %dma_wait3A_198] : memref<120x128xf32, #tpu.memory_space<vmem>> -> memref<32x128xf32, #tpu.memory_space<vmem>>
      %dma_wait3A_200 = arith.constant 0 : i32
      %dma_wait3A_201 = tpu.memref_slice %arg7[%add3A_30, %dma_wait3A_200] : memref<10112x128xf32, #tpu.memory_space<vmem_shared>> -> memref<32x128xf32, #tpu.memory_space<vmem_shared>>
      %dma_wait3A_202 = arith.constant 0 : i32
      %dma_wait3A_203 = tpu.memref_slice %arg7[%add3A_30, %dma_wait3A_202] : memref<10112x128xf32, #tpu.memory_space<vmem_shared>> -> memref<32x128xf32, #tpu.memory_space<vmem_shared>>
      %dma_wait3A_204 = arith.constant 0 : i32
      %dma_wait3A_205 = arith.constant 0 : i32
      %dma_wait3A_206 = tpu.memref_slice %arg11[%dma_wait3A_204, %dma_wait3A_205] : memref<120x128xf32, #tpu.memory_space<vmem>> -> memref<32x128xf32, #tpu.memory_space<vmem>>
      tpu.wait_dma2 semaphore(%run_scoped3A : memref<!tpu.dma_semaphore, #tpu.memory_space<semaphore_mem>>) src(%dma_wait3A_206 : memref<32x128xf32, #tpu.memory_space<vmem>>) dst(%dma_wait3A_203 : memref<32x128xf32, #tpu.memory_space<vmem_shared>>)
      tpu.yield
    }) : () -> ()
    %barrier3A = arith.constant 0 : index
    tpu.barrier barrier_id(%barrier3A)
    %dma_start3A = arith.constant 0 : i32
    %dma_start3A_31 = arith.constant 0 : i32
    %dma_start3A_32 = arith.constant 0 : i32
    %dma_start3A_33 = tpu.memref_slice %arg8[%dma_start3A_31, %dma_start3A_32] : memref<3x120xi32, #tpu.memory_space<vmem>> -> memref<1x120xi32, #tpu.memory_space<vmem>>
    %dma_start3A_34 = tpu.memref_squeeze %dma_start3A_33 : memref<1x120xi32, #tpu.memory_space<vmem>> -> memref<120xi32, #tpu.memory_space<vmem>>
    %dma_start3A_35 = arith.constant 0 : i32
    %dma_start3A_36 = tpu.memref_slice %arg3[%add3A, %dma_start3A, %dma_start3A_35] : memref<32x84x120xi32, #tpu.memory_space<hbm>> -> memref<1x1x120xi32, #tpu.memory_space<hbm>>
    %dma_start3A_37 = tpu.memref_squeeze %dma_start3A_36 : memref<1x1x120xi32, #tpu.memory_space<hbm>> -> memref<120xi32, #tpu.memory_space<hbm>>
    %dma_start3A_38 = arith.constant 0 : i32
    %dma_start3A_39 = tpu.memref_slice %arg8[%dma_start3A_31, %dma_start3A_38] : memref<3x120xi32, #tpu.memory_space<vmem>> -> memref<1x120xi32, #tpu.memory_space<vmem>>
    %dma_start3A_40 = tpu.memref_squeeze %dma_start3A_39 : memref<1x120xi32, #tpu.memory_space<vmem>> -> memref<120xi32, #tpu.memory_space<vmem>>
    %dma_start3A_41 = arith.constant 0 : i32
    %dma_start3A_42 = tpu.memref_slice %arg3[%add3A, %dma_start3A, %dma_start3A_41] : memref<32x84x120xi32, #tpu.memory_space<hbm>> -> memref<1x1x120xi32, #tpu.memory_space<hbm>>
    %dma_start3A_43 = tpu.memref_squeeze %dma_start3A_42 : memref<1x1x120xi32, #tpu.memory_space<hbm>> -> memref<120xi32, #tpu.memory_space<hbm>>
    tpu.enqueue_dma source(%dma_start3A_43 : memref<120xi32, #tpu.memory_space<hbm>>) target(%dma_start3A_40 : memref<120xi32, #tpu.memory_space<vmem>>) target_semaphore(%arg20 : memref<!tpu.dma_semaphore, #tpu.memory_space<semaphore_mem>>)
    %dma_start3A_44 = arith.constant 1 : i32
    %dma_start3A_45 = arith.constant 1 : i32
    %dma_start3A_46 = arith.constant 0 : i32
    %dma_start3A_47 = tpu.memref_slice %arg8[%dma_start3A_45, %dma_start3A_46] : memref<3x120xi32, #tpu.memory_space<vmem>> -> memref<1x120xi32, #tpu.memory_space<vmem>>
    %dma_start3A_48 = tpu.memref_squeeze %dma_start3A_47 : memref<1x120xi32, #tpu.memory_space<vmem>> -> memref<120xi32, #tpu.memory_space<vmem>>
    %dma_start3A_49 = arith.constant 0 : i32
    %dma_start3A_50 = tpu.memref_slice %arg3[%add3A, %dma_start3A_44, %dma_start3A_49] : memref<32x84x120xi32, #tpu.memory_space<hbm>> -> memref<1x1x120xi32, #tpu.memory_space<hbm>>
    %dma_start3A_51 = tpu.memref_squeeze %dma_start3A_50 : memref<1x1x120xi32, #tpu.memory_space<hbm>> -> memref<120xi32, #tpu.memory_space<hbm>>
    %dma_start3A_52 = arith.constant 0 : i32
    %dma_start3A_53 = tpu.memref_slice %arg8[%dma_start3A_45, %dma_start3A_52] : memref<3x120xi32, #tpu.memory_space<vmem>> -> memref<1x120xi32, #tpu.memory_space<vmem>>
    %dma_start3A_54 = tpu.memref_squeeze %dma_start3A_53 : memref<1x120xi32, #tpu.memory_space<vmem>> -> memref<120xi32, #tpu.memory_space<vmem>>
    %dma_start3A_55 = arith.constant 0 : i32
    %dma_start3A_56 = tpu.memref_slice %arg3[%add3A, %dma_start3A_44, %dma_start3A_55] : memref<32x84x120xi32, #tpu.memory_space<hbm>> -> memref<1x1x120xi32, #tpu.memory_space<hbm>>
    %dma_start3A_57 = tpu.memref_squeeze %dma_start3A_56 : memref<1x1x120xi32, #tpu.memory_space<hbm>> -> memref<120xi32, #tpu.memory_space<hbm>>
    tpu.enqueue_dma source(%dma_start3A_57 : memref<120xi32, #tpu.memory_space<hbm>>) target(%dma_start3A_54 : memref<120xi32, #tpu.memory_space<vmem>>) target_semaphore(%arg21 : memref<!tpu.dma_semaphore, #tpu.memory_space<semaphore_mem>>)
    %dma_start3A_58 = arith.constant 2 : i32
    %dma_start3A_59 = arith.constant 2 : i32
    %dma_start3A_60 = arith.constant 0 : i32
    %dma_start3A_61 = tpu.memref_slice %arg8[%dma_start3A_59, %dma_start3A_60] : memref<3x120xi32, #tpu.memory_space<vmem>> -> memref<1x120xi32, #tpu.memory_space<vmem>>
    %dma_start3A_62 = tpu.memref_squeeze %dma_start3A_61 : memref<1x120xi32, #tpu.memory_space<vmem>> -> memref<120xi32, #tpu.memory_space<vmem>>
    %dma_start3A_63 = arith.constant 0 : i32
    %dma_start3A_64 = tpu.memref_slice %arg3[%add3A, %dma_start3A_58, %dma_start3A_63] : memref<32x84x120xi32, #tpu.memory_space<hbm>> -> memref<1x1x120xi32, #tpu.memory_space<hbm>>
    %dma_start3A_65 = tpu.memref_squeeze %dma_start3A_64 : memref<1x1x120xi32, #tpu.memory_space<hbm>> -> memref<120xi32, #tpu.memory_space<hbm>>
    %dma_start3A_66 = arith.constant 0 : i32
    %dma_start3A_67 = tpu.memref_slice %arg8[%dma_start3A_59, %dma_start3A_66] : memref<3x120xi32, #tpu.memory_space<vmem>> -> memref<1x120xi32, #tpu.memory_space<vmem>>
    %dma_start3A_68 = tpu.memref_squeeze %dma_start3A_67 : memref<1x120xi32, #tpu.memory_space<vmem>> -> memref<120xi32, #tpu.memory_space<vmem>>
    %dma_start3A_69 = arith.constant 0 : i32
    %dma_start3A_70 = tpu.memref_slice %arg3[%add3A, %dma_start3A_58, %dma_start3A_69] : memref<32x84x120xi32, #tpu.memory_space<hbm>> -> memref<1x1x120xi32, #tpu.memory_space<hbm>>
    %dma_start3A_71 = tpu.memref_squeeze %dma_start3A_70 : memref<1x1x120xi32, #tpu.memory_space<hbm>> -> memref<120xi32, #tpu.memory_space<hbm>>
    tpu.enqueue_dma source(%dma_start3A_71 : memref<120xi32, #tpu.memory_space<hbm>>) target(%dma_start3A_68 : memref<120xi32, #tpu.memory_space<vmem>>) target_semaphore(%arg22 : memref<!tpu.dma_semaphore, #tpu.memory_space<semaphore_mem>>)
    %dma_start3A_72 = arith.constant 0 : i32
    %dma_start3A_73 = arith.constant 0 : i32
    %dma_start3A_74 = arith.constant 0 : i32
    %dma_start3A_75 = tpu.memref_slice %arg9[%dma_start3A_73, %dma_start3A_74] : memref<3x120xi32, #tpu.memory_space<vmem>> -> memref<1x120xi32, #tpu.memory_space<vmem>>
    %dma_start3A_76 = tpu.memref_squeeze %dma_start3A_75 : memref<1x120xi32, #tpu.memory_space<vmem>> -> memref<120xi32, #tpu.memory_space<vmem>>
    %dma_start3A_77 = arith.constant 0 : i32
    %dma_start3A_78 = tpu.memref_slice %arg4[%add3A, %dma_start3A_72, %dma_start3A_77] : memref<32x84x120xi32, #tpu.memory_space<hbm>> -> memref<1x1x120xi32, #tpu.memory_space<hbm>>
    %dma_start3A_79 = tpu.memref_squeeze %dma_start3A_78 : memref<1x1x120xi32, #tpu.memory_space<hbm>> -> memref<120xi32, #tpu.memory_space<hbm>>
    %dma_start3A_80 = arith.constant 0 : i32
    %dma_start3A_81 = tpu.memref_slice %arg9[%dma_start3A_73, %dma_start3A_80] : memref<3x120xi32, #tpu.memory_space<vmem>> -> memref<1x120xi32, #tpu.memory_space<vmem>>
    %dma_start3A_82 = tpu.memref_squeeze %dma_start3A_81 : memref<1x120xi32, #tpu.memory_space<vmem>> -> memref<120xi32, #tpu.memory_space<vmem>>
    %dma_start3A_83 = arith.constant 0 : i32
    %dma_start3A_84 = tpu.memref_slice %arg4[%add3A, %dma_start3A_72, %dma_start3A_83] : memref<32x84x120xi32, #tpu.memory_space<hbm>> -> memref<1x1x120xi32, #tpu.memory_space<hbm>>
    %dma_start3A_85 = tpu.memref_squeeze %dma_start3A_84 : memref<1x1x120xi32, #tpu.memory_space<hbm>> -> memref<120xi32, #tpu.memory_space<hbm>>
    tpu.enqueue_dma source(%dma_start3A_85 : memref<120xi32, #tpu.memory_space<hbm>>) target(%dma_start3A_82 : memref<120xi32, #tpu.memory_space<vmem>>) target_semaphore(%arg23 : memref<!tpu.dma_semaphore, #tpu.memory_space<semaphore_mem>>)
    %dma_start3A_86 = arith.constant 0 : i32
    %dma_start3A_87 = arith.constant 0 : i32
    %dma_start3A_88 = arith.constant 0 : i32
    %dma_start3A_89 = tpu.memref_slice %arg10[%dma_start3A_87, %dma_start3A_88] : memref<3x120xf32, #tpu.memory_space<vmem>> -> memref<1x120xf32, #tpu.memory_space<vmem>>
    %dma_start3A_90 = tpu.memref_squeeze %dma_start3A_89 : memref<1x120xf32, #tpu.memory_space<vmem>> -> memref<120xf32, #tpu.memory_space<vmem>>
    %dma_start3A_91 = arith.constant 0 : i32
    %dma_start3A_92 = tpu.memref_slice %arg5[%add3A, %dma_start3A_86, %dma_start3A_91] : memref<32x84x120xf32, #tpu.memory_space<hbm>> -> memref<1x1x120xf32, #tpu.memory_space<hbm>>
    %dma_start3A_93 = tpu.memref_squeeze %dma_start3A_92 : memref<1x1x120xf32, #tpu.memory_space<hbm>> -> memref<120xf32, #tpu.memory_space<hbm>>
    %dma_start3A_94 = arith.constant 0 : i32
    %dma_start3A_95 = tpu.memref_slice %arg10[%dma_start3A_87, %dma_start3A_94] : memref<3x120xf32, #tpu.memory_space<vmem>> -> memref<1x120xf32, #tpu.memory_space<vmem>>
    %dma_start3A_96 = tpu.memref_squeeze %dma_start3A_95 : memref<1x120xf32, #tpu.memory_space<vmem>> -> memref<120xf32, #tpu.memory_space<vmem>>
    %dma_start3A_97 = arith.constant 0 : i32
    %dma_start3A_98 = tpu.memref_slice %arg5[%add3A, %dma_start3A_86, %dma_start3A_97] : memref<32x84x120xf32, #tpu.memory_space<hbm>> -> memref<1x1x120xf32, #tpu.memory_space<hbm>>
    %dma_start3A_99 = tpu.memref_squeeze %dma_start3A_98 : memref<1x1x120xf32, #tpu.memory_space<hbm>> -> memref<120xf32, #tpu.memory_space<hbm>>
    tpu.enqueue_dma source(%dma_start3A_99 : memref<120xf32, #tpu.memory_space<hbm>>) target(%dma_start3A_96 : memref<120xf32, #tpu.memory_space<vmem>>) target_semaphore(%arg23 : memref<!tpu.dma_semaphore, #tpu.memory_space<semaphore_mem>>)
    %dma_start3A_100 = arith.constant 1 : i32
    %dma_start3A_101 = arith.constant 1 : i32
    %dma_start3A_102 = arith.constant 0 : i32
    %dma_start3A_103 = tpu.memref_slice %arg9[%dma_start3A_101, %dma_start3A_102] : memref<3x120xi32, #tpu.memory_space<vmem>> -> memref<1x120xi32, #tpu.memory_space<vmem>>
    %dma_start3A_104 = tpu.memref_squeeze %dma_start3A_103 : memref<1x120xi32, #tpu.memory_space<vmem>> -> memref<120xi32, #tpu.memory_space<vmem>>
    %dma_start3A_105 = arith.constant 0 : i32
    %dma_start3A_106 = tpu.memref_slice %arg4[%add3A, %dma_start3A_100, %dma_start3A_105] : memref<32x84x120xi32, #tpu.memory_space<hbm>> -> memref<1x1x120xi32, #tpu.memory_space<hbm>>
    %dma_start3A_107 = tpu.memref_squeeze %dma_start3A_106 : memref<1x1x120xi32, #tpu.memory_space<hbm>> -> memref<120xi32, #tpu.memory_space<hbm>>
    %dma_start3A_108 = arith.constant 0 : i32
    %dma_start3A_109 = tpu.memref_slice %arg9[%dma_start3A_101, %dma_start3A_108] : memref<3x120xi32, #tpu.memory_space<vmem>> -> memref<1x120xi32, #tpu.memory_space<vmem>>
    %dma_start3A_110 = tpu.memref_squeeze %dma_start3A_109 : memref<1x120xi32, #tpu.memory_space<vmem>> -> memref<120xi32, #tpu.memory_space<vmem>>
    %dma_start3A_111 = arith.constant 0 : i32
    %dma_start3A_112 = tpu.memref_slice %arg4[%add3A, %dma_start3A_100, %dma_start3A_111] : memref<32x84x120xi32, #tpu.memory_space<hbm>> -> memref<1x1x120xi32, #tpu.memory_space<hbm>>
    %dma_start3A_113 = tpu.memref_squeeze %dma_start3A_112 : memref<1x1x120xi32, #tpu.memory_space<hbm>> -> memref<120xi32, #tpu.memory_space<hbm>>
    tpu.enqueue_dma source(%dma_start3A_113 : memref<120xi32, #tpu.memory_space<hbm>>) target(%dma_start3A_110 : memref<120xi32, #tpu.memory_space<vmem>>) target_semaphore(%arg24 : memref<!tpu.dma_semaphore, #tpu.memory_space<semaphore_mem>>)
    %dma_start3A_114 = arith.constant 1 : i32
    %dma_start3A_115 = arith.constant 1 : i32
    %dma_start3A_116 = arith.constant 0 : i32
    %dma_start3A_117 = tpu.memref_slice %arg10[%dma_start3A_115, %dma_start3A_116] : memref<3x120xf32, #tpu.memory_space<vmem>> -> memref<1x120xf32, #tpu.memory_space<vmem>>
    %dma_start3A_118 = tpu.memref_squeeze %dma_start3A_117 : memref<1x120xf32, #tpu.memory_space<vmem>> -> memref<120xf32, #tpu.memory_space<vmem>>
    %dma_start3A_119 = arith.constant 0 : i32
    %dma_start3A_120 = tpu.memref_slice %arg5[%add3A, %dma_start3A_114, %dma_start3A_119] : memref<32x84x120xf32, #tpu.memory_space<hbm>> -> memref<1x1x120xf32, #tpu.memory_space<hbm>>
    %dma_start3A_121 = tpu.memref_squeeze %dma_start3A_120 : memref<1x1x120xf32, #tpu.memory_space<hbm>> -> memref<120xf32, #tpu.memory_space<hbm>>
    %dma_start3A_122 = arith.constant 0 : i32
    %dma_start3A_123 = tpu.memref_slice %arg10[%dma_start3A_115, %dma_start3A_122] : memref<3x120xf32, #tpu.memory_space<vmem>> -> memref<1x120xf32, #tpu.memory_space<vmem>>
    %dma_start3A_124 = tpu.memref_squeeze %dma_start3A_123 : memref<1x120xf32, #tpu.memory_space<vmem>> -> memref<120xf32, #tpu.memory_space<vmem>>
    %dma_start3A_125 = arith.constant 0 : i32
    %dma_start3A_126 = tpu.memref_slice %arg5[%add3A, %dma_start3A_114, %dma_start3A_125] : memref<32x84x120xf32, #tpu.memory_space<hbm>> -> memref<1x1x120xf32, #tpu.memory_space<hbm>>
    %dma_start3A_127 = tpu.memref_squeeze %dma_start3A_126 : memref<1x1x120xf32, #tpu.memory_space<hbm>> -> memref<120xf32, #tpu.memory_space<hbm>>
    tpu.enqueue_dma source(%dma_start3A_127 : memref<120xf32, #tpu.memory_space<hbm>>) target(%dma_start3A_124 : memref<120xf32, #tpu.memory_space<vmem>>) target_semaphore(%arg24 : memref<!tpu.dma_semaphore, #tpu.memory_space<semaphore_mem>>)
    %dma_wait3A = arith.constant 0 : i32
    %dma_wait3A_128 = arith.constant 0 : i32
    %dma_wait3A_129 = arith.constant 0 : i32
    %dma_wait3A_130 = tpu.memref_slice %arg8[%dma_wait3A_128, %dma_wait3A_129] : memref<3x120xi32, #tpu.memory_space<vmem>> -> memref<1x120xi32, #tpu.memory_space<vmem>>
    %dma_wait3A_131 = tpu.memref_squeeze %dma_wait3A_130 : memref<1x120xi32, #tpu.memory_space<vmem>> -> memref<120xi32, #tpu.memory_space<vmem>>
    %dma_wait3A_132 = arith.constant 0 : i32
    %dma_wait3A_133 = tpu.memref_slice %arg3[%add3A, %dma_wait3A, %dma_wait3A_132] : memref<32x84x120xi32, #tpu.memory_space<hbm>> -> memref<1x1x120xi32, #tpu.memory_space<hbm>>
    %dma_wait3A_134 = tpu.memref_squeeze %dma_wait3A_133 : memref<1x1x120xi32, #tpu.memory_space<hbm>> -> memref<120xi32, #tpu.memory_space<hbm>>
    %dma_wait3A_135 = arith.constant 0 : i32
    %dma_wait3A_136 = tpu.memref_slice %arg8[%dma_wait3A_128, %dma_wait3A_135] : memref<3x120xi32, #tpu.memory_space<vmem>> -> memref<1x120xi32, #tpu.memory_space<vmem>>
    %dma_wait3A_137 = tpu.memref_squeeze %dma_wait3A_136 : memref<1x120xi32, #tpu.memory_space<vmem>> -> memref<120xi32, #tpu.memory_space<vmem>>
    %dma_wait3A_138 = arith.constant 0 : i32
    %dma_wait3A_139 = tpu.memref_slice %arg3[%add3A, %dma_wait3A, %dma_wait3A_138] : memref<32x84x120xi32, #tpu.memory_space<hbm>> -> memref<1x1x120xi32, #tpu.memory_space<hbm>>
    %dma_wait3A_140 = tpu.memref_squeeze %dma_wait3A_139 : memref<1x1x120xi32, #tpu.memory_space<hbm>> -> memref<120xi32, #tpu.memory_space<hbm>>
    tpu.wait_dma2 semaphore(%arg20 : memref<!tpu.dma_semaphore, #tpu.memory_space<semaphore_mem>>) src(%dma_wait3A_140 : memref<120xi32, #tpu.memory_space<hbm>>) dst(%dma_wait3A_137 : memref<120xi32, #tpu.memory_space<vmem>>)
    %dma_start3A_141 = arith.constant 0 : i32
    %dma_start3A_142 = arith.constant 0 : i32
    %dma_start3A_143 = tpu.memref_slice %arg8[%dma_start3A_141, %dma_start3A_142] : memref<3x120xi32, #tpu.memory_space<vmem>> -> memref<1x120xi32, #tpu.memory_space<vmem>>
    %dma_start3A_144 = tpu.memref_squeeze %dma_start3A_143 : memref<1x120xi32, #tpu.memory_space<vmem>> -> memref<120xi32, #tpu.memory_space<vmem>>
    %dma_start3A_145 = arith.constant 0 : i32
    %dma_start3A_146 = arith.constant 0 : i32
    %dma_start3A_147 = tpu.memref_slice %arg2[%dma_start3A_145, %dma_start3A_146] : memref<10000x128xf32, #tpu.memory_space<hbm>> -> memref<10000x128xf32, #tpu.memory_space<hbm>>
    tpu.enqueue_indirect_dma source(%dma_start3A_147 : memref<10000x128xf32, #tpu.memory_space<hbm>>) target(%arg11 : memref<120x128xf32, #tpu.memory_space<vmem>>) offsets(%dma_start3A_144 : memref<120xi32, #tpu.memory_space<vmem>>) semaphore(%arg14 : memref<!tpu.dma_semaphore, #tpu.memory_space<semaphore_mem>>)
    %dma_wait3A_148 = arith.constant 1 : i32
    %dma_wait3A_149 = arith.constant 1 : i32
    %dma_wait3A_150 = arith.constant 0 : i32
    %dma_wait3A_151 = tpu.memref_slice %arg8[%dma_wait3A_149, %dma_wait3A_150] : memref<3x120xi32, #tpu.memory_space<vmem>> -> memref<1x120xi32, #tpu.memory_space<vmem>>
    %dma_wait3A_152 = tpu.memref_squeeze %dma_wait3A_151 : memref<1x120xi32, #tpu.memory_space<vmem>> -> memref<120xi32, #tpu.memory_space<vmem>>
    %dma_wait3A_153 = arith.constant 0 : i32
    %dma_wait3A_154 = tpu.memref_slice %arg3[%add3A, %dma_wait3A_148, %dma_wait3A_153] : memref<32x84x120xi32, #tpu.memory_space<hbm>> -> memref<1x1x120xi32, #tpu.memory_space<hbm>>
    %dma_wait3A_155 = tpu.memref_squeeze %dma_wait3A_154 : memref<1x1x120xi32, #tpu.memory_space<hbm>> -> memref<120xi32, #tpu.memory_space<hbm>>
    %dma_wait3A_156 = arith.constant 0 : i32
    %dma_wait3A_157 = tpu.memref_slice %arg8[%dma_wait3A_149, %dma_wait3A_156] : memref<3x120xi32, #tpu.memory_space<vmem>> -> memref<1x120xi32, #tpu.memory_space<vmem>>
    %dma_wait3A_158 = tpu.memref_squeeze %dma_wait3A_157 : memref<1x120xi32, #tpu.memory_space<vmem>> -> memref<120xi32, #tpu.memory_space<vmem>>
    %dma_wait3A_159 = arith.constant 0 : i32
    %dma_wait3A_160 = tpu.memref_slice %arg3[%add3A, %dma_wait3A_148, %dma_wait3A_159] : memref<32x84x120xi32, #tpu.memory_space<hbm>> -> memref<1x1x120xi32, #tpu.memory_space<hbm>>
    %dma_wait3A_161 = tpu.memref_squeeze %dma_wait3A_160 : memref<1x1x120xi32, #tpu.memory_space<hbm>> -> memref<120xi32, #tpu.memory_space<hbm>>
    tpu.wait_dma2 semaphore(%arg21 : memref<!tpu.dma_semaphore, #tpu.memory_space<semaphore_mem>>) src(%dma_wait3A_161 : memref<120xi32, #tpu.memory_space<hbm>>) dst(%dma_wait3A_158 : memref<120xi32, #tpu.memory_space<vmem>>)
    %dma_start3A_162 = arith.constant 1 : i32
    %dma_start3A_163 = arith.constant 0 : i32
    %dma_start3A_164 = tpu.memref_slice %arg8[%dma_start3A_162, %dma_start3A_163] : memref<3x120xi32, #tpu.memory_space<vmem>> -> memref<1x120xi32, #tpu.memory_space<vmem>>
    %dma_start3A_165 = tpu.memref_squeeze %dma_start3A_164 : memref<1x120xi32, #tpu.memory_space<vmem>> -> memref<120xi32, #tpu.memory_space<vmem>>
    %dma_start3A_166 = arith.constant 0 : i32
    %dma_start3A_167 = arith.constant 0 : i32
    %dma_start3A_168 = tpu.memref_slice %arg2[%dma_start3A_166, %dma_start3A_167] : memref<10000x128xf32, #tpu.memory_space<hbm>> -> memref<10000x128xf32, #tpu.memory_space<hbm>>
    tpu.enqueue_indirect_dma source(%dma_start3A_168 : memref<10000x128xf32, #tpu.memory_space<hbm>>) target(%arg12 : memref<120x128xf32, #tpu.memory_space<vmem>>) offsets(%dma_start3A_165 : memref<120xi32, #tpu.memory_space<vmem>>) semaphore(%arg15 : memref<!tpu.dma_semaphore, #tpu.memory_space<semaphore_mem>>)
    %scan3A_169 = arith.constant 0 : i32
    %scan3A_170 = arith.constant 0 : i32
    %scan3A_171 = arith.constant 28 : i32
    %scan3A_172 = arith.addi %scan3A_170, %scan3A_171 : i32
    %scan3A_173 = arith.constant 1 : i32
    scf.for %scan3A_187 = %scan3A_170 to %scan3A_172 step %scan3A_173  : i32 {
      %mul3A_188 = arith.constant 3 : i32
      %mul3A_189 = arith.muli %scan3A_187, %mul3A_188 : i32
      %add3A_190 = arith.constant 0 : i32
      %add3A_191 = arith.addi %mul3A_189, %add3A_190 : i32
      %dma_wait3A_192 = arith.constant 0 : i32
      %dma_wait3A_193 = arith.constant 0 : i32
      %dma_wait3A_194 = tpu.memref_slice %arg8[%dma_wait3A_192, %dma_wait3A_193] : memref<3x120xi32, #tpu.memory_space<vmem>> -> memref<1x120xi32, #tpu.memory_space<vmem>>
      %dma_wait3A_195 = tpu.memref_squeeze %dma_wait3A_194 : memref<1x120xi32, #tpu.memory_space<vmem>> -> memref<120xi32, #tpu.memory_space<vmem>>
      %dma_wait3A_196 = arith.constant 0 : i32
      %dma_wait3A_197 = arith.constant 0 : i32
      %dma_wait3A_198 = tpu.memref_slice %arg2[%dma_wait3A_196, %dma_wait3A_197] : memref<10000x128xf32, #tpu.memory_space<hbm>> -> memref<10000x128xf32, #tpu.memory_space<hbm>>
      tpu.wait_indirect_dma semaphore(%arg14 : memref<!tpu.dma_semaphore, #tpu.memory_space<semaphore_mem>>) src(%dma_wait3A_198 : memref<10000x128xf32, #tpu.memory_space<hbm>>) dst(%arg11 : memref<120x128xf32, #tpu.memory_space<vmem>>)
      %le3A = arith.constant 80 : i32
      %le3A_199 = arith.cmpi sle, %add3A_191, %le3A : i32
      %convert_element_type3A = arith.extui %le3A_199 : i1 to i32
      %cond3A = arith.constant 0 : i32
      %cond3A_200 = arith.cmpi ne, %convert_element_type3A, %cond3A : i32
      scf.if %cond3A_200 {
        %add3A_379 = arith.constant 3 : i32
        %add3A_380 = arith.addi %add3A_191, %add3A_379 : i32
        %dma_start3A_381 = arith.constant 0 : i32
        %dma_start3A_382 = arith.constant 0 : i32
        %dma_start3A_383 = tpu.memref_slice %arg8[%dma_start3A_381, %dma_start3A_382] : memref<3x120xi32, #tpu.memory_space<vmem>> -> memref<1x120xi32, #tpu.memory_space<vmem>>
        %dma_start3A_384 = tpu.memref_squeeze %dma_start3A_383 : memref<1x120xi32, #tpu.memory_space<vmem>> -> memref<120xi32, #tpu.memory_space<vmem>>
        %dma_start3A_385 = arith.constant 0 : i32
        %dma_start3A_386 = tpu.memref_slice %arg3[%add3A, %add3A_380, %dma_start3A_385] : memref<32x84x120xi32, #tpu.memory_space<hbm>> -> memref<1x1x120xi32, #tpu.memory_space<hbm>>
        %dma_start3A_387 = tpu.memref_squeeze %dma_start3A_386 : memref<1x1x120xi32, #tpu.memory_space<hbm>> -> memref<120xi32, #tpu.memory_space<hbm>>
        %dma_start3A_388 = arith.constant 0 : i32
        %dma_start3A_389 = tpu.memref_slice %arg8[%dma_start3A_381, %dma_start3A_388] : memref<3x120xi32, #tpu.memory_space<vmem>> -> memref<1x120xi32, #tpu.memory_space<vmem>>
        %dma_start3A_390 = tpu.memref_squeeze %dma_start3A_389 : memref<1x120xi32, #tpu.memory_space<vmem>> -> memref<120xi32, #tpu.memory_space<vmem>>
        %dma_start3A_391 = arith.constant 0 : i32
        %dma_start3A_392 = tpu.memref_slice %arg3[%add3A, %add3A_380, %dma_start3A_391] : memref<32x84x120xi32, #tpu.memory_space<hbm>> -> memref<1x1x120xi32, #tpu.memory_space<hbm>>
        %dma_start3A_393 = tpu.memref_squeeze %dma_start3A_392 : memref<1x1x120xi32, #tpu.memory_space<hbm>> -> memref<120xi32, #tpu.memory_space<hbm>>
        tpu.enqueue_dma source(%dma_start3A_393 : memref<120xi32, #tpu.memory_space<hbm>>) target(%dma_start3A_390 : memref<120xi32, #tpu.memory_space<vmem>>) target_semaphore(%arg20 : memref<!tpu.dma_semaphore, #tpu.memory_space<semaphore_mem>>)
      } else {
      }
      %dma_wait3A_201 = arith.constant 0 : i32
      %dma_wait3A_202 = arith.constant 0 : i32
      %dma_wait3A_203 = tpu.memref_slice %arg9[%dma_wait3A_201, %dma_wait3A_202] : memref<3x120xi32, #tpu.memory_space<vmem>> -> memref<1x120xi32, #tpu.memory_space<vmem>>
      %dma_wait3A_204 = tpu.memref_squeeze %dma_wait3A_203 : memref<1x120xi32, #tpu.memory_space<vmem>> -> memref<120xi32, #tpu.memory_space<vmem>>
      %dma_wait3A_205 = arith.constant 0 : i32
      %dma_wait3A_206 = tpu.memref_slice %arg4[%add3A, %add3A_191, %dma_wait3A_205] : memref<32x84x120xi32, #tpu.memory_space<hbm>> -> memref<1x1x120xi32, #tpu.memory_space<hbm>>
      %dma_wait3A_207 = tpu.memref_squeeze %dma_wait3A_206 : memref<1x1x120xi32, #tpu.memory_space<hbm>> -> memref<120xi32, #tpu.memory_space<hbm>>
      %dma_wait3A_208 = arith.constant 0 : i32
      %dma_wait3A_209 = tpu.memref_slice %arg9[%dma_wait3A_201, %dma_wait3A_208] : memref<3x120xi32, #tpu.memory_space<vmem>> -> memref<1x120xi32, #tpu.memory_space<vmem>>
      %dma_wait3A_210 = tpu.memref_squeeze %dma_wait3A_209 : memref<1x120xi32, #tpu.memory_space<vmem>> -> memref<120xi32, #tpu.memory_space<vmem>>
      %dma_wait3A_211 = arith.constant 0 : i32
      %dma_wait3A_212 = tpu.memref_slice %arg4[%add3A, %add3A_191, %dma_wait3A_211] : memref<32x84x120xi32, #tpu.memory_space<hbm>> -> memref<1x1x120xi32, #tpu.memory_space<hbm>>
      %dma_wait3A_213 = tpu.memref_squeeze %dma_wait3A_212 : memref<1x1x120xi32, #tpu.memory_space<hbm>> -> memref<120xi32, #tpu.memory_space<hbm>>
      tpu.wait_dma2 semaphore(%arg23 : memref<!tpu.dma_semaphore, #tpu.memory_space<semaphore_mem>>) src(%dma_wait3A_213 : memref<120xi32, #tpu.memory_space<hbm>>) dst(%dma_wait3A_210 : memref<120xi32, #tpu.memory_space<vmem>>)
      %dma_wait3A_214 = arith.constant 0 : i32
      %dma_wait3A_215 = arith.constant 0 : i32
      %dma_wait3A_216 = tpu.memref_slice %arg10[%dma_wait3A_214, %dma_wait3A_215] : memref<3x120xf32, #tpu.memory_space<vmem>> -> memref<1x120xf32, #tpu.memory_space<vmem>>
      %dma_wait3A_217 = tpu.memref_squeeze %dma_wait3A_216 : memref<1x120xf32, #tpu.memory_space<vmem>> -> memref<120xf32, #tpu.memory_space<vmem>>
      %dma_wait3A_218 = arith.constant 0 : i32
      %dma_wait3A_219 = tpu.memref_slice %arg5[%add3A, %add3A_191, %dma_wait3A_218] : memref<32x84x120xf32, #tpu.memory_space<hbm>> -> memref<1x1x120xf32, #tpu.memory_space<hbm>>
      %dma_wait3A_220 = tpu.memref_squeeze %dma_wait3A_219 : memref<1x1x120xf32, #tpu.memory_space<hbm>> -> memref<120xf32, #tpu.memory_space<hbm>>
      %dma_wait3A_221 = arith.constant 0 : i32
      %dma_wait3A_222 = tpu.memref_slice %arg10[%dma_wait3A_214, %dma_wait3A_221] : memref<3x120xf32, #tpu.memory_space<vmem>> -> memref<1x120xf32, #tpu.memory_space<vmem>>
      %dma_wait3A_223 = tpu.memref_squeeze %dma_wait3A_222 : memref<1x120xf32, #tpu.memory_space<vmem>> -> memref<120xf32, #tpu.memory_space<vmem>>
      %dma_wait3A_224 = arith.constant 0 : i32
      %dma_wait3A_225 = tpu.memref_slice %arg5[%add3A, %add3A_191, %dma_wait3A_224] : memref<32x84x120xf32, #tpu.memory_space<hbm>> -> memref<1x1x120xf32, #tpu.memory_space<hbm>>
      %dma_wait3A_226 = tpu.memref_squeeze %dma_wait3A_225 : memref<1x1x120xf32, #tpu.memory_space<hbm>> -> memref<120xf32, #tpu.memory_space<hbm>>
      tpu.wait_dma2 semaphore(%arg23 : memref<!tpu.dma_semaphore, #tpu.memory_space<semaphore_mem>>) src(%dma_wait3A_226 : memref<120xf32, #tpu.memory_space<hbm>>) dst(%dma_wait3A_223 : memref<120xf32, #tpu.memory_space<vmem>>)
      %scan3A_227 = arith.constant 0 : i32
      %scan3A_228 = arith.constant 0 : i32
      %scan3A_229 = arith.constant 120 : i32
      %scan3A_230 = arith.addi %scan3A_228, %scan3A_229 : i32
      %scan3A_231 = arith.constant 1 : i32
      scf.for %scan3A_379 = %scan3A_228 to %scan3A_230 step %scan3A_231  : i32 {
        %broadcast_in_dim3A_380 = arith.constant 0 : i32
        %broadcast_in_dim3A_381 = vector.broadcast %broadcast_in_dim3A_380 : i32 to vector<16xi32>
        %broadcast_in_dim3A_382 = vector.broadcast %scan3A_379 : i32 to vector<16xi32>
        %gather3A = tpu.vector_load_idx %arg10[%broadcast_in_dim3A_381, %broadcast_in_dim3A_382] : memref<3x120xf32, #tpu.memory_space<vmem>>[vector<16xi32>, vector<16xi32>], vector<16xf32>,
        %get3A = arith.index_cast %scan3A_379 : i32 to index
        %get3A_383 = arith.constant 0 : index
        %get3A_384 = tpu.vector_load %arg11[%get3A, %get3A_383] {strides = array<i32>} : memref<120x128xf32, #tpu.memory_space<vmem>>, vector<16xf32>,
        %mul3A_385 = arith.mulf %get3A_384, %gather3A : vector<16xf32>
        %swap3A = arith.index_cast %scan3A_379 : i32 to index
        %swap3A_386 = arith.constant 0 : index
        %swap3A_387 = tpu.vector_load %arg11[%swap3A, %swap3A_386] {strides = array<i32>} : memref<120x128xf32, #tpu.memory_space<vmem>>, vector<16xf32>,
        tpu.vector_store %arg11[%swap3A, %swap3A_386], %mul3A_385 {strides = array<i32>} : memref<120x128xf32, #tpu.memory_space<vmem>>, vector<16xf32>,
        %get3A_388 = arith.index_cast %scan3A_379 : i32 to index
        %get3A_389 = arith.constant 16 : index
        %get3A_390 = tpu.vector_load %arg11[%get3A_388, %get3A_389] {strides = array<i32>} : memref<120x128xf32, #tpu.memory_space<vmem>>, vector<16xf32>,
        %mul3A_391 = arith.mulf %get3A_390, %gather3A : vector<16xf32>
        %swap3A_392 = arith.index_cast %scan3A_379 : i32 to index
        %swap3A_393 = arith.constant 16 : index
        %swap3A_394 = tpu.vector_load %arg11[%swap3A_392, %swap3A_393] {strides = array<i32>} : memref<120x128xf32, #tpu.memory_space<vmem>>, vector<16xf32>,
        tpu.vector_store %arg11[%swap3A_392, %swap3A_393], %mul3A_391 {strides = array<i32>} : memref<120x128xf32, #tpu.memory_space<vmem>>, vector<16xf32>,
        %get3A_395 = arith.index_cast %scan3A_379 : i32 to index
        %get3A_396 = arith.constant 32 : index
        %get3A_397 = tpu.vector_load %arg11[%get3A_395, %get3A_396] {strides = array<i32>} : memref<120x128xf32, #tpu.memory_space<vmem>>, vector<16xf32>,
        %mul3A_398 = arith.mulf %get3A_397, %gather3A : vector<16xf32>
        %swap3A_399 = arith.index_cast %scan3A_379 : i32 to index
        %swap3A_400 = arith.constant 32 : index
        %swap3A_401 = tpu.vector_load %arg11[%swap3A_399, %swap3A_400] {strides = array<i32>} : memref<120x128xf32, #tpu.memory_space<vmem>>, vector<16xf32>,
        tpu.vector_store %arg11[%swap3A_399, %swap3A_400], %mul3A_398 {strides = array<i32>} : memref<120x128xf32, #tpu.memory_space<vmem>>, vector<16xf32>,
        %get3A_402 = arith.index_cast %scan3A_379 : i32 to index
        %get3A_403 = arith.constant 48 : index
        %get3A_404 = tpu.vector_load %arg11[%get3A_402, %get3A_403] {strides = array<i32>} : memref<120x128xf32, #tpu.memory_space<vmem>>, vector<16xf32>,
        %mul3A_405 = arith.mulf %get3A_404, %gather3A : vector<16xf32>
        %swap3A_406 = arith.index_cast %scan3A_379 : i32 to index
        %swap3A_407 = arith.constant 48 : index
        %swap3A_408 = tpu.vector_load %arg11[%swap3A_406, %swap3A_407] {strides = array<i32>} : memref<120x128xf32, #tpu.memory_space<vmem>>, vector<16xf32>,
        tpu.vector_store %arg11[%swap3A_406, %swap3A_407], %mul3A_405 {strides = array<i32>} : memref<120x128xf32, #tpu.memory_space<vmem>>, vector<16xf32>,
        %get3A_409 = arith.index_cast %scan3A_379 : i32 to index
        %get3A_410 = arith.constant 64 : index
        %get3A_411 = tpu.vector_load %arg11[%get3A_409, %get3A_410] {strides = array<i32>} : memref<120x128xf32, #tpu.memory_space<vmem>>, vector<16xf32>,
        %mul3A_412 = arith.mulf %get3A_411, %gather3A : vector<16xf32>
        %swap3A_413 = arith.index_cast %scan3A_379 : i32 to index
        %swap3A_414 = arith.constant 64 : index
        %swap3A_415 = tpu.vector_load %arg11[%swap3A_413, %swap3A_414] {strides = array<i32>} : memref<120x128xf32, #tpu.memory_space<vmem>>, vector<16xf32>,
        tpu.vector_store %arg11[%swap3A_413, %swap3A_414], %mul3A_412 {strides = array<i32>} : memref<120x128xf32, #tpu.memory_space<vmem>>, vector<16xf32>,
        %get3A_416 = arith.index_cast %scan3A_379 : i32 to index
        %get3A_417 = arith.constant 80 : index
        %get3A_418 = tpu.vector_load %arg11[%get3A_416, %get3A_417] {strides = array<i32>} : memref<120x128xf32, #tpu.memory_space<vmem>>, vector<16xf32>,
        %mul3A_419 = arith.mulf %get3A_418, %gather3A : vector<16xf32>
        %swap3A_420 = arith.index_cast %scan3A_379 : i32 to index
        %swap3A_421 = arith.constant 80 : index
        %swap3A_422 = tpu.vector_load %arg11[%swap3A_420, %swap3A_421] {strides = array<i32>} : memref<120x128xf32, #tpu.memory_space<vmem>>, vector<16xf32>,
        tpu.vector_store %arg11[%swap3A_420, %swap3A_421], %mul3A_419 {strides = array<i32>} : memref<120x128xf32, #tpu.memory_space<vmem>>, vector<16xf32>,
        %get3A_423 = arith.index_cast %scan3A_379 : i32 to index
        %get3A_424 = arith.constant 96 : index
        %get3A_425 = tpu.vector_load %arg11[%get3A_423, %get3A_424] {strides = array<i32>} : memref<120x128xf32, #tpu.memory_space<vmem>>, vector<16xf32>,
        %mul3A_426 = arith.mulf %get3A_425, %gather3A : vector<16xf32>
        %swap3A_427 = arith.index_cast %scan3A_379 : i32 to index
        %swap3A_428 = arith.constant 96 : index
        %swap3A_429 = tpu.vector_load %arg11[%swap3A_427, %swap3A_428] {strides = array<i32>} : memref<120x128xf32, #tpu.memory_space<vmem>>, vector<16xf32>,
        tpu.vector_store %arg11[%swap3A_427, %swap3A_428], %mul3A_426 {strides = array<i32>} : memref<120x128xf32, #tpu.memory_space<vmem>>, vector<16xf32>,
        %get3A_430 = arith.index_cast %scan3A_379 : i32 to index
        %get3A_431 = arith.constant 112 : index
        %get3A_432 = tpu.vector_load %arg11[%get3A_430, %get3A_431] {strides = array<i32>} : memref<120x128xf32, #tpu.memory_space<vmem>>, vector<16xf32>,
        %mul3A_433 = arith.mulf %get3A_432, %gather3A : vector<16xf32>
        %swap3A_434 = arith.index_cast %scan3A_379 : i32 to index
        %swap3A_435 = arith.constant 112 : index
        %swap3A_436 = tpu.vector_load %arg11[%swap3A_434, %swap3A_435] {strides = array<i32>} : memref<120x128xf32, #tpu.memory_space<vmem>>, vector<16xf32>,
        tpu.vector_store %arg11[%swap3A_434, %swap3A_435], %mul3A_433 {strides = array<i32>} : memref<120x128xf32, #tpu.memory_space<vmem>>, vector<16xf32>,
      }
      %scan3A_232 = arith.constant 120 : i32
      %dma_start3A_233 = arith.constant 0 : i32
      %dma_start3A_234 = arith.constant 0 : i32
      %dma_start3A_235 = tpu.memref_slice %arg9[%dma_start3A_233, %dma_start3A_234] : memref<3x120xi32, #tpu.memory_space<vmem>> -> memref<1x120xi32, #tpu.memory_space<vmem>>
      %dma_start3A_236 = tpu.memref_squeeze %dma_start3A_235 : memref<1x120xi32, #tpu.memory_space<vmem>> -> memref<120xi32, #tpu.memory_space<vmem>>
      %dma_start3A_237 = arith.constant 0 : i32
      %dma_start3A_238 = arith.constant 0 : i32
      %dma_start3A_239 = tpu.memref_slice %arg7[%dma_start3A_237, %dma_start3A_238] : memref<10112x128xf32, #tpu.memory_space<vmem_shared>> -> memref<10112x128xf32, #tpu.memory_space<vmem_shared>>
      tpu.enqueue_indirect_dma source(%arg11 : memref<120x128xf32, #tpu.memory_space<vmem>>) target(%dma_start3A_239 : memref<10112x128xf32, #tpu.memory_space<vmem_shared>>) offsets(%dma_start3A_236 : memref<120xi32, #tpu.memory_space<vmem>>) semaphore(%arg17 : memref<!tpu.dma_semaphore, #tpu.memory_space<semaphore_mem>>) {add = true}
      %ge3A = arith.constant 1 : i32
      %ge3A_240 = arith.cmpi sge, %add3A_191, %ge3A : i32
      %convert_element_type3A_241 = arith.extui %ge3A_240 : i1 to i32
      %cond3A_242 = arith.constant 0 : i32
      %cond3A_243 = arith.cmpi ne, %convert_element_type3A_241, %cond3A_242 : i32
      scf.if %cond3A_243 {
        %dma_wait3A_379 = arith.constant 2 : i32
        %dma_wait3A_380 = arith.constant 0 : i32
        %dma_wait3A_381 = tpu.memref_slice %arg9[%dma_wait3A_379, %dma_wait3A_380] : memref<3x120xi32, #tpu.memory_space<vmem>> -> memref<1x120xi32, #tpu.memory_space<vmem>>
        %dma_wait3A_382 = tpu.memref_squeeze %dma_wait3A_381 : memref<1x120xi32, #tpu.memory_space<vmem>> -> memref<120xi32, #tpu.memory_space<vmem>>
        %dma_wait3A_383 = arith.constant 0 : i32
        %dma_wait3A_384 = arith.constant 0 : i32
        %dma_wait3A_385 = tpu.memref_slice %arg7[%dma_wait3A_383, %dma_wait3A_384] : memref<10112x128xf32, #tpu.memory_space<vmem_shared>> -> memref<10112x128xf32, #tpu.memory_space<vmem_shared>>
        tpu.wait_indirect_dma semaphore(%arg19 : memref<!tpu.dma_semaphore, #tpu.memory_space<semaphore_mem>>) src(%arg13 : memref<120x128xf32, #tpu.memory_space<vmem>>) dst(%dma_wait3A_385 : memref<10112x128xf32, #tpu.memory_space<vmem_shared>>)
      } else {
      }
      %le3A_244 = arith.constant 81 : i32
      %le3A_245 = arith.cmpi sle, %add3A_191, %le3A_244 : i32
      %convert_element_type3A_246 = arith.extui %le3A_245 : i1 to i32
      %cond3A_247 = arith.constant 0 : i32
      %cond3A_248 = arith.cmpi ne, %convert_element_type3A_246, %cond3A_247 : i32
      scf.if %cond3A_248 {
        %add3A_379 = arith.constant 2 : i32
        %add3A_380 = arith.addi %add3A_191, %add3A_379 : i32
        %dma_start3A_381 = arith.constant 2 : i32
        %dma_start3A_382 = arith.constant 0 : i32
        %dma_start3A_383 = tpu.memref_slice %arg9[%dma_start3A_381, %dma_start3A_382] : memref<3x120xi32, #tpu.memory_space<vmem>> -> memref<1x120xi32, #tpu.memory_space<vmem>>
        %dma_start3A_384 = tpu.memref_squeeze %dma_start3A_383 : memref<1x120xi32, #tpu.memory_space<vmem>> -> memref<120xi32, #tpu.memory_space<vmem>>
        %dma_start3A_385 = arith.constant 0 : i32
        %dma_start3A_386 = tpu.memref_slice %arg4[%add3A, %add3A_380, %dma_start3A_385] : memref<32x84x120xi32, #tpu.memory_space<hbm>> -> memref<1x1x120xi32, #tpu.memory_space<hbm>>
        %dma_start3A_387 = tpu.memref_squeeze %dma_start3A_386 : memref<1x1x120xi32, #tpu.memory_space<hbm>> -> memref<120xi32, #tpu.memory_space<hbm>>
        %dma_start3A_388 = arith.constant 0 : i32
        %dma_start3A_389 = tpu.memref_slice %arg9[%dma_start3A_381, %dma_start3A_388] : memref<3x120xi32, #tpu.memory_space<vmem>> -> memref<1x120xi32, #tpu.memory_space<vmem>>
        %dma_start3A_390 = tpu.memref_squeeze %dma_start3A_389 : memref<1x120xi32, #tpu.memory_space<vmem>> -> memref<120xi32, #tpu.memory_space<vmem>>
        %dma_start3A_391 = arith.constant 0 : i32
        %dma_start3A_392 = tpu.memref_slice %arg4[%add3A, %add3A_380, %dma_start3A_391] : memref<32x84x120xi32, #tpu.memory_space<hbm>> -> memref<1x1x120xi32, #tpu.memory_space<hbm>>
        %dma_start3A_393 = tpu.memref_squeeze %dma_start3A_392 : memref<1x1x120xi32, #tpu.memory_space<hbm>> -> memref<120xi32, #tpu.memory_space<hbm>>
        tpu.enqueue_dma source(%dma_start3A_393 : memref<120xi32, #tpu.memory_space<hbm>>) target(%dma_start3A_390 : memref<120xi32, #tpu.memory_space<vmem>>) target_semaphore(%arg25 : memref<!tpu.dma_semaphore, #tpu.memory_space<semaphore_mem>>)
        %dma_start3A_394 = arith.constant 2 : i32
        %dma_start3A_395 = arith.constant 0 : i32
        %dma_start3A_396 = tpu.memref_slice %arg10[%dma_start3A_394, %dma_start3A_395] : memref<3x120xf32, #tpu.memory_space<vmem>> -> memref<1x120xf32, #tpu.memory_space<vmem>>
        %dma_start3A_397 = tpu.memref_squeeze %dma_start3A_396 : memref<1x120xf32, #tpu.memory_space<vmem>> -> memref<120xf32, #tpu.memory_space<vmem>>
        %dma_start3A_398 = arith.constant 0 : i32
        %dma_start3A_399 = tpu.memref_slice %arg5[%add3A, %add3A_380, %dma_start3A_398] : memref<32x84x120xf32, #tpu.memory_space<hbm>> -> memref<1x1x120xf32, #tpu.memory_space<hbm>>
        %dma_start3A_400 = tpu.memref_squeeze %dma_start3A_399 : memref<1x1x120xf32, #tpu.memory_space<hbm>> -> memref<120xf32, #tpu.memory_space<hbm>>
        %dma_start3A_401 = arith.constant 0 : i32
        %dma_start3A_402 = tpu.memref_slice %arg10[%dma_start3A_394, %dma_start3A_401] : memref<3x120xf32, #tpu.memory_space<vmem>> -> memref<1x120xf32, #tpu.memory_space<vmem>>
        %dma_start3A_403 = tpu.memref_squeeze %dma_start3A_402 : memref<1x120xf32, #tpu.memory_space<vmem>> -> memref<120xf32, #tpu.memory_space<vmem>>
        %dma_start3A_404 = arith.constant 0 : i32
        %dma_start3A_405 = tpu.memref_slice %arg5[%add3A, %add3A_380, %dma_start3A_404] : memref<32x84x120xf32, #tpu.memory_space<hbm>> -> memref<1x1x120xf32, #tpu.memory_space<hbm>>
        %dma_start3A_406 = tpu.memref_squeeze %dma_start3A_405 : memref<1x1x120xf32, #tpu.memory_space<hbm>> -> memref<120xf32, #tpu.memory_space<hbm>>
        tpu.enqueue_dma source(%dma_start3A_406 : memref<120xf32, #tpu.memory_space<hbm>>) target(%dma_start3A_403 : memref<120xf32, #tpu.memory_space<vmem>>) target_semaphore(%arg25 : memref<!tpu.dma_semaphore, #tpu.memory_space<semaphore_mem>>)
        %add3A_407 = arith.constant 2 : i32
        %add3A_408 = arith.addi %add3A_191, %add3A_407 : i32
        %dma_wait3A_409 = arith.constant 2 : i32
        %dma_wait3A_410 = arith.constant 0 : i32
        %dma_wait3A_411 = tpu.memref_slice %arg8[%dma_wait3A_409, %dma_wait3A_410] : memref<3x120xi32, #tpu.memory_space<vmem>> -> memref<1x120xi32, #tpu.memory_space<vmem>>
        %dma_wait3A_412 = tpu.memref_squeeze %dma_wait3A_411 : memref<1x120xi32, #tpu.memory_space<vmem>> -> memref<120xi32, #tpu.memory_space<vmem>>
        %dma_wait3A_413 = arith.constant 0 : i32
        %dma_wait3A_414 = tpu.memref_slice %arg3[%add3A, %add3A_408, %dma_wait3A_413] : memref<32x84x120xi32, #tpu.memory_space<hbm>> -> memref<1x1x120xi32, #tpu.memory_space<hbm>>
        %dma_wait3A_415 = tpu.memref_squeeze %dma_wait3A_414 : memref<1x1x120xi32, #tpu.memory_space<hbm>> -> memref<120xi32, #tpu.memory_space<hbm>>
        %dma_wait3A_416 = arith.constant 0 : i32
        %dma_wait3A_417 = tpu.memref_slice %arg8[%dma_wait3A_409, %dma_wait3A_416] : memref<3x120xi32, #tpu.memory_space<vmem>> -> memref<1x120xi32, #tpu.memory_space<vmem>>
        %dma_wait3A_418 = tpu.memref_squeeze %dma_wait3A_417 : memref<1x120xi32, #tpu.memory_space<vmem>> -> memref<120xi32, #tpu.memory_space<vmem>>
        %dma_wait3A_419 = arith.constant 0 : i32
        %dma_wait3A_420 = tpu.memref_slice %arg3[%add3A, %add3A_408, %dma_wait3A_419] : memref<32x84x120xi32, #tpu.memory_space<hbm>> -> memref<1x1x120xi32, #tpu.memory_space<hbm>>
        %dma_wait3A_421 = tpu.memref_squeeze %dma_wait3A_420 : memref<1x1x120xi32, #tpu.memory_space<hbm>> -> memref<120xi32, #tpu.memory_space<hbm>>
        tpu.wait_dma2 semaphore(%arg22 : memref<!tpu.dma_semaphore, #tpu.memory_space<semaphore_mem>>) src(%dma_wait3A_421 : memref<120xi32, #tpu.memory_space<hbm>>) dst(%dma_wait3A_418 : memref<120xi32, #tpu.memory_space<vmem>>)
        %dma_start3A_422 = arith.constant 2 : i32
        %dma_start3A_423 = arith.constant 0 : i32
        %dma_start3A_424 = tpu.memref_slice %arg8[%dma_start3A_422, %dma_start3A_423] : memref<3x120xi32, #tpu.memory_space<vmem>> -> memref<1x120xi32, #tpu.memory_space<vmem>>
        %dma_start3A_425 = tpu.memref_squeeze %dma_start3A_424 : memref<1x120xi32, #tpu.memory_space<vmem>> -> memref<120xi32, #tpu.memory_space<vmem>>
        %dma_start3A_426 = arith.constant 0 : i32
        %dma_start3A_427 = arith.constant 0 : i32
        %dma_start3A_428 = tpu.memref_slice %arg2[%dma_start3A_426, %dma_start3A_427] : memref<10000x128xf32, #tpu.memory_space<hbm>> -> memref<10000x128xf32, #tpu.memory_space<hbm>>
        tpu.enqueue_indirect_dma source(%dma_start3A_428 : memref<10000x128xf32, #tpu.memory_space<hbm>>) target(%arg13 : memref<120x128xf32, #tpu.memory_space<vmem>>) offsets(%dma_start3A_425 : memref<120xi32, #tpu.memory_space<vmem>>) semaphore(%arg16 : memref<!tpu.dma_semaphore, #tpu.memory_space<semaphore_mem>>)
      } else {
      }
      %mul3A_249 = arith.constant 3 : i32
      %mul3A_250 = arith.muli %scan3A_187, %mul3A_249 : i32
      %add3A_251 = arith.constant 1 : i32
      %add3A_252 = arith.addi %mul3A_250, %add3A_251 : i32
      %dma_wait3A_253 = arith.constant 1 : i32
      %dma_wait3A_254 = arith.constant 0 : i32
      %dma_wait3A_255 = tpu.memref_slice %arg8[%dma_wait3A_253, %dma_wait3A_254] : memref<3x120xi32, #tpu.memory_space<vmem>> -> memref<1x120xi32, #tpu.memory_space<vmem>>
      %dma_wait3A_256 = tpu.memref_squeeze %dma_wait3A_255 : memref<1x120xi32, #tpu.memory_space<vmem>> -> memref<120xi32, #tpu.memory_space<vmem>>
      %dma_wait3A_257 = arith.constant 0 : i32
      %dma_wait3A_258 = arith.constant 0 : i32
      %dma_wait3A_259 = tpu.memref_slice %arg2[%dma_wait3A_257, %dma_wait3A_258] : memref<10000x128xf32, #tpu.memory_space<hbm>> -> memref<10000x128xf32, #tpu.memory_space<hbm>>
      tpu.wait_indirect_dma semaphore(%arg15 : memref<!tpu.dma_semaphore, #tpu.memory_space<semaphore_mem>>) src(%dma_wait3A_259 : memref<10000x128xf32, #tpu.memory_space<hbm>>) dst(%arg12 : memref<120x128xf32, #tpu.memory_space<vmem>>)
      %le3A_260 = arith.constant 80 : i32
      %le3A_261 = arith.cmpi sle, %add3A_252, %le3A_260 : i32
      %convert_element_type3A_262 = arith.extui %le3A_261 : i1 to i32
      %cond3A_263 = arith.constant 0 : i32
      %cond3A_264 = arith.cmpi ne, %convert_element_type3A_262, %cond3A_263 : i32
      scf.if %cond3A_264 {
        %add3A_379 = arith.constant 3 : i32
        %add3A_380 = arith.addi %add3A_252, %add3A_379 : i32
        %dma_start3A_381 = arith.constant 1 : i32
        %dma_start3A_382 = arith.constant 0 : i32
        %dma_start3A_383 = tpu.memref_slice %arg8[%dma_start3A_381, %dma_start3A_382] : memref<3x120xi32, #tpu.memory_space<vmem>> -> memref<1x120xi32, #tpu.memory_space<vmem>>
        %dma_start3A_384 = tpu.memref_squeeze %dma_start3A_383 : memref<1x120xi32, #tpu.memory_space<vmem>> -> memref<120xi32, #tpu.memory_space<vmem>>
        %dma_start3A_385 = arith.constant 0 : i32
        %dma_start3A_386 = tpu.memref_slice %arg3[%add3A, %add3A_380, %dma_start3A_385] : memref<32x84x120xi32, #tpu.memory_space<hbm>> -> memref<1x1x120xi32, #tpu.memory_space<hbm>>
        %dma_start3A_387 = tpu.memref_squeeze %dma_start3A_386 : memref<1x1x120xi32, #tpu.memory_space<hbm>> -> memref<120xi32, #tpu.memory_space<hbm>>
        %dma_start3A_388 = arith.constant 0 : i32
        %dma_start3A_389 = tpu.memref_slice %arg8[%dma_start3A_381, %dma_start3A_388] : memref<3x120xi32, #tpu.memory_space<vmem>> -> memref<1x120xi32, #tpu.memory_space<vmem>>
        %dma_start3A_390 = tpu.memref_squeeze %dma_start3A_389 : memref<1x120xi32, #tpu.memory_space<vmem>> -> memref<120xi32, #tpu.memory_space<vmem>>
        %dma_start3A_391 = arith.constant 0 : i32
        %dma_start3A_392 = tpu.memref_slice %arg3[%add3A, %add3A_380, %dma_start3A_391] : memref<32x84x120xi32, #tpu.memory_space<hbm>> -> memref<1x1x120xi32, #tpu.memory_space<hbm>>
        %dma_start3A_393 = tpu.memref_squeeze %dma_start3A_392 : memref<1x1x120xi32, #tpu.memory_space<hbm>> -> memref<120xi32, #tpu.memory_space<hbm>>
        tpu.enqueue_dma source(%dma_start3A_393 : memref<120xi32, #tpu.memory_space<hbm>>) target(%dma_start3A_390 : memref<120xi32, #tpu.memory_space<vmem>>) target_semaphore(%arg21 : memref<!tpu.dma_semaphore, #tpu.memory_space<semaphore_mem>>)
      } else {
      }
      %dma_wait3A_265 = arith.constant 1 : i32
      %dma_wait3A_266 = arith.constant 0 : i32
      %dma_wait3A_267 = tpu.memref_slice %arg9[%dma_wait3A_265, %dma_wait3A_266] : memref<3x120xi32, #tpu.memory_space<vmem>> -> memref<1x120xi32, #tpu.memory_space<vmem>>
      %dma_wait3A_268 = tpu.memref_squeeze %dma_wait3A_267 : memref<1x120xi32, #tpu.memory_space<vmem>> -> memref<120xi32, #tpu.memory_space<vmem>>
      %dma_wait3A_269 = arith.constant 0 : i32
      %dma_wait3A_270 = tpu.memref_slice %arg4[%add3A, %add3A_252, %dma_wait3A_269] : memref<32x84x120xi32, #tpu.memory_space<hbm>> -> memref<1x1x120xi32, #tpu.memory_space<hbm>>
      %dma_wait3A_271 = tpu.memref_squeeze %dma_wait3A_270 : memref<1x1x120xi32, #tpu.memory_space<hbm>> -> memref<120xi32, #tpu.memory_space<hbm>>
      %dma_wait3A_272 = arith.constant 0 : i32
      %dma_wait3A_273 = tpu.memref_slice %arg9[%dma_wait3A_265, %dma_wait3A_272] : memref<3x120xi32, #tpu.memory_space<vmem>> -> memref<1x120xi32, #tpu.memory_space<vmem>>
      %dma_wait3A_274 = tpu.memref_squeeze %dma_wait3A_273 : memref<1x120xi32, #tpu.memory_space<vmem>> -> memref<120xi32, #tpu.memory_space<vmem>>
      %dma_wait3A_275 = arith.constant 0 : i32
      %dma_wait3A_276 = tpu.memref_slice %arg4[%add3A, %add3A_252, %dma_wait3A_275] : memref<32x84x120xi32, #tpu.memory_space<hbm>> -> memref<1x1x120xi32, #tpu.memory_space<hbm>>
      %dma_wait3A_277 = tpu.memref_squeeze %dma_wait3A_276 : memref<1x1x120xi32, #tpu.memory_space<hbm>> -> memref<120xi32, #tpu.memory_space<hbm>>
      tpu.wait_dma2 semaphore(%arg24 : memref<!tpu.dma_semaphore, #tpu.memory_space<semaphore_mem>>) src(%dma_wait3A_277 : memref<120xi32, #tpu.memory_space<hbm>>) dst(%dma_wait3A_274 : memref<120xi32, #tpu.memory_space<vmem>>)
      %dma_wait3A_278 = arith.constant 1 : i32
      %dma_wait3A_279 = arith.constant 0 : i32
      %dma_wait3A_280 = tpu.memref_slice %arg10[%dma_wait3A_278, %dma_wait3A_279] : memref<3x120xf32, #tpu.memory_space<vmem>> -> memref<1x120xf32, #tpu.memory_space<vmem>>
      %dma_wait3A_281 = tpu.memref_squeeze %dma_wait3A_280 : memref<1x120xf32, #tpu.memory_space<vmem>> -> memref<120xf32, #tpu.memory_space<vmem>>
      %dma_wait3A_282 = arith.constant 0 : i32
      %dma_wait3A_283 = tpu.memref_slice %arg5[%add3A, %add3A_252, %dma_wait3A_282] : memref<32x84x120xf32, #tpu.memory_space<hbm>> -> memref<1x1x120xf32, #tpu.memory_space<hbm>>
      %dma_wait3A_284 = tpu.memref_squeeze %dma_wait3A_283 : memref<1x1x120xf32, #tpu.memory_space<hbm>> -> memref<120xf32, #tpu.memory_space<hbm>>
      %dma_wait3A_285 = arith.constant 0 : i32
      %dma_wait3A_286 = tpu.memref_slice %arg10[%dma_wait3A_278, %dma_wait3A_285] : memref<3x120xf32, #tpu.memory_space<vmem>> -> memref<1x120xf32, #tpu.memory_space<vmem>>
      %dma_wait3A_287 = tpu.memref_squeeze %dma_wait3A_286 : memref<1x120xf32, #tpu.memory_space<vmem>> -> memref<120xf32, #tpu.memory_space<vmem>>
      %dma_wait3A_288 = arith.constant 0 : i32
      %dma_wait3A_289 = tpu.memref_slice %arg5[%add3A, %add3A_252, %dma_wait3A_288] : memref<32x84x120xf32, #tpu.memory_space<hbm>> -> memref<1x1x120xf32, #tpu.memory_space<hbm>>
      %dma_wait3A_290 = tpu.memref_squeeze %dma_wait3A_289 : memref<1x1x120xf32, #tpu.memory_space<hbm>> -> memref<120xf32, #tpu.memory_space<hbm>>
      tpu.wait_dma2 semaphore(%arg24 : memref<!tpu.dma_semaphore, #tpu.memory_space<semaphore_mem>>) src(%dma_wait3A_290 : memref<120xf32, #tpu.memory_space<hbm>>) dst(%dma_wait3A_287 : memref<120xf32, #tpu.memory_space<vmem>>)
      %scan3A_291 = arith.constant 0 : i32
      %scan3A_292 = arith.constant 0 : i32
      %scan3A_293 = arith.constant 120 : i32
      %scan3A_294 = arith.addi %scan3A_292, %scan3A_293 : i32
      %scan3A_295 = arith.constant 1 : i32
      scf.for %scan3A_379 = %scan3A_292 to %scan3A_294 step %scan3A_295  : i32 {
        %broadcast_in_dim3A_380 = arith.constant 1 : i32
        %broadcast_in_dim3A_381 = vector.broadcast %broadcast_in_dim3A_380 : i32 to vector<16xi32>
        %broadcast_in_dim3A_382 = vector.broadcast %scan3A_379 : i32 to vector<16xi32>
        %gather3A = tpu.vector_load_idx %arg10[%broadcast_in_dim3A_381, %broadcast_in_dim3A_382] : memref<3x120xf32, #tpu.memory_space<vmem>>[vector<16xi32>, vector<16xi32>], vector<16xf32>,
        %get3A = arith.index_cast %scan3A_379 : i32 to index
        %get3A_383 = arith.constant 0 : index
        %get3A_384 = tpu.vector_load %arg12[%get3A, %get3A_383] {strides = array<i32>} : memref<120x128xf32, #tpu.memory_space<vmem>>, vector<16xf32>,
        %mul3A_385 = arith.mulf %get3A_384, %gather3A : vector<16xf32>
        %swap3A = arith.index_cast %scan3A_379 : i32 to index
        %swap3A_386 = arith.constant 0 : index
        %swap3A_387 = tpu.vector_load %arg12[%swap3A, %swap3A_386] {strides = array<i32>} : memref<120x128xf32, #tpu.memory_space<vmem>>, vector<16xf32>,
        tpu.vector_store %arg12[%swap3A, %swap3A_386], %mul3A_385 {strides = array<i32>} : memref<120x128xf32, #tpu.memory_space<vmem>>, vector<16xf32>,
        %get3A_388 = arith.index_cast %scan3A_379 : i32 to index
        %get3A_389 = arith.constant 16 : index
        %get3A_390 = tpu.vector_load %arg12[%get3A_388, %get3A_389] {strides = array<i32>} : memref<120x128xf32, #tpu.memory_space<vmem>>, vector<16xf32>,
        %mul3A_391 = arith.mulf %get3A_390, %gather3A : vector<16xf32>
        %swap3A_392 = arith.index_cast %scan3A_379 : i32 to index
        %swap3A_393 = arith.constant 16 : index
        %swap3A_394 = tpu.vector_load %arg12[%swap3A_392, %swap3A_393] {strides = array<i32>} : memref<120x128xf32, #tpu.memory_space<vmem>>, vector<16xf32>,
        tpu.vector_store %arg12[%swap3A_392, %swap3A_393], %mul3A_391 {strides = array<i32>} : memref<120x128xf32, #tpu.memory_space<vmem>>, vector<16xf32>,
        %get3A_395 = arith.index_cast %scan3A_379 : i32 to index
        %get3A_396 = arith.constant 32 : index
        %get3A_397 = tpu.vector_load %arg12[%get3A_395, %get3A_396] {strides = array<i32>} : memref<120x128xf32, #tpu.memory_space<vmem>>, vector<16xf32>,
        %mul3A_398 = arith.mulf %get3A_397, %gather3A : vector<16xf32>
        %swap3A_399 = arith.index_cast %scan3A_379 : i32 to index
        %swap3A_400 = arith.constant 32 : index
        %swap3A_401 = tpu.vector_load %arg12[%swap3A_399, %swap3A_400] {strides = array<i32>} : memref<120x128xf32, #tpu.memory_space<vmem>>, vector<16xf32>,
        tpu.vector_store %arg12[%swap3A_399, %swap3A_400], %mul3A_398 {strides = array<i32>} : memref<120x128xf32, #tpu.memory_space<vmem>>, vector<16xf32>,
        %get3A_402 = arith.index_cast %scan3A_379 : i32 to index
        %get3A_403 = arith.constant 48 : index
        %get3A_404 = tpu.vector_load %arg12[%get3A_402, %get3A_403] {strides = array<i32>} : memref<120x128xf32, #tpu.memory_space<vmem>>, vector<16xf32>,
        %mul3A_405 = arith.mulf %get3A_404, %gather3A : vector<16xf32>
        %swap3A_406 = arith.index_cast %scan3A_379 : i32 to index
        %swap3A_407 = arith.constant 48 : index
        %swap3A_408 = tpu.vector_load %arg12[%swap3A_406, %swap3A_407] {strides = array<i32>} : memref<120x128xf32, #tpu.memory_space<vmem>>, vector<16xf32>,
        tpu.vector_store %arg12[%swap3A_406, %swap3A_407], %mul3A_405 {strides = array<i32>} : memref<120x128xf32, #tpu.memory_space<vmem>>, vector<16xf32>,
        %get3A_409 = arith.index_cast %scan3A_379 : i32 to index
        %get3A_410 = arith.constant 64 : index
        %get3A_411 = tpu.vector_load %arg12[%get3A_409, %get3A_410] {strides = array<i32>} : memref<120x128xf32, #tpu.memory_space<vmem>>, vector<16xf32>,
        %mul3A_412 = arith.mulf %get3A_411, %gather3A : vector<16xf32>
        %swap3A_413 = arith.index_cast %scan3A_379 : i32 to index
        %swap3A_414 = arith.constant 64 : index
        %swap3A_415 = tpu.vector_load %arg12[%swap3A_413, %swap3A_414] {strides = array<i32>} : memref<120x128xf32, #tpu.memory_space<vmem>>, vector<16xf32>,
        tpu.vector_store %arg12[%swap3A_413, %swap3A_414], %mul3A_412 {strides = array<i32>} : memref<120x128xf32, #tpu.memory_space<vmem>>, vector<16xf32>,
        %get3A_416 = arith.index_cast %scan3A_379 : i32 to index
        %get3A_417 = arith.constant 80 : index
        %get3A_418 = tpu.vector_load %arg12[%get3A_416, %get3A_417] {strides = array<i32>} : memref<120x128xf32, #tpu.memory_space<vmem>>, vector<16xf32>,
        %mul3A_419 = arith.mulf %get3A_418, %gather3A : vector<16xf32>
        %swap3A_420 = arith.index_cast %scan3A_379 : i32 to index
        %swap3A_421 = arith.constant 80 : index
        %swap3A_422 = tpu.vector_load %arg12[%swap3A_420, %swap3A_421] {strides = array<i32>} : memref<120x128xf32, #tpu.memory_space<vmem>>, vector<16xf32>,
        tpu.vector_store %arg12[%swap3A_420, %swap3A_421], %mul3A_419 {strides = array<i32>} : memref<120x128xf32, #tpu.memory_space<vmem>>, vector<16xf32>,
        %get3A_423 = arith.index_cast %scan3A_379 : i32 to index
        %get3A_424 = arith.constant 96 : index
        %get3A_425 = tpu.vector_load %arg12[%get3A_423, %get3A_424] {strides = array<i32>} : memref<120x128xf32, #tpu.memory_space<vmem>>, vector<16xf32>,
        %mul3A_426 = arith.mulf %get3A_425, %gather3A : vector<16xf32>
        %swap3A_427 = arith.index_cast %scan3A_379 : i32 to index
        %swap3A_428 = arith.constant 96 : index
        %swap3A_429 = tpu.vector_load %arg12[%swap3A_427, %swap3A_428] {strides = array<i32>} : memref<120x128xf32, #tpu.memory_space<vmem>>, vector<16xf32>,
        tpu.vector_store %arg12[%swap3A_427, %swap3A_428], %mul3A_426 {strides = array<i32>} : memref<120x128xf32, #tpu.memory_space<vmem>>, vector<16xf32>,
        %get3A_430 = arith.index_cast %scan3A_379 : i32 to index
        %get3A_431 = arith.constant 112 : index
        %get3A_432 = tpu.vector_load %arg12[%get3A_430, %get3A_431] {strides = array<i32>} : memref<120x128xf32, #tpu.memory_space<vmem>>, vector<16xf32>,
        %mul3A_433 = arith.mulf %get3A_432, %gather3A : vector<16xf32>
        %swap3A_434 = arith.index_cast %scan3A_379 : i32 to index
        %swap3A_435 = arith.constant 112 : index
        %swap3A_436 = tpu.vector_load %arg12[%swap3A_434, %swap3A_435] {strides = array<i32>} : memref<120x128xf32, #tpu.memory_space<vmem>>, vector<16xf32>,
        tpu.vector_store %arg12[%swap3A_434, %swap3A_435], %mul3A_433 {strides = array<i32>} : memref<120x128xf32, #tpu.memory_space<vmem>>, vector<16xf32>,
      }
      %scan3A_296 = arith.constant 120 : i32
      %dma_start3A_297 = arith.constant 1 : i32
      %dma_start3A_298 = arith.constant 0 : i32
      %dma_start3A_299 = tpu.memref_slice %arg9[%dma_start3A_297, %dma_start3A_298] : memref<3x120xi32, #tpu.memory_space<vmem>> -> memref<1x120xi32, #tpu.memory_space<vmem>>
      %dma_start3A_300 = tpu.memref_squeeze %dma_start3A_299 : memref<1x120xi32, #tpu.memory_space<vmem>> -> memref<120xi32, #tpu.memory_space<vmem>>
      %dma_start3A_301 = arith.constant 0 : i32
      %dma_start3A_302 = arith.constant 0 : i32
      %dma_start3A_303 = tpu.memref_slice %arg7[%dma_start3A_301, %dma_start3A_302] : memref<10112x128xf32, #tpu.memory_space<vmem_shared>> -> memref<10112x128xf32, #tpu.memory_space<vmem_shared>>
      tpu.enqueue_indirect_dma source(%arg12 : memref<120x128xf32, #tpu.memory_space<vmem>>) target(%dma_start3A_303 : memref<10112x128xf32, #tpu.memory_space<vmem_shared>>) offsets(%dma_start3A_300 : memref<120xi32, #tpu.memory_space<vmem>>) semaphore(%arg18 : memref<!tpu.dma_semaphore, #tpu.memory_space<semaphore_mem>>) {add = true}
      %ge3A_304 = arith.constant 1 : i32
      %ge3A_305 = arith.cmpi sge, %add3A_252, %ge3A_304 : i32
      %convert_element_type3A_306 = arith.extui %ge3A_305 : i1 to i32
      %cond3A_307 = arith.constant 0 : i32
      %cond3A_308 = arith.cmpi ne, %convert_element_type3A_306, %cond3A_307 : i32
      scf.if %cond3A_308 {
        %dma_wait3A_379 = arith.constant 0 : i32
        %dma_wait3A_380 = arith.constant 0 : i32
        %dma_wait3A_381 = tpu.memref_slice %arg9[%dma_wait3A_379, %dma_wait3A_380] : memref<3x120xi32, #tpu.memory_space<vmem>> -> memref<1x120xi32, #tpu.memory_space<vmem>>
        %dma_wait3A_382 = tpu.memref_squeeze %dma_wait3A_381 : memref<1x120xi32, #tpu.memory_space<vmem>> -> memref<120xi32, #tpu.memory_space<vmem>>
        %dma_wait3A_383 = arith.constant 0 : i32
        %dma_wait3A_384 = arith.constant 0 : i32
        %dma_wait3A_385 = tpu.memref_slice %arg7[%dma_wait3A_383, %dma_wait3A_384] : memref<10112x128xf32, #tpu.memory_space<vmem_shared>> -> memref<10112x128xf32, #tpu.memory_space<vmem_shared>>
        tpu.wait_indirect_dma semaphore(%arg17 : memref<!tpu.dma_semaphore, #tpu.memory_space<semaphore_mem>>) src(%arg11 : memref<120x128xf32, #tpu.memory_space<vmem>>) dst(%dma_wait3A_385 : memref<10112x128xf32, #tpu.memory_space<vmem_shared>>)
      } else {
      }
      %le3A_309 = arith.constant 81 : i32
      %le3A_310 = arith.cmpi sle, %add3A_252, %le3A_309 : i32
      %convert_element_type3A_311 = arith.extui %le3A_310 : i1 to i32
      %cond3A_312 = arith.constant 0 : i32
      %cond3A_313 = arith.cmpi ne, %convert_element_type3A_311, %cond3A_312 : i32
      scf.if %cond3A_313 {
        %add3A_379 = arith.constant 2 : i32
        %add3A_380 = arith.addi %add3A_252, %add3A_379 : i32
        %dma_start3A_381 = arith.constant 0 : i32
        %dma_start3A_382 = arith.constant 0 : i32
        %dma_start3A_383 = tpu.memref_slice %arg9[%dma_start3A_381, %dma_start3A_382] : memref<3x120xi32, #tpu.memory_space<vmem>> -> memref<1x120xi32, #tpu.memory_space<vmem>>
        %dma_start3A_384 = tpu.memref_squeeze %dma_start3A_383 : memref<1x120xi32, #tpu.memory_space<vmem>> -> memref<120xi32, #tpu.memory_space<vmem>>
        %dma_start3A_385 = arith.constant 0 : i32
        %dma_start3A_386 = tpu.memref_slice %arg4[%add3A, %add3A_380, %dma_start3A_385] : memref<32x84x120xi32, #tpu.memory_space<hbm>> -> memref<1x1x120xi32, #tpu.memory_space<hbm>>
        %dma_start3A_387 = tpu.memref_squeeze %dma_start3A_386 : memref<1x1x120xi32, #tpu.memory_space<hbm>> -> memref<120xi32, #tpu.memory_space<hbm>>
        %dma_start3A_388 = arith.constant 0 : i32
        %dma_start3A_389 = tpu.memref_slice %arg9[%dma_start3A_381, %dma_start3A_388] : memref<3x120xi32, #tpu.memory_space<vmem>> -> memref<1x120xi32, #tpu.memory_space<vmem>>
        %dma_start3A_390 = tpu.memref_squeeze %dma_start3A_389 : memref<1x120xi32, #tpu.memory_space<vmem>> -> memref<120xi32, #tpu.memory_space<vmem>>
        %dma_start3A_391 = arith.constant 0 : i32
        %dma_start3A_392 = tpu.memref_slice %arg4[%add3A, %add3A_380, %dma_start3A_391] : memref<32x84x120xi32, #tpu.memory_space<hbm>> -> memref<1x1x120xi32, #tpu.memory_space<hbm>>
        %dma_start3A_393 = tpu.memref_squeeze %dma_start3A_392 : memref<1x1x120xi32, #tpu.memory_space<hbm>> -> memref<120xi32, #tpu.memory_space<hbm>>
        tpu.enqueue_dma source(%dma_start3A_393 : memref<120xi32, #tpu.memory_space<hbm>>) target(%dma_start3A_390 : memref<120xi32, #tpu.memory_space<vmem>>) target_semaphore(%arg23 : memref<!tpu.dma_semaphore, #tpu.memory_space<semaphore_mem>>)
        %dma_start3A_394 = arith.constant 0 : i32
        %dma_start3A_395 = arith.constant 0 : i32
        %dma_start3A_396 = tpu.memref_slice %arg10[%dma_start3A_394, %dma_start3A_395] : memref<3x120xf32, #tpu.memory_space<vmem>> -> memref<1x120xf32, #tpu.memory_space<vmem>>
        %dma_start3A_397 = tpu.memref_squeeze %dma_start3A_396 : memref<1x120xf32, #tpu.memory_space<vmem>> -> memref<120xf32, #tpu.memory_space<vmem>>
        %dma_start3A_398 = arith.constant 0 : i32
        %dma_start3A_399 = tpu.memref_slice %arg5[%add3A, %add3A_380, %dma_start3A_398] : memref<32x84x120xf32, #tpu.memory_space<hbm>> -> memref<1x1x120xf32, #tpu.memory_space<hbm>>
        %dma_start3A_400 = tpu.memref_squeeze %dma_start3A_399 : memref<1x1x120xf32, #tpu.memory_space<hbm>> -> memref<120xf32, #tpu.memory_space<hbm>>
        %dma_start3A_401 = arith.constant 0 : i32
        %dma_start3A_402 = tpu.memref_slice %arg10[%dma_start3A_394, %dma_start3A_401] : memref<3x120xf32, #tpu.memory_space<vmem>> -> memref<1x120xf32, #tpu.memory_space<vmem>>
        %dma_start3A_403 = tpu.memref_squeeze %dma_start3A_402 : memref<1x120xf32, #tpu.memory_space<vmem>> -> memref<120xf32, #tpu.memory_space<vmem>>
        %dma_start3A_404 = arith.constant 0 : i32
        %dma_start3A_405 = tpu.memref_slice %arg5[%add3A, %add3A_380, %dma_start3A_404] : memref<32x84x120xf32, #tpu.memory_space<hbm>> -> memref<1x1x120xf32, #tpu.memory_space<hbm>>
        %dma_start3A_406 = tpu.memref_squeeze %dma_start3A_405 : memref<1x1x120xf32, #tpu.memory_space<hbm>> -> memref<120xf32, #tpu.memory_space<hbm>>
        tpu.enqueue_dma source(%dma_start3A_406 : memref<120xf32, #tpu.memory_space<hbm>>) target(%dma_start3A_403 : memref<120xf32, #tpu.memory_space<vmem>>) target_semaphore(%arg23 : memref<!tpu.dma_semaphore, #tpu.memory_space<semaphore_mem>>)
        %add3A_407 = arith.constant 2 : i32
        %add3A_408 = arith.addi %add3A_252, %add3A_407 : i32
        %dma_wait3A_409 = arith.constant 0 : i32
        %dma_wait3A_410 = arith.constant 0 : i32
        %dma_wait3A_411 = tpu.memref_slice %arg8[%dma_wait3A_409, %dma_wait3A_410] : memref<3x120xi32, #tpu.memory_space<vmem>> -> memref<1x120xi32, #tpu.memory_space<vmem>>
        %dma_wait3A_412 = tpu.memref_squeeze %dma_wait3A_411 : memref<1x120xi32, #tpu.memory_space<vmem>> -> memref<120xi32, #tpu.memory_space<vmem>>
        %dma_wait3A_413 = arith.constant 0 : i32
        %dma_wait3A_414 = tpu.memref_slice %arg3[%add3A, %add3A_408, %dma_wait3A_413] : memref<32x84x120xi32, #tpu.memory_space<hbm>> -> memref<1x1x120xi32, #tpu.memory_space<hbm>>
        %dma_wait3A_415 = tpu.memref_squeeze %dma_wait3A_414 : memref<1x1x120xi32, #tpu.memory_space<hbm>> -> memref<120xi32, #tpu.memory_space<hbm>>
        %dma_wait3A_416 = arith.constant 0 : i32
        %dma_wait3A_417 = tpu.memref_slice %arg8[%dma_wait3A_409, %dma_wait3A_416] : memref<3x120xi32, #tpu.memory_space<vmem>> -> memref<1x120xi32, #tpu.memory_space<vmem>>
        %dma_wait3A_418 = tpu.memref_squeeze %dma_wait3A_417 : memref<1x120xi32, #tpu.memory_space<vmem>> -> memref<120xi32, #tpu.memory_space<vmem>>
        %dma_wait3A_419 = arith.constant 0 : i32
        %dma_wait3A_420 = tpu.memref_slice %arg3[%add3A, %add3A_408, %dma_wait3A_419] : memref<32x84x120xi32, #tpu.memory_space<hbm>> -> memref<1x1x120xi32, #tpu.memory_space<hbm>>
        %dma_wait3A_421 = tpu.memref_squeeze %dma_wait3A_420 : memref<1x1x120xi32, #tpu.memory_space<hbm>> -> memref<120xi32, #tpu.memory_space<hbm>>
        tpu.wait_dma2 semaphore(%arg20 : memref<!tpu.dma_semaphore, #tpu.memory_space<semaphore_mem>>) src(%dma_wait3A_421 : memref<120xi32, #tpu.memory_space<hbm>>) dst(%dma_wait3A_418 : memref<120xi32, #tpu.memory_space<vmem>>)
        %dma_start3A_422 = arith.constant 0 : i32
        %dma_start3A_423 = arith.constant 0 : i32
        %dma_start3A_424 = tpu.memref_slice %arg8[%dma_start3A_422, %dma_start3A_423] : memref<3x120xi32, #tpu.memory_space<vmem>> -> memref<1x120xi32, #tpu.memory_space<vmem>>
        %dma_start3A_425 = tpu.memref_squeeze %dma_start3A_424 : memref<1x120xi32, #tpu.memory_space<vmem>> -> memref<120xi32, #tpu.memory_space<vmem>>
        %dma_start3A_426 = arith.constant 0 : i32
        %dma_start3A_427 = arith.constant 0 : i32
        %dma_start3A_428 = tpu.memref_slice %arg2[%dma_start3A_426, %dma_start3A_427] : memref<10000x128xf32, #tpu.memory_space<hbm>> -> memref<10000x128xf32, #tpu.memory_space<hbm>>
        tpu.enqueue_indirect_dma source(%dma_start3A_428 : memref<10000x128xf32, #tpu.memory_space<hbm>>) target(%arg11 : memref<120x128xf32, #tpu.memory_space<vmem>>) offsets(%dma_start3A_425 : memref<120xi32, #tpu.memory_space<vmem>>) semaphore(%arg14 : memref<!tpu.dma_semaphore, #tpu.memory_space<semaphore_mem>>)
      } else {
      }
      %mul3A_314 = arith.constant 3 : i32
      %mul3A_315 = arith.muli %scan3A_187, %mul3A_314 : i32
      %add3A_316 = arith.constant 2 : i32
      %add3A_317 = arith.addi %mul3A_315, %add3A_316 : i32
      %dma_wait3A_318 = arith.constant 2 : i32
      %dma_wait3A_319 = arith.constant 0 : i32
      %dma_wait3A_320 = tpu.memref_slice %arg8[%dma_wait3A_318, %dma_wait3A_319] : memref<3x120xi32, #tpu.memory_space<vmem>> -> memref<1x120xi32, #tpu.memory_space<vmem>>
      %dma_wait3A_321 = tpu.memref_squeeze %dma_wait3A_320 : memref<1x120xi32, #tpu.memory_space<vmem>> -> memref<120xi32, #tpu.memory_space<vmem>>
      %dma_wait3A_322 = arith.constant 0 : i32
      %dma_wait3A_323 = arith.constant 0 : i32
      %dma_wait3A_324 = tpu.memref_slice %arg2[%dma_wait3A_322, %dma_wait3A_323] : memref<10000x128xf32, #tpu.memory_space<hbm>> -> memref<10000x128xf32, #tpu.memory_space<hbm>>
      tpu.wait_indirect_dma semaphore(%arg16 : memref<!tpu.dma_semaphore, #tpu.memory_space<semaphore_mem>>) src(%dma_wait3A_324 : memref<10000x128xf32, #tpu.memory_space<hbm>>) dst(%arg13 : memref<120x128xf32, #tpu.memory_space<vmem>>)
      %le3A_325 = arith.constant 80 : i32
      %le3A_326 = arith.cmpi sle, %add3A_317, %le3A_325 : i32
      %convert_element_type3A_327 = arith.extui %le3A_326 : i1 to i32
      %cond3A_328 = arith.constant 0 : i32
      %cond3A_329 = arith.cmpi ne, %convert_element_type3A_327, %cond3A_328 : i32
      scf.if %cond3A_329 {
        %add3A_379 = arith.constant 3 : i32
        %add3A_380 = arith.addi %add3A_317, %add3A_379 : i32
        %dma_start3A_381 = arith.constant 2 : i32
        %dma_start3A_382 = arith.constant 0 : i32
        %dma_start3A_383 = tpu.memref_slice %arg8[%dma_start3A_381, %dma_start3A_382] : memref<3x120xi32, #tpu.memory_space<vmem>> -> memref<1x120xi32, #tpu.memory_space<vmem>>
        %dma_start3A_384 = tpu.memref_squeeze %dma_start3A_383 : memref<1x120xi32, #tpu.memory_space<vmem>> -> memref<120xi32, #tpu.memory_space<vmem>>
        %dma_start3A_385 = arith.constant 0 : i32
        %dma_start3A_386 = tpu.memref_slice %arg3[%add3A, %add3A_380, %dma_start3A_385] : memref<32x84x120xi32, #tpu.memory_space<hbm>> -> memref<1x1x120xi32, #tpu.memory_space<hbm>>
        %dma_start3A_387 = tpu.memref_squeeze %dma_start3A_386 : memref<1x1x120xi32, #tpu.memory_space<hbm>> -> memref<120xi32, #tpu.memory_space<hbm>>
        %dma_start3A_388 = arith.constant 0 : i32
        %dma_start3A_389 = tpu.memref_slice %arg8[%dma_start3A_381, %dma_start3A_388] : memref<3x120xi32, #tpu.memory_space<vmem>> -> memref<1x120xi32, #tpu.memory_space<vmem>>
        %dma_start3A_390 = tpu.memref_squeeze %dma_start3A_389 : memref<1x120xi32, #tpu.memory_space<vmem>> -> memref<120xi32, #tpu.memory_space<vmem>>
        %dma_start3A_391 = arith.constant 0 : i32
        %dma_start3A_392 = tpu.memref_slice %arg3[%add3A, %add3A_380, %dma_start3A_391] : memref<32x84x120xi32, #tpu.memory_space<hbm>> -> memref<1x1x120xi32, #tpu.memory_space<hbm>>
        %dma_start3A_393 = tpu.memref_squeeze %dma_start3A_392 : memref<1x1x120xi32, #tpu.memory_space<hbm>> -> memref<120xi32, #tpu.memory_space<hbm>>
        tpu.enqueue_dma source(%dma_start3A_393 : memref<120xi32, #tpu.memory_space<hbm>>) target(%dma_start3A_390 : memref<120xi32, #tpu.memory_space<vmem>>) target_semaphore(%arg22 : memref<!tpu.dma_semaphore, #tpu.memory_space<semaphore_mem>>)
      } else {
      }
      %dma_wait3A_330 = arith.constant 2 : i32
      %dma_wait3A_331 = arith.constant 0 : i32
      %dma_wait3A_332 = tpu.memref_slice %arg9[%dma_wait3A_330, %dma_wait3A_331] : memref<3x120xi32, #tpu.memory_space<vmem>> -> memref<1x120xi32, #tpu.memory_space<vmem>>
      %dma_wait3A_333 = tpu.memref_squeeze %dma_wait3A_332 : memref<1x120xi32, #tpu.memory_space<vmem>> -> memref<120xi32, #tpu.memory_space<vmem>>
      %dma_wait3A_334 = arith.constant 0 : i32
      %dma_wait3A_335 = tpu.memref_slice %arg4[%add3A, %add3A_317, %dma_wait3A_334] : memref<32x84x120xi32, #tpu.memory_space<hbm>> -> memref<1x1x120xi32, #tpu.memory_space<hbm>>
      %dma_wait3A_336 = tpu.memref_squeeze %dma_wait3A_335 : memref<1x1x120xi32, #tpu.memory_space<hbm>> -> memref<120xi32, #tpu.memory_space<hbm>>
      %dma_wait3A_337 = arith.constant 0 : i32
      %dma_wait3A_338 = tpu.memref_slice %arg9[%dma_wait3A_330, %dma_wait3A_337] : memref<3x120xi32, #tpu.memory_space<vmem>> -> memref<1x120xi32, #tpu.memory_space<vmem>>
      %dma_wait3A_339 = tpu.memref_squeeze %dma_wait3A_338 : memref<1x120xi32, #tpu.memory_space<vmem>> -> memref<120xi32, #tpu.memory_space<vmem>>
      %dma_wait3A_340 = arith.constant 0 : i32
      %dma_wait3A_341 = tpu.memref_slice %arg4[%add3A, %add3A_317, %dma_wait3A_340] : memref<32x84x120xi32, #tpu.memory_space<hbm>> -> memref<1x1x120xi32, #tpu.memory_space<hbm>>
      %dma_wait3A_342 = tpu.memref_squeeze %dma_wait3A_341 : memref<1x1x120xi32, #tpu.memory_space<hbm>> -> memref<120xi32, #tpu.memory_space<hbm>>
      tpu.wait_dma2 semaphore(%arg25 : memref<!tpu.dma_semaphore, #tpu.memory_space<semaphore_mem>>) src(%dma_wait3A_342 : memref<120xi32, #tpu.memory_space<hbm>>) dst(%dma_wait3A_339 : memref<120xi32, #tpu.memory_space<vmem>>)
      %dma_wait3A_343 = arith.constant 2 : i32
      %dma_wait3A_344 = arith.constant 0 : i32
      %dma_wait3A_345 = tpu.memref_slice %arg10[%dma_wait3A_343, %dma_wait3A_344] : memref<3x120xf32, #tpu.memory_space<vmem>> -> memref<1x120xf32, #tpu.memory_space<vmem>>
      %dma_wait3A_346 = tpu.memref_squeeze %dma_wait3A_345 : memref<1x120xf32, #tpu.memory_space<vmem>> -> memref<120xf32, #tpu.memory_space<vmem>>
      %dma_wait3A_347 = arith.constant 0 : i32
      %dma_wait3A_348 = tpu.memref_slice %arg5[%add3A, %add3A_317, %dma_wait3A_347] : memref<32x84x120xf32, #tpu.memory_space<hbm>> -> memref<1x1x120xf32, #tpu.memory_space<hbm>>
      %dma_wait3A_349 = tpu.memref_squeeze %dma_wait3A_348 : memref<1x1x120xf32, #tpu.memory_space<hbm>> -> memref<120xf32, #tpu.memory_space<hbm>>
      %dma_wait3A_350 = arith.constant 0 : i32
      %dma_wait3A_351 = tpu.memref_slice %arg10[%dma_wait3A_343, %dma_wait3A_350] : memref<3x120xf32, #tpu.memory_space<vmem>> -> memref<1x120xf32, #tpu.memory_space<vmem>>
      %dma_wait3A_352 = tpu.memref_squeeze %dma_wait3A_351 : memref<1x120xf32, #tpu.memory_space<vmem>> -> memref<120xf32, #tpu.memory_space<vmem>>
      %dma_wait3A_353 = arith.constant 0 : i32
      %dma_wait3A_354 = tpu.memref_slice %arg5[%add3A, %add3A_317, %dma_wait3A_353] : memref<32x84x120xf32, #tpu.memory_space<hbm>> -> memref<1x1x120xf32, #tpu.memory_space<hbm>>
      %dma_wait3A_355 = tpu.memref_squeeze %dma_wait3A_354 : memref<1x1x120xf32, #tpu.memory_space<hbm>> -> memref<120xf32, #tpu.memory_space<hbm>>
      tpu.wait_dma2 semaphore(%arg25 : memref<!tpu.dma_semaphore, #tpu.memory_space<semaphore_mem>>) src(%dma_wait3A_355 : memref<120xf32, #tpu.memory_space<hbm>>) dst(%dma_wait3A_352 : memref<120xf32, #tpu.memory_space<vmem>>)
      %scan3A_356 = arith.constant 0 : i32
      %scan3A_357 = arith.constant 0 : i32
      %scan3A_358 = arith.constant 120 : i32
      %scan3A_359 = arith.addi %scan3A_357, %scan3A_358 : i32
      %scan3A_360 = arith.constant 1 : i32
      scf.for %scan3A_379 = %scan3A_357 to %scan3A_359 step %scan3A_360  : i32 {
        %broadcast_in_dim3A_380 = arith.constant 2 : i32
        %broadcast_in_dim3A_381 = vector.broadcast %broadcast_in_dim3A_380 : i32 to vector<16xi32>
        %broadcast_in_dim3A_382 = vector.broadcast %scan3A_379 : i32 to vector<16xi32>
        %gather3A = tpu.vector_load_idx %arg10[%broadcast_in_dim3A_381, %broadcast_in_dim3A_382] : memref<3x120xf32, #tpu.memory_space<vmem>>[vector<16xi32>, vector<16xi32>], vector<16xf32>,
        %get3A = arith.index_cast %scan3A_379 : i32 to index
        %get3A_383 = arith.constant 0 : index
        %get3A_384 = tpu.vector_load %arg13[%get3A, %get3A_383] {strides = array<i32>} : memref<120x128xf32, #tpu.memory_space<vmem>>, vector<16xf32>,
        %mul3A_385 = arith.mulf %get3A_384, %gather3A : vector<16xf32>
        %swap3A = arith.index_cast %scan3A_379 : i32 to index
        %swap3A_386 = arith.constant 0 : index
        %swap3A_387 = tpu.vector_load %arg13[%swap3A, %swap3A_386] {strides = array<i32>} : memref<120x128xf32, #tpu.memory_space<vmem>>, vector<16xf32>,
        tpu.vector_store %arg13[%swap3A, %swap3A_386], %mul3A_385 {strides = array<i32>} : memref<120x128xf32, #tpu.memory_space<vmem>>, vector<16xf32>,
        %get3A_388 = arith.index_cast %scan3A_379 : i32 to index
        %get3A_389 = arith.constant 16 : index
        %get3A_390 = tpu.vector_load %arg13[%get3A_388, %get3A_389] {strides = array<i32>} : memref<120x128xf32, #tpu.memory_space<vmem>>, vector<16xf32>,
        %mul3A_391 = arith.mulf %get3A_390, %gather3A : vector<16xf32>
        %swap3A_392 = arith.index_cast %scan3A_379 : i32 to index
        %swap3A_393 = arith.constant 16 : index
        %swap3A_394 = tpu.vector_load %arg13[%swap3A_392, %swap3A_393] {strides = array<i32>} : memref<120x128xf32, #tpu.memory_space<vmem>>, vector<16xf32>,
        tpu.vector_store %arg13[%swap3A_392, %swap3A_393], %mul3A_391 {strides = array<i32>} : memref<120x128xf32, #tpu.memory_space<vmem>>, vector<16xf32>,
        %get3A_395 = arith.index_cast %scan3A_379 : i32 to index
        %get3A_396 = arith.constant 32 : index
        %get3A_397 = tpu.vector_load %arg13[%get3A_395, %get3A_396] {strides = array<i32>} : memref<120x128xf32, #tpu.memory_space<vmem>>, vector<16xf32>,
        %mul3A_398 = arith.mulf %get3A_397, %gather3A : vector<16xf32>
        %swap3A_399 = arith.index_cast %scan3A_379 : i32 to index
        %swap3A_400 = arith.constant 32 : index
        %swap3A_401 = tpu.vector_load %arg13[%swap3A_399, %swap3A_400] {strides = array<i32>} : memref<120x128xf32, #tpu.memory_space<vmem>>, vector<16xf32>,
        tpu.vector_store %arg13[%swap3A_399, %swap3A_400], %mul3A_398 {strides = array<i32>} : memref<120x128xf32, #tpu.memory_space<vmem>>, vector<16xf32>,
        %get3A_402 = arith.index_cast %scan3A_379 : i32 to index
        %get3A_403 = arith.constant 48 : index
        %get3A_404 = tpu.vector_load %arg13[%get3A_402, %get3A_403] {strides = array<i32>} : memref<120x128xf32, #tpu.memory_space<vmem>>, vector<16xf32>,
        %mul3A_405 = arith.mulf %get3A_404, %gather3A : vector<16xf32>
        %swap3A_406 = arith.index_cast %scan3A_379 : i32 to index
        %swap3A_407 = arith.constant 48 : index
        %swap3A_408 = tpu.vector_load %arg13[%swap3A_406, %swap3A_407] {strides = array<i32>} : memref<120x128xf32, #tpu.memory_space<vmem>>, vector<16xf32>,
        tpu.vector_store %arg13[%swap3A_406, %swap3A_407], %mul3A_405 {strides = array<i32>} : memref<120x128xf32, #tpu.memory_space<vmem>>, vector<16xf32>,
        %get3A_409 = arith.index_cast %scan3A_379 : i32 to index
        %get3A_410 = arith.constant 64 : index
        %get3A_411 = tpu.vector_load %arg13[%get3A_409, %get3A_410] {strides = array<i32>} : memref<120x128xf32, #tpu.memory_space<vmem>>, vector<16xf32>,
        %mul3A_412 = arith.mulf %get3A_411, %gather3A : vector<16xf32>
        %swap3A_413 = arith.index_cast %scan3A_379 : i32 to index
        %swap3A_414 = arith.constant 64 : index
        %swap3A_415 = tpu.vector_load %arg13[%swap3A_413, %swap3A_414] {strides = array<i32>} : memref<120x128xf32, #tpu.memory_space<vmem>>, vector<16xf32>,
        tpu.vector_store %arg13[%swap3A_413, %swap3A_414], %mul3A_412 {strides = array<i32>} : memref<120x128xf32, #tpu.memory_space<vmem>>, vector<16xf32>,
        %get3A_416 = arith.index_cast %scan3A_379 : i32 to index
        %get3A_417 = arith.constant 80 : index
        %get3A_418 = tpu.vector_load %arg13[%get3A_416, %get3A_417] {strides = array<i32>} : memref<120x128xf32, #tpu.memory_space<vmem>>, vector<16xf32>,
        %mul3A_419 = arith.mulf %get3A_418, %gather3A : vector<16xf32>
        %swap3A_420 = arith.index_cast %scan3A_379 : i32 to index
        %swap3A_421 = arith.constant 80 : index
        %swap3A_422 = tpu.vector_load %arg13[%swap3A_420, %swap3A_421] {strides = array<i32>} : memref<120x128xf32, #tpu.memory_space<vmem>>, vector<16xf32>,
        tpu.vector_store %arg13[%swap3A_420, %swap3A_421], %mul3A_419 {strides = array<i32>} : memref<120x128xf32, #tpu.memory_space<vmem>>, vector<16xf32>,
        %get3A_423 = arith.index_cast %scan3A_379 : i32 to index
        %get3A_424 = arith.constant 96 : index
        %get3A_425 = tpu.vector_load %arg13[%get3A_423, %get3A_424] {strides = array<i32>} : memref<120x128xf32, #tpu.memory_space<vmem>>, vector<16xf32>,
        %mul3A_426 = arith.mulf %get3A_425, %gather3A : vector<16xf32>
        %swap3A_427 = arith.index_cast %scan3A_379 : i32 to index
        %swap3A_428 = arith.constant 96 : index
        %swap3A_429 = tpu.vector_load %arg13[%swap3A_427, %swap3A_428] {strides = array<i32>} : memref<120x128xf32, #tpu.memory_space<vmem>>, vector<16xf32>,
        tpu.vector_store %arg13[%swap3A_427, %swap3A_428], %mul3A_426 {strides = array<i32>} : memref<120x128xf32, #tpu.memory_space<vmem>>, vector<16xf32>,
        %get3A_430 = arith.index_cast %scan3A_379 : i32 to index
        %get3A_431 = arith.constant 112 : index
        %get3A_432 = tpu.vector_load %arg13[%get3A_430, %get3A_431] {strides = array<i32>} : memref<120x128xf32, #tpu.memory_space<vmem>>, vector<16xf32>,
        %mul3A_433 = arith.mulf %get3A_432, %gather3A : vector<16xf32>
        %swap3A_434 = arith.index_cast %scan3A_379 : i32 to index
        %swap3A_435 = arith.constant 112 : index
        %swap3A_436 = tpu.vector_load %arg13[%swap3A_434, %swap3A_435] {strides = array<i32>} : memref<120x128xf32, #tpu.memory_space<vmem>>, vector<16xf32>,
        tpu.vector_store %arg13[%swap3A_434, %swap3A_435], %mul3A_433 {strides = array<i32>} : memref<120x128xf32, #tpu.memory_space<vmem>>, vector<16xf32>,
      }
      %scan3A_361 = arith.constant 120 : i32
      %dma_start3A_362 = arith.constant 2 : i32
      %dma_start3A_363 = arith.constant 0 : i32
      %dma_start3A_364 = tpu.memref_slice %arg9[%dma_start3A_362, %dma_start3A_363] : memref<3x120xi32, #tpu.memory_space<vmem>> -> memref<1x120xi32, #tpu.memory_space<vmem>>
      %dma_start3A_365 = tpu.memref_squeeze %dma_start3A_364 : memref<1x120xi32, #tpu.memory_space<vmem>> -> memref<120xi32, #tpu.memory_space<vmem>>
      %dma_start3A_366 = arith.constant 0 : i32
      %dma_start3A_367 = arith.constant 0 : i32
      %dma_start3A_368 = tpu.memref_slice %arg7[%dma_start3A_366, %dma_start3A_367] : memref<10112x128xf32, #tpu.memory_space<vmem_shared>> -> memref<10112x128xf32, #tpu.memory_space<vmem_shared>>
      tpu.enqueue_indirect_dma source(%arg13 : memref<120x128xf32, #tpu.memory_space<vmem>>) target(%dma_start3A_368 : memref<10112x128xf32, #tpu.memory_space<vmem_shared>>) offsets(%dma_start3A_365 : memref<120xi32, #tpu.memory_space<vmem>>) semaphore(%arg19 : memref<!tpu.dma_semaphore, #tpu.memory_space<semaphore_mem>>) {add = true}
      %ge3A_369 = arith.constant 1 : i32
      %ge3A_370 = arith.cmpi sge, %add3A_317, %ge3A_369 : i32
      %convert_element_type3A_371 = arith.extui %ge3A_370 : i1 to i32
      %cond3A_372 = arith.constant 0 : i32
      %cond3A_373 = arith.cmpi ne, %convert_element_type3A_371, %cond3A_372 : i32
      scf.if %cond3A_373 {
        %dma_wait3A_379 = arith.constant 1 : i32
        %dma_wait3A_380 = arith.constant 0 : i32
        %dma_wait3A_381 = tpu.memref_slice %arg9[%dma_wait3A_379, %dma_wait3A_380] : memref<3x120xi32, #tpu.memory_space<vmem>> -> memref<1x120xi32, #tpu.memory_space<vmem>>
        %dma_wait3A_382 = tpu.memref_squeeze %dma_wait3A_381 : memref<1x120xi32, #tpu.memory_space<vmem>> -> memref<120xi32, #tpu.memory_space<vmem>>
        %dma_wait3A_383 = arith.constant 0 : i32
        %dma_wait3A_384 = arith.constant 0 : i32
        %dma_wait3A_385 = tpu.memref_slice %arg7[%dma_wait3A_383, %dma_wait3A_384] : memref<10112x128xf32, #tpu.memory_space<vmem_shared>> -> memref<10112x128xf32, #tpu.memory_space<vmem_shared>>
        tpu.wait_indirect_dma semaphore(%arg18 : memref<!tpu.dma_semaphore, #tpu.memory_space<semaphore_mem>>) src(%arg12 : memref<120x128xf32, #tpu.memory_space<vmem>>) dst(%dma_wait3A_385 : memref<10112x128xf32, #tpu.memory_space<vmem_shared>>)
      } else {
      }
      %le3A_374 = arith.constant 81 : i32
      %le3A_375 = arith.cmpi sle, %add3A_317, %le3A_374 : i32
      %convert_element_type3A_376 = arith.extui %le3A_375 : i1 to i32
      %cond3A_377 = arith.constant 0 : i32
      %cond3A_378 = arith.cmpi ne, %convert_element_type3A_376, %cond3A_377 : i32
      scf.if %cond3A_378 {
        %add3A_379 = arith.constant 2 : i32
        %add3A_380 = arith.addi %add3A_317, %add3A_379 : i32
        %dma_start3A_381 = arith.constant 1 : i32
        %dma_start3A_382 = arith.constant 0 : i32
        %dma_start3A_383 = tpu.memref_slice %arg9[%dma_start3A_381, %dma_start3A_382] : memref<3x120xi32, #tpu.memory_space<vmem>> -> memref<1x120xi32, #tpu.memory_space<vmem>>
        %dma_start3A_384 = tpu.memref_squeeze %dma_start3A_383 : memref<1x120xi32, #tpu.memory_space<vmem>> -> memref<120xi32, #tpu.memory_space<vmem>>
        %dma_start3A_385 = arith.constant 0 : i32
        %dma_start3A_386 = tpu.memref_slice %arg4[%add3A, %add3A_380, %dma_start3A_385] : memref<32x84x120xi32, #tpu.memory_space<hbm>> -> memref<1x1x120xi32, #tpu.memory_space<hbm>>
        %dma_start3A_387 = tpu.memref_squeeze %dma_start3A_386 : memref<1x1x120xi32, #tpu.memory_space<hbm>> -> memref<120xi32, #tpu.memory_space<hbm>>
        %dma_start3A_388 = arith.constant 0 : i32
        %dma_start3A_389 = tpu.memref_slice %arg9[%dma_start3A_381, %dma_start3A_388] : memref<3x120xi32, #tpu.memory_space<vmem>> -> memref<1x120xi32, #tpu.memory_space<vmem>>
        %dma_start3A_390 = tpu.memref_squeeze %dma_start3A_389 : memref<1x120xi32, #tpu.memory_space<vmem>> -> memref<120xi32, #tpu.memory_space<vmem>>
        %dma_start3A_391 = arith.constant 0 : i32
        %dma_start3A_392 = tpu.memref_slice %arg4[%add3A, %add3A_380, %dma_start3A_391] : memref<32x84x120xi32, #tpu.memory_space<hbm>> -> memref<1x1x120xi32, #tpu.memory_space<hbm>>
        %dma_start3A_393 = tpu.memref_squeeze %dma_start3A_392 : memref<1x1x120xi32, #tpu.memory_space<hbm>> -> memref<120xi32, #tpu.memory_space<hbm>>
        tpu.enqueue_dma source(%dma_start3A_393 : memref<120xi32, #tpu.memory_space<hbm>>) target(%dma_start3A_390 : memref<120xi32, #tpu.memory_space<vmem>>) target_semaphore(%arg24 : memref<!tpu.dma_semaphore, #tpu.memory_space<semaphore_mem>>)
        %dma_start3A_394 = arith.constant 1 : i32
        %dma_start3A_395 = arith.constant 0 : i32
        %dma_start3A_396 = tpu.memref_slice %arg10[%dma_start3A_394, %dma_start3A_395] : memref<3x120xf32, #tpu.memory_space<vmem>> -> memref<1x120xf32, #tpu.memory_space<vmem>>
        %dma_start3A_397 = tpu.memref_squeeze %dma_start3A_396 : memref<1x120xf32, #tpu.memory_space<vmem>> -> memref<120xf32, #tpu.memory_space<vmem>>
        %dma_start3A_398 = arith.constant 0 : i32
        %dma_start3A_399 = tpu.memref_slice %arg5[%add3A, %add3A_380, %dma_start3A_398] : memref<32x84x120xf32, #tpu.memory_space<hbm>> -> memref<1x1x120xf32, #tpu.memory_space<hbm>>
        %dma_start3A_400 = tpu.memref_squeeze %dma_start3A_399 : memref<1x1x120xf32, #tpu.memory_space<hbm>> -> memref<120xf32, #tpu.memory_space<hbm>>
        %dma_start3A_401 = arith.constant 0 : i32
        %dma_start3A_402 = tpu.memref_slice %arg10[%dma_start3A_394, %dma_start3A_401] : memref<3x120xf32, #tpu.memory_space<vmem>> -> memref<1x120xf32, #tpu.memory_space<vmem>>
        %dma_start3A_403 = tpu.memref_squeeze %dma_start3A_402 : memref<1x120xf32, #tpu.memory_space<vmem>> -> memref<120xf32, #tpu.memory_space<vmem>>
        %dma_start3A_404 = arith.constant 0 : i32
        %dma_start3A_405 = tpu.memref_slice %arg5[%add3A, %add3A_380, %dma_start3A_404] : memref<32x84x120xf32, #tpu.memory_space<hbm>> -> memref<1x1x120xf32, #tpu.memory_space<hbm>>
        %dma_start3A_406 = tpu.memref_squeeze %dma_start3A_405 : memref<1x1x120xf32, #tpu.memory_space<hbm>> -> memref<120xf32, #tpu.memory_space<hbm>>
        tpu.enqueue_dma source(%dma_start3A_406 : memref<120xf32, #tpu.memory_space<hbm>>) target(%dma_start3A_403 : memref<120xf32, #tpu.memory_space<vmem>>) target_semaphore(%arg24 : memref<!tpu.dma_semaphore, #tpu.memory_space<semaphore_mem>>)
        %add3A_407 = arith.constant 2 : i32
        %add3A_408 = arith.addi %add3A_317, %add3A_407 : i32
        %dma_wait3A_409 = arith.constant 1 : i32
        %dma_wait3A_410 = arith.constant 0 : i32
        %dma_wait3A_411 = tpu.memref_slice %arg8[%dma_wait3A_409, %dma_wait3A_410] : memref<3x120xi32, #tpu.memory_space<vmem>> -> memref<1x120xi32, #tpu.memory_space<vmem>>
        %dma_wait3A_412 = tpu.memref_squeeze %dma_wait3A_411 : memref<1x120xi32, #tpu.memory_space<vmem>> -> memref<120xi32, #tpu.memory_space<vmem>>
        %dma_wait3A_413 = arith.constant 0 : i32
        %dma_wait3A_414 = tpu.memref_slice %arg3[%add3A, %add3A_408, %dma_wait3A_413] : memref<32x84x120xi32, #tpu.memory_space<hbm>> -> memref<1x1x120xi32, #tpu.memory_space<hbm>>
        %dma_wait3A_415 = tpu.memref_squeeze %dma_wait3A_414 : memref<1x1x120xi32, #tpu.memory_space<hbm>> -> memref<120xi32, #tpu.memory_space<hbm>>
        %dma_wait3A_416 = arith.constant 0 : i32
        %dma_wait3A_417 = tpu.memref_slice %arg8[%dma_wait3A_409, %dma_wait3A_416] : memref<3x120xi32, #tpu.memory_space<vmem>> -> memref<1x120xi32, #tpu.memory_space<vmem>>
        %dma_wait3A_418 = tpu.memref_squeeze %dma_wait3A_417 : memref<1x120xi32, #tpu.memory_space<vmem>> -> memref<120xi32, #tpu.memory_space<vmem>>
        %dma_wait3A_419 = arith.constant 0 : i32
        %dma_wait3A_420 = tpu.memref_slice %arg3[%add3A, %add3A_408, %dma_wait3A_419] : memref<32x84x120xi32, #tpu.memory_space<hbm>> -> memref<1x1x120xi32, #tpu.memory_space<hbm>>
        %dma_wait3A_421 = tpu.memref_squeeze %dma_wait3A_420 : memref<1x1x120xi32, #tpu.memory_space<hbm>> -> memref<120xi32, #tpu.memory_space<hbm>>
        tpu.wait_dma2 semaphore(%arg21 : memref<!tpu.dma_semaphore, #tpu.memory_space<semaphore_mem>>) src(%dma_wait3A_421 : memref<120xi32, #tpu.memory_space<hbm>>) dst(%dma_wait3A_418 : memref<120xi32, #tpu.memory_space<vmem>>)
        %dma_start3A_422 = arith.constant 1 : i32
        %dma_start3A_423 = arith.constant 0 : i32
        %dma_start3A_424 = tpu.memref_slice %arg8[%dma_start3A_422, %dma_start3A_423] : memref<3x120xi32, #tpu.memory_space<vmem>> -> memref<1x120xi32, #tpu.memory_space<vmem>>
        %dma_start3A_425 = tpu.memref_squeeze %dma_start3A_424 : memref<1x120xi32, #tpu.memory_space<vmem>> -> memref<120xi32, #tpu.memory_space<vmem>>
        %dma_start3A_426 = arith.constant 0 : i32
        %dma_start3A_427 = arith.constant 0 : i32
        %dma_start3A_428 = tpu.memref_slice %arg2[%dma_start3A_426, %dma_start3A_427] : memref<10000x128xf32, #tpu.memory_space<hbm>> -> memref<10000x128xf32, #tpu.memory_space<hbm>>
        tpu.enqueue_indirect_dma source(%dma_start3A_428 : memref<10000x128xf32, #tpu.memory_space<hbm>>) target(%arg12 : memref<120x128xf32, #tpu.memory_space<vmem>>) offsets(%dma_start3A_425 : memref<120xi32, #tpu.memory_space<vmem>>) semaphore(%arg15 : memref<!tpu.dma_semaphore, #tpu.memory_space<semaphore_mem>>)
      } else {
      }
    }
    %scan3A_174 = arith.constant 28 : i32
    %dma_wait3A_175 = arith.constant 2 : i32
    %dma_wait3A_176 = arith.constant 0 : i32
    %dma_wait3A_177 = tpu.memref_slice %arg9[%dma_wait3A_175, %dma_wait3A_176] : memref<3x120xi32, #tpu.memory_space<vmem>> -> memref<1x120xi32, #tpu.memory_space<vmem>>
    %dma_wait3A_178 = tpu.memref_squeeze %dma_wait3A_177 : memref<1x120xi32, #tpu.memory_space<vmem>> -> memref<120xi32, #tpu.memory_space<vmem>>
    %dma_wait3A_179 = arith.constant 0 : i32
    %dma_wait3A_180 = arith.constant 0 : i32
    %dma_wait3A_181 = tpu.memref_slice %arg7[%dma_wait3A_179, %dma_wait3A_180] : memref<10112x128xf32, #tpu.memory_space<vmem_shared>> -> memref<10112x128xf32, #tpu.memory_space<vmem_shared>>
    tpu.wait_indirect_dma semaphore(%arg19 : memref<!tpu.dma_semaphore, #tpu.memory_space<semaphore_mem>>) src(%arg13 : memref<120x128xf32, #tpu.memory_space<vmem>>) dst(%dma_wait3A_181 : memref<10112x128xf32, #tpu.memory_space<vmem_shared>>)
    %barrier3A_182 = arith.constant 0 : index
    tpu.barrier barrier_id(%barrier3A_182)
    %mul3A_183 = arith.constant 632 : i32
    %mul3A_184 = arith.muli %arg1, %mul3A_183 : i32
    %mul3A_185 = arith.constant 632 : i32
    %mul3A_186 = arith.muli %arg1, %mul3A_185 : i32
    "tpu.region"() ({
      %run_scoped3A = tpu.sem_alloc : memref<!tpu.dma_semaphore, #tpu.memory_space<semaphore_mem>>
      %dma_start3A_187 = arith.constant 0 : i32
      %dma_start3A_188 = tpu.memref_slice %arg6[%arg0, %mul3A_186, %dma_start3A_187] : memref<2x10112x128xf32, #tpu.memory_space<hbm>> -> memref<1x632x128xf32, #tpu.memory_space<hbm>>
      %dma_start3A_189 = tpu.memref_squeeze %dma_start3A_188 : memref<1x632x128xf32, #tpu.memory_space<hbm>> -> memref<632x128xf32, #tpu.memory_space<hbm>>
      %dma_start3A_190 = arith.constant 0 : i32
      %dma_start3A_191 = tpu.memref_slice %arg7[%mul3A_184, %dma_start3A_190] : memref<10112x128xf32, #tpu.memory_space<vmem_shared>> -> memref<632x128xf32, #tpu.memory_space<vmem_shared>>
      tpu.enqueue_dma source(%dma_start3A_191 : memref<632x128xf32, #tpu.memory_space<vmem_shared>>) target(%dma_start3A_189 : memref<632x128xf32, #tpu.memory_space<hbm>>) target_semaphore(%run_scoped3A : memref<!tpu.dma_semaphore, #tpu.memory_space<semaphore_mem>>)
      %dma_wait3A_192 = arith.constant 0 : i32
      %dma_wait3A_193 = tpu.memref_slice %arg6[%arg0, %mul3A_186, %dma_wait3A_192] : memref<2x10112x128xf32, #tpu.memory_space<hbm>> -> memref<1x632x128xf32, #tpu.memory_space<hbm>>
      %dma_wait3A_194 = tpu.memref_squeeze %dma_wait3A_193 : memref<1x632x128xf32, #tpu.memory_space<hbm>> -> memref<632x128xf32, #tpu.memory_space<hbm>>
      %dma_wait3A_195 = arith.constant 0 : i32
      %dma_wait3A_196 = tpu.memref_slice %arg7[%mul3A_184, %dma_wait3A_195] : memref<10112x128xf32, #tpu.memory_space<vmem_shared>> -> memref<632x128xf32, #tpu.memory_space<vmem_shared>>
      tpu.wait_dma2 semaphore(%run_scoped3A : memref<!tpu.dma_semaphore, #tpu.memory_space<semaphore_mem>>) src(%dma_wait3A_196 : memref<632x128xf32, #tpu.memory_space<vmem_shared>>) dst(%dma_wait3A_194 : memref<632x128xf32, #tpu.memory_space<hbm>>)
      tpu.yield
    }) : () -> ()
    return
  }
}

#map = affine_map<(d0, d1) -> (0, 0)>
#map1 = affine_map<(d0, d1) -> (0, 0, 0)>
module attributes {stable_mosaic.version = 14 : i64} {
  func.func @_agg_kernel(%arg0: i32, %arg1: i32, %arg2: memref<10000x128xf32, #tpu.memory_space<hbm>>, %arg3: memref<32x84x120xi32, #tpu.memory_space<hbm>>, %arg4: memref<32x84x120xi32, #tpu.memory_space<hbm>>, %arg5: memref<32x84x120xf32, #tpu.memory_space<hbm>>, %arg6: memref<2x10112x128xf32, #tpu.memory_space<hbm>>, %arg7: memref<10112x128xf32, #tpu.memory_space<vmem_shared>>, %arg8: memref<3x120xi32, #tpu.memory_space<vmem>>, %arg9: memref<3x120xi32, #tpu.memory_space<vmem>>, %arg10: memref<3x120xf32, #tpu.memory_space<vmem>>, %arg11: memref<120x128xf32, #tpu.memory_space<vmem>>, %arg12: memref<120x128xf32, #tpu.memory_space<vmem>>, %arg13: memref<120x128xf32, #tpu.memory_space<vmem>>, %arg14: memref<!tpu.dma_semaphore, #tpu.memory_space<semaphore_mem>>, %arg15: memref<!tpu.dma_semaphore, #tpu.memory_space<semaphore_mem>>, %arg16: memref<!tpu.dma_semaphore, #tpu.memory_space<semaphore_mem>>, %arg17: memref<!tpu.dma_semaphore, #tpu.memory_space<semaphore_mem>>, %arg18: memref<!tpu.dma_semaphore, #tpu.memory_space<semaphore_mem>>, %arg19: memref<!tpu.dma_semaphore, #tpu.memory_space<semaphore_mem>>, %arg20: memref<!tpu.dma_semaphore, #tpu.memory_space<semaphore_mem>>, %arg21: memref<!tpu.dma_semaphore, #tpu.memory_space<semaphore_mem>>, %arg22: memref<!tpu.dma_semaphore, #tpu.memory_space<semaphore_mem>>, %arg23: memref<!tpu.dma_semaphore, #tpu.memory_space<semaphore_mem>>, %arg24: memref<!tpu.dma_semaphore, #tpu.memory_space<semaphore_mem>>, %arg25: memref<!tpu.dma_semaphore, #tpu.memory_space<semaphore_mem>>) attributes {dimension_semantics = [#tpu.dimension_semantics<core_parallel>, #tpu.dimension_semantics<subcore_parallel>], iteration_bounds = array<i64: 2, 16>, scalar_prefetch = 0 : i64, scratch_operands = 19 : i64, tpu.core_type = #tpu.core_type<sc_vector_subcore>, window_params = [{transform_indices = #map}, {transform_indices = #map1}, {transform_indices = #map1}, {transform_indices = #map1}, {transform_indices = #map1}]} {
    %mul3A = arith.constant 16 : i32
    %mul3A_0 = arith.muli %arg0, %mul3A : i32
    %add3A = arith.addi %mul3A_0, %arg1 : i32
    %broadcast_in_dim3A = arith.constant 0.000000e+00 : f32
    %broadcast_in_dim3A_1 = vector.broadcast %broadcast_in_dim3A : f32 to vector<16xf32>
    %scan3A = arith.constant 0 : i32
    %scan3A_2 = arith.constant 0 : i32
    %scan3A_3 = arith.constant 120 : i32
    %scan3A_4 = arith.addi %scan3A_2, %scan3A_3 : i32
    %scan3A_5 = arith.constant 1 : i32
    scf.for %scan3A_187 = %scan3A_2 to %scan3A_4 step %scan3A_5  : i32 {
      %swap3A = arith.index_cast %scan3A_187 : i32 to index
      %swap3A_188 = arith.constant 0 : index
      %swap3A_189 = tpu.vector_load %arg11[%swap3A, %swap3A_188] {strides = array<i32>} : memref<120x128xf32, #tpu.memory_space<vmem>>, vector<16xf32>,
      tpu.vector_store %arg11[%swap3A, %swap3A_188], %broadcast_in_dim3A_1 {strides = array<i32>} : memref<120x128xf32, #tpu.memory_space<vmem>>, vector<16xf32>,
      %swap3A_190 = arith.index_cast %scan3A_187 : i32 to index
      %swap3A_191 = arith.constant 16 : index
      %swap3A_192 = tpu.vector_load %arg11[%swap3A_190, %swap3A_191] {strides = array<i32>} : memref<120x128xf32, #tpu.memory_space<vmem>>, vector<16xf32>,
      tpu.vector_store %arg11[%swap3A_190, %swap3A_191], %broadcast_in_dim3A_1 {strides = array<i32>} : memref<120x128xf32, #tpu.memory_space<vmem>>, vector<16xf32>,
      %swap3A_193 = arith.index_cast %scan3A_187 : i32 to index
      %swap3A_194 = arith.constant 32 : index
      %swap3A_195 = tpu.vector_load %arg11[%swap3A_193, %swap3A_194] {strides = array<i32>} : memref<120x128xf32, #tpu.memory_space<vmem>>, vector<16xf32>,
      tpu.vector_store %arg11[%swap3A_193, %swap3A_194], %broadcast_in_dim3A_1 {strides = array<i32>} : memref<120x128xf32, #tpu.memory_space<vmem>>, vector<16xf32>,
      %swap3A_196 = arith.index_cast %scan3A_187 : i32 to index
      %swap3A_197 = arith.constant 48 : index
      %swap3A_198 = tpu.vector_load %arg11[%swap3A_196, %swap3A_197] {strides = array<i32>} : memref<120x128xf32, #tpu.memory_space<vmem>>, vector<16xf32>,
      tpu.vector_store %arg11[%swap3A_196, %swap3A_197], %broadcast_in_dim3A_1 {strides = array<i32>} : memref<120x128xf32, #tpu.memory_space<vmem>>, vector<16xf32>,
      %swap3A_199 = arith.index_cast %scan3A_187 : i32 to index
      %swap3A_200 = arith.constant 64 : index
      %swap3A_201 = tpu.vector_load %arg11[%swap3A_199, %swap3A_200] {strides = array<i32>} : memref<120x128xf32, #tpu.memory_space<vmem>>, vector<16xf32>,
      tpu.vector_store %arg11[%swap3A_199, %swap3A_200], %broadcast_in_dim3A_1 {strides = array<i32>} : memref<120x128xf32, #tpu.memory_space<vmem>>, vector<16xf32>,
      %swap3A_202 = arith.index_cast %scan3A_187 : i32 to index
      %swap3A_203 = arith.constant 80 : index
      %swap3A_204 = tpu.vector_load %arg11[%swap3A_202, %swap3A_203] {strides = array<i32>} : memref<120x128xf32, #tpu.memory_space<vmem>>, vector<16xf32>,
      tpu.vector_store %arg11[%swap3A_202, %swap3A_203], %broadcast_in_dim3A_1 {strides = array<i32>} : memref<120x128xf32, #tpu.memory_space<vmem>>, vector<16xf32>,
      %swap3A_205 = arith.index_cast %scan3A_187 : i32 to index
      %swap3A_206 = arith.constant 96 : index
      %swap3A_207 = tpu.vector_load %arg11[%swap3A_205, %swap3A_206] {strides = array<i32>} : memref<120x128xf32, #tpu.memory_space<vmem>>, vector<16xf32>,
      tpu.vector_store %arg11[%swap3A_205, %swap3A_206], %broadcast_in_dim3A_1 {strides = array<i32>} : memref<120x128xf32, #tpu.memory_space<vmem>>, vector<16xf32>,
      %swap3A_208 = arith.index_cast %scan3A_187 : i32 to index
      %swap3A_209 = arith.constant 112 : index
      %swap3A_210 = tpu.vector_load %arg11[%swap3A_208, %swap3A_209] {strides = array<i32>} : memref<120x128xf32, #tpu.memory_space<vmem>>, vector<16xf32>,
      tpu.vector_store %arg11[%swap3A_208, %swap3A_209], %broadcast_in_dim3A_1 {strides = array<i32>} : memref<120x128xf32, #tpu.memory_space<vmem>>, vector<16xf32>,
    }
    %scan3A_6 = arith.constant 120 : i32
    %mul3A_7 = arith.constant 632 : i32
    %mul3A_8 = arith.muli %arg1, %mul3A_7 : i32
    %add3A_9 = arith.constant 0 : i32
    %add3A_10 = arith.addi %mul3A_8, %add3A_9 : i32
    "tpu.region"() ({
      %run_scoped3A = tpu.sem_alloc : memref<!tpu.dma_semaphore, #tpu.memory_space<semaphore_mem>>
      %dma_start3A_187 = arith.constant 0 : i32
      %dma_start3A_188 = tpu.memref_slice %arg7[%add3A_10, %dma_start3A_187] : memref<10112x128xf32, #tpu.memory_space<vmem_shared>> -> memref<120x128xf32, #tpu.memory_space<vmem_shared>>
      %dma_start3A_189 = arith.constant 0 : i32
      %dma_start3A_190 = tpu.memref_slice %arg7[%add3A_10, %dma_start3A_189] : memref<10112x128xf32, #tpu.memory_space<vmem_shared>> -> memref<120x128xf32, #tpu.memory_space<vmem_shared>>
      tpu.enqueue_dma source(%arg11 : memref<120x128xf32, #tpu.memory_space<vmem>>) target(%dma_start3A_190 : memref<120x128xf32, #tpu.memory_space<vmem_shared>>) target_semaphore(%run_scoped3A : memref<!tpu.dma_semaphore, #tpu.memory_space<semaphore_mem>>)
      %dma_wait3A_191 = arith.constant 0 : i32
      %dma_wait3A_192 = tpu.memref_slice %arg7[%add3A_10, %dma_wait3A_191] : memref<10112x128xf32, #tpu.memory_space<vmem_shared>> -> memref<120x128xf32, #tpu.memory_space<vmem_shared>>
      %dma_wait3A_193 = arith.constant 0 : i32
      %dma_wait3A_194 = tpu.memref_slice %arg7[%add3A_10, %dma_wait3A_193] : memref<10112x128xf32, #tpu.memory_space<vmem_shared>> -> memref<120x128xf32, #tpu.memory_space<vmem_shared>>
      tpu.wait_dma2 semaphore(%run_scoped3A : memref<!tpu.dma_semaphore, #tpu.memory_space<semaphore_mem>>) src(%arg11 : memref<120x128xf32, #tpu.memory_space<vmem>>) dst(%dma_wait3A_194 : memref<120x128xf32, #tpu.memory_space<vmem_shared>>)
      tpu.yield
    }) : () -> ()
    %mul3A_11 = arith.constant 632 : i32
    %mul3A_12 = arith.muli %arg1, %mul3A_11 : i32
    %add3A_13 = arith.constant 120 : i32
    %add3A_14 = arith.addi %mul3A_12, %add3A_13 : i32
    "tpu.region"() ({
      %run_scoped3A = tpu.sem_alloc : memref<!tpu.dma_semaphore, #tpu.memory_space<semaphore_mem>>
      %dma_start3A_187 = arith.constant 0 : i32
      %dma_start3A_188 = tpu.memref_slice %arg7[%add3A_14, %dma_start3A_187] : memref<10112x128xf32, #tpu.memory_space<vmem_shared>> -> memref<120x128xf32, #tpu.memory_space<vmem_shared>>
      %dma_start3A_189 = arith.constant 0 : i32
      %dma_start3A_190 = tpu.memref_slice %arg7[%add3A_14, %dma_start3A_189] : memref<10112x128xf32, #tpu.memory_space<vmem_shared>> -> memref<120x128xf32, #tpu.memory_space<vmem_shared>>
      tpu.enqueue_dma source(%arg11 : memref<120x128xf32, #tpu.memory_space<vmem>>) target(%dma_start3A_190 : memref<120x128xf32, #tpu.memory_space<vmem_shared>>) target_semaphore(%run_scoped3A : memref<!tpu.dma_semaphore, #tpu.memory_space<semaphore_mem>>)
      %dma_wait3A_191 = arith.constant 0 : i32
      %dma_wait3A_192 = tpu.memref_slice %arg7[%add3A_14, %dma_wait3A_191] : memref<10112x128xf32, #tpu.memory_space<vmem_shared>> -> memref<120x128xf32, #tpu.memory_space<vmem_shared>>
      %dma_wait3A_193 = arith.constant 0 : i32
      %dma_wait3A_194 = tpu.memref_slice %arg7[%add3A_14, %dma_wait3A_193] : memref<10112x128xf32, #tpu.memory_space<vmem_shared>> -> memref<120x128xf32, #tpu.memory_space<vmem_shared>>
      tpu.wait_dma2 semaphore(%run_scoped3A : memref<!tpu.dma_semaphore, #tpu.memory_space<semaphore_mem>>) src(%arg11 : memref<120x128xf32, #tpu.memory_space<vmem>>) dst(%dma_wait3A_194 : memref<120x128xf32, #tpu.memory_space<vmem_shared>>)
      tpu.yield
    }) : () -> ()
    %mul3A_15 = arith.constant 632 : i32
    %mul3A_16 = arith.muli %arg1, %mul3A_15 : i32
    %add3A_17 = arith.constant 240 : i32
    %add3A_18 = arith.addi %mul3A_16, %add3A_17 : i32
    "tpu.region"() ({
      %run_scoped3A = tpu.sem_alloc : memref<!tpu.dma_semaphore, #tpu.memory_space<semaphore_mem>>
      %dma_start3A_187 = arith.constant 0 : i32
      %dma_start3A_188 = tpu.memref_slice %arg7[%add3A_18, %dma_start3A_187] : memref<10112x128xf32, #tpu.memory_space<vmem_shared>> -> memref<120x128xf32, #tpu.memory_space<vmem_shared>>
      %dma_start3A_189 = arith.constant 0 : i32
      %dma_start3A_190 = tpu.memref_slice %arg7[%add3A_18, %dma_start3A_189] : memref<10112x128xf32, #tpu.memory_space<vmem_shared>> -> memref<120x128xf32, #tpu.memory_space<vmem_shared>>
      tpu.enqueue_dma source(%arg11 : memref<120x128xf32, #tpu.memory_space<vmem>>) target(%dma_start3A_190 : memref<120x128xf32, #tpu.memory_space<vmem_shared>>) target_semaphore(%run_scoped3A : memref<!tpu.dma_semaphore, #tpu.memory_space<semaphore_mem>>)
      %dma_wait3A_191 = arith.constant 0 : i32
      %dma_wait3A_192 = tpu.memref_slice %arg7[%add3A_18, %dma_wait3A_191] : memref<10112x128xf32, #tpu.memory_space<vmem_shared>> -> memref<120x128xf32, #tpu.memory_space<vmem_shared>>
      %dma_wait3A_193 = arith.constant 0 : i32
      %dma_wait3A_194 = tpu.memref_slice %arg7[%add3A_18, %dma_wait3A_193] : memref<10112x128xf32, #tpu.memory_space<vmem_shared>> -> memref<120x128xf32, #tpu.memory_space<vmem_shared>>
      tpu.wait_dma2 semaphore(%run_scoped3A : memref<!tpu.dma_semaphore, #tpu.memory_space<semaphore_mem>>) src(%arg11 : memref<120x128xf32, #tpu.memory_space<vmem>>) dst(%dma_wait3A_194 : memref<120x128xf32, #tpu.memory_space<vmem_shared>>)
      tpu.yield
    }) : () -> ()
    %mul3A_19 = arith.constant 632 : i32
    %mul3A_20 = arith.muli %arg1, %mul3A_19 : i32
    %add3A_21 = arith.constant 360 : i32
    %add3A_22 = arith.addi %mul3A_20, %add3A_21 : i32
    "tpu.region"() ({
      %run_scoped3A = tpu.sem_alloc : memref<!tpu.dma_semaphore, #tpu.memory_space<semaphore_mem>>
      %dma_start3A_187 = arith.constant 0 : i32
      %dma_start3A_188 = tpu.memref_slice %arg7[%add3A_22, %dma_start3A_187] : memref<10112x128xf32, #tpu.memory_space<vmem_shared>> -> memref<120x128xf32, #tpu.memory_space<vmem_shared>>
      %dma_start3A_189 = arith.constant 0 : i32
      %dma_start3A_190 = tpu.memref_slice %arg7[%add3A_22, %dma_start3A_189] : memref<10112x128xf32, #tpu.memory_space<vmem_shared>> -> memref<120x128xf32, #tpu.memory_space<vmem_shared>>
      tpu.enqueue_dma source(%arg11 : memref<120x128xf32, #tpu.memory_space<vmem>>) target(%dma_start3A_190 : memref<120x128xf32, #tpu.memory_space<vmem_shared>>) target_semaphore(%run_scoped3A : memref<!tpu.dma_semaphore, #tpu.memory_space<semaphore_mem>>)
      %dma_wait3A_191 = arith.constant 0 : i32
      %dma_wait3A_192 = tpu.memref_slice %arg7[%add3A_22, %dma_wait3A_191] : memref<10112x128xf32, #tpu.memory_space<vmem_shared>> -> memref<120x128xf32, #tpu.memory_space<vmem_shared>>
      %dma_wait3A_193 = arith.constant 0 : i32
      %dma_wait3A_194 = tpu.memref_slice %arg7[%add3A_22, %dma_wait3A_193] : memref<10112x128xf32, #tpu.memory_space<vmem_shared>> -> memref<120x128xf32, #tpu.memory_space<vmem_shared>>
      tpu.wait_dma2 semaphore(%run_scoped3A : memref<!tpu.dma_semaphore, #tpu.memory_space<semaphore_mem>>) src(%arg11 : memref<120x128xf32, #tpu.memory_space<vmem>>) dst(%dma_wait3A_194 : memref<120x128xf32, #tpu.memory_space<vmem_shared>>)
      tpu.yield
    }) : () -> ()
    %mul3A_23 = arith.constant 632 : i32
    %mul3A_24 = arith.muli %arg1, %mul3A_23 : i32
    %add3A_25 = arith.constant 480 : i32
    %add3A_26 = arith.addi %mul3A_24, %add3A_25 : i32
    "tpu.region"() ({
      %run_scoped3A = tpu.sem_alloc : memref<!tpu.dma_semaphore, #tpu.memory_space<semaphore_mem>>
      %dma_start3A_187 = arith.constant 0 : i32
      %dma_start3A_188 = tpu.memref_slice %arg7[%add3A_26, %dma_start3A_187] : memref<10112x128xf32, #tpu.memory_space<vmem_shared>> -> memref<120x128xf32, #tpu.memory_space<vmem_shared>>
      %dma_start3A_189 = arith.constant 0 : i32
      %dma_start3A_190 = tpu.memref_slice %arg7[%add3A_26, %dma_start3A_189] : memref<10112x128xf32, #tpu.memory_space<vmem_shared>> -> memref<120x128xf32, #tpu.memory_space<vmem_shared>>
      tpu.enqueue_dma source(%arg11 : memref<120x128xf32, #tpu.memory_space<vmem>>) target(%dma_start3A_190 : memref<120x128xf32, #tpu.memory_space<vmem_shared>>) target_semaphore(%run_scoped3A : memref<!tpu.dma_semaphore, #tpu.memory_space<semaphore_mem>>)
      %dma_wait3A_191 = arith.constant 0 : i32
      %dma_wait3A_192 = tpu.memref_slice %arg7[%add3A_26, %dma_wait3A_191] : memref<10112x128xf32, #tpu.memory_space<vmem_shared>> -> memref<120x128xf32, #tpu.memory_space<vmem_shared>>
      %dma_wait3A_193 = arith.constant 0 : i32
      %dma_wait3A_194 = tpu.memref_slice %arg7[%add3A_26, %dma_wait3A_193] : memref<10112x128xf32, #tpu.memory_space<vmem_shared>> -> memref<120x128xf32, #tpu.memory_space<vmem_shared>>
      tpu.wait_dma2 semaphore(%run_scoped3A : memref<!tpu.dma_semaphore, #tpu.memory_space<semaphore_mem>>) src(%arg11 : memref<120x128xf32, #tpu.memory_space<vmem>>) dst(%dma_wait3A_194 : memref<120x128xf32, #tpu.memory_space<vmem_shared>>)
      tpu.yield
    }) : () -> ()
    %mul3A_27 = arith.constant 632 : i32
    %mul3A_28 = arith.muli %arg1, %mul3A_27 : i32
    %add3A_29 = arith.constant 600 : i32
    %add3A_30 = arith.addi %mul3A_28, %add3A_29 : i32
    "tpu.region"() ({
      %run_scoped3A = tpu.sem_alloc : memref<!tpu.dma_semaphore, #tpu.memory_space<semaphore_mem>>
      %dma_start3A_187 = arith.constant 0 : i32
      %dma_start3A_188 = arith.constant 0 : i32
      %dma_start3A_189 = tpu.memref_slice %arg11[%dma_start3A_187, %dma_start3A_188] : memref<120x128xf32, #tpu.memory_space<vmem>> -> memref<32x128xf32, #tpu.memory_space<vmem>>
      %dma_start3A_190 = arith.constant 0 : i32
      %dma_start3A_191 = tpu.memref_slice %arg7[%add3A_30, %dma_start3A_190] : memref<10112x128xf32, #tpu.memory_space<vmem_shared>> -> memref<32x128xf32, #tpu.memory_space<vmem_shared>>
      %dma_start3A_192 = arith.constant 0 : i32
      %dma_start3A_193 = tpu.memref_slice %arg7[%add3A_30, %dma_start3A_192] : memref<10112x128xf32, #tpu.memory_space<vmem_shared>> -> memref<32x128xf32, #tpu.memory_space<vmem_shared>>
      %dma_start3A_194 = arith.constant 0 : i32
      %dma_start3A_195 = arith.constant 0 : i32
      %dma_start3A_196 = tpu.memref_slice %arg11[%dma_start3A_194, %dma_start3A_195] : memref<120x128xf32, #tpu.memory_space<vmem>> -> memref<32x128xf32, #tpu.memory_space<vmem>>
      tpu.enqueue_dma source(%dma_start3A_196 : memref<32x128xf32, #tpu.memory_space<vmem>>) target(%dma_start3A_193 : memref<32x128xf32, #tpu.memory_space<vmem_shared>>) target_semaphore(%run_scoped3A : memref<!tpu.dma_semaphore, #tpu.memory_space<semaphore_mem>>)
      %dma_wait3A_197 = arith.constant 0 : i32
      %dma_wait3A_198 = arith.constant 0 : i32
      %dma_wait3A_199 = tpu.memref_slice %arg11[%dma_wait3A_197, %dma_wait3A_198] : memref<120x128xf32, #tpu.memory_space<vmem>> -> memref<32x128xf32, #tpu.memory_space<vmem>>
      %dma_wait3A_200 = arith.constant 0 : i32
      %dma_wait3A_201 = tpu.memref_slice %arg7[%add3A_30, %dma_wait3A_200] : memref<10112x128xf32, #tpu.memory_space<vmem_shared>> -> memref<32x128xf32, #tpu.memory_space<vmem_shared>>
      %dma_wait3A_202 = arith.constant 0 : i32
      %dma_wait3A_203 = tpu.memref_slice %arg7[%add3A_30, %dma_wait3A_202] : memref<10112x128xf32, #tpu.memory_space<vmem_shared>> -> memref<32x128xf32, #tpu.memory_space<vmem_shared>>
      %dma_wait3A_204 = arith.constant 0 : i32
      %dma_wait3A_205 = arith.constant 0 : i32
      %dma_wait3A_206 = tpu.memref_slice %arg11[%dma_wait3A_204, %dma_wait3A_205] : memref<120x128xf32, #tpu.memory_space<vmem>> -> memref<32x128xf32, #tpu.memory_space<vmem>>
      tpu.wait_dma2 semaphore(%run_scoped3A : memref<!tpu.dma_semaphore, #tpu.memory_space<semaphore_mem>>) src(%dma_wait3A_206 : memref<32x128xf32, #tpu.memory_space<vmem>>) dst(%dma_wait3A_203 : memref<32x128xf32, #tpu.memory_space<vmem_shared>>)
      tpu.yield
    }) : () -> ()
    %barrier3A = arith.constant 0 : index
    tpu.barrier barrier_id(%barrier3A)
    %dma_start3A = arith.constant 0 : i32
    %dma_start3A_31 = arith.constant 0 : i32
    %dma_start3A_32 = arith.constant 0 : i32
    %dma_start3A_33 = tpu.memref_slice %arg8[%dma_start3A_31, %dma_start3A_32] : memref<3x120xi32, #tpu.memory_space<vmem>> -> memref<1x120xi32, #tpu.memory_space<vmem>>
    %dma_start3A_34 = tpu.memref_squeeze %dma_start3A_33 : memref<1x120xi32, #tpu.memory_space<vmem>> -> memref<120xi32, #tpu.memory_space<vmem>>
    %dma_start3A_35 = arith.constant 0 : i32
    %dma_start3A_36 = tpu.memref_slice %arg3[%add3A, %dma_start3A, %dma_start3A_35] : memref<32x84x120xi32, #tpu.memory_space<hbm>> -> memref<1x1x120xi32, #tpu.memory_space<hbm>>
    %dma_start3A_37 = tpu.memref_squeeze %dma_start3A_36 : memref<1x1x120xi32, #tpu.memory_space<hbm>> -> memref<120xi32, #tpu.memory_space<hbm>>
    %dma_start3A_38 = arith.constant 0 : i32
    %dma_start3A_39 = tpu.memref_slice %arg8[%dma_start3A_31, %dma_start3A_38] : memref<3x120xi32, #tpu.memory_space<vmem>> -> memref<1x120xi32, #tpu.memory_space<vmem>>
    %dma_start3A_40 = tpu.memref_squeeze %dma_start3A_39 : memref<1x120xi32, #tpu.memory_space<vmem>> -> memref<120xi32, #tpu.memory_space<vmem>>
    %dma_start3A_41 = arith.constant 0 : i32
    %dma_start3A_42 = tpu.memref_slice %arg3[%add3A, %dma_start3A, %dma_start3A_41] : memref<32x84x120xi32, #tpu.memory_space<hbm>> -> memref<1x1x120xi32, #tpu.memory_space<hbm>>
    %dma_start3A_43 = tpu.memref_squeeze %dma_start3A_42 : memref<1x1x120xi32, #tpu.memory_space<hbm>> -> memref<120xi32, #tpu.memory_space<hbm>>
    tpu.enqueue_dma source(%dma_start3A_43 : memref<120xi32, #tpu.memory_space<hbm>>) target(%dma_start3A_40 : memref<120xi32, #tpu.memory_space<vmem>>) target_semaphore(%arg20 : memref<!tpu.dma_semaphore, #tpu.memory_space<semaphore_mem>>)
    %dma_start3A_44 = arith.constant 1 : i32
    %dma_start3A_45 = arith.constant 1 : i32
    %dma_start3A_46 = arith.constant 0 : i32
    %dma_start3A_47 = tpu.memref_slice %arg8[%dma_start3A_45, %dma_start3A_46] : memref<3x120xi32, #tpu.memory_space<vmem>> -> memref<1x120xi32, #tpu.memory_space<vmem>>
    %dma_start3A_48 = tpu.memref_squeeze %dma_start3A_47 : memref<1x120xi32, #tpu.memory_space<vmem>> -> memref<120xi32, #tpu.memory_space<vmem>>
    %dma_start3A_49 = arith.constant 0 : i32
    %dma_start3A_50 = tpu.memref_slice %arg3[%add3A, %dma_start3A_44, %dma_start3A_49] : memref<32x84x120xi32, #tpu.memory_space<hbm>> -> memref<1x1x120xi32, #tpu.memory_space<hbm>>
    %dma_start3A_51 = tpu.memref_squeeze %dma_start3A_50 : memref<1x1x120xi32, #tpu.memory_space<hbm>> -> memref<120xi32, #tpu.memory_space<hbm>>
    %dma_start3A_52 = arith.constant 0 : i32
    %dma_start3A_53 = tpu.memref_slice %arg8[%dma_start3A_45, %dma_start3A_52] : memref<3x120xi32, #tpu.memory_space<vmem>> -> memref<1x120xi32, #tpu.memory_space<vmem>>
    %dma_start3A_54 = tpu.memref_squeeze %dma_start3A_53 : memref<1x120xi32, #tpu.memory_space<vmem>> -> memref<120xi32, #tpu.memory_space<vmem>>
    %dma_start3A_55 = arith.constant 0 : i32
    %dma_start3A_56 = tpu.memref_slice %arg3[%add3A, %dma_start3A_44, %dma_start3A_55] : memref<32x84x120xi32, #tpu.memory_space<hbm>> -> memref<1x1x120xi32, #tpu.memory_space<hbm>>
    %dma_start3A_57 = tpu.memref_squeeze %dma_start3A_56 : memref<1x1x120xi32, #tpu.memory_space<hbm>> -> memref<120xi32, #tpu.memory_space<hbm>>
    tpu.enqueue_dma source(%dma_start3A_57 : memref<120xi32, #tpu.memory_space<hbm>>) target(%dma_start3A_54 : memref<120xi32, #tpu.memory_space<vmem>>) target_semaphore(%arg21 : memref<!tpu.dma_semaphore, #tpu.memory_space<semaphore_mem>>)
    %dma_start3A_58 = arith.constant 2 : i32
    %dma_start3A_59 = arith.constant 2 : i32
    %dma_start3A_60 = arith.constant 0 : i32
    %dma_start3A_61 = tpu.memref_slice %arg8[%dma_start3A_59, %dma_start3A_60] : memref<3x120xi32, #tpu.memory_space<vmem>> -> memref<1x120xi32, #tpu.memory_space<vmem>>
    %dma_start3A_62 = tpu.memref_squeeze %dma_start3A_61 : memref<1x120xi32, #tpu.memory_space<vmem>> -> memref<120xi32, #tpu.memory_space<vmem>>
    %dma_start3A_63 = arith.constant 0 : i32
    %dma_start3A_64 = tpu.memref_slice %arg3[%add3A, %dma_start3A_58, %dma_start3A_63] : memref<32x84x120xi32, #tpu.memory_space<hbm>> -> memref<1x1x120xi32, #tpu.memory_space<hbm>>
    %dma_start3A_65 = tpu.memref_squeeze %dma_start3A_64 : memref<1x1x120xi32, #tpu.memory_space<hbm>> -> memref<120xi32, #tpu.memory_space<hbm>>
    %dma_start3A_66 = arith.constant 0 : i32
    %dma_start3A_67 = tpu.memref_slice %arg8[%dma_start3A_59, %dma_start3A_66] : memref<3x120xi32, #tpu.memory_space<vmem>> -> memref<1x120xi32, #tpu.memory_space<vmem>>
    %dma_start3A_68 = tpu.memref_squeeze %dma_start3A_67 : memref<1x120xi32, #tpu.memory_space<vmem>> -> memref<120xi32, #tpu.memory_space<vmem>>
    %dma_start3A_69 = arith.constant 0 : i32
    %dma_start3A_70 = tpu.memref_slice %arg3[%add3A, %dma_start3A_58, %dma_start3A_69] : memref<32x84x120xi32, #tpu.memory_space<hbm>> -> memref<1x1x120xi32, #tpu.memory_space<hbm>>
    %dma_start3A_71 = tpu.memref_squeeze %dma_start3A_70 : memref<1x1x120xi32, #tpu.memory_space<hbm>> -> memref<120xi32, #tpu.memory_space<hbm>>
    tpu.enqueue_dma source(%dma_start3A_71 : memref<120xi32, #tpu.memory_space<hbm>>) target(%dma_start3A_68 : memref<120xi32, #tpu.memory_space<vmem>>) target_semaphore(%arg22 : memref<!tpu.dma_semaphore, #tpu.memory_space<semaphore_mem>>)
    %dma_start3A_72 = arith.constant 0 : i32
    %dma_start3A_73 = arith.constant 0 : i32
    %dma_start3A_74 = arith.constant 0 : i32
    %dma_start3A_75 = tpu.memref_slice %arg9[%dma_start3A_73, %dma_start3A_74] : memref<3x120xi32, #tpu.memory_space<vmem>> -> memref<1x120xi32, #tpu.memory_space<vmem>>
    %dma_start3A_76 = tpu.memref_squeeze %dma_start3A_75 : memref<1x120xi32, #tpu.memory_space<vmem>> -> memref<120xi32, #tpu.memory_space<vmem>>
    %dma_start3A_77 = arith.constant 0 : i32
    %dma_start3A_78 = tpu.memref_slice %arg4[%add3A, %dma_start3A_72, %dma_start3A_77] : memref<32x84x120xi32, #tpu.memory_space<hbm>> -> memref<1x1x120xi32, #tpu.memory_space<hbm>>
    %dma_start3A_79 = tpu.memref_squeeze %dma_start3A_78 : memref<1x1x120xi32, #tpu.memory_space<hbm>> -> memref<120xi32, #tpu.memory_space<hbm>>
    %dma_start3A_80 = arith.constant 0 : i32
    %dma_start3A_81 = tpu.memref_slice %arg9[%dma_start3A_73, %dma_start3A_80] : memref<3x120xi32, #tpu.memory_space<vmem>> -> memref<1x120xi32, #tpu.memory_space<vmem>>
    %dma_start3A_82 = tpu.memref_squeeze %dma_start3A_81 : memref<1x120xi32, #tpu.memory_space<vmem>> -> memref<120xi32, #tpu.memory_space<vmem>>
    %dma_start3A_83 = arith.constant 0 : i32
    %dma_start3A_84 = tpu.memref_slice %arg4[%add3A, %dma_start3A_72, %dma_start3A_83] : memref<32x84x120xi32, #tpu.memory_space<hbm>> -> memref<1x1x120xi32, #tpu.memory_space<hbm>>
    %dma_start3A_85 = tpu.memref_squeeze %dma_start3A_84 : memref<1x1x120xi32, #tpu.memory_space<hbm>> -> memref<120xi32, #tpu.memory_space<hbm>>
    tpu.enqueue_dma source(%dma_start3A_85 : memref<120xi32, #tpu.memory_space<hbm>>) target(%dma_start3A_82 : memref<120xi32, #tpu.memory_space<vmem>>) target_semaphore(%arg23 : memref<!tpu.dma_semaphore, #tpu.memory_space<semaphore_mem>>)
    %dma_start3A_86 = arith.constant 0 : i32
    %dma_start3A_87 = arith.constant 0 : i32
    %dma_start3A_88 = arith.constant 0 : i32
    %dma_start3A_89 = tpu.memref_slice %arg10[%dma_start3A_87, %dma_start3A_88] : memref<3x120xf32, #tpu.memory_space<vmem>> -> memref<1x120xf32, #tpu.memory_space<vmem>>
    %dma_start3A_90 = tpu.memref_squeeze %dma_start3A_89 : memref<1x120xf32, #tpu.memory_space<vmem>> -> memref<120xf32, #tpu.memory_space<vmem>>
    %dma_start3A_91 = arith.constant 0 : i32
    %dma_start3A_92 = tpu.memref_slice %arg5[%add3A, %dma_start3A_86, %dma_start3A_91] : memref<32x84x120xf32, #tpu.memory_space<hbm>> -> memref<1x1x120xf32, #tpu.memory_space<hbm>>
    %dma_start3A_93 = tpu.memref_squeeze %dma_start3A_92 : memref<1x1x120xf32, #tpu.memory_space<hbm>> -> memref<120xf32, #tpu.memory_space<hbm>>
    %dma_start3A_94 = arith.constant 0 : i32
    %dma_start3A_95 = tpu.memref_slice %arg10[%dma_start3A_87, %dma_start3A_94] : memref<3x120xf32, #tpu.memory_space<vmem>> -> memref<1x120xf32, #tpu.memory_space<vmem>>
    %dma_start3A_96 = tpu.memref_squeeze %dma_start3A_95 : memref<1x120xf32, #tpu.memory_space<vmem>> -> memref<120xf32, #tpu.memory_space<vmem>>
    %dma_start3A_97 = arith.constant 0 : i32
    %dma_start3A_98 = tpu.memref_slice %arg5[%add3A, %dma_start3A_86, %dma_start3A_97] : memref<32x84x120xf32, #tpu.memory_space<hbm>> -> memref<1x1x120xf32, #tpu.memory_space<hbm>>
    %dma_start3A_99 = tpu.memref_squeeze %dma_start3A_98 : memref<1x1x120xf32, #tpu.memory_space<hbm>> -> memref<120xf32, #tpu.memory_space<hbm>>
    tpu.enqueue_dma source(%dma_start3A_99 : memref<120xf32, #tpu.memory_space<hbm>>) target(%dma_start3A_96 : memref<120xf32, #tpu.memory_space<vmem>>) target_semaphore(%arg23 : memref<!tpu.dma_semaphore, #tpu.memory_space<semaphore_mem>>)
    %dma_start3A_100 = arith.constant 1 : i32
    %dma_start3A_101 = arith.constant 1 : i32
    %dma_start3A_102 = arith.constant 0 : i32
    %dma_start3A_103 = tpu.memref_slice %arg9[%dma_start3A_101, %dma_start3A_102] : memref<3x120xi32, #tpu.memory_space<vmem>> -> memref<1x120xi32, #tpu.memory_space<vmem>>
    %dma_start3A_104 = tpu.memref_squeeze %dma_start3A_103 : memref<1x120xi32, #tpu.memory_space<vmem>> -> memref<120xi32, #tpu.memory_space<vmem>>
    %dma_start3A_105 = arith.constant 0 : i32
    %dma_start3A_106 = tpu.memref_slice %arg4[%add3A, %dma_start3A_100, %dma_start3A_105] : memref<32x84x120xi32, #tpu.memory_space<hbm>> -> memref<1x1x120xi32, #tpu.memory_space<hbm>>
    %dma_start3A_107 = tpu.memref_squeeze %dma_start3A_106 : memref<1x1x120xi32, #tpu.memory_space<hbm>> -> memref<120xi32, #tpu.memory_space<hbm>>
    %dma_start3A_108 = arith.constant 0 : i32
    %dma_start3A_109 = tpu.memref_slice %arg9[%dma_start3A_101, %dma_start3A_108] : memref<3x120xi32, #tpu.memory_space<vmem>> -> memref<1x120xi32, #tpu.memory_space<vmem>>
    %dma_start3A_110 = tpu.memref_squeeze %dma_start3A_109 : memref<1x120xi32, #tpu.memory_space<vmem>> -> memref<120xi32, #tpu.memory_space<vmem>>
    %dma_start3A_111 = arith.constant 0 : i32
    %dma_start3A_112 = tpu.memref_slice %arg4[%add3A, %dma_start3A_100, %dma_start3A_111] : memref<32x84x120xi32, #tpu.memory_space<hbm>> -> memref<1x1x120xi32, #tpu.memory_space<hbm>>
    %dma_start3A_113 = tpu.memref_squeeze %dma_start3A_112 : memref<1x1x120xi32, #tpu.memory_space<hbm>> -> memref<120xi32, #tpu.memory_space<hbm>>
    tpu.enqueue_dma source(%dma_start3A_113 : memref<120xi32, #tpu.memory_space<hbm>>) target(%dma_start3A_110 : memref<120xi32, #tpu.memory_space<vmem>>) target_semaphore(%arg24 : memref<!tpu.dma_semaphore, #tpu.memory_space<semaphore_mem>>)
    %dma_start3A_114 = arith.constant 1 : i32
    %dma_start3A_115 = arith.constant 1 : i32
    %dma_start3A_116 = arith.constant 0 : i32
    %dma_start3A_117 = tpu.memref_slice %arg10[%dma_start3A_115, %dma_start3A_116] : memref<3x120xf32, #tpu.memory_space<vmem>> -> memref<1x120xf32, #tpu.memory_space<vmem>>
    %dma_start3A_118 = tpu.memref_squeeze %dma_start3A_117 : memref<1x120xf32, #tpu.memory_space<vmem>> -> memref<120xf32, #tpu.memory_space<vmem>>
    %dma_start3A_119 = arith.constant 0 : i32
    %dma_start3A_120 = tpu.memref_slice %arg5[%add3A, %dma_start3A_114, %dma_start3A_119] : memref<32x84x120xf32, #tpu.memory_space<hbm>> -> memref<1x1x120xf32, #tpu.memory_space<hbm>>
    %dma_start3A_121 = tpu.memref_squeeze %dma_start3A_120 : memref<1x1x120xf32, #tpu.memory_space<hbm>> -> memref<120xf32, #tpu.memory_space<hbm>>
    %dma_start3A_122 = arith.constant 0 : i32
    %dma_start3A_123 = tpu.memref_slice %arg10[%dma_start3A_115, %dma_start3A_122] : memref<3x120xf32, #tpu.memory_space<vmem>> -> memref<1x120xf32, #tpu.memory_space<vmem>>
    %dma_start3A_124 = tpu.memref_squeeze %dma_start3A_123 : memref<1x120xf32, #tpu.memory_space<vmem>> -> memref<120xf32, #tpu.memory_space<vmem>>
    %dma_start3A_125 = arith.constant 0 : i32
    %dma_start3A_126 = tpu.memref_slice %arg5[%add3A, %dma_start3A_114, %dma_start3A_125] : memref<32x84x120xf32, #tpu.memory_space<hbm>> -> memref<1x1x120xf32, #tpu.memory_space<hbm>>
    %dma_start3A_127 = tpu.memref_squeeze %dma_start3A_126 : memref<1x1x120xf32, #tpu.memory_space<hbm>> -> memref<120xf32, #tpu.memory_space<hbm>>
    tpu.enqueue_dma source(%dma_start3A_127 : memref<120xf32, #tpu.memory_space<hbm>>) target(%dma_start3A_124 : memref<120xf32, #tpu.memory_space<vmem>>) target_semaphore(%arg24 : memref<!tpu.dma_semaphore, #tpu.memory_space<semaphore_mem>>)
    %dma_wait3A = arith.constant 0 : i32
    %dma_wait3A_128 = arith.constant 0 : i32
    %dma_wait3A_129 = arith.constant 0 : i32
    %dma_wait3A_130 = tpu.memref_slice %arg8[%dma_wait3A_128, %dma_wait3A_129] : memref<3x120xi32, #tpu.memory_space<vmem>> -> memref<1x120xi32, #tpu.memory_space<vmem>>
    %dma_wait3A_131 = tpu.memref_squeeze %dma_wait3A_130 : memref<1x120xi32, #tpu.memory_space<vmem>> -> memref<120xi32, #tpu.memory_space<vmem>>
    %dma_wait3A_132 = arith.constant 0 : i32
    %dma_wait3A_133 = tpu.memref_slice %arg3[%add3A, %dma_wait3A, %dma_wait3A_132] : memref<32x84x120xi32, #tpu.memory_space<hbm>> -> memref<1x1x120xi32, #tpu.memory_space<hbm>>
    %dma_wait3A_134 = tpu.memref_squeeze %dma_wait3A_133 : memref<1x1x120xi32, #tpu.memory_space<hbm>> -> memref<120xi32, #tpu.memory_space<hbm>>
    %dma_wait3A_135 = arith.constant 0 : i32
    %dma_wait3A_136 = tpu.memref_slice %arg8[%dma_wait3A_128, %dma_wait3A_135] : memref<3x120xi32, #tpu.memory_space<vmem>> -> memref<1x120xi32, #tpu.memory_space<vmem>>
    %dma_wait3A_137 = tpu.memref_squeeze %dma_wait3A_136 : memref<1x120xi32, #tpu.memory_space<vmem>> -> memref<120xi32, #tpu.memory_space<vmem>>
    %dma_wait3A_138 = arith.constant 0 : i32
    %dma_wait3A_139 = tpu.memref_slice %arg3[%add3A, %dma_wait3A, %dma_wait3A_138] : memref<32x84x120xi32, #tpu.memory_space<hbm>> -> memref<1x1x120xi32, #tpu.memory_space<hbm>>
    %dma_wait3A_140 = tpu.memref_squeeze %dma_wait3A_139 : memref<1x1x120xi32, #tpu.memory_space<hbm>> -> memref<120xi32, #tpu.memory_space<hbm>>
    tpu.wait_dma2 semaphore(%arg20 : memref<!tpu.dma_semaphore, #tpu.memory_space<semaphore_mem>>) src(%dma_wait3A_140 : memref<120xi32, #tpu.memory_space<hbm>>) dst(%dma_wait3A_137 : memref<120xi32, #tpu.memory_space<vmem>>)
    %dma_start3A_141 = arith.constant 0 : i32
    %dma_start3A_142 = arith.constant 0 : i32
    %dma_start3A_143 = tpu.memref_slice %arg8[%dma_start3A_141, %dma_start3A_142] : memref<3x120xi32, #tpu.memory_space<vmem>> -> memref<1x120xi32, #tpu.memory_space<vmem>>
    %dma_start3A_144 = tpu.memref_squeeze %dma_start3A_143 : memref<1x120xi32, #tpu.memory_space<vmem>> -> memref<120xi32, #tpu.memory_space<vmem>>
    %dma_start3A_145 = arith.constant 0 : i32
    %dma_start3A_146 = arith.constant 0 : i32
    %dma_start3A_147 = tpu.memref_slice %arg2[%dma_start3A_145, %dma_start3A_146] : memref<10000x128xf32, #tpu.memory_space<hbm>> -> memref<10000x128xf32, #tpu.memory_space<hbm>>
    tpu.enqueue_indirect_dma source(%dma_start3A_147 : memref<10000x128xf32, #tpu.memory_space<hbm>>) target(%arg11 : memref<120x128xf32, #tpu.memory_space<vmem>>) offsets(%dma_start3A_144 : memref<120xi32, #tpu.memory_space<vmem>>) semaphore(%arg14 : memref<!tpu.dma_semaphore, #tpu.memory_space<semaphore_mem>>)
    %dma_wait3A_148 = arith.constant 1 : i32
    %dma_wait3A_149 = arith.constant 1 : i32
    %dma_wait3A_150 = arith.constant 0 : i32
    %dma_wait3A_151 = tpu.memref_slice %arg8[%dma_wait3A_149, %dma_wait3A_150] : memref<3x120xi32, #tpu.memory_space<vmem>> -> memref<1x120xi32, #tpu.memory_space<vmem>>
    %dma_wait3A_152 = tpu.memref_squeeze %dma_wait3A_151 : memref<1x120xi32, #tpu.memory_space<vmem>> -> memref<120xi32, #tpu.memory_space<vmem>>
    %dma_wait3A_153 = arith.constant 0 : i32
    %dma_wait3A_154 = tpu.memref_slice %arg3[%add3A, %dma_wait3A_148, %dma_wait3A_153] : memref<32x84x120xi32, #tpu.memory_space<hbm>> -> memref<1x1x120xi32, #tpu.memory_space<hbm>>
    %dma_wait3A_155 = tpu.memref_squeeze %dma_wait3A_154 : memref<1x1x120xi32, #tpu.memory_space<hbm>> -> memref<120xi32, #tpu.memory_space<hbm>>
    %dma_wait3A_156 = arith.constant 0 : i32
    %dma_wait3A_157 = tpu.memref_slice %arg8[%dma_wait3A_149, %dma_wait3A_156] : memref<3x120xi32, #tpu.memory_space<vmem>> -> memref<1x120xi32, #tpu.memory_space<vmem>>
    %dma_wait3A_158 = tpu.memref_squeeze %dma_wait3A_157 : memref<1x120xi32, #tpu.memory_space<vmem>> -> memref<120xi32, #tpu.memory_space<vmem>>
    %dma_wait3A_159 = arith.constant 0 : i32
    %dma_wait3A_160 = tpu.memref_slice %arg3[%add3A, %dma_wait3A_148, %dma_wait3A_159] : memref<32x84x120xi32, #tpu.memory_space<hbm>> -> memref<1x1x120xi32, #tpu.memory_space<hbm>>
    %dma_wait3A_161 = tpu.memref_squeeze %dma_wait3A_160 : memref<1x1x120xi32, #tpu.memory_space<hbm>> -> memref<120xi32, #tpu.memory_space<hbm>>
    tpu.wait_dma2 semaphore(%arg21 : memref<!tpu.dma_semaphore, #tpu.memory_space<semaphore_mem>>) src(%dma_wait3A_161 : memref<120xi32, #tpu.memory_space<hbm>>) dst(%dma_wait3A_158 : memref<120xi32, #tpu.memory_space<vmem>>)
    %dma_start3A_162 = arith.constant 1 : i32
    %dma_start3A_163 = arith.constant 0 : i32
    %dma_start3A_164 = tpu.memref_slice %arg8[%dma_start3A_162, %dma_start3A_163] : memref<3x120xi32, #tpu.memory_space<vmem>> -> memref<1x120xi32, #tpu.memory_space<vmem>>
    %dma_start3A_165 = tpu.memref_squeeze %dma_start3A_164 : memref<1x120xi32, #tpu.memory_space<vmem>> -> memref<120xi32, #tpu.memory_space<vmem>>
    %dma_start3A_166 = arith.constant 0 : i32
    %dma_start3A_167 = arith.constant 0 : i32
    %dma_start3A_168 = tpu.memref_slice %arg2[%dma_start3A_166, %dma_start3A_167] : memref<10000x128xf32, #tpu.memory_space<hbm>> -> memref<10000x128xf32, #tpu.memory_space<hbm>>
    tpu.enqueue_indirect_dma source(%dma_start3A_168 : memref<10000x128xf32, #tpu.memory_space<hbm>>) target(%arg12 : memref<120x128xf32, #tpu.memory_space<vmem>>) offsets(%dma_start3A_165 : memref<120xi32, #tpu.memory_space<vmem>>) semaphore(%arg15 : memref<!tpu.dma_semaphore, #tpu.memory_space<semaphore_mem>>)
    %scan3A_169 = arith.constant 0 : i32
    %scan3A_170 = arith.constant 0 : i32
    %scan3A_171 = arith.constant 28 : i32
    %scan3A_172 = arith.addi %scan3A_170, %scan3A_171 : i32
    %scan3A_173 = arith.constant 1 : i32
    scf.for %scan3A_187 = %scan3A_170 to %scan3A_172 step %scan3A_173  : i32 {
      %mul3A_188 = arith.constant 3 : i32
      %mul3A_189 = arith.muli %scan3A_187, %mul3A_188 : i32
      %add3A_190 = arith.constant 0 : i32
      %add3A_191 = arith.addi %mul3A_189, %add3A_190 : i32
      %dma_wait3A_192 = arith.constant 0 : i32
      %dma_wait3A_193 = arith.constant 0 : i32
      %dma_wait3A_194 = tpu.memref_slice %arg8[%dma_wait3A_192, %dma_wait3A_193] : memref<3x120xi32, #tpu.memory_space<vmem>> -> memref<1x120xi32, #tpu.memory_space<vmem>>
      %dma_wait3A_195 = tpu.memref_squeeze %dma_wait3A_194 : memref<1x120xi32, #tpu.memory_space<vmem>> -> memref<120xi32, #tpu.memory_space<vmem>>
      %dma_wait3A_196 = arith.constant 0 : i32
      %dma_wait3A_197 = arith.constant 0 : i32
      %dma_wait3A_198 = tpu.memref_slice %arg2[%dma_wait3A_196, %dma_wait3A_197] : memref<10000x128xf32, #tpu.memory_space<hbm>> -> memref<10000x128xf32, #tpu.memory_space<hbm>>
      tpu.wait_indirect_dma semaphore(%arg14 : memref<!tpu.dma_semaphore, #tpu.memory_space<semaphore_mem>>) src(%dma_wait3A_198 : memref<10000x128xf32, #tpu.memory_space<hbm>>) dst(%arg11 : memref<120x128xf32, #tpu.memory_space<vmem>>)
      %le3A = arith.constant 80 : i32
      %le3A_199 = arith.cmpi sle, %add3A_191, %le3A : i32
      %convert_element_type3A = arith.extui %le3A_199 : i1 to i32
      %cond3A = arith.constant 0 : i32
      %cond3A_200 = arith.cmpi ne, %convert_element_type3A, %cond3A : i32
      scf.if %cond3A_200 {
        %add3A_379 = arith.constant 3 : i32
        %add3A_380 = arith.addi %add3A_191, %add3A_379 : i32
        %dma_start3A_381 = arith.constant 0 : i32
        %dma_start3A_382 = arith.constant 0 : i32
        %dma_start3A_383 = tpu.memref_slice %arg8[%dma_start3A_381, %dma_start3A_382] : memref<3x120xi32, #tpu.memory_space<vmem>> -> memref<1x120xi32, #tpu.memory_space<vmem>>
        %dma_start3A_384 = tpu.memref_squeeze %dma_start3A_383 : memref<1x120xi32, #tpu.memory_space<vmem>> -> memref<120xi32, #tpu.memory_space<vmem>>
        %dma_start3A_385 = arith.constant 0 : i32
        %dma_start3A_386 = tpu.memref_slice %arg3[%add3A, %add3A_380, %dma_start3A_385] : memref<32x84x120xi32, #tpu.memory_space<hbm>> -> memref<1x1x120xi32, #tpu.memory_space<hbm>>
        %dma_start3A_387 = tpu.memref_squeeze %dma_start3A_386 : memref<1x1x120xi32, #tpu.memory_space<hbm>> -> memref<120xi32, #tpu.memory_space<hbm>>
        %dma_start3A_388 = arith.constant 0 : i32
        %dma_start3A_389 = tpu.memref_slice %arg8[%dma_start3A_381, %dma_start3A_388] : memref<3x120xi32, #tpu.memory_space<vmem>> -> memref<1x120xi32, #tpu.memory_space<vmem>>
        %dma_start3A_390 = tpu.memref_squeeze %dma_start3A_389 : memref<1x120xi32, #tpu.memory_space<vmem>> -> memref<120xi32, #tpu.memory_space<vmem>>
        %dma_start3A_391 = arith.constant 0 : i32
        %dma_start3A_392 = tpu.memref_slice %arg3[%add3A, %add3A_380, %dma_start3A_391] : memref<32x84x120xi32, #tpu.memory_space<hbm>> -> memref<1x1x120xi32, #tpu.memory_space<hbm>>
        %dma_start3A_393 = tpu.memref_squeeze %dma_start3A_392 : memref<1x1x120xi32, #tpu.memory_space<hbm>> -> memref<120xi32, #tpu.memory_space<hbm>>
        tpu.enqueue_dma source(%dma_start3A_393 : memref<120xi32, #tpu.memory_space<hbm>>) target(%dma_start3A_390 : memref<120xi32, #tpu.memory_space<vmem>>) target_semaphore(%arg20 : memref<!tpu.dma_semaphore, #tpu.memory_space<semaphore_mem>>)
      } else {
      }
      %dma_wait3A_201 = arith.constant 0 : i32
      %dma_wait3A_202 = arith.constant 0 : i32
      %dma_wait3A_203 = tpu.memref_slice %arg9[%dma_wait3A_201, %dma_wait3A_202] : memref<3x120xi32, #tpu.memory_space<vmem>> -> memref<1x120xi32, #tpu.memory_space<vmem>>
      %dma_wait3A_204 = tpu.memref_squeeze %dma_wait3A_203 : memref<1x120xi32, #tpu.memory_space<vmem>> -> memref<120xi32, #tpu.memory_space<vmem>>
      %dma_wait3A_205 = arith.constant 0 : i32
      %dma_wait3A_206 = tpu.memref_slice %arg4[%add3A, %add3A_191, %dma_wait3A_205] : memref<32x84x120xi32, #tpu.memory_space<hbm>> -> memref<1x1x120xi32, #tpu.memory_space<hbm>>
      %dma_wait3A_207 = tpu.memref_squeeze %dma_wait3A_206 : memref<1x1x120xi32, #tpu.memory_space<hbm>> -> memref<120xi32, #tpu.memory_space<hbm>>
      %dma_wait3A_208 = arith.constant 0 : i32
      %dma_wait3A_209 = tpu.memref_slice %arg9[%dma_wait3A_201, %dma_wait3A_208] : memref<3x120xi32, #tpu.memory_space<vmem>> -> memref<1x120xi32, #tpu.memory_space<vmem>>
      %dma_wait3A_210 = tpu.memref_squeeze %dma_wait3A_209 : memref<1x120xi32, #tpu.memory_space<vmem>> -> memref<120xi32, #tpu.memory_space<vmem>>
      %dma_wait3A_211 = arith.constant 0 : i32
      %dma_wait3A_212 = tpu.memref_slice %arg4[%add3A, %add3A_191, %dma_wait3A_211] : memref<32x84x120xi32, #tpu.memory_space<hbm>> -> memref<1x1x120xi32, #tpu.memory_space<hbm>>
      %dma_wait3A_213 = tpu.memref_squeeze %dma_wait3A_212 : memref<1x1x120xi32, #tpu.memory_space<hbm>> -> memref<120xi32, #tpu.memory_space<hbm>>
      tpu.wait_dma2 semaphore(%arg23 : memref<!tpu.dma_semaphore, #tpu.memory_space<semaphore_mem>>) src(%dma_wait3A_213 : memref<120xi32, #tpu.memory_space<hbm>>) dst(%dma_wait3A_210 : memref<120xi32, #tpu.memory_space<vmem>>)
      %dma_wait3A_214 = arith.constant 0 : i32
      %dma_wait3A_215 = arith.constant 0 : i32
      %dma_wait3A_216 = tpu.memref_slice %arg10[%dma_wait3A_214, %dma_wait3A_215] : memref<3x120xf32, #tpu.memory_space<vmem>> -> memref<1x120xf32, #tpu.memory_space<vmem>>
      %dma_wait3A_217 = tpu.memref_squeeze %dma_wait3A_216 : memref<1x120xf32, #tpu.memory_space<vmem>> -> memref<120xf32, #tpu.memory_space<vmem>>
      %dma_wait3A_218 = arith.constant 0 : i32
      %dma_wait3A_219 = tpu.memref_slice %arg5[%add3A, %add3A_191, %dma_wait3A_218] : memref<32x84x120xf32, #tpu.memory_space<hbm>> -> memref<1x1x120xf32, #tpu.memory_space<hbm>>
      %dma_wait3A_220 = tpu.memref_squeeze %dma_wait3A_219 : memref<1x1x120xf32, #tpu.memory_space<hbm>> -> memref<120xf32, #tpu.memory_space<hbm>>
      %dma_wait3A_221 = arith.constant 0 : i32
      %dma_wait3A_222 = tpu.memref_slice %arg10[%dma_wait3A_214, %dma_wait3A_221] : memref<3x120xf32, #tpu.memory_space<vmem>> -> memref<1x120xf32, #tpu.memory_space<vmem>>
      %dma_wait3A_223 = tpu.memref_squeeze %dma_wait3A_222 : memref<1x120xf32, #tpu.memory_space<vmem>> -> memref<120xf32, #tpu.memory_space<vmem>>
      %dma_wait3A_224 = arith.constant 0 : i32
      %dma_wait3A_225 = tpu.memref_slice %arg5[%add3A, %add3A_191, %dma_wait3A_224] : memref<32x84x120xf32, #tpu.memory_space<hbm>> -> memref<1x1x120xf32, #tpu.memory_space<hbm>>
      %dma_wait3A_226 = tpu.memref_squeeze %dma_wait3A_225 : memref<1x1x120xf32, #tpu.memory_space<hbm>> -> memref<120xf32, #tpu.memory_space<hbm>>
      tpu.wait_dma2 semaphore(%arg23 : memref<!tpu.dma_semaphore, #tpu.memory_space<semaphore_mem>>) src(%dma_wait3A_226 : memref<120xf32, #tpu.memory_space<hbm>>) dst(%dma_wait3A_223 : memref<120xf32, #tpu.memory_space<vmem>>)
      %scan3A_227 = arith.constant 0 : i32
      %scan3A_228 = arith.constant 0 : i32
      %scan3A_229 = arith.constant 120 : i32
      %scan3A_230 = arith.addi %scan3A_228, %scan3A_229 : i32
      %scan3A_231 = arith.constant 1 : i32
      scf.for %scan3A_379 = %scan3A_228 to %scan3A_230 step %scan3A_231  : i32 {
        %broadcast_in_dim3A_380 = arith.constant 0 : i32
        %broadcast_in_dim3A_381 = vector.broadcast %broadcast_in_dim3A_380 : i32 to vector<16xi32>
        %broadcast_in_dim3A_382 = vector.broadcast %scan3A_379 : i32 to vector<16xi32>
        %gather3A = tpu.vector_load_idx %arg10[%broadcast_in_dim3A_381, %broadcast_in_dim3A_382] : memref<3x120xf32, #tpu.memory_space<vmem>>[vector<16xi32>, vector<16xi32>], vector<16xf32>,
        %get3A = arith.index_cast %scan3A_379 : i32 to index
        %get3A_383 = arith.constant 0 : index
        %get3A_384 = tpu.vector_load %arg11[%get3A, %get3A_383] {strides = array<i32>} : memref<120x128xf32, #tpu.memory_space<vmem>>, vector<16xf32>,
        %mul3A_385 = arith.mulf %get3A_384, %gather3A : vector<16xf32>
        %swap3A = arith.index_cast %scan3A_379 : i32 to index
        %swap3A_386 = arith.constant 0 : index
        %swap3A_387 = tpu.vector_load %arg11[%swap3A, %swap3A_386] {strides = array<i32>} : memref<120x128xf32, #tpu.memory_space<vmem>>, vector<16xf32>,
        tpu.vector_store %arg11[%swap3A, %swap3A_386], %mul3A_385 {strides = array<i32>} : memref<120x128xf32, #tpu.memory_space<vmem>>, vector<16xf32>,
        %get3A_388 = arith.index_cast %scan3A_379 : i32 to index
        %get3A_389 = arith.constant 16 : index
        %get3A_390 = tpu.vector_load %arg11[%get3A_388, %get3A_389] {strides = array<i32>} : memref<120x128xf32, #tpu.memory_space<vmem>>, vector<16xf32>,
        %mul3A_391 = arith.mulf %get3A_390, %gather3A : vector<16xf32>
        %swap3A_392 = arith.index_cast %scan3A_379 : i32 to index
        %swap3A_393 = arith.constant 16 : index
        %swap3A_394 = tpu.vector_load %arg11[%swap3A_392, %swap3A_393] {strides = array<i32>} : memref<120x128xf32, #tpu.memory_space<vmem>>, vector<16xf32>,
        tpu.vector_store %arg11[%swap3A_392, %swap3A_393], %mul3A_391 {strides = array<i32>} : memref<120x128xf32, #tpu.memory_space<vmem>>, vector<16xf32>,
        %get3A_395 = arith.index_cast %scan3A_379 : i32 to index
        %get3A_396 = arith.constant 32 : index
        %get3A_397 = tpu.vector_load %arg11[%get3A_395, %get3A_396] {strides = array<i32>} : memref<120x128xf32, #tpu.memory_space<vmem>>, vector<16xf32>,
        %mul3A_398 = arith.mulf %get3A_397, %gather3A : vector<16xf32>
        %swap3A_399 = arith.index_cast %scan3A_379 : i32 to index
        %swap3A_400 = arith.constant 32 : index
        %swap3A_401 = tpu.vector_load %arg11[%swap3A_399, %swap3A_400] {strides = array<i32>} : memref<120x128xf32, #tpu.memory_space<vmem>>, vector<16xf32>,
        tpu.vector_store %arg11[%swap3A_399, %swap3A_400], %mul3A_398 {strides = array<i32>} : memref<120x128xf32, #tpu.memory_space<vmem>>, vector<16xf32>,
        %get3A_402 = arith.index_cast %scan3A_379 : i32 to index
        %get3A_403 = arith.constant 48 : index
        %get3A_404 = tpu.vector_load %arg11[%get3A_402, %get3A_403] {strides = array<i32>} : memref<120x128xf32, #tpu.memory_space<vmem>>, vector<16xf32>,
        %mul3A_405 = arith.mulf %get3A_404, %gather3A : vector<16xf32>
        %swap3A_406 = arith.index_cast %scan3A_379 : i32 to index
        %swap3A_407 = arith.constant 48 : index
        %swap3A_408 = tpu.vector_load %arg11[%swap3A_406, %swap3A_407] {strides = array<i32>} : memref<120x128xf32, #tpu.memory_space<vmem>>, vector<16xf32>,
        tpu.vector_store %arg11[%swap3A_406, %swap3A_407], %mul3A_405 {strides = array<i32>} : memref<120x128xf32, #tpu.memory_space<vmem>>, vector<16xf32>,
        %get3A_409 = arith.index_cast %scan3A_379 : i32 to index
        %get3A_410 = arith.constant 64 : index
        %get3A_411 = tpu.vector_load %arg11[%get3A_409, %get3A_410] {strides = array<i32>} : memref<120x128xf32, #tpu.memory_space<vmem>>, vector<16xf32>,
        %mul3A_412 = arith.mulf %get3A_411, %gather3A : vector<16xf32>
        %swap3A_413 = arith.index_cast %scan3A_379 : i32 to index
        %swap3A_414 = arith.constant 64 : index
        %swap3A_415 = tpu.vector_load %arg11[%swap3A_413, %swap3A_414] {strides = array<i32>} : memref<120x128xf32, #tpu.memory_space<vmem>>, vector<16xf32>,
        tpu.vector_store %arg11[%swap3A_413, %swap3A_414], %mul3A_412 {strides = array<i32>} : memref<120x128xf32, #tpu.memory_space<vmem>>, vector<16xf32>,
        %get3A_416 = arith.index_cast %scan3A_379 : i32 to index
        %get3A_417 = arith.constant 80 : index
        %get3A_418 = tpu.vector_load %arg11[%get3A_416, %get3A_417] {strides = array<i32>} : memref<120x128xf32, #tpu.memory_space<vmem>>, vector<16xf32>,
        %mul3A_419 = arith.mulf %get3A_418, %gather3A : vector<16xf32>
        %swap3A_420 = arith.index_cast %scan3A_379 : i32 to index
        %swap3A_421 = arith.constant 80 : index
        %swap3A_422 = tpu.vector_load %arg11[%swap3A_420, %swap3A_421] {strides = array<i32>} : memref<120x128xf32, #tpu.memory_space<vmem>>, vector<16xf32>,
        tpu.vector_store %arg11[%swap3A_420, %swap3A_421], %mul3A_419 {strides = array<i32>} : memref<120x128xf32, #tpu.memory_space<vmem>>, vector<16xf32>,
        %get3A_423 = arith.index_cast %scan3A_379 : i32 to index
        %get3A_424 = arith.constant 96 : index
        %get3A_425 = tpu.vector_load %arg11[%get3A_423, %get3A_424] {strides = array<i32>} : memref<120x128xf32, #tpu.memory_space<vmem>>, vector<16xf32>,
        %mul3A_426 = arith.mulf %get3A_425, %gather3A : vector<16xf32>
        %swap3A_427 = arith.index_cast %scan3A_379 : i32 to index
        %swap3A_428 = arith.constant 96 : index
        %swap3A_429 = tpu.vector_load %arg11[%swap3A_427, %swap3A_428] {strides = array<i32>} : memref<120x128xf32, #tpu.memory_space<vmem>>, vector<16xf32>,
        tpu.vector_store %arg11[%swap3A_427, %swap3A_428], %mul3A_426 {strides = array<i32>} : memref<120x128xf32, #tpu.memory_space<vmem>>, vector<16xf32>,
        %get3A_430 = arith.index_cast %scan3A_379 : i32 to index
        %get3A_431 = arith.constant 112 : index
        %get3A_432 = tpu.vector_load %arg11[%get3A_430, %get3A_431] {strides = array<i32>} : memref<120x128xf32, #tpu.memory_space<vmem>>, vector<16xf32>,
        %mul3A_433 = arith.mulf %get3A_432, %gather3A : vector<16xf32>
        %swap3A_434 = arith.index_cast %scan3A_379 : i32 to index
        %swap3A_435 = arith.constant 112 : index
        %swap3A_436 = tpu.vector_load %arg11[%swap3A_434, %swap3A_435] {strides = array<i32>} : memref<120x128xf32, #tpu.memory_space<vmem>>, vector<16xf32>,
        tpu.vector_store %arg11[%swap3A_434, %swap3A_435], %mul3A_433 {strides = array<i32>} : memref<120x128xf32, #tpu.memory_space<vmem>>, vector<16xf32>,
      }
      %scan3A_232 = arith.constant 120 : i32
      %dma_start3A_233 = arith.constant 0 : i32
      %dma_start3A_234 = arith.constant 0 : i32
      %dma_start3A_235 = tpu.memref_slice %arg9[%dma_start3A_233, %dma_start3A_234] : memref<3x120xi32, #tpu.memory_space<vmem>> -> memref<1x120xi32, #tpu.memory_space<vmem>>
      %dma_start3A_236 = tpu.memref_squeeze %dma_start3A_235 : memref<1x120xi32, #tpu.memory_space<vmem>> -> memref<120xi32, #tpu.memory_space<vmem>>
      %dma_start3A_237 = arith.constant 0 : i32
      %dma_start3A_238 = arith.constant 0 : i32
      %dma_start3A_239 = tpu.memref_slice %arg7[%dma_start3A_237, %dma_start3A_238] : memref<10112x128xf32, #tpu.memory_space<vmem_shared>> -> memref<10112x128xf32, #tpu.memory_space<vmem_shared>>
      tpu.enqueue_indirect_dma source(%arg11 : memref<120x128xf32, #tpu.memory_space<vmem>>) target(%dma_start3A_239 : memref<10112x128xf32, #tpu.memory_space<vmem_shared>>) offsets(%dma_start3A_236 : memref<120xi32, #tpu.memory_space<vmem>>) semaphore(%arg17 : memref<!tpu.dma_semaphore, #tpu.memory_space<semaphore_mem>>) {add = true}
      %ge3A = arith.constant 1 : i32
      %ge3A_240 = arith.cmpi sge, %add3A_191, %ge3A : i32
      %convert_element_type3A_241 = arith.extui %ge3A_240 : i1 to i32
      %cond3A_242 = arith.constant 0 : i32
      %cond3A_243 = arith.cmpi ne, %convert_element_type3A_241, %cond3A_242 : i32
      scf.if %cond3A_243 {
        %dma_wait3A_379 = arith.constant 2 : i32
        %dma_wait3A_380 = arith.constant 0 : i32
        %dma_wait3A_381 = tpu.memref_slice %arg9[%dma_wait3A_379, %dma_wait3A_380] : memref<3x120xi32, #tpu.memory_space<vmem>> -> memref<1x120xi32, #tpu.memory_space<vmem>>
        %dma_wait3A_382 = tpu.memref_squeeze %dma_wait3A_381 : memref<1x120xi32, #tpu.memory_space<vmem>> -> memref<120xi32, #tpu.memory_space<vmem>>
        %dma_wait3A_383 = arith.constant 0 : i32
        %dma_wait3A_384 = arith.constant 0 : i32
        %dma_wait3A_385 = tpu.memref_slice %arg7[%dma_wait3A_383, %dma_wait3A_384] : memref<10112x128xf32, #tpu.memory_space<vmem_shared>> -> memref<10112x128xf32, #tpu.memory_space<vmem_shared>>
        tpu.wait_indirect_dma semaphore(%arg19 : memref<!tpu.dma_semaphore, #tpu.memory_space<semaphore_mem>>) src(%arg13 : memref<120x128xf32, #tpu.memory_space<vmem>>) dst(%dma_wait3A_385 : memref<10112x128xf32, #tpu.memory_space<vmem_shared>>)
      } else {
      }
      %le3A_244 = arith.constant 81 : i32
      %le3A_245 = arith.cmpi sle, %add3A_191, %le3A_244 : i32
      %convert_element_type3A_246 = arith.extui %le3A_245 : i1 to i32
      %cond3A_247 = arith.constant 0 : i32
      %cond3A_248 = arith.cmpi ne, %convert_element_type3A_246, %cond3A_247 : i32
      scf.if %cond3A_248 {
        %add3A_379 = arith.constant 2 : i32
        %add3A_380 = arith.addi %add3A_191, %add3A_379 : i32
        %dma_start3A_381 = arith.constant 2 : i32
        %dma_start3A_382 = arith.constant 0 : i32
        %dma_start3A_383 = tpu.memref_slice %arg9[%dma_start3A_381, %dma_start3A_382] : memref<3x120xi32, #tpu.memory_space<vmem>> -> memref<1x120xi32, #tpu.memory_space<vmem>>
        %dma_start3A_384 = tpu.memref_squeeze %dma_start3A_383 : memref<1x120xi32, #tpu.memory_space<vmem>> -> memref<120xi32, #tpu.memory_space<vmem>>
        %dma_start3A_385 = arith.constant 0 : i32
        %dma_start3A_386 = tpu.memref_slice %arg4[%add3A, %add3A_380, %dma_start3A_385] : memref<32x84x120xi32, #tpu.memory_space<hbm>> -> memref<1x1x120xi32, #tpu.memory_space<hbm>>
        %dma_start3A_387 = tpu.memref_squeeze %dma_start3A_386 : memref<1x1x120xi32, #tpu.memory_space<hbm>> -> memref<120xi32, #tpu.memory_space<hbm>>
        %dma_start3A_388 = arith.constant 0 : i32
        %dma_start3A_389 = tpu.memref_slice %arg9[%dma_start3A_381, %dma_start3A_388] : memref<3x120xi32, #tpu.memory_space<vmem>> -> memref<1x120xi32, #tpu.memory_space<vmem>>
        %dma_start3A_390 = tpu.memref_squeeze %dma_start3A_389 : memref<1x120xi32, #tpu.memory_space<vmem>> -> memref<120xi32, #tpu.memory_space<vmem>>
        %dma_start3A_391 = arith.constant 0 : i32
        %dma_start3A_392 = tpu.memref_slice %arg4[%add3A, %add3A_380, %dma_start3A_391] : memref<32x84x120xi32, #tpu.memory_space<hbm>> -> memref<1x1x120xi32, #tpu.memory_space<hbm>>
        %dma_start3A_393 = tpu.memref_squeeze %dma_start3A_392 : memref<1x1x120xi32, #tpu.memory_space<hbm>> -> memref<120xi32, #tpu.memory_space<hbm>>
        tpu.enqueue_dma source(%dma_start3A_393 : memref<120xi32, #tpu.memory_space<hbm>>) target(%dma_start3A_390 : memref<120xi32, #tpu.memory_space<vmem>>) target_semaphore(%arg25 : memref<!tpu.dma_semaphore, #tpu.memory_space<semaphore_mem>>)
        %dma_start3A_394 = arith.constant 2 : i32
        %dma_start3A_395 = arith.constant 0 : i32
        %dma_start3A_396 = tpu.memref_slice %arg10[%dma_start3A_394, %dma_start3A_395] : memref<3x120xf32, #tpu.memory_space<vmem>> -> memref<1x120xf32, #tpu.memory_space<vmem>>
        %dma_start3A_397 = tpu.memref_squeeze %dma_start3A_396 : memref<1x120xf32, #tpu.memory_space<vmem>> -> memref<120xf32, #tpu.memory_space<vmem>>
        %dma_start3A_398 = arith.constant 0 : i32
        %dma_start3A_399 = tpu.memref_slice %arg5[%add3A, %add3A_380, %dma_start3A_398] : memref<32x84x120xf32, #tpu.memory_space<hbm>> -> memref<1x1x120xf32, #tpu.memory_space<hbm>>
        %dma_start3A_400 = tpu.memref_squeeze %dma_start3A_399 : memref<1x1x120xf32, #tpu.memory_space<hbm>> -> memref<120xf32, #tpu.memory_space<hbm>>
        %dma_start3A_401 = arith.constant 0 : i32
        %dma_start3A_402 = tpu.memref_slice %arg10[%dma_start3A_394, %dma_start3A_401] : memref<3x120xf32, #tpu.memory_space<vmem>> -> memref<1x120xf32, #tpu.memory_space<vmem>>
        %dma_start3A_403 = tpu.memref_squeeze %dma_start3A_402 : memref<1x120xf32, #tpu.memory_space<vmem>> -> memref<120xf32, #tpu.memory_space<vmem>>
        %dma_start3A_404 = arith.constant 0 : i32
        %dma_start3A_405 = tpu.memref_slice %arg5[%add3A, %add3A_380, %dma_start3A_404] : memref<32x84x120xf32, #tpu.memory_space<hbm>> -> memref<1x1x120xf32, #tpu.memory_space<hbm>>
        %dma_start3A_406 = tpu.memref_squeeze %dma_start3A_405 : memref<1x1x120xf32, #tpu.memory_space<hbm>> -> memref<120xf32, #tpu.memory_space<hbm>>
        tpu.enqueue_dma source(%dma_start3A_406 : memref<120xf32, #tpu.memory_space<hbm>>) target(%dma_start3A_403 : memref<120xf32, #tpu.memory_space<vmem>>) target_semaphore(%arg25 : memref<!tpu.dma_semaphore, #tpu.memory_space<semaphore_mem>>)
        %add3A_407 = arith.constant 2 : i32
        %add3A_408 = arith.addi %add3A_191, %add3A_407 : i32
        %dma_wait3A_409 = arith.constant 2 : i32
        %dma_wait3A_410 = arith.constant 0 : i32
        %dma_wait3A_411 = tpu.memref_slice %arg8[%dma_wait3A_409, %dma_wait3A_410] : memref<3x120xi32, #tpu.memory_space<vmem>> -> memref<1x120xi32, #tpu.memory_space<vmem>>
        %dma_wait3A_412 = tpu.memref_squeeze %dma_wait3A_411 : memref<1x120xi32, #tpu.memory_space<vmem>> -> memref<120xi32, #tpu.memory_space<vmem>>
        %dma_wait3A_413 = arith.constant 0 : i32
        %dma_wait3A_414 = tpu.memref_slice %arg3[%add3A, %add3A_408, %dma_wait3A_413] : memref<32x84x120xi32, #tpu.memory_space<hbm>> -> memref<1x1x120xi32, #tpu.memory_space<hbm>>
        %dma_wait3A_415 = tpu.memref_squeeze %dma_wait3A_414 : memref<1x1x120xi32, #tpu.memory_space<hbm>> -> memref<120xi32, #tpu.memory_space<hbm>>
        %dma_wait3A_416 = arith.constant 0 : i32
        %dma_wait3A_417 = tpu.memref_slice %arg8[%dma_wait3A_409, %dma_wait3A_416] : memref<3x120xi32, #tpu.memory_space<vmem>> -> memref<1x120xi32, #tpu.memory_space<vmem>>
        %dma_wait3A_418 = tpu.memref_squeeze %dma_wait3A_417 : memref<1x120xi32, #tpu.memory_space<vmem>> -> memref<120xi32, #tpu.memory_space<vmem>>
        %dma_wait3A_419 = arith.constant 0 : i32
        %dma_wait3A_420 = tpu.memref_slice %arg3[%add3A, %add3A_408, %dma_wait3A_419] : memref<32x84x120xi32, #tpu.memory_space<hbm>> -> memref<1x1x120xi32, #tpu.memory_space<hbm>>
        %dma_wait3A_421 = tpu.memref_squeeze %dma_wait3A_420 : memref<1x1x120xi32, #tpu.memory_space<hbm>> -> memref<120xi32, #tpu.memory_space<hbm>>
        tpu.wait_dma2 semaphore(%arg22 : memref<!tpu.dma_semaphore, #tpu.memory_space<semaphore_mem>>) src(%dma_wait3A_421 : memref<120xi32, #tpu.memory_space<hbm>>) dst(%dma_wait3A_418 : memref<120xi32, #tpu.memory_space<vmem>>)
        %dma_start3A_422 = arith.constant 2 : i32
        %dma_start3A_423 = arith.constant 0 : i32
        %dma_start3A_424 = tpu.memref_slice %arg8[%dma_start3A_422, %dma_start3A_423] : memref<3x120xi32, #tpu.memory_space<vmem>> -> memref<1x120xi32, #tpu.memory_space<vmem>>
        %dma_start3A_425 = tpu.memref_squeeze %dma_start3A_424 : memref<1x120xi32, #tpu.memory_space<vmem>> -> memref<120xi32, #tpu.memory_space<vmem>>
        %dma_start3A_426 = arith.constant 0 : i32
        %dma_start3A_427 = arith.constant 0 : i32
        %dma_start3A_428 = tpu.memref_slice %arg2[%dma_start3A_426, %dma_start3A_427] : memref<10000x128xf32, #tpu.memory_space<hbm>> -> memref<10000x128xf32, #tpu.memory_space<hbm>>
        tpu.enqueue_indirect_dma source(%dma_start3A_428 : memref<10000x128xf32, #tpu.memory_space<hbm>>) target(%arg13 : memref<120x128xf32, #tpu.memory_space<vmem>>) offsets(%dma_start3A_425 : memref<120xi32, #tpu.memory_space<vmem>>) semaphore(%arg16 : memref<!tpu.dma_semaphore, #tpu.memory_space<semaphore_mem>>)
      } else {
      }
      %mul3A_249 = arith.constant 3 : i32
      %mul3A_250 = arith.muli %scan3A_187, %mul3A_249 : i32
      %add3A_251 = arith.constant 1 : i32
      %add3A_252 = arith.addi %mul3A_250, %add3A_251 : i32
      %dma_wait3A_253 = arith.constant 1 : i32
      %dma_wait3A_254 = arith.constant 0 : i32
      %dma_wait3A_255 = tpu.memref_slice %arg8[%dma_wait3A_253, %dma_wait3A_254] : memref<3x120xi32, #tpu.memory_space<vmem>> -> memref<1x120xi32, #tpu.memory_space<vmem>>
      %dma_wait3A_256 = tpu.memref_squeeze %dma_wait3A_255 : memref<1x120xi32, #tpu.memory_space<vmem>> -> memref<120xi32, #tpu.memory_space<vmem>>
      %dma_wait3A_257 = arith.constant 0 : i32
      %dma_wait3A_258 = arith.constant 0 : i32
      %dma_wait3A_259 = tpu.memref_slice %arg2[%dma_wait3A_257, %dma_wait3A_258] : memref<10000x128xf32, #tpu.memory_space<hbm>> -> memref<10000x128xf32, #tpu.memory_space<hbm>>
      tpu.wait_indirect_dma semaphore(%arg15 : memref<!tpu.dma_semaphore, #tpu.memory_space<semaphore_mem>>) src(%dma_wait3A_259 : memref<10000x128xf32, #tpu.memory_space<hbm>>) dst(%arg12 : memref<120x128xf32, #tpu.memory_space<vmem>>)
      %le3A_260 = arith.constant 80 : i32
      %le3A_261 = arith.cmpi sle, %add3A_252, %le3A_260 : i32
      %convert_element_type3A_262 = arith.extui %le3A_261 : i1 to i32
      %cond3A_263 = arith.constant 0 : i32
      %cond3A_264 = arith.cmpi ne, %convert_element_type3A_262, %cond3A_263 : i32
      scf.if %cond3A_264 {
        %add3A_379 = arith.constant 3 : i32
        %add3A_380 = arith.addi %add3A_252, %add3A_379 : i32
        %dma_start3A_381 = arith.constant 1 : i32
        %dma_start3A_382 = arith.constant 0 : i32
        %dma_start3A_383 = tpu.memref_slice %arg8[%dma_start3A_381, %dma_start3A_382] : memref<3x120xi32, #tpu.memory_space<vmem>> -> memref<1x120xi32, #tpu.memory_space<vmem>>
        %dma_start3A_384 = tpu.memref_squeeze %dma_start3A_383 : memref<1x120xi32, #tpu.memory_space<vmem>> -> memref<120xi32, #tpu.memory_space<vmem>>
        %dma_start3A_385 = arith.constant 0 : i32
        %dma_start3A_386 = tpu.memref_slice %arg3[%add3A, %add3A_380, %dma_start3A_385] : memref<32x84x120xi32, #tpu.memory_space<hbm>> -> memref<1x1x120xi32, #tpu.memory_space<hbm>>
        %dma_start3A_387 = tpu.memref_squeeze %dma_start3A_386 : memref<1x1x120xi32, #tpu.memory_space<hbm>> -> memref<120xi32, #tpu.memory_space<hbm>>
        %dma_start3A_388 = arith.constant 0 : i32
        %dma_start3A_389 = tpu.memref_slice %arg8[%dma_start3A_381, %dma_start3A_388] : memref<3x120xi32, #tpu.memory_space<vmem>> -> memref<1x120xi32, #tpu.memory_space<vmem>>
        %dma_start3A_390 = tpu.memref_squeeze %dma_start3A_389 : memref<1x120xi32, #tpu.memory_space<vmem>> -> memref<120xi32, #tpu.memory_space<vmem>>
        %dma_start3A_391 = arith.constant 0 : i32
        %dma_start3A_392 = tpu.memref_slice %arg3[%add3A, %add3A_380, %dma_start3A_391] : memref<32x84x120xi32, #tpu.memory_space<hbm>> -> memref<1x1x120xi32, #tpu.memory_space<hbm>>
        %dma_start3A_393 = tpu.memref_squeeze %dma_start3A_392 : memref<1x1x120xi32, #tpu.memory_space<hbm>> -> memref<120xi32, #tpu.memory_space<hbm>>
        tpu.enqueue_dma source(%dma_start3A_393 : memref<120xi32, #tpu.memory_space<hbm>>) target(%dma_start3A_390 : memref<120xi32, #tpu.memory_space<vmem>>) target_semaphore(%arg21 : memref<!tpu.dma_semaphore, #tpu.memory_space<semaphore_mem>>)
      } else {
      }
      %dma_wait3A_265 = arith.constant 1 : i32
      %dma_wait3A_266 = arith.constant 0 : i32
      %dma_wait3A_267 = tpu.memref_slice %arg9[%dma_wait3A_265, %dma_wait3A_266] : memref<3x120xi32, #tpu.memory_space<vmem>> -> memref<1x120xi32, #tpu.memory_space<vmem>>
      %dma_wait3A_268 = tpu.memref_squeeze %dma_wait3A_267 : memref<1x120xi32, #tpu.memory_space<vmem>> -> memref<120xi32, #tpu.memory_space<vmem>>
      %dma_wait3A_269 = arith.constant 0 : i32
      %dma_wait3A_270 = tpu.memref_slice %arg4[%add3A, %add3A_252, %dma_wait3A_269] : memref<32x84x120xi32, #tpu.memory_space<hbm>> -> memref<1x1x120xi32, #tpu.memory_space<hbm>>
      %dma_wait3A_271 = tpu.memref_squeeze %dma_wait3A_270 : memref<1x1x120xi32, #tpu.memory_space<hbm>> -> memref<120xi32, #tpu.memory_space<hbm>>
      %dma_wait3A_272 = arith.constant 0 : i32
      %dma_wait3A_273 = tpu.memref_slice %arg9[%dma_wait3A_265, %dma_wait3A_272] : memref<3x120xi32, #tpu.memory_space<vmem>> -> memref<1x120xi32, #tpu.memory_space<vmem>>
      %dma_wait3A_274 = tpu.memref_squeeze %dma_wait3A_273 : memref<1x120xi32, #tpu.memory_space<vmem>> -> memref<120xi32, #tpu.memory_space<vmem>>
      %dma_wait3A_275 = arith.constant 0 : i32
      %dma_wait3A_276 = tpu.memref_slice %arg4[%add3A, %add3A_252, %dma_wait3A_275] : memref<32x84x120xi32, #tpu.memory_space<hbm>> -> memref<1x1x120xi32, #tpu.memory_space<hbm>>
      %dma_wait3A_277 = tpu.memref_squeeze %dma_wait3A_276 : memref<1x1x120xi32, #tpu.memory_space<hbm>> -> memref<120xi32, #tpu.memory_space<hbm>>
      tpu.wait_dma2 semaphore(%arg24 : memref<!tpu.dma_semaphore, #tpu.memory_space<semaphore_mem>>) src(%dma_wait3A_277 : memref<120xi32, #tpu.memory_space<hbm>>) dst(%dma_wait3A_274 : memref<120xi32, #tpu.memory_space<vmem>>)
      %dma_wait3A_278 = arith.constant 1 : i32
      %dma_wait3A_279 = arith.constant 0 : i32
      %dma_wait3A_280 = tpu.memref_slice %arg10[%dma_wait3A_278, %dma_wait3A_279] : memref<3x120xf32, #tpu.memory_space<vmem>> -> memref<1x120xf32, #tpu.memory_space<vmem>>
      %dma_wait3A_281 = tpu.memref_squeeze %dma_wait3A_280 : memref<1x120xf32, #tpu.memory_space<vmem>> -> memref<120xf32, #tpu.memory_space<vmem>>
      %dma_wait3A_282 = arith.constant 0 : i32
      %dma_wait3A_283 = tpu.memref_slice %arg5[%add3A, %add3A_252, %dma_wait3A_282] : memref<32x84x120xf32, #tpu.memory_space<hbm>> -> memref<1x1x120xf32, #tpu.memory_space<hbm>>
      %dma_wait3A_284 = tpu.memref_squeeze %dma_wait3A_283 : memref<1x1x120xf32, #tpu.memory_space<hbm>> -> memref<120xf32, #tpu.memory_space<hbm>>
      %dma_wait3A_285 = arith.constant 0 : i32
      %dma_wait3A_286 = tpu.memref_slice %arg10[%dma_wait3A_278, %dma_wait3A_285] : memref<3x120xf32, #tpu.memory_space<vmem>> -> memref<1x120xf32, #tpu.memory_space<vmem>>
      %dma_wait3A_287 = tpu.memref_squeeze %dma_wait3A_286 : memref<1x120xf32, #tpu.memory_space<vmem>> -> memref<120xf32, #tpu.memory_space<vmem>>
      %dma_wait3A_288 = arith.constant 0 : i32
      %dma_wait3A_289 = tpu.memref_slice %arg5[%add3A, %add3A_252, %dma_wait3A_288] : memref<32x84x120xf32, #tpu.memory_space<hbm>> -> memref<1x1x120xf32, #tpu.memory_space<hbm>>
      %dma_wait3A_290 = tpu.memref_squeeze %dma_wait3A_289 : memref<1x1x120xf32, #tpu.memory_space<hbm>> -> memref<120xf32, #tpu.memory_space<hbm>>
      tpu.wait_dma2 semaphore(%arg24 : memref<!tpu.dma_semaphore, #tpu.memory_space<semaphore_mem>>) src(%dma_wait3A_290 : memref<120xf32, #tpu.memory_space<hbm>>) dst(%dma_wait3A_287 : memref<120xf32, #tpu.memory_space<vmem>>)
      %scan3A_291 = arith.constant 0 : i32
      %scan3A_292 = arith.constant 0 : i32
      %scan3A_293 = arith.constant 120 : i32
      %scan3A_294 = arith.addi %scan3A_292, %scan3A_293 : i32
      %scan3A_295 = arith.constant 1 : i32
      scf.for %scan3A_379 = %scan3A_292 to %scan3A_294 step %scan3A_295  : i32 {
        %broadcast_in_dim3A_380 = arith.constant 1 : i32
        %broadcast_in_dim3A_381 = vector.broadcast %broadcast_in_dim3A_380 : i32 to vector<16xi32>
        %broadcast_in_dim3A_382 = vector.broadcast %scan3A_379 : i32 to vector<16xi32>
        %gather3A = tpu.vector_load_idx %arg10[%broadcast_in_dim3A_381, %broadcast_in_dim3A_382] : memref<3x120xf32, #tpu.memory_space<vmem>>[vector<16xi32>, vector<16xi32>], vector<16xf32>,
        %get3A = arith.index_cast %scan3A_379 : i32 to index
        %get3A_383 = arith.constant 0 : index
        %get3A_384 = tpu.vector_load %arg12[%get3A, %get3A_383] {strides = array<i32>} : memref<120x128xf32, #tpu.memory_space<vmem>>, vector<16xf32>,
        %mul3A_385 = arith.mulf %get3A_384, %gather3A : vector<16xf32>
        %swap3A = arith.index_cast %scan3A_379 : i32 to index
        %swap3A_386 = arith.constant 0 : index
        %swap3A_387 = tpu.vector_load %arg12[%swap3A, %swap3A_386] {strides = array<i32>} : memref<120x128xf32, #tpu.memory_space<vmem>>, vector<16xf32>,
        tpu.vector_store %arg12[%swap3A, %swap3A_386], %mul3A_385 {strides = array<i32>} : memref<120x128xf32, #tpu.memory_space<vmem>>, vector<16xf32>,
        %get3A_388 = arith.index_cast %scan3A_379 : i32 to index
        %get3A_389 = arith.constant 16 : index
        %get3A_390 = tpu.vector_load %arg12[%get3A_388, %get3A_389] {strides = array<i32>} : memref<120x128xf32, #tpu.memory_space<vmem>>, vector<16xf32>,
        %mul3A_391 = arith.mulf %get3A_390, %gather3A : vector<16xf32>
        %swap3A_392 = arith.index_cast %scan3A_379 : i32 to index
        %swap3A_393 = arith.constant 16 : index
        %swap3A_394 = tpu.vector_load %arg12[%swap3A_392, %swap3A_393] {strides = array<i32>} : memref<120x128xf32, #tpu.memory_space<vmem>>, vector<16xf32>,
        tpu.vector_store %arg12[%swap3A_392, %swap3A_393], %mul3A_391 {strides = array<i32>} : memref<120x128xf32, #tpu.memory_space<vmem>>, vector<16xf32>,
        %get3A_395 = arith.index_cast %scan3A_379 : i32 to index
        %get3A_396 = arith.constant 32 : index
        %get3A_397 = tpu.vector_load %arg12[%get3A_395, %get3A_396] {strides = array<i32>} : memref<120x128xf32, #tpu.memory_space<vmem>>, vector<16xf32>,
        %mul3A_398 = arith.mulf %get3A_397, %gather3A : vector<16xf32>
        %swap3A_399 = arith.index_cast %scan3A_379 : i32 to index
        %swap3A_400 = arith.constant 32 : index
        %swap3A_401 = tpu.vector_load %arg12[%swap3A_399, %swap3A_400] {strides = array<i32>} : memref<120x128xf32, #tpu.memory_space<vmem>>, vector<16xf32>,
        tpu.vector_store %arg12[%swap3A_399, %swap3A_400], %mul3A_398 {strides = array<i32>} : memref<120x128xf32, #tpu.memory_space<vmem>>, vector<16xf32>,
        %get3A_402 = arith.index_cast %scan3A_379 : i32 to index
        %get3A_403 = arith.constant 48 : index
        %get3A_404 = tpu.vector_load %arg12[%get3A_402, %get3A_403] {strides = array<i32>} : memref<120x128xf32, #tpu.memory_space<vmem>>, vector<16xf32>,
        %mul3A_405 = arith.mulf %get3A_404, %gather3A : vector<16xf32>
        %swap3A_406 = arith.index_cast %scan3A_379 : i32 to index
        %swap3A_407 = arith.constant 48 : index
        %swap3A_408 = tpu.vector_load %arg12[%swap3A_406, %swap3A_407] {strides = array<i32>} : memref<120x128xf32, #tpu.memory_space<vmem>>, vector<16xf32>,
        tpu.vector_store %arg12[%swap3A_406, %swap3A_407], %mul3A_405 {strides = array<i32>} : memref<120x128xf32, #tpu.memory_space<vmem>>, vector<16xf32>,
        %get3A_409 = arith.index_cast %scan3A_379 : i32 to index
        %get3A_410 = arith.constant 64 : index
        %get3A_411 = tpu.vector_load %arg12[%get3A_409, %get3A_410] {strides = array<i32>} : memref<120x128xf32, #tpu.memory_space<vmem>>, vector<16xf32>,
        %mul3A_412 = arith.mulf %get3A_411, %gather3A : vector<16xf32>
        %swap3A_413 = arith.index_cast %scan3A_379 : i32 to index
        %swap3A_414 = arith.constant 64 : index
        %swap3A_415 = tpu.vector_load %arg12[%swap3A_413, %swap3A_414] {strides = array<i32>} : memref<120x128xf32, #tpu.memory_space<vmem>>, vector<16xf32>,
        tpu.vector_store %arg12[%swap3A_413, %swap3A_414], %mul3A_412 {strides = array<i32>} : memref<120x128xf32, #tpu.memory_space<vmem>>, vector<16xf32>,
        %get3A_416 = arith.index_cast %scan3A_379 : i32 to index
        %get3A_417 = arith.constant 80 : index
        %get3A_418 = tpu.vector_load %arg12[%get3A_416, %get3A_417] {strides = array<i32>} : memref<120x128xf32, #tpu.memory_space<vmem>>, vector<16xf32>,
        %mul3A_419 = arith.mulf %get3A_418, %gather3A : vector<16xf32>
        %swap3A_420 = arith.index_cast %scan3A_379 : i32 to index
        %swap3A_421 = arith.constant 80 : index
        %swap3A_422 = tpu.vector_load %arg12[%swap3A_420, %swap3A_421] {strides = array<i32>} : memref<120x128xf32, #tpu.memory_space<vmem>>, vector<16xf32>,
        tpu.vector_store %arg12[%swap3A_420, %swap3A_421], %mul3A_419 {strides = array<i32>} : memref<120x128xf32, #tpu.memory_space<vmem>>, vector<16xf32>,
        %get3A_423 = arith.index_cast %scan3A_379 : i32 to index
        %get3A_424 = arith.constant 96 : index
        %get3A_425 = tpu.vector_load %arg12[%get3A_423, %get3A_424] {strides = array<i32>} : memref<120x128xf32, #tpu.memory_space<vmem>>, vector<16xf32>,
        %mul3A_426 = arith.mulf %get3A_425, %gather3A : vector<16xf32>
        %swap3A_427 = arith.index_cast %scan3A_379 : i32 to index
        %swap3A_428 = arith.constant 96 : index
        %swap3A_429 = tpu.vector_load %arg12[%swap3A_427, %swap3A_428] {strides = array<i32>} : memref<120x128xf32, #tpu.memory_space<vmem>>, vector<16xf32>,
        tpu.vector_store %arg12[%swap3A_427, %swap3A_428], %mul3A_426 {strides = array<i32>} : memref<120x128xf32, #tpu.memory_space<vmem>>, vector<16xf32>,
        %get3A_430 = arith.index_cast %scan3A_379 : i32 to index
        %get3A_431 = arith.constant 112 : index
        %get3A_432 = tpu.vector_load %arg12[%get3A_430, %get3A_431] {strides = array<i32>} : memref<120x128xf32, #tpu.memory_space<vmem>>, vector<16xf32>,
        %mul3A_433 = arith.mulf %get3A_432, %gather3A : vector<16xf32>
        %swap3A_434 = arith.index_cast %scan3A_379 : i32 to index
        %swap3A_435 = arith.constant 112 : index
        %swap3A_436 = tpu.vector_load %arg12[%swap3A_434, %swap3A_435] {strides = array<i32>} : memref<120x128xf32, #tpu.memory_space<vmem>>, vector<16xf32>,
        tpu.vector_store %arg12[%swap3A_434, %swap3A_435], %mul3A_433 {strides = array<i32>} : memref<120x128xf32, #tpu.memory_space<vmem>>, vector<16xf32>,
      }
      %scan3A_296 = arith.constant 120 : i32
      %dma_start3A_297 = arith.constant 1 : i32
      %dma_start3A_298 = arith.constant 0 : i32
      %dma_start3A_299 = tpu.memref_slice %arg9[%dma_start3A_297, %dma_start3A_298] : memref<3x120xi32, #tpu.memory_space<vmem>> -> memref<1x120xi32, #tpu.memory_space<vmem>>
      %dma_start3A_300 = tpu.memref_squeeze %dma_start3A_299 : memref<1x120xi32, #tpu.memory_space<vmem>> -> memref<120xi32, #tpu.memory_space<vmem>>
      %dma_start3A_301 = arith.constant 0 : i32
      %dma_start3A_302 = arith.constant 0 : i32
      %dma_start3A_303 = tpu.memref_slice %arg7[%dma_start3A_301, %dma_start3A_302] : memref<10112x128xf32, #tpu.memory_space<vmem_shared>> -> memref<10112x128xf32, #tpu.memory_space<vmem_shared>>
      tpu.enqueue_indirect_dma source(%arg12 : memref<120x128xf32, #tpu.memory_space<vmem>>) target(%dma_start3A_303 : memref<10112x128xf32, #tpu.memory_space<vmem_shared>>) offsets(%dma_start3A_300 : memref<120xi32, #tpu.memory_space<vmem>>) semaphore(%arg18 : memref<!tpu.dma_semaphore, #tpu.memory_space<semaphore_mem>>) {add = true}
      %ge3A_304 = arith.constant 1 : i32
      %ge3A_305 = arith.cmpi sge, %add3A_252, %ge3A_304 : i32
      %convert_element_type3A_306 = arith.extui %ge3A_305 : i1 to i32
      %cond3A_307 = arith.constant 0 : i32
      %cond3A_308 = arith.cmpi ne, %convert_element_type3A_306, %cond3A_307 : i32
      scf.if %cond3A_308 {
        %dma_wait3A_379 = arith.constant 0 : i32
        %dma_wait3A_380 = arith.constant 0 : i32
        %dma_wait3A_381 = tpu.memref_slice %arg9[%dma_wait3A_379, %dma_wait3A_380] : memref<3x120xi32, #tpu.memory_space<vmem>> -> memref<1x120xi32, #tpu.memory_space<vmem>>
        %dma_wait3A_382 = tpu.memref_squeeze %dma_wait3A_381 : memref<1x120xi32, #tpu.memory_space<vmem>> -> memref<120xi32, #tpu.memory_space<vmem>>
        %dma_wait3A_383 = arith.constant 0 : i32
        %dma_wait3A_384 = arith.constant 0 : i32
        %dma_wait3A_385 = tpu.memref_slice %arg7[%dma_wait3A_383, %dma_wait3A_384] : memref<10112x128xf32, #tpu.memory_space<vmem_shared>> -> memref<10112x128xf32, #tpu.memory_space<vmem_shared>>
        tpu.wait_indirect_dma semaphore(%arg17 : memref<!tpu.dma_semaphore, #tpu.memory_space<semaphore_mem>>) src(%arg11 : memref<120x128xf32, #tpu.memory_space<vmem>>) dst(%dma_wait3A_385 : memref<10112x128xf32, #tpu.memory_space<vmem_shared>>)
      } else {
      }
      %le3A_309 = arith.constant 81 : i32
      %le3A_310 = arith.cmpi sle, %add3A_252, %le3A_309 : i32
      %convert_element_type3A_311 = arith.extui %le3A_310 : i1 to i32
      %cond3A_312 = arith.constant 0 : i32
      %cond3A_313 = arith.cmpi ne, %convert_element_type3A_311, %cond3A_312 : i32
      scf.if %cond3A_313 {
        %add3A_379 = arith.constant 2 : i32
        %add3A_380 = arith.addi %add3A_252, %add3A_379 : i32
        %dma_start3A_381 = arith.constant 0 : i32
        %dma_start3A_382 = arith.constant 0 : i32
        %dma_start3A_383 = tpu.memref_slice %arg9[%dma_start3A_381, %dma_start3A_382] : memref<3x120xi32, #tpu.memory_space<vmem>> -> memref<1x120xi32, #tpu.memory_space<vmem>>
        %dma_start3A_384 = tpu.memref_squeeze %dma_start3A_383 : memref<1x120xi32, #tpu.memory_space<vmem>> -> memref<120xi32, #tpu.memory_space<vmem>>
        %dma_start3A_385 = arith.constant 0 : i32
        %dma_start3A_386 = tpu.memref_slice %arg4[%add3A, %add3A_380, %dma_start3A_385] : memref<32x84x120xi32, #tpu.memory_space<hbm>> -> memref<1x1x120xi32, #tpu.memory_space<hbm>>
        %dma_start3A_387 = tpu.memref_squeeze %dma_start3A_386 : memref<1x1x120xi32, #tpu.memory_space<hbm>> -> memref<120xi32, #tpu.memory_space<hbm>>
        %dma_start3A_388 = arith.constant 0 : i32
        %dma_start3A_389 = tpu.memref_slice %arg9[%dma_start3A_381, %dma_start3A_388] : memref<3x120xi32, #tpu.memory_space<vmem>> -> memref<1x120xi32, #tpu.memory_space<vmem>>
        %dma_start3A_390 = tpu.memref_squeeze %dma_start3A_389 : memref<1x120xi32, #tpu.memory_space<vmem>> -> memref<120xi32, #tpu.memory_space<vmem>>
        %dma_start3A_391 = arith.constant 0 : i32
        %dma_start3A_392 = tpu.memref_slice %arg4[%add3A, %add3A_380, %dma_start3A_391] : memref<32x84x120xi32, #tpu.memory_space<hbm>> -> memref<1x1x120xi32, #tpu.memory_space<hbm>>
        %dma_start3A_393 = tpu.memref_squeeze %dma_start3A_392 : memref<1x1x120xi32, #tpu.memory_space<hbm>> -> memref<120xi32, #tpu.memory_space<hbm>>
        tpu.enqueue_dma source(%dma_start3A_393 : memref<120xi32, #tpu.memory_space<hbm>>) target(%dma_start3A_390 : memref<120xi32, #tpu.memory_space<vmem>>) target_semaphore(%arg23 : memref<!tpu.dma_semaphore, #tpu.memory_space<semaphore_mem>>)
        %dma_start3A_394 = arith.constant 0 : i32
        %dma_start3A_395 = arith.constant 0 : i32
        %dma_start3A_396 = tpu.memref_slice %arg10[%dma_start3A_394, %dma_start3A_395] : memref<3x120xf32, #tpu.memory_space<vmem>> -> memref<1x120xf32, #tpu.memory_space<vmem>>
        %dma_start3A_397 = tpu.memref_squeeze %dma_start3A_396 : memref<1x120xf32, #tpu.memory_space<vmem>> -> memref<120xf32, #tpu.memory_space<vmem>>
        %dma_start3A_398 = arith.constant 0 : i32
        %dma_start3A_399 = tpu.memref_slice %arg5[%add3A, %add3A_380, %dma_start3A_398] : memref<32x84x120xf32, #tpu.memory_space<hbm>> -> memref<1x1x120xf32, #tpu.memory_space<hbm>>
        %dma_start3A_400 = tpu.memref_squeeze %dma_start3A_399 : memref<1x1x120xf32, #tpu.memory_space<hbm>> -> memref<120xf32, #tpu.memory_space<hbm>>
        %dma_start3A_401 = arith.constant 0 : i32
        %dma_start3A_402 = tpu.memref_slice %arg10[%dma_start3A_394, %dma_start3A_401] : memref<3x120xf32, #tpu.memory_space<vmem>> -> memref<1x120xf32, #tpu.memory_space<vmem>>
        %dma_start3A_403 = tpu.memref_squeeze %dma_start3A_402 : memref<1x120xf32, #tpu.memory_space<vmem>> -> memref<120xf32, #tpu.memory_space<vmem>>
        %dma_start3A_404 = arith.constant 0 : i32
        %dma_start3A_405 = tpu.memref_slice %arg5[%add3A, %add3A_380, %dma_start3A_404] : memref<32x84x120xf32, #tpu.memory_space<hbm>> -> memref<1x1x120xf32, #tpu.memory_space<hbm>>
        %dma_start3A_406 = tpu.memref_squeeze %dma_start3A_405 : memref<1x1x120xf32, #tpu.memory_space<hbm>> -> memref<120xf32, #tpu.memory_space<hbm>>
        tpu.enqueue_dma source(%dma_start3A_406 : memref<120xf32, #tpu.memory_space<hbm>>) target(%dma_start3A_403 : memref<120xf32, #tpu.memory_space<vmem>>) target_semaphore(%arg23 : memref<!tpu.dma_semaphore, #tpu.memory_space<semaphore_mem>>)
        %add3A_407 = arith.constant 2 : i32
        %add3A_408 = arith.addi %add3A_252, %add3A_407 : i32
        %dma_wait3A_409 = arith.constant 0 : i32
        %dma_wait3A_410 = arith.constant 0 : i32
        %dma_wait3A_411 = tpu.memref_slice %arg8[%dma_wait3A_409, %dma_wait3A_410] : memref<3x120xi32, #tpu.memory_space<vmem>> -> memref<1x120xi32, #tpu.memory_space<vmem>>
        %dma_wait3A_412 = tpu.memref_squeeze %dma_wait3A_411 : memref<1x120xi32, #tpu.memory_space<vmem>> -> memref<120xi32, #tpu.memory_space<vmem>>
        %dma_wait3A_413 = arith.constant 0 : i32
        %dma_wait3A_414 = tpu.memref_slice %arg3[%add3A, %add3A_408, %dma_wait3A_413] : memref<32x84x120xi32, #tpu.memory_space<hbm>> -> memref<1x1x120xi32, #tpu.memory_space<hbm>>
        %dma_wait3A_415 = tpu.memref_squeeze %dma_wait3A_414 : memref<1x1x120xi32, #tpu.memory_space<hbm>> -> memref<120xi32, #tpu.memory_space<hbm>>
        %dma_wait3A_416 = arith.constant 0 : i32
        %dma_wait3A_417 = tpu.memref_slice %arg8[%dma_wait3A_409, %dma_wait3A_416] : memref<3x120xi32, #tpu.memory_space<vmem>> -> memref<1x120xi32, #tpu.memory_space<vmem>>
        %dma_wait3A_418 = tpu.memref_squeeze %dma_wait3A_417 : memref<1x120xi32, #tpu.memory_space<vmem>> -> memref<120xi32, #tpu.memory_space<vmem>>
        %dma_wait3A_419 = arith.constant 0 : i32
        %dma_wait3A_420 = tpu.memref_slice %arg3[%add3A, %add3A_408, %dma_wait3A_419] : memref<32x84x120xi32, #tpu.memory_space<hbm>> -> memref<1x1x120xi32, #tpu.memory_space<hbm>>
        %dma_wait3A_421 = tpu.memref_squeeze %dma_wait3A_420 : memref<1x1x120xi32, #tpu.memory_space<hbm>> -> memref<120xi32, #tpu.memory_space<hbm>>
        tpu.wait_dma2 semaphore(%arg20 : memref<!tpu.dma_semaphore, #tpu.memory_space<semaphore_mem>>) src(%dma_wait3A_421 : memref<120xi32, #tpu.memory_space<hbm>>) dst(%dma_wait3A_418 : memref<120xi32, #tpu.memory_space<vmem>>)
        %dma_start3A_422 = arith.constant 0 : i32
        %dma_start3A_423 = arith.constant 0 : i32
        %dma_start3A_424 = tpu.memref_slice %arg8[%dma_start3A_422, %dma_start3A_423] : memref<3x120xi32, #tpu.memory_space<vmem>> -> memref<1x120xi32, #tpu.memory_space<vmem>>
        %dma_start3A_425 = tpu.memref_squeeze %dma_start3A_424 : memref<1x120xi32, #tpu.memory_space<vmem>> -> memref<120xi32, #tpu.memory_space<vmem>>
        %dma_start3A_426 = arith.constant 0 : i32
        %dma_start3A_427 = arith.constant 0 : i32
        %dma_start3A_428 = tpu.memref_slice %arg2[%dma_start3A_426, %dma_start3A_427] : memref<10000x128xf32, #tpu.memory_space<hbm>> -> memref<10000x128xf32, #tpu.memory_space<hbm>>
        tpu.enqueue_indirect_dma source(%dma_start3A_428 : memref<10000x128xf32, #tpu.memory_space<hbm>>) target(%arg11 : memref<120x128xf32, #tpu.memory_space<vmem>>) offsets(%dma_start3A_425 : memref<120xi32, #tpu.memory_space<vmem>>) semaphore(%arg14 : memref<!tpu.dma_semaphore, #tpu.memory_space<semaphore_mem>>)
      } else {
      }
      %mul3A_314 = arith.constant 3 : i32
      %mul3A_315 = arith.muli %scan3A_187, %mul3A_314 : i32
      %add3A_316 = arith.constant 2 : i32
      %add3A_317 = arith.addi %mul3A_315, %add3A_316 : i32
      %dma_wait3A_318 = arith.constant 2 : i32
      %dma_wait3A_319 = arith.constant 0 : i32
      %dma_wait3A_320 = tpu.memref_slice %arg8[%dma_wait3A_318, %dma_wait3A_319] : memref<3x120xi32, #tpu.memory_space<vmem>> -> memref<1x120xi32, #tpu.memory_space<vmem>>
      %dma_wait3A_321 = tpu.memref_squeeze %dma_wait3A_320 : memref<1x120xi32, #tpu.memory_space<vmem>> -> memref<120xi32, #tpu.memory_space<vmem>>
      %dma_wait3A_322 = arith.constant 0 : i32
      %dma_wait3A_323 = arith.constant 0 : i32
      %dma_wait3A_324 = tpu.memref_slice %arg2[%dma_wait3A_322, %dma_wait3A_323] : memref<10000x128xf32, #tpu.memory_space<hbm>> -> memref<10000x128xf32, #tpu.memory_space<hbm>>
      tpu.wait_indirect_dma semaphore(%arg16 : memref<!tpu.dma_semaphore, #tpu.memory_space<semaphore_mem>>) src(%dma_wait3A_324 : memref<10000x128xf32, #tpu.memory_space<hbm>>) dst(%arg13 : memref<120x128xf32, #tpu.memory_space<vmem>>)
      %le3A_325 = arith.constant 80 : i32
      %le3A_326 = arith.cmpi sle, %add3A_317, %le3A_325 : i32
      %convert_element_type3A_327 = arith.extui %le3A_326 : i1 to i32
      %cond3A_328 = arith.constant 0 : i32
      %cond3A_329 = arith.cmpi ne, %convert_element_type3A_327, %cond3A_328 : i32
      scf.if %cond3A_329 {
        %add3A_379 = arith.constant 3 : i32
        %add3A_380 = arith.addi %add3A_317, %add3A_379 : i32
        %dma_start3A_381 = arith.constant 2 : i32
        %dma_start3A_382 = arith.constant 0 : i32
        %dma_start3A_383 = tpu.memref_slice %arg8[%dma_start3A_381, %dma_start3A_382] : memref<3x120xi32, #tpu.memory_space<vmem>> -> memref<1x120xi32, #tpu.memory_space<vmem>>
        %dma_start3A_384 = tpu.memref_squeeze %dma_start3A_383 : memref<1x120xi32, #tpu.memory_space<vmem>> -> memref<120xi32, #tpu.memory_space<vmem>>
        %dma_start3A_385 = arith.constant 0 : i32
        %dma_start3A_386 = tpu.memref_slice %arg3[%add3A, %add3A_380, %dma_start3A_385] : memref<32x84x120xi32, #tpu.memory_space<hbm>> -> memref<1x1x120xi32, #tpu.memory_space<hbm>>
        %dma_start3A_387 = tpu.memref_squeeze %dma_start3A_386 : memref<1x1x120xi32, #tpu.memory_space<hbm>> -> memref<120xi32, #tpu.memory_space<hbm>>
        %dma_start3A_388 = arith.constant 0 : i32
        %dma_start3A_389 = tpu.memref_slice %arg8[%dma_start3A_381, %dma_start3A_388] : memref<3x120xi32, #tpu.memory_space<vmem>> -> memref<1x120xi32, #tpu.memory_space<vmem>>
        %dma_start3A_390 = tpu.memref_squeeze %dma_start3A_389 : memref<1x120xi32, #tpu.memory_space<vmem>> -> memref<120xi32, #tpu.memory_space<vmem>>
        %dma_start3A_391 = arith.constant 0 : i32
        %dma_start3A_392 = tpu.memref_slice %arg3[%add3A, %add3A_380, %dma_start3A_391] : memref<32x84x120xi32, #tpu.memory_space<hbm>> -> memref<1x1x120xi32, #tpu.memory_space<hbm>>
        %dma_start3A_393 = tpu.memref_squeeze %dma_start3A_392 : memref<1x1x120xi32, #tpu.memory_space<hbm>> -> memref<120xi32, #tpu.memory_space<hbm>>
        tpu.enqueue_dma source(%dma_start3A_393 : memref<120xi32, #tpu.memory_space<hbm>>) target(%dma_start3A_390 : memref<120xi32, #tpu.memory_space<vmem>>) target_semaphore(%arg22 : memref<!tpu.dma_semaphore, #tpu.memory_space<semaphore_mem>>)
      } else {
      }
      %dma_wait3A_330 = arith.constant 2 : i32
      %dma_wait3A_331 = arith.constant 0 : i32
      %dma_wait3A_332 = tpu.memref_slice %arg9[%dma_wait3A_330, %dma_wait3A_331] : memref<3x120xi32, #tpu.memory_space<vmem>> -> memref<1x120xi32, #tpu.memory_space<vmem>>
      %dma_wait3A_333 = tpu.memref_squeeze %dma_wait3A_332 : memref<1x120xi32, #tpu.memory_space<vmem>> -> memref<120xi32, #tpu.memory_space<vmem>>
      %dma_wait3A_334 = arith.constant 0 : i32
      %dma_wait3A_335 = tpu.memref_slice %arg4[%add3A, %add3A_317, %dma_wait3A_334] : memref<32x84x120xi32, #tpu.memory_space<hbm>> -> memref<1x1x120xi32, #tpu.memory_space<hbm>>
      %dma_wait3A_336 = tpu.memref_squeeze %dma_wait3A_335 : memref<1x1x120xi32, #tpu.memory_space<hbm>> -> memref<120xi32, #tpu.memory_space<hbm>>
      %dma_wait3A_337 = arith.constant 0 : i32
      %dma_wait3A_338 = tpu.memref_slice %arg9[%dma_wait3A_330, %dma_wait3A_337] : memref<3x120xi32, #tpu.memory_space<vmem>> -> memref<1x120xi32, #tpu.memory_space<vmem>>
      %dma_wait3A_339 = tpu.memref_squeeze %dma_wait3A_338 : memref<1x120xi32, #tpu.memory_space<vmem>> -> memref<120xi32, #tpu.memory_space<vmem>>
      %dma_wait3A_340 = arith.constant 0 : i32
      %dma_wait3A_341 = tpu.memref_slice %arg4[%add3A, %add3A_317, %dma_wait3A_340] : memref<32x84x120xi32, #tpu.memory_space<hbm>> -> memref<1x1x120xi32, #tpu.memory_space<hbm>>
      %dma_wait3A_342 = tpu.memref_squeeze %dma_wait3A_341 : memref<1x1x120xi32, #tpu.memory_space<hbm>> -> memref<120xi32, #tpu.memory_space<hbm>>
      tpu.wait_dma2 semaphore(%arg25 : memref<!tpu.dma_semaphore, #tpu.memory_space<semaphore_mem>>) src(%dma_wait3A_342 : memref<120xi32, #tpu.memory_space<hbm>>) dst(%dma_wait3A_339 : memref<120xi32, #tpu.memory_space<vmem>>)
      %dma_wait3A_343 = arith.constant 2 : i32
      %dma_wait3A_344 = arith.constant 0 : i32
      %dma_wait3A_345 = tpu.memref_slice %arg10[%dma_wait3A_343, %dma_wait3A_344] : memref<3x120xf32, #tpu.memory_space<vmem>> -> memref<1x120xf32, #tpu.memory_space<vmem>>
      %dma_wait3A_346 = tpu.memref_squeeze %dma_wait3A_345 : memref<1x120xf32, #tpu.memory_space<vmem>> -> memref<120xf32, #tpu.memory_space<vmem>>
      %dma_wait3A_347 = arith.constant 0 : i32
      %dma_wait3A_348 = tpu.memref_slice %arg5[%add3A, %add3A_317, %dma_wait3A_347] : memref<32x84x120xf32, #tpu.memory_space<hbm>> -> memref<1x1x120xf32, #tpu.memory_space<hbm>>
      %dma_wait3A_349 = tpu.memref_squeeze %dma_wait3A_348 : memref<1x1x120xf32, #tpu.memory_space<hbm>> -> memref<120xf32, #tpu.memory_space<hbm>>
      %dma_wait3A_350 = arith.constant 0 : i32
      %dma_wait3A_351 = tpu.memref_slice %arg10[%dma_wait3A_343, %dma_wait3A_350] : memref<3x120xf32, #tpu.memory_space<vmem>> -> memref<1x120xf32, #tpu.memory_space<vmem>>
      %dma_wait3A_352 = tpu.memref_squeeze %dma_wait3A_351 : memref<1x120xf32, #tpu.memory_space<vmem>> -> memref<120xf32, #tpu.memory_space<vmem>>
      %dma_wait3A_353 = arith.constant 0 : i32
      %dma_wait3A_354 = tpu.memref_slice %arg5[%add3A, %add3A_317, %dma_wait3A_353] : memref<32x84x120xf32, #tpu.memory_space<hbm>> -> memref<1x1x120xf32, #tpu.memory_space<hbm>>
      %dma_wait3A_355 = tpu.memref_squeeze %dma_wait3A_354 : memref<1x1x120xf32, #tpu.memory_space<hbm>> -> memref<120xf32, #tpu.memory_space<hbm>>
      tpu.wait_dma2 semaphore(%arg25 : memref<!tpu.dma_semaphore, #tpu.memory_space<semaphore_mem>>) src(%dma_wait3A_355 : memref<120xf32, #tpu.memory_space<hbm>>) dst(%dma_wait3A_352 : memref<120xf32, #tpu.memory_space<vmem>>)
      %scan3A_356 = arith.constant 0 : i32
      %scan3A_357 = arith.constant 0 : i32
      %scan3A_358 = arith.constant 120 : i32
      %scan3A_359 = arith.addi %scan3A_357, %scan3A_358 : i32
      %scan3A_360 = arith.constant 1 : i32
      scf.for %scan3A_379 = %scan3A_357 to %scan3A_359 step %scan3A_360  : i32 {
        %broadcast_in_dim3A_380 = arith.constant 2 : i32
        %broadcast_in_dim3A_381 = vector.broadcast %broadcast_in_dim3A_380 : i32 to vector<16xi32>
        %broadcast_in_dim3A_382 = vector.broadcast %scan3A_379 : i32 to vector<16xi32>
        %gather3A = tpu.vector_load_idx %arg10[%broadcast_in_dim3A_381, %broadcast_in_dim3A_382] : memref<3x120xf32, #tpu.memory_space<vmem>>[vector<16xi32>, vector<16xi32>], vector<16xf32>,
        %get3A = arith.index_cast %scan3A_379 : i32 to index
        %get3A_383 = arith.constant 0 : index
        %get3A_384 = tpu.vector_load %arg13[%get3A, %get3A_383] {strides = array<i32>} : memref<120x128xf32, #tpu.memory_space<vmem>>, vector<16xf32>,
        %mul3A_385 = arith.mulf %get3A_384, %gather3A : vector<16xf32>
        %swap3A = arith.index_cast %scan3A_379 : i32 to index
        %swap3A_386 = arith.constant 0 : index
        %swap3A_387 = tpu.vector_load %arg13[%swap3A, %swap3A_386] {strides = array<i32>} : memref<120x128xf32, #tpu.memory_space<vmem>>, vector<16xf32>,
        tpu.vector_store %arg13[%swap3A, %swap3A_386], %mul3A_385 {strides = array<i32>} : memref<120x128xf32, #tpu.memory_space<vmem>>, vector<16xf32>,
        %get3A_388 = arith.index_cast %scan3A_379 : i32 to index
        %get3A_389 = arith.constant 16 : index
        %get3A_390 = tpu.vector_load %arg13[%get3A_388, %get3A_389] {strides = array<i32>} : memref<120x128xf32, #tpu.memory_space<vmem>>, vector<16xf32>,
        %mul3A_391 = arith.mulf %get3A_390, %gather3A : vector<16xf32>
        %swap3A_392 = arith.index_cast %scan3A_379 : i32 to index
        %swap3A_393 = arith.constant 16 : index
        %swap3A_394 = tpu.vector_load %arg13[%swap3A_392, %swap3A_393] {strides = array<i32>} : memref<120x128xf32, #tpu.memory_space<vmem>>, vector<16xf32>,
        tpu.vector_store %arg13[%swap3A_392, %swap3A_393], %mul3A_391 {strides = array<i32>} : memref<120x128xf32, #tpu.memory_space<vmem>>, vector<16xf32>,
        %get3A_395 = arith.index_cast %scan3A_379 : i32 to index
        %get3A_396 = arith.constant 32 : index
        %get3A_397 = tpu.vector_load %arg13[%get3A_395, %get3A_396] {strides = array<i32>} : memref<120x128xf32, #tpu.memory_space<vmem>>, vector<16xf32>,
        %mul3A_398 = arith.mulf %get3A_397, %gather3A : vector<16xf32>
        %swap3A_399 = arith.index_cast %scan3A_379 : i32 to index
        %swap3A_400 = arith.constant 32 : index
        %swap3A_401 = tpu.vector_load %arg13[%swap3A_399, %swap3A_400] {strides = array<i32>} : memref<120x128xf32, #tpu.memory_space<vmem>>, vector<16xf32>,
        tpu.vector_store %arg13[%swap3A_399, %swap3A_400], %mul3A_398 {strides = array<i32>} : memref<120x128xf32, #tpu.memory_space<vmem>>, vector<16xf32>,
        %get3A_402 = arith.index_cast %scan3A_379 : i32 to index
        %get3A_403 = arith.constant 48 : index
        %get3A_404 = tpu.vector_load %arg13[%get3A_402, %get3A_403] {strides = array<i32>} : memref<120x128xf32, #tpu.memory_space<vmem>>, vector<16xf32>,
        %mul3A_405 = arith.mulf %get3A_404, %gather3A : vector<16xf32>
        %swap3A_406 = arith.index_cast %scan3A_379 : i32 to index
        %swap3A_407 = arith.constant 48 : index
        %swap3A_408 = tpu.vector_load %arg13[%swap3A_406, %swap3A_407] {strides = array<i32>} : memref<120x128xf32, #tpu.memory_space<vmem>>, vector<16xf32>,
        tpu.vector_store %arg13[%swap3A_406, %swap3A_407], %mul3A_405 {strides = array<i32>} : memref<120x128xf32, #tpu.memory_space<vmem>>, vector<16xf32>,
        %get3A_409 = arith.index_cast %scan3A_379 : i32 to index
        %get3A_410 = arith.constant 64 : index
        %get3A_411 = tpu.vector_load %arg13[%get3A_409, %get3A_410] {strides = array<i32>} : memref<120x128xf32, #tpu.memory_space<vmem>>, vector<16xf32>,
        %mul3A_412 = arith.mulf %get3A_411, %gather3A : vector<16xf32>
        %swap3A_413 = arith.index_cast %scan3A_379 : i32 to index
        %swap3A_414 = arith.constant 64 : index
        %swap3A_415 = tpu.vector_load %arg13[%swap3A_413, %swap3A_414] {strides = array<i32>} : memref<120x128xf32, #tpu.memory_space<vmem>>, vector<16xf32>,
        tpu.vector_store %arg13[%swap3A_413, %swap3A_414], %mul3A_412 {strides = array<i32>} : memref<120x128xf32, #tpu.memory_space<vmem>>, vector<16xf32>,
        %get3A_416 = arith.index_cast %scan3A_379 : i32 to index
        %get3A_417 = arith.constant 80 : index
        %get3A_418 = tpu.vector_load %arg13[%get3A_416, %get3A_417] {strides = array<i32>} : memref<120x128xf32, #tpu.memory_space<vmem>>, vector<16xf32>,
        %mul3A_419 = arith.mulf %get3A_418, %gather3A : vector<16xf32>
        %swap3A_420 = arith.index_cast %scan3A_379 : i32 to index
        %swap3A_421 = arith.constant 80 : index
        %swap3A_422 = tpu.vector_load %arg13[%swap3A_420, %swap3A_421] {strides = array<i32>} : memref<120x128xf32, #tpu.memory_space<vmem>>, vector<16xf32>,
        tpu.vector_store %arg13[%swap3A_420, %swap3A_421], %mul3A_419 {strides = array<i32>} : memref<120x128xf32, #tpu.memory_space<vmem>>, vector<16xf32>,
        %get3A_423 = arith.index_cast %scan3A_379 : i32 to index
        %get3A_424 = arith.constant 96 : index
        %get3A_425 = tpu.vector_load %arg13[%get3A_423, %get3A_424] {strides = array<i32>} : memref<120x128xf32, #tpu.memory_space<vmem>>, vector<16xf32>,
        %mul3A_426 = arith.mulf %get3A_425, %gather3A : vector<16xf32>
        %swap3A_427 = arith.index_cast %scan3A_379 : i32 to index
        %swap3A_428 = arith.constant 96 : index
        %swap3A_429 = tpu.vector_load %arg13[%swap3A_427, %swap3A_428] {strides = array<i32>} : memref<120x128xf32, #tpu.memory_space<vmem>>, vector<16xf32>,
        tpu.vector_store %arg13[%swap3A_427, %swap3A_428], %mul3A_426 {strides = array<i32>} : memref<120x128xf32, #tpu.memory_space<vmem>>, vector<16xf32>,
        %get3A_430 = arith.index_cast %scan3A_379 : i32 to index
        %get3A_431 = arith.constant 112 : index
        %get3A_432 = tpu.vector_load %arg13[%get3A_430, %get3A_431] {strides = array<i32>} : memref<120x128xf32, #tpu.memory_space<vmem>>, vector<16xf32>,
        %mul3A_433 = arith.mulf %get3A_432, %gather3A : vector<16xf32>
        %swap3A_434 = arith.index_cast %scan3A_379 : i32 to index
        %swap3A_435 = arith.constant 112 : index
        %swap3A_436 = tpu.vector_load %arg13[%swap3A_434, %swap3A_435] {strides = array<i32>} : memref<120x128xf32, #tpu.memory_space<vmem>>, vector<16xf32>,
        tpu.vector_store %arg13[%swap3A_434, %swap3A_435], %mul3A_433 {strides = array<i32>} : memref<120x128xf32, #tpu.memory_space<vmem>>, vector<16xf32>,
      }
      %scan3A_361 = arith.constant 120 : i32
      %dma_start3A_362 = arith.constant 2 : i32
      %dma_start3A_363 = arith.constant 0 : i32
      %dma_start3A_364 = tpu.memref_slice %arg9[%dma_start3A_362, %dma_start3A_363] : memref<3x120xi32, #tpu.memory_space<vmem>> -> memref<1x120xi32, #tpu.memory_space<vmem>>
      %dma_start3A_365 = tpu.memref_squeeze %dma_start3A_364 : memref<1x120xi32, #tpu.memory_space<vmem>> -> memref<120xi32, #tpu.memory_space<vmem>>
      %dma_start3A_366 = arith.constant 0 : i32
      %dma_start3A_367 = arith.constant 0 : i32
      %dma_start3A_368 = tpu.memref_slice %arg7[%dma_start3A_366, %dma_start3A_367] : memref<10112x128xf32, #tpu.memory_space<vmem_shared>> -> memref<10112x128xf32, #tpu.memory_space<vmem_shared>>
      tpu.enqueue_indirect_dma source(%arg13 : memref<120x128xf32, #tpu.memory_space<vmem>>) target(%dma_start3A_368 : memref<10112x128xf32, #tpu.memory_space<vmem_shared>>) offsets(%dma_start3A_365 : memref<120xi32, #tpu.memory_space<vmem>>) semaphore(%arg19 : memref<!tpu.dma_semaphore, #tpu.memory_space<semaphore_mem>>) {add = true}
      %ge3A_369 = arith.constant 1 : i32
      %ge3A_370 = arith.cmpi sge, %add3A_317, %ge3A_369 : i32
      %convert_element_type3A_371 = arith.extui %ge3A_370 : i1 to i32
      %cond3A_372 = arith.constant 0 : i32
      %cond3A_373 = arith.cmpi ne, %convert_element_type3A_371, %cond3A_372 : i32
      scf.if %cond3A_373 {
        %dma_wait3A_379 = arith.constant 1 : i32
        %dma_wait3A_380 = arith.constant 0 : i32
        %dma_wait3A_381 = tpu.memref_slice %arg9[%dma_wait3A_379, %dma_wait3A_380] : memref<3x120xi32, #tpu.memory_space<vmem>> -> memref<1x120xi32, #tpu.memory_space<vmem>>
        %dma_wait3A_382 = tpu.memref_squeeze %dma_wait3A_381 : memref<1x120xi32, #tpu.memory_space<vmem>> -> memref<120xi32, #tpu.memory_space<vmem>>
        %dma_wait3A_383 = arith.constant 0 : i32
        %dma_wait3A_384 = arith.constant 0 : i32
        %dma_wait3A_385 = tpu.memref_slice %arg7[%dma_wait3A_383, %dma_wait3A_384] : memref<10112x128xf32, #tpu.memory_space<vmem_shared>> -> memref<10112x128xf32, #tpu.memory_space<vmem_shared>>
        tpu.wait_indirect_dma semaphore(%arg18 : memref<!tpu.dma_semaphore, #tpu.memory_space<semaphore_mem>>) src(%arg12 : memref<120x128xf32, #tpu.memory_space<vmem>>) dst(%dma_wait3A_385 : memref<10112x128xf32, #tpu.memory_space<vmem_shared>>)
      } else {
      }
      %le3A_374 = arith.constant 81 : i32
      %le3A_375 = arith.cmpi sle, %add3A_317, %le3A_374 : i32
      %convert_element_type3A_376 = arith.extui %le3A_375 : i1 to i32
      %cond3A_377 = arith.constant 0 : i32
      %cond3A_378 = arith.cmpi ne, %convert_element_type3A_376, %cond3A_377 : i32
      scf.if %cond3A_378 {
        %add3A_379 = arith.constant 2 : i32
        %add3A_380 = arith.addi %add3A_317, %add3A_379 : i32
        %dma_start3A_381 = arith.constant 1 : i32
        %dma_start3A_382 = arith.constant 0 : i32
        %dma_start3A_383 = tpu.memref_slice %arg9[%dma_start3A_381, %dma_start3A_382] : memref<3x120xi32, #tpu.memory_space<vmem>> -> memref<1x120xi32, #tpu.memory_space<vmem>>
        %dma_start3A_384 = tpu.memref_squeeze %dma_start3A_383 : memref<1x120xi32, #tpu.memory_space<vmem>> -> memref<120xi32, #tpu.memory_space<vmem>>
        %dma_start3A_385 = arith.constant 0 : i32
        %dma_start3A_386 = tpu.memref_slice %arg4[%add3A, %add3A_380, %dma_start3A_385] : memref<32x84x120xi32, #tpu.memory_space<hbm>> -> memref<1x1x120xi32, #tpu.memory_space<hbm>>
        %dma_start3A_387 = tpu.memref_squeeze %dma_start3A_386 : memref<1x1x120xi32, #tpu.memory_space<hbm>> -> memref<120xi32, #tpu.memory_space<hbm>>
        %dma_start3A_388 = arith.constant 0 : i32
        %dma_start3A_389 = tpu.memref_slice %arg9[%dma_start3A_381, %dma_start3A_388] : memref<3x120xi32, #tpu.memory_space<vmem>> -> memref<1x120xi32, #tpu.memory_space<vmem>>
        %dma_start3A_390 = tpu.memref_squeeze %dma_start3A_389 : memref<1x120xi32, #tpu.memory_space<vmem>> -> memref<120xi32, #tpu.memory_space<vmem>>
        %dma_start3A_391 = arith.constant 0 : i32
        %dma_start3A_392 = tpu.memref_slice %arg4[%add3A, %add3A_380, %dma_start3A_391] : memref<32x84x120xi32, #tpu.memory_space<hbm>> -> memref<1x1x120xi32, #tpu.memory_space<hbm>>
        %dma_start3A_393 = tpu.memref_squeeze %dma_start3A_392 : memref<1x1x120xi32, #tpu.memory_space<hbm>> -> memref<120xi32, #tpu.memory_space<hbm>>
        tpu.enqueue_dma source(%dma_start3A_393 : memref<120xi32, #tpu.memory_space<hbm>>) target(%dma_start3A_390 : memref<120xi32, #tpu.memory_space<vmem>>) target_semaphore(%arg24 : memref<!tpu.dma_semaphore, #tpu.memory_space<semaphore_mem>>)
        %dma_start3A_394 = arith.constant 1 : i32
        %dma_start3A_395 = arith.constant 0 : i32
        %dma_start3A_396 = tpu.memref_slice %arg10[%dma_start3A_394, %dma_start3A_395] : memref<3x120xf32, #tpu.memory_space<vmem>> -> memref<1x120xf32, #tpu.memory_space<vmem>>
        %dma_start3A_397 = tpu.memref_squeeze %dma_start3A_396 : memref<1x120xf32, #tpu.memory_space<vmem>> -> memref<120xf32, #tpu.memory_space<vmem>>
        %dma_start3A_398 = arith.constant 0 : i32
        %dma_start3A_399 = tpu.memref_slice %arg5[%add3A, %add3A_380, %dma_start3A_398] : memref<32x84x120xf32, #tpu.memory_space<hbm>> -> memref<1x1x120xf32, #tpu.memory_space<hbm>>
        %dma_start3A_400 = tpu.memref_squeeze %dma_start3A_399 : memref<1x1x120xf32, #tpu.memory_space<hbm>> -> memref<120xf32, #tpu.memory_space<hbm>>
        %dma_start3A_401 = arith.constant 0 : i32
        %dma_start3A_402 = tpu.memref_slice %arg10[%dma_start3A_394, %dma_start3A_401] : memref<3x120xf32, #tpu.memory_space<vmem>> -> memref<1x120xf32, #tpu.memory_space<vmem>>
        %dma_start3A_403 = tpu.memref_squeeze %dma_start3A_402 : memref<1x120xf32, #tpu.memory_space<vmem>> -> memref<120xf32, #tpu.memory_space<vmem>>
        %dma_start3A_404 = arith.constant 0 : i32
        %dma_start3A_405 = tpu.memref_slice %arg5[%add3A, %add3A_380, %dma_start3A_404] : memref<32x84x120xf32, #tpu.memory_space<hbm>> -> memref<1x1x120xf32, #tpu.memory_space<hbm>>
        %dma_start3A_406 = tpu.memref_squeeze %dma_start3A_405 : memref<1x1x120xf32, #tpu.memory_space<hbm>> -> memref<120xf32, #tpu.memory_space<hbm>>
        tpu.enqueue_dma source(%dma_start3A_406 : memref<120xf32, #tpu.memory_space<hbm>>) target(%dma_start3A_403 : memref<120xf32, #tpu.memory_space<vmem>>) target_semaphore(%arg24 : memref<!tpu.dma_semaphore, #tpu.memory_space<semaphore_mem>>)
        %add3A_407 = arith.constant 2 : i32
        %add3A_408 = arith.addi %add3A_317, %add3A_407 : i32
        %dma_wait3A_409 = arith.constant 1 : i32
        %dma_wait3A_410 = arith.constant 0 : i32
        %dma_wait3A_411 = tpu.memref_slice %arg8[%dma_wait3A_409, %dma_wait3A_410] : memref<3x120xi32, #tpu.memory_space<vmem>> -> memref<1x120xi32, #tpu.memory_space<vmem>>
        %dma_wait3A_412 = tpu.memref_squeeze %dma_wait3A_411 : memref<1x120xi32, #tpu.memory_space<vmem>> -> memref<120xi32, #tpu.memory_space<vmem>>
        %dma_wait3A_413 = arith.constant 0 : i32
        %dma_wait3A_414 = tpu.memref_slice %arg3[%add3A, %add3A_408, %dma_wait3A_413] : memref<32x84x120xi32, #tpu.memory_space<hbm>> -> memref<1x1x120xi32, #tpu.memory_space<hbm>>
        %dma_wait3A_415 = tpu.memref_squeeze %dma_wait3A_414 : memref<1x1x120xi32, #tpu.memory_space<hbm>> -> memref<120xi32, #tpu.memory_space<hbm>>
        %dma_wait3A_416 = arith.constant 0 : i32
        %dma_wait3A_417 = tpu.memref_slice %arg8[%dma_wait3A_409, %dma_wait3A_416] : memref<3x120xi32, #tpu.memory_space<vmem>> -> memref<1x120xi32, #tpu.memory_space<vmem>>
        %dma_wait3A_418 = tpu.memref_squeeze %dma_wait3A_417 : memref<1x120xi32, #tpu.memory_space<vmem>> -> memref<120xi32, #tpu.memory_space<vmem>>
        %dma_wait3A_419 = arith.constant 0 : i32
        %dma_wait3A_420 = tpu.memref_slice %arg3[%add3A, %add3A_408, %dma_wait3A_419] : memref<32x84x120xi32, #tpu.memory_space<hbm>> -> memref<1x1x120xi32, #tpu.memory_space<hbm>>
        %dma_wait3A_421 = tpu.memref_squeeze %dma_wait3A_420 : memref<1x1x120xi32, #tpu.memory_space<hbm>> -> memref<120xi32, #tpu.memory_space<hbm>>
        tpu.wait_dma2 semaphore(%arg21 : memref<!tpu.dma_semaphore, #tpu.memory_space<semaphore_mem>>) src(%dma_wait3A_421 : memref<120xi32, #tpu.memory_space<hbm>>) dst(%dma_wait3A_418 : memref<120xi32, #tpu.memory_space<vmem>>)
        %dma_start3A_422 = arith.constant 1 : i32
        %dma_start3A_423 = arith.constant 0 : i32
        %dma_start3A_424 = tpu.memref_slice %arg8[%dma_start3A_422, %dma_start3A_423] : memref<3x120xi32, #tpu.memory_space<vmem>> -> memref<1x120xi32, #tpu.memory_space<vmem>>
        %dma_start3A_425 = tpu.memref_squeeze %dma_start3A_424 : memref<1x120xi32, #tpu.memory_space<vmem>> -> memref<120xi32, #tpu.memory_space<vmem>>
        %dma_start3A_426 = arith.constant 0 : i32
        %dma_start3A_427 = arith.constant 0 : i32
        %dma_start3A_428 = tpu.memref_slice %arg2[%dma_start3A_426, %dma_start3A_427] : memref<10000x128xf32, #tpu.memory_space<hbm>> -> memref<10000x128xf32, #tpu.memory_space<hbm>>
        tpu.enqueue_indirect_dma source(%dma_start3A_428 : memref<10000x128xf32, #tpu.memory_space<hbm>>) target(%arg12 : memref<120x128xf32, #tpu.memory_space<vmem>>) offsets(%dma_start3A_425 : memref<120xi32, #tpu.memory_space<vmem>>) semaphore(%arg15 : memref<!tpu.dma_semaphore, #tpu.memory_space<semaphore_mem>>)
      } else {
      }
    }
    %scan3A_174 = arith.constant 28 : i32
    %dma_wait3A_175 = arith.constant 2 : i32
    %dma_wait3A_176 = arith.constant 0 : i32
    %dma_wait3A_177 = tpu.memref_slice %arg9[%dma_wait3A_175, %dma_wait3A_176] : memref<3x120xi32, #tpu.memory_space<vmem>> -> memref<1x120xi32, #tpu.memory_space<vmem>>
    %dma_wait3A_178 = tpu.memref_squeeze %dma_wait3A_177 : memref<1x120xi32, #tpu.memory_space<vmem>> -> memref<120xi32, #tpu.memory_space<vmem>>
    %dma_wait3A_179 = arith.constant 0 : i32
    %dma_wait3A_180 = arith.constant 0 : i32
    %dma_wait3A_181 = tpu.memref_slice %arg7[%dma_wait3A_179, %dma_wait3A_180] : memref<10112x128xf32, #tpu.memory_space<vmem_shared>> -> memref<10112x128xf32, #tpu.memory_space<vmem_shared>>
    tpu.wait_indirect_dma semaphore(%arg19 : memref<!tpu.dma_semaphore, #tpu.memory_space<semaphore_mem>>) src(%arg13 : memref<120x128xf32, #tpu.memory_space<vmem>>) dst(%dma_wait3A_181 : memref<10112x128xf32, #tpu.memory_space<vmem_shared>>)
    %barrier3A_182 = arith.constant 0 : index
    tpu.barrier barrier_id(%barrier3A_182)
    %mul3A_183 = arith.constant 632 : i32
    %mul3A_184 = arith.muli %arg1, %mul3A_183 : i32
    %mul3A_185 = arith.constant 632 : i32
    %mul3A_186 = arith.muli %arg1, %mul3A_185 : i32
    "tpu.region"() ({
      %run_scoped3A = tpu.sem_alloc : memref<!tpu.dma_semaphore, #tpu.memory_space<semaphore_mem>>
      %dma_start3A_187 = arith.constant 0 : i32
      %dma_start3A_188 = tpu.memref_slice %arg6[%arg0, %mul3A_186, %dma_start3A_187] : memref<2x10112x128xf32, #tpu.memory_space<hbm>> -> memref<1x632x128xf32, #tpu.memory_space<hbm>>
      %dma_start3A_189 = tpu.memref_squeeze %dma_start3A_188 : memref<1x632x128xf32, #tpu.memory_space<hbm>> -> memref<632x128xf32, #tpu.memory_space<hbm>>
      %dma_start3A_190 = arith.constant 0 : i32
      %dma_start3A_191 = tpu.memref_slice %arg7[%mul3A_184, %dma_start3A_190] : memref<10112x128xf32, #tpu.memory_space<vmem_shared>> -> memref<632x128xf32, #tpu.memory_space<vmem_shared>>
      tpu.enqueue_dma source(%dma_start3A_191 : memref<632x128xf32, #tpu.memory_space<vmem_shared>>) target(%dma_start3A_189 : memref<632x128xf32, #tpu.memory_space<hbm>>) target_semaphore(%run_scoped3A : memref<!tpu.dma_semaphore, #tpu.memory_space<semaphore_mem>>)
      %dma_wait3A_192 = arith.constant 0 : i32
      %dma_wait3A_193 = tpu.memref_slice %arg6[%arg0, %mul3A_186, %dma_wait3A_192] : memref<2x10112x128xf32, #tpu.memory_space<hbm>> -> memref<1x632x128xf32, #tpu.memory_space<hbm>>
      %dma_wait3A_194 = tpu.memref_squeeze %dma_wait3A_193 : memref<1x632x128xf32, #tpu.memory_space<hbm>> -> memref<632x128xf32, #tpu.memory_space<hbm>>
      %dma_wait3A_195 = arith.constant 0 : i32
      %dma_wait3A_196 = tpu.memref_slice %arg7[%mul3A_184, %dma_wait3A_195] : memref<10112x128xf32, #tpu.memory_space<vmem_shared>> -> memref<632x128xf32, #tpu.memory_space<vmem_shared>>
      tpu.wait_dma2 semaphore(%run_scoped3A : memref<!tpu.dma_semaphore, #tpu.memory_space<semaphore_mem>>) src(%dma_wait3A_196 : memref<632x128xf32, #tpu.memory_space<vmem_shared>>) dst(%dma_wait3A_194 : memref<632x128xf32, #tpu.memory_space<hbm>>)
      tpu.yield
    }) : () -> ()
    return
  }
}

module attributes {stable_mosaic.version = 14 : i64} {
  func.func @_mm1_body(%arg0: i32, %arg1: memref<1000x128xf32, #tpu.memory_space<vmem>>, %arg2: memref<128x128xf32, #tpu.memory_space<vmem>>, %arg3: memref<1000x1xf32, #tpu.memory_space<vmem>>, %arg4: memref<1000x1xf32, #tpu.memory_space<vmem>>, %arg5: memref<1000x128xf32, #tpu.memory_space<vmem>>, %arg6: memref<1000x1xf32, #tpu.memory_space<vmem>>) attributes {dimension_semantics = [#tpu.dimension_semantics<arbitrary>], iteration_bounds = array<i64: 10>, scalar_prefetch = 0 : i64, scratch_operands = 0 : i64, tpu.core_type = #tpu.core_type<tc>, window_params = [{transform_indices = @transform_0, window_bounds = array<i64: 1000, 128>}, {pipeline_mode = #tpu.pipeline_mode<synchronous>, transform_indices = @transform_1, window_bounds = array<i64: 128, 128>}, {transform_indices = @transform_2, window_bounds = array<i64: 1000, 1>}, {transform_indices = @transform_3, window_bounds = array<i64: 1000, 1>}, {transform_indices = @transform_4, window_bounds = array<i64: 1000, 128>}, {transform_indices = @transform_5, window_bounds = array<i64: 1000, 1>}]} {
    %get3A = arith.constant 0 : index
    %get3A_0 = arith.constant 0 : index
    %get3A_1 = vector.load %arg3[%get3A, %get3A_0] : memref<1000x1xf32, #tpu.memory_space<vmem>>, vector<1000x1xf32>
    %get3A_2 = arith.constant 0 : index
    %get3A_3 = arith.constant 0 : index
    %get3A_4 = vector.load %arg4[%get3A_2, %get3A_3] : memref<1000x1xf32, #tpu.memory_space<vmem>>, vector<1000x1xf32>
    %add3A = arith.addf %get3A_1, %get3A_4 : vector<1000x1xf32>
    %add3A_5 = arith.constant 1.000000e+00 : f32
    %add3A_6 = vector.broadcast %add3A_5 : f32 to vector<1000x1xf32>
    %add3A_7 = arith.addf %add3A, %add3A_6 : vector<1000x1xf32>
    %gt3A = arith.constant 0.000000e+00 : f32
    %gt3A_8 = vector.broadcast %gt3A : f32 to vector<1000x1xf32>
    %gt3A_9 = arith.cmpf ogt, %add3A_7, %gt3A_8 : vector<1000x1xf32>
    %gt3A_10 = arith.constant 0.000000e+00 : f32
    %gt3A_11 = vector.broadcast %gt3A_10 : f32 to vector<1000x1xf32>
    %gt3A_12 = arith.cmpf ogt, %add3A_7, %gt3A_11 : vector<1000x1xf32>
    %jit3A = arith.constant 1.000000e+00 : f32
    %broadcast_in_dim3A = vector.broadcast %jit3A : f32 to vector<1000x1xf32>
    %select_n3A = arith.select %gt3A_12, %add3A_7, %broadcast_in_dim3A : vector<1000x1xi1>, vector<1000x1xf32>
    %rsqrt3A = math.rsqrt %select_n3A : vector<1000x1xf32>
    %jit3A_13 = arith.constant 0.000000e+00 : f32
    %broadcast_in_dim3A_14 = vector.broadcast %jit3A_13 : f32 to vector<1000x1xf32>
    %select_n3A_15 = arith.select %gt3A_9, %rsqrt3A, %broadcast_in_dim3A_14 : vector<1000x1xi1>, vector<1000x1xf32>
    %get3A_16 = arith.constant 0 : index
    %get3A_17 = arith.constant 0 : index
    %get3A_18 = vector.load %arg1[%get3A_16, %get3A_17] : memref<1000x128xf32, #tpu.memory_space<vmem>>, vector<1000x128xf32>
    %get3A_19 = arith.constant 0 : index
    %get3A_20 = arith.constant 0 : index
    %get3A_21 = vector.load %arg2[%get3A_19, %get3A_20] : memref<128x128xf32, #tpu.memory_space<vmem>>, vector<128x128xf32>
    %dot_general3A = arith.constant dense<0.000000e+00> : vector<1000x128xf32>
    %dot_general3A_22 = tpu.matmul %get3A_18, %get3A_21, %dot_general3A {dimension_numbers = #tpu.dot_dimension_numbers<[1], [0], [0], [1], [0, 0, 1, 1], [], []>, transpose_lhs_hint = false} : vector<1000x128xf32>, vector<128x128xf32>, vector<1000x128xf32> -> vector<1000x128xf32>
    %mul3A = vector.broadcast %select_n3A_15 : vector<1000x1xf32> to vector<1000x128xf32>
    %mul3A_23 = arith.mulf %dot_general3A_22, %mul3A : vector<1000x128xf32>
    %swap3A = arith.constant 0 : index
    %swap3A_24 = arith.constant 0 : index
    %swap3A_25 = vector.load %arg5[%swap3A, %swap3A_24] : memref<1000x128xf32, #tpu.memory_space<vmem>>, vector<1000x128xf32>
    tpu.vector_store %arg5[%swap3A, %swap3A_24], %mul3A_23 {strides = array<i32>} : memref<1000x128xf32, #tpu.memory_space<vmem>>, vector<1000x128xf32>,
    %swap3A_26 = arith.constant 0 : index
    %swap3A_27 = arith.constant 0 : index
    %swap3A_28 = vector.load %arg6[%swap3A_26, %swap3A_27] : memref<1000x1xf32, #tpu.memory_space<vmem>>, vector<1000x1xf32>
    tpu.vector_store %arg6[%swap3A_26, %swap3A_27], %select_n3A_15 {strides = array<i32>} : memref<1000x1xf32, #tpu.memory_space<vmem>>, vector<1000x1xf32>,
    return
  }
  func.func @transform_0(%arg0: i32) -> (i32, i32) {
    %c0_i32 = arith.constant 0 : i32
    %c0_i32_0 = arith.constant 0 : i32
    return %arg0, %c0_i32 : i32, i32
  }
  func.func @transform_1(%arg0: i32) -> (i32, i32) {
    %c0_i32 = arith.constant 0 : i32
    %c0_i32_0 = arith.constant 0 : i32
    %c0_i32_1 = arith.constant 0 : i32
    return %c0_i32, %c0_i32_0 : i32, i32
  }
  func.func @transform_2(%arg0: i32) -> (i32, i32) {
    %c0_i32 = arith.constant 0 : i32
    %c0_i32_0 = arith.constant 0 : i32
    return %arg0, %c0_i32 : i32, i32
  }
  func.func @transform_3(%arg0: i32) -> (i32, i32) {
    %c0_i32 = arith.constant 0 : i32
    %c0_i32_0 = arith.constant 0 : i32
    return %arg0, %c0_i32 : i32, i32
  }
  func.func @transform_4(%arg0: i32) -> (i32, i32) {
    %c0_i32 = arith.constant 0 : i32
    %c0_i32_0 = arith.constant 0 : i32
    return %arg0, %c0_i32 : i32, i32
  }
  func.func @transform_5(%arg0: i32) -> (i32, i32) {
    %c0_i32 = arith.constant 0 : i32
    %c0_i32_0 = arith.constant 0 : i32
    return %arg0, %c0_i32 : i32, i32
  }
}

module attributes {stable_mosaic.version = 14 : i64} {
  func.func @_mm2_body(%arg0: i32, %arg1: memref<2x1000x128xf32, #tpu.memory_space<vmem>>, %arg2: memref<1000x128xf32, #tpu.memory_space<vmem>>, %arg3: memref<1000x1xf32, #tpu.memory_space<vmem>>, %arg4: memref<1x128xf32, #tpu.memory_space<vmem>>, %arg5: memref<128x128xf32, #tpu.memory_space<vmem>>, %arg6: memref<1000x128xf32, #tpu.memory_space<vmem>>) attributes {dimension_semantics = [#tpu.dimension_semantics<arbitrary>], iteration_bounds = array<i64: 10>, scalar_prefetch = 0 : i64, scratch_operands = 0 : i64, tpu.core_type = #tpu.core_type<tc>, window_params = [{transform_indices = @transform_0, window_bounds = array<i64: 2, 1000, 128>}, {transform_indices = @transform_1, window_bounds = array<i64: 1000, 128>}, {transform_indices = @transform_2, window_bounds = array<i64: 1000, 1>}, {pipeline_mode = #tpu.pipeline_mode<synchronous>, transform_indices = @transform_3, window_bounds = array<i64: 1, 128>}, {pipeline_mode = #tpu.pipeline_mode<synchronous>, transform_indices = @transform_4, window_bounds = array<i64: 128, 128>}, {transform_indices = @transform_5, window_bounds = array<i64: 1000, 128>}]} {
    %get3A = arith.constant 0 : index
    %get3A_0 = arith.constant 0 : index
    %get3A_1 = vector.load %arg3[%get3A, %get3A_0] : memref<1000x1xf32, #tpu.memory_space<vmem>>, vector<1000x1xf32>
    %get3A_2 = arith.constant 0 : index
    %get3A_3 = arith.constant 0 : index
    %get3A_4 = arith.constant 0 : index
    %get3A_5 = vector.load %arg1[%get3A_2, %get3A_3, %get3A_4] : memref<2x1000x128xf32, #tpu.memory_space<vmem>>, vector<1x1000x128xf32>
    %get3A_6 = vector.shape_cast %get3A_5 : vector<1x1000x128xf32> to vector<1000x128xf32>
    %get3A_7 = arith.constant 1 : index
    %get3A_8 = arith.constant 0 : index
    %get3A_9 = arith.constant 0 : index
    %get3A_10 = vector.load %arg1[%get3A_7, %get3A_8, %get3A_9] : memref<2x1000x128xf32, #tpu.memory_space<vmem>>, vector<1x1000x128xf32>
    %get3A_11 = vector.shape_cast %get3A_10 : vector<1x1000x128xf32> to vector<1000x128xf32>
    %add3A = arith.addf %get3A_6, %get3A_11 : vector<1000x128xf32>
    %get3A_12 = arith.constant 0 : index
    %get3A_13 = arith.constant 0 : index
    %get3A_14 = vector.load %arg2[%get3A_12, %get3A_13] : memref<1000x128xf32, #tpu.memory_space<vmem>>, vector<1000x128xf32>
    %add3A_15 = arith.addf %add3A, %get3A_14 : vector<1000x128xf32>
    %mul3A = vector.broadcast %get3A_1 : vector<1000x1xf32> to vector<1000x128xf32>
    %mul3A_16 = arith.mulf %mul3A, %add3A_15 : vector<1000x128xf32>
    %get3A_17 = arith.constant 0 : index
    %get3A_18 = arith.constant 0 : index
    %get3A_19 = vector.load %arg4[%get3A_17, %get3A_18] : memref<1x128xf32, #tpu.memory_space<vmem>>, vector<1x128xf32>
    %add3A_20 = vector.broadcast %get3A_19 : vector<1x128xf32> to vector<1000x128xf32>
    %add3A_21 = arith.addf %mul3A_16, %add3A_20 : vector<1000x128xf32>
    %max3A = arith.constant 0.000000e+00 : f32
    %max3A_22 = vector.broadcast %max3A : f32 to vector<1000x128xf32>
    %max3A_23 = arith.maximumf %add3A_21, %max3A_22 : vector<1000x128xf32>
    %get3A_24 = arith.constant 0 : index
    %get3A_25 = arith.constant 0 : index
    %get3A_26 = vector.load %arg5[%get3A_24, %get3A_25] : memref<128x128xf32, #tpu.memory_space<vmem>>, vector<128x128xf32>
    %dot_general3A = arith.constant dense<0.000000e+00> : vector<1000x128xf32>
    %dot_general3A_27 = tpu.matmul %max3A_23, %get3A_26, %dot_general3A {dimension_numbers = #tpu.dot_dimension_numbers<[1], [0], [0], [1], [0, 0, 1, 1], [], []>, transpose_lhs_hint = false} : vector<1000x128xf32>, vector<128x128xf32>, vector<1000x128xf32> -> vector<1000x128xf32>
    %mul3A_28 = vector.broadcast %get3A_1 : vector<1000x1xf32> to vector<1000x128xf32>
    %mul3A_29 = arith.mulf %mul3A_28, %dot_general3A_27 : vector<1000x128xf32>
    %swap3A = arith.constant 0 : index
    %swap3A_30 = arith.constant 0 : index
    %swap3A_31 = vector.load %arg6[%swap3A, %swap3A_30] : memref<1000x128xf32, #tpu.memory_space<vmem>>, vector<1000x128xf32>
    tpu.vector_store %arg6[%swap3A, %swap3A_30], %mul3A_29 {strides = array<i32>} : memref<1000x128xf32, #tpu.memory_space<vmem>>, vector<1000x128xf32>,
    return
  }
  func.func @transform_0(%arg0: i32) -> (i32, i32, i32) {
    %c0_i32 = arith.constant 0 : i32
    %c0_i32_0 = arith.constant 0 : i32
    %c0_i32_1 = arith.constant 0 : i32
    return %c0_i32, %arg0, %c0_i32_0 : i32, i32, i32
  }
  func.func @transform_1(%arg0: i32) -> (i32, i32) {
    %c0_i32 = arith.constant 0 : i32
    %c0_i32_0 = arith.constant 0 : i32
    return %arg0, %c0_i32 : i32, i32
  }
  func.func @transform_2(%arg0: i32) -> (i32, i32) {
    %c0_i32 = arith.constant 0 : i32
    %c0_i32_0 = arith.constant 0 : i32
    return %arg0, %c0_i32 : i32, i32
  }
  func.func @transform_3(%arg0: i32) -> (i32, i32) {
    %c0_i32 = arith.constant 0 : i32
    %c0_i32_0 = arith.constant 0 : i32
    %c0_i32_1 = arith.constant 0 : i32
    return %c0_i32, %c0_i32_0 : i32, i32
  }
  func.func @transform_4(%arg0: i32) -> (i32, i32) {
    %c0_i32 = arith.constant 0 : i32
    %c0_i32_0 = arith.constant 0 : i32
    %c0_i32_1 = arith.constant 0 : i32
    return %c0_i32, %c0_i32_0 : i32, i32
  }
  func.func @transform_5(%arg0: i32) -> (i32, i32) {
    %c0_i32 = arith.constant 0 : i32
    %c0_i32_0 = arith.constant 0 : i32
    return %arg0, %c0_i32 : i32, i32
  }
}

module attributes {stable_mosaic.version = 14 : i64} {
  func.func @_fin_body(%arg0: i32, %arg1: memref<2x1000x128xf32, #tpu.memory_space<vmem>>, %arg2: memref<1000x128xf32, #tpu.memory_space<vmem>>, %arg3: memref<1000x1xf32, #tpu.memory_space<vmem>>, %arg4: memref<1x128xf32, #tpu.memory_space<vmem>>, %arg5: memref<1000x128xf32, #tpu.memory_space<vmem>>) attributes {dimension_semantics = [#tpu.dimension_semantics<arbitrary>], iteration_bounds = array<i64: 10>, scalar_prefetch = 0 : i64, scratch_operands = 0 : i64, tpu.core_type = #tpu.core_type<tc>, window_params = [{transform_indices = @transform_0, window_bounds = array<i64: 2, 1000, 128>}, {transform_indices = @transform_1, window_bounds = array<i64: 1000, 128>}, {transform_indices = @transform_2, window_bounds = array<i64: 1000, 1>}, {pipeline_mode = #tpu.pipeline_mode<synchronous>, transform_indices = @transform_3, window_bounds = array<i64: 1, 128>}, {transform_indices = @transform_4, window_bounds = array<i64: 1000, 128>}]} {
    %get3A = arith.constant 0 : index
    %get3A_0 = arith.constant 0 : index
    %get3A_1 = vector.load %arg3[%get3A, %get3A_0] : memref<1000x1xf32, #tpu.memory_space<vmem>>, vector<1000x1xf32>
    %get3A_2 = arith.constant 0 : index
    %get3A_3 = arith.constant 0 : index
    %get3A_4 = arith.constant 0 : index
    %get3A_5 = vector.load %arg1[%get3A_2, %get3A_3, %get3A_4] : memref<2x1000x128xf32, #tpu.memory_space<vmem>>, vector<1x1000x128xf32>
    %get3A_6 = vector.shape_cast %get3A_5 : vector<1x1000x128xf32> to vector<1000x128xf32>
    %get3A_7 = arith.constant 1 : index
    %get3A_8 = arith.constant 0 : index
    %get3A_9 = arith.constant 0 : index
    %get3A_10 = vector.load %arg1[%get3A_7, %get3A_8, %get3A_9] : memref<2x1000x128xf32, #tpu.memory_space<vmem>>, vector<1x1000x128xf32>
    %get3A_11 = vector.shape_cast %get3A_10 : vector<1x1000x128xf32> to vector<1000x128xf32>
    %add3A = arith.addf %get3A_6, %get3A_11 : vector<1000x128xf32>
    %get3A_12 = arith.constant 0 : index
    %get3A_13 = arith.constant 0 : index
    %get3A_14 = vector.load %arg2[%get3A_12, %get3A_13] : memref<1000x128xf32, #tpu.memory_space<vmem>>, vector<1000x128xf32>
    %add3A_15 = arith.addf %add3A, %get3A_14 : vector<1000x128xf32>
    %mul3A = vector.broadcast %get3A_1 : vector<1000x1xf32> to vector<1000x128xf32>
    %mul3A_16 = arith.mulf %mul3A, %add3A_15 : vector<1000x128xf32>
    %get3A_17 = arith.constant 0 : index
    %get3A_18 = arith.constant 0 : index
    %get3A_19 = vector.load %arg4[%get3A_17, %get3A_18] : memref<1x128xf32, #tpu.memory_space<vmem>>, vector<1x128xf32>
    %add3A_20 = vector.broadcast %get3A_19 : vector<1x128xf32> to vector<1000x128xf32>
    %add3A_21 = arith.addf %mul3A_16, %add3A_20 : vector<1000x128xf32>
    %max3A = arith.constant 0.000000e+00 : f32
    %max3A_22 = vector.broadcast %max3A : f32 to vector<1000x128xf32>
    %max3A_23 = arith.maximumf %add3A_21, %max3A_22 : vector<1000x128xf32>
    %swap3A = arith.constant 0 : index
    %swap3A_24 = arith.constant 0 : index
    %swap3A_25 = vector.load %arg5[%swap3A, %swap3A_24] : memref<1000x128xf32, #tpu.memory_space<vmem>>, vector<1000x128xf32>
    tpu.vector_store %arg5[%swap3A, %swap3A_24], %max3A_23 {strides = array<i32>} : memref<1000x128xf32, #tpu.memory_space<vmem>>, vector<1000x128xf32>,
    return
  }
  func.func @transform_0(%arg0: i32) -> (i32, i32, i32) {
    %c0_i32 = arith.constant 0 : i32
    %c0_i32_0 = arith.constant 0 : i32
    %c0_i32_1 = arith.constant 0 : i32
    return %c0_i32, %arg0, %c0_i32_0 : i32, i32, i32
  }
  func.func @transform_1(%arg0: i32) -> (i32, i32) {
    %c0_i32 = arith.constant 0 : i32
    %c0_i32_0 = arith.constant 0 : i32
    return %arg0, %c0_i32 : i32, i32
  }
  func.func @transform_2(%arg0: i32) -> (i32, i32) {
    %c0_i32 = arith.constant 0 : i32
    %c0_i32_0 = arith.constant 0 : i32
    return %arg0, %c0_i32 : i32, i32
  }
  func.func @transform_3(%arg0: i32) -> (i32, i32) {
    %c0_i32 = arith.constant 0 : i32
    %c0_i32_0 = arith.constant 0 : i32
    %c0_i32_1 = arith.constant 0 : i32
    return %c0_i32, %c0_i32_0 : i32, i32
  }
  func.func @transform_4(%arg0: i32) -> (i32, i32) {
    %c0_i32 = arith.constant 0 : i32
    %c0_i32_0 = arith.constant 0 : i32
    return %arg0, %c0_i32 : i32, i32
  }
}

</mosaic_0001>

<sc_bundles>
// kernel: kernel.11.cloned.1.call-start
scs
__scs_entry_jumppad:
0x0: {  	(pc) =	sbr.rel $0x88, $3  }
0x1: {  	(tag) =	ssettag $0x0;
	lr =	simm.s32 $0x1  }
0x2: {  	[smem:$0x3F9A] =	sst lr;
	_ =	strace $0xD0000000  }
0x3: {  	_ = 	snop  }
0x4: {  	_ = 	snop  }
0x5: {  	_ = 	snop  }
0x6: {  	_ = 	snop  }
0x7: {  	_ = 	snop  }
__scs_overlays_trampoline_lowered:
0x8: {  	[smem:$0x3FA9] =	sst s0  }
0x9: {  	[smem:$0x3FAA] =	sst s1  }
0xa: {  	[smem:$0x3FAB] =	sst s2  }
0xb: {  	[smem:$0x3FAC] =	sst s3  }
0xc: {  	[smem:$0x3FAD] =	sst s4  }
0xd: {  	[smem:$0x3FAE] =	sst s5  }
0xe: {  	[smem:$0x3FAF] =	sst s6  }
0xf: {  	[smem:$0x3FB0] =	sst s7  }
0x10: {  	[smem:$0x3FB1] =	sst s8  }
0x11: {  	[smem:$0x3FB2] =	sst s9;
	s0 =	simm.s32 @!p0 $0x0  }
0x12: {  	s1 =	sld [smem:$0x3F98];
	s0 =	simm.s32 @p0 $0x1  }
0x13: {  	[smem:$0x3FB3] =	sst s0;
	s0 =	simm.s32 @!p1 $0x0  }
0x14: {  	s2 =	sld [smem:$0x3F97];
	s0 =	simm.s32 @p1 $0x1  }
0x15: {  	[smem:$0x3FB4] =	sst s0;
	s0 =	simm.s32 @!p2 $0x0  }
0x16: {  	s3 =	sld [smem:$0x3FDB];
	s0 =	simm.s32 @p2 $0x1  }
0x17: {  	s4 =	simm.s32 $0x1BF5;
	[smem:$0x3FB6] =	sst s0  }
0x18: {  	s0 =	sld [smem:$0x3F99];
	_ =	swait.ge [sflag:s4], $0x0  }
0x19: {  	s7 =	sld [smem:$0x3F9A]  }
0x1a: {  	s8 =	sadd.s32 $0xFFFFE003, lr  }
0x1b: {  	s9 =	sadd.s32 $0xFFFFFEF7, lr;
	s5 =	simm.s32 $0xFFFFFFFF;
	p2 =	slt.u32 s8, $0xFFFFF086  }
0x1c: {  	p1 =	slt.u32 s9, $0xF7A;
	s5 =	simm.s32 @!p2 $0x0  }
0x1d: {  	s5 =	simm.s32 @p1 $0x1;
	p0 =	seq.s32 s7, s2  }
0x1e: {  	s7 =	smul.u32 @!p0 $0xF7A, s2;
	p2 =	seq.s32 @!p0 s5, $0x0  }
0x1f: {  	s9 =	smul.u32 $0xF7A, s1;
	s8 =	simm.s32 @!p0 $0x1BF5;
	p2 =	por !p2, p0  }
0x20: {  	[sflag:s8] =	ssyncset.s32 @!p0 $0xFFFFF086;
	s6 =	sadd.s32 @!p0 s3, s7;
	s7 =	simm.s32 @!p0 $0x108  }
0x21: {  	s3 =	sadd.s32 s3, s9;
	s6 =	sadd.s32 @!p0 $0x88, s6;
	s7 =	simm.s32 @p2 $0x1082  }
0x22: {  	[simem:s7], [sflag:s8] =	dma.local @!p0 [hbm:s6], $0xF7A  }
0x23: {  	s9 =	sor.u32 $0xD0000000, s2;
	s6 =	simm.s32 $0x108;
	_ =	swait.ge @!p0 [sflag:s8], $0x0  }
0x24: {  	s3 =	sadd.s32 $0x88, s3;
	s6 =	simm.s32 @!p1 $0x1082;
	[sflag:s4] =	ssyncset.s32 $0xFFFFF086  }
0x25: {  	[simem:s6], [sflag:s4] =	dma.local [hbm:s3], $0xF7A  }
0x26: {  	[smem:$0x3F9A] =	sst s1;
	(tag) =	ssettag s2;
	_ =	strace s9  }
0x27: {  	s1 =	sld [smem:$0x3FAA]  }
0x28: {  	s2 =	sld [smem:$0x3FAB]  }
0x29: {  	s4 =	sld [smem:$0x3FAD]  }
0x2a: {  	p0 =	seq.s32 s5, $0x0;
	s5 =	sld [smem:$0x3FAE]  }
0x2b: {  	s6 =	sld [smem:$0x3FAF]  }
0x2c: {  	s7 =	sld [smem:$0x3FB0]  }
0x2d: {  	s3 =	simm.s32 $0x108;
	s8 =	sld [smem:$0x3FB1]  }
0x2e: {  	s3 =	simm.s32 @!p0 $0x1082;
	s9 =	sld [smem:$0x3FB2]  }
0x2f: {  	lr =	sadd.s32 s0, s3;
	s0 =	sld [smem:$0x3FA9]  }
0x30: {  	s3 =	sld [smem:$0x3FAC]  }
0x31: {  	[smem:$0x3FB5] =	sst s10  }
0x32: {  	s10 =	sld [smem:$0x3FB3];
	_ =	sdelay $0x3  }
0x33: {  	p0 =	seq.s32 s10, $0x1;
	s10 =	sld [smem:$0x3FB5];
	_ =	sdelay $0x3  }
0x34: {  	[smem:$0x3FB5] =	sst s10  }
0x35: {  	s10 =	sld [smem:$0x3FB4];
	_ =	sdelay $0x3  }
0x36: {  	p1 =	seq.s32 s10, $0x1;
	s10 =	sld [smem:$0x3FB5];
	_ =	sdelay $0x3  }
0x37: {  	[smem:$0x3FB5] =	sst s10  }
0x38: {  	s10 =	sld [smem:$0x3FB6]  }
0x39: {  	_ = 	snop;
	(pc) =	sbr.ind lr, $3  }
0x3a: {  	_ = 	snop  }
0x3b: {  	_ = 	snop  }
0x3c: {  	p2 =	seq.s32 s10, $0x1;
	s10 =	sld [smem:$0x3FB5]  }
0x3d: {  	_ =	shalt  }
0x3e: {  	_ =	shalt  }
0x3f: {  	_ =	shalt  }
0x40: {  	_ =	shalt  }
0x41: {  	_ =	shalt  }
0x42: {  	_ =	shalt  }
0x43: {  	_ =	shalt  }
0x44: {  	_ =	shalt  }
0x45: {  	_ =	shalt  }
0x46: {  	_ =	shalt  }
0x47: {  	_ =	shalt  }
0x48: {  	_ =	shalt  }
0x49: {  	_ =	shalt  }
0x4a: {  	_ =	shalt  }
0x4b: {  	_ =	shalt  }
0x4c: {  	_ =	shalt  }
0x4d: {  	_ =	shalt  }
0x4e: {  	_ =	shalt  }
0x4f: {  	_ =	shalt  }
0x50: {  	_ =	shalt  }
0x51: {  	_ =	shalt  }
0x52: {  	_ =	shalt  }
0x53: {  	_ =	shalt  }
0x54: {  	_ =	shalt  }
0x55: {  	_ =	shalt  }
0x56: {  	_ =	shalt  }
0x57: {  	_ =	shalt  }
0x58: {  	_ =	shalt  }
0x59: {  	_ =	shalt  }
0x5a: {  	_ =	shalt  }
0x5b: {  	_ =	shalt  }
0x5c: {  	_ =	shalt  }
0x5d: {  	_ =	shalt  }
0x5e: {  	_ =	shalt  }
0x5f: {  	_ =	shalt  }
0x60: {  	_ =	shalt  }
0x61: {  	_ =	shalt  }
0x62: {  	_ =	shalt  }
0x63: {  	_ =	shalt  }
0x64: {  	_ =	shalt  }
0x65: {  	_ =	shalt  }
0x66: {  	_ =	shalt  }
0x67: {  	_ =	shalt  }
0x68: {  	_ =	shalt  }
0x69: {  	_ =	shalt  }
0x6a: {  	_ =	shalt  }
0x6b: {  	_ =	shalt  }
0x6c: {  	_ =	shalt  }
0x6d: {  	_ =	shalt  }
0x6e: {  	_ =	shalt  }
0x6f: {  	_ =	shalt  }
0x70: {  	_ =	shalt  }
0x71: {  	_ =	shalt  }
0x72: {  	_ =	shalt  }
0x73: {  	_ =	shalt  }
0x74: {  	_ =	shalt  }
0x75: {  	_ =	shalt  }
0x76: {  	_ =	shalt  }
0x77: {  	_ =	shalt  }
0x78: {  	_ =	shalt  }
0x79: {  	_ =	shalt  }
0x7a: {  	_ =	shalt  }
0x7b: {  	_ =	shalt  }
0x7c: {  	_ =	shalt  }
0x7d: {  	_ =	shalt  }
0x7e: {  	_ =	shalt  }
0x7f: {  	_ =	shalt  }
0x80: {  	_ =	shalt  }
0x81: {  	_ =	shalt  }
0x82: {  	_ =	shalt  }
0x83: {  	_ =	shalt  }
0x84: {  	_ =	shalt  }
0x85: {  	_ =	shalt  }
0x86: {  	_ =	shalt  }
0x87: {  	_ =	shalt  }
.Lfunc_end0:
.L_simem_size_0:
called_computation.1_lowered:
.L_overlay_start_0:
0x88: {  	s2 =	sld [smem:$0x3FD9]  }
0x89: {  	s3 =	sld [smem:$0x3FFE];
	_ =	sdelay $0x1  }
0x8a: {  	s1 =	srdreg.scid  }
0x8b: {  	s0 =	sand.u32 $0x1, s1  }
0x8c: {  	s17 =	sshll.u32 s0, $0xA;
	s2 =	sadd.s32 s3, s2  }
0x8d: {  	s2 =	sadd.s32 s2, s17  }
0x8e: {  	[smem:$0x3FC1] =	sst s2  }
0x8f: {  	_ = 	snop  }
0x90: {  	s2 =	sld [smem:$0x3FD0];
	(tm) =	ssettm $0x1  }
0x91: {  	s18 =	sld [smem:$0x3FFB];
	_ =	sdelay $0x3  }
0x92: {  	_ =	strace s18  }
0x93: {  	s3 =	sld [smem:$0x3FFC];
	_ =	sdelay $0x3  }
0x94: {  	_ =	strace s3  }
0x95: {  	s3 =	sld [smem:$0x3FFD];
	_ =	sdelay $0x3  }
0x96: {  	_ =	strace s3  }
0x97: {  	_ =	strace $0x8FFFFFFF  }
0x98: {  	s19 =	sld [smem:$0x3FDB];
	_ =	sdelay $0x1  }
0x99: {  	s4 =	simm.s32 $_scs_section_size  }
0x9a: {  	s5 =	simm.s32 $_size__tile_overlayer_lowered;
	s6 =	simm.s32 $_tile_overlayer_lowered  }
0x9b: {  	s22 =	simm.s32 $0x1BFF;
	s21 =	sshll.u32 s6, $0x1;
	s3 =	sadd.s32 s4, s19  }
0x9c: {  	s7 =	simm.s32 $0x0;
	s20 =	sshll.u32 s5, $0x1;
	s5 =	sadd.s32 s21, s3  }
0x9d: {  	[timem:s7], [sflag:s22] =	dma.local [hbm:s5], s20  }
0x9e: {  	_ =	swait.ge [sflag:s22], s20  }
0x9f: {  	s4 =	ssub.s32 $0x0, s20;
	[sflag:s22] =	ssyncset.done $0x0  }
0xa0: {  	[sflag:s22] =	ssyncadd.s32 s4;
	_ =	sdelay $0x1  }
0xa1: {  	s23 =	simm.s32 $0x1B8B  }
0xa2: {  	_ =	swait.ge [sflag:s23], $0x1  }
0xa3: {  	[sflag:s23] =	ssyncset.done $0x0  }
0xa4: {  	s25 =	simm.s32 $0x1B8E;
	s24 =	sld [smem:$0x3FFE];
	[sflag:s23] =	ssyncadd.s32 $0xFFFFFFFF  }
0xa5: {  	s26 =	simm.s32 $execute0_lowered;
	[smem:$0x3FD2] =	sst s25  }
0xa6: {  	s5 =	sshll.u32 s26, $0x1;
	_ =	strace $0x80000049;
	[dreg:$0x1] =	wrdreg $0xFFFFFFFF  }
0xa7: {  	s28 =	simm.s32 $_size_execute0_lowered;
	s3 =	sadd.s32 s3, s5;
	[dreg:$0x0] =	wrdreg $0x0  }
0xa8: {  	s5 =	sshll.u32 s28, $0x1;
	[dreg:$0x2] =	wrdreg s3  }
0xa9: {  	[dreg:$0x3] =	wrdreg s5  }
0xaa: {  	[dreg:$0x4] =	wrdreg $0xC0  }
0xab: {  	_ =	task [dreg:s7], $0x5FFFF  }
0xac: {  	[dreg:$0x1] =	wrdreg $0xFFFFFFFF  }
0xad: {  	[dreg:$0x0] =	wrdreg $0x60  }
0xae: {  	[dreg:$0x2] =	wrdreg s2  }
0xaf: {  	[dreg:$0x3] =	wrdreg s24  }
0xb0: {  	[dreg:$0x4] =	wrdreg $0x0  }
0xb1: {  	[dreg:$0x5] =	wrdreg $0x9  }
0xb2: {  	_ =	task.clear_ibuf [dreg:s7], $0x6FFFF;
	_ =	strace $0x90000049  }
0xb3: {  	s29 =	simm.s32 $0x9;
	_ =	strace $0x8000004B  }
0xb4: {  	_ =	swait.ge [sflag:s29], $0x1  }
0xb5: {  	[sflag:s29] =	ssyncadd.s32 $0xFFFFFFFF  }
0xb6: {  	_ =	strace $0x9000004B  }
0xb7: {  	_ =	sfence  }
0xb8: {  	s30 =	sld [smem:$0x0];
	_ =	sdelay $0x2  }
0xb9: {  	s31 =	sshll.u32 s1, $0xD;
	s1 =	sshrl.u32 s1, $0x2  }
0xba: {  	s3 =	sand.u32 $0x4000, s31;
	s1 =	sadd.s32 s1, s30  }
0xbb: {  	s0 =	sor.u32 s3, s0;
	s1 =	sshll.u32 s1, $0x11  }
0xbc: {  	s0 =	sor.u32 s1, s0  }
0xbd: {  	s0 =	sadd.s32 $0x8F2B, s0  }
0xbe: {  	[sflag:s0] =	ssyncadd.remote.s32 $0x1  }
0xbf: {  	_ =	sfence.sel $0xFFFF  }
0xc0: {  	[dreg:$0x0] =	wrdreg $0xFFFFFFFF;
	(pc) =	sbr.abs _section_cstart, $3  }
0xc1: {  	[dreg:$0x1] =	wrdreg $0xFFFFFFFF  }
0xc2: {  	_ =	task.clear_ibuf [dreg:s7], $0x2FFFF;
	_ =	strace $0x9FFFFFFF  }
0xc3: {  	(tm) =	ssettm $0x7FFFFFFF  }
tec
execute0_lowered:
.L_overlay_start_1:
0x0: {  	(tag) =	ssettag $0x1  }
0x1: {  	s1 =	rddreg [dreg:$0x0]  }
0x2: {  	s0 =	rddreg [dreg:$0x1]  }
0x3: {  	s2 =	rddreg [dreg:$0x2];
	s4 =	simm.s32 $0x0;
	s3 =	srdreg.scid  }
0x4: {  	s12 =	stileid.u32;
	s31 =	simm.s32 $0x14000;
	s30 =	simm.s32 $0x13C80  }
0x5: {  	[smem:$0x7FF] =	sst s4;
	s3 =	sand.u32 $0x1, s3;
	s9 =	smul.u32 $0x13C00, s12  }
0x6: {  	s5 =	sadd.s32 $0x18C00, s0;
	s6 =	sadd.s32 $0xDC00, s0;
	s10 =	smul.u32 $0x4F000, s12  }
0x7: {  	s7 =	sadd.s32 $0x2C00, s0;
	s8 =	smul.u32 $0x13C000, s3;
	s13 =	sshll.u32 s3, $0x4  }
0x8: {  	_ =	strace $0x8000004A;
	s3 =	ssub.s32 $0x2, s3;
	s14 =	sor.u32 s12, s13  }
0x9: {  	s15 =	sshrl.u32 s3, $0x1;
	s10 =	sshrl.u32 s10, $0x2;
	s12 =	simm.s32 $0x8  }
0xa: {  	s13 =	simm.s32 $0x17E00;
	s8 =	sadd.s32 s9, s8;
	s17 =	sadd.s32 s10, s2  }
0xb: {  	s3 =	ssub.s32 s3, s15;
	s16 =	sadd.s32 $0x3C00, s17;
	[dreg:$0x4] =	wrdreg s17  }
0xc: {  	s15 =	simm.s32 $0x5;
	s18 =	sadd.s32 $0x7800, s17;
	[dreg:$0x5] =	wrdreg s16  }
0xd: {  	s11 =	sshrl.u32 s8, $0x3;
	s10 =	sadd.s32 $0xB400, s17;
	[dreg:$0x6] =	wrdreg s18  }
0xe: {  	s8 =	smul.u32 $0x2C00, s14;
	s20 =	sadd.s32 $0xF000, s17;
	[dreg:$0x7] =	wrdreg s10  }
0xf: {  	s22 =	sadd.s32 $0x12C00, s17;
	s29 =	smax.u32 s3, $0x1;
	[dreg:$0x8] =	wrdreg s20  }
0x10: {  	s14 =	simm.s32 $0x1;
	s0 =	sadd.s32 s11, s0;
	[dreg:$0x9] =	wrdreg s22  }
0x11: {  	[dreg:$0x12] =	wrdreg s29;
	s10 =	simm.s32 $0xD;
	s16 =	simm.s32 $0xA  }
0x12: {  	s18 =	simm.s32 $0x9;
	s19 =	sshrl.u32 s8, $0x3;
	s0 =	sadd.s32 $0x23C00, s0  }
0x13: {  	s20 =	simm.s32 $0x2;
	s23 =	sadd.s32 s5, s19;
	[dreg:$0x11] =	wrdreg s0  }
0x14: {  	s22 =	simm.s32 $0x4;
	s25 =	sadd.s32 s6, s19;
	[dreg:$0xa] =	wrdreg s23  }
0x15: {  	s21 =	sor.u32 $0x10, s19;
	s9 =	sadd.s32 s7, s19;
	[dreg:$0xd] =	wrdreg s25  }
0x16: {  	s0 =	simm.s32 $0x13E80;
	s24 =	sadd.s32 s5, s21;
	[dreg:$0xe] =	wrdreg s9  }
.Ltmp0:
0x17: {  	s11 =	sadd.s32 $0x20, s23;
	[dreg:$0xb] =	wrdreg s24;
	(pc) =	sbr.rel .LBB2_1-.Ltmp0, $4  }
0x18: {  	s19 =	simm.s32 $0x1BA00;
	s26 =	sadd.s32 s6, s21;
	[dreg:$0xc] =	wrdreg s11  }
0x19: {  	s28 =	sadd.s32 s7, s21;
	s21 =	simm.s32 $0xB;
	[dreg:$0xf] =	wrdreg s26  }
0x1a: {  	s23 =	simm.s32 $0xC;
	s9 =	simm.s32 $0x0;
	[dreg:$0x10] =	wrdreg s28  }
0x1b: {  	v0 =	vimm.f32 $0.0e+00;
	s24 =	simm.s32 $0x14200;
	s11 =	simm.s32 $0x78;
	s26 =	simm.s32 $0x13F00  }
.LBB2_12:
0x1c: {  	s3 =	simm.s32 $0x6  }
0x1d: {  	_ =	swait.ge [sflag:s3], $0x3C00  }
0x1e: {  	[sflag:s3] =	ssyncset.done $0x0  }
0x1f: {  	[sflag:s3] =	ssyncadd.s32 $0xFFFFC400  }
0x20: {  	s25 =	stileid.u32;
	[bflag:$0x0] =	sbarrier.arrive $0xFFFF  }
0x21: {  	s3 =	sshll.u32 s25, $0x6;
	s17 =	rddreg [dreg:$0x4]  }
0x22: {  	s3 =	sor.u32 $0x1C0D, s3;
	s10 =	rddreg [dreg:$0x11];
	s9 =	sshrl.u32 s17, $0x3  }
0x23: {  	[hbm:s10], [sflag:s3] =	dma.local [spmem:s9], $0x2780  }
0x24: {  	s10 =	simm.s32 $0xD  }
0x25: {  	_ =	swait.ge [sflag:s10], $0x2780  }
0x26: {  	s28 =	rddreg [dreg:$0x13]  }
0x27: {  	s29 =	rddreg [dreg:$0x12];
	s9 =	sadd.s32 $0x1, s28  }
0x28: {  	p0 =	sne.s32 s9, s29  }
.Ltmp1:
0x29: {  	_ = 	snop;
	(pc) =	sbr.rel @!p0 .LBB2_13-.Ltmp1, $3  }
0x2a: {  	_ =	sdelay $0x1  }
0x2b: {  	[sflag:s10] =	ssyncset.done $0x0  }
0x2c: {  	[sflag:s10] =	ssyncadd.s32 $0xFFFFD880  }
.LBB2_1:
0x2d: {  	[dreg:$0x13] =	wrdreg s9;
	s3 =	simm.s32 $0x0;
	s9 =	simm.s32 $0x200  }
.LBB2_2:
0x2e: {  	p0 =	sne.s32 s9, $0xEE00;
	[tilespmem:s3+$0x14270] =	vst v0  }
0x2f: {  	[tilespmem:s3+$0x14200] =	vst v0  }
0x30: {  	[tilespmem:s3+$0x14210] =	vst v0  }
.Ltmp2:
0x31: {  	[tilespmem:s3+$0x14220] =	vst v0;
	(pc) =	sbr.rel @p0 .LBB2_2-.Ltmp2, $4  }
0x32: {  	[tilespmem:s3+$0x14230] =	vst v0  }
0x33: {  	[tilespmem:s3+$0x14240] =	vst v0  }
0x34: {  	[tilespmem:s3+$0x14250] =	vst v0  }
0x35: {  	[tilespmem:s3+$0x14260] =	vst v0;
	s3 =	sshra.s32 s9, $0x2;
	s9 =	sadd.s32 $0x200, s9  }
0x36: {  	[tilespmem:s3+$0x14270] =	vst v0  }
0x37: {  	[tilespmem:s3+$0x14200] =	vst v0  }
0x38: {  	[tilespmem:s3+$0x14210] =	vst v0  }
0x39: {  	[tilespmem:s3+$0x14220] =	vst v0  }
0x3a: {  	[tilespmem:s3+$0x14230] =	vst v0  }
0x3b: {  	[tilespmem:s3+$0x14240] =	vst v0  }
0x3c: {  	[tilespmem:s3+$0x14250] =	vst v0  }
0x3d: {  	[tilespmem:s3+$0x14260] =	vst v0  }
0x3e: {  	[spmem:s17] =	stream.linear.scatter [tilespmem:s24], [sflag:$0xD], $0x3C00, $0x38;
	[tilespmem:$0x1F600] =	vst v63  }
0x3f: {  	_ =	swait.ge [sflag:s10], $0x3C00  }
0x40: {  	[sflag:s10] =	ssyncset.done $0x0  }
0x41: {  	s25 =	rddreg [dreg:$0x5];
	[sflag:s10] =	ssyncadd.s32 $0xFFFFC400  }
0x42: {  	[spmem:s25] =	stream.linear.scatter [tilespmem:s24], [sflag:$0xD], $0x3C00, $0x38;
	[tilespmem:$0x1F600] =	vst v63  }
0x43: {  	_ =	swait.ge [sflag:s10], $0x3C00  }
0x44: {  	[sflag:s10] =	ssyncset.done $0x0  }
0x45: {  	s28 =	rddreg [dreg:$0x6];
	[sflag:s10] =	ssyncadd.s32 $0xFFFFC400  }
0x46: {  	[spmem:s28] =	stream.linear.scatter [tilespmem:s24], [sflag:$0xD], $0x3C00, $0x38;
	[tilespmem:$0x1F600] =	vst v63  }
0x47: {  	_ =	swait.ge [sflag:s10], $0x3C00  }
0x48: {  	[sflag:s10] =	ssyncset.done $0x0  }
0x49: {  	s29 =	rddreg [dreg:$0x7];
	[sflag:s10] =	ssyncadd.s32 $0xFFFFC400  }
0x4a: {  	[spmem:s29] =	stream.linear.scatter [tilespmem:s24], [sflag:$0xD], $0x3C00, $0x38;
	[tilespmem:$0x1F600] =	vst v63  }
0x4b: {  	_ =	swait.ge [sflag:s10], $0x3C00  }
0x4c: {  	[sflag:s10] =	ssyncset.done $0x0  }
0x4d: {  	s9 =	rddreg [dreg:$0x8];
	[sflag:s10] =	ssyncadd.s32 $0xFFFFC400  }
0x4e: {  	[spmem:s9] =	stream.linear.scatter [tilespmem:s24], [sflag:$0xD], $0x3C00, $0x38;
	[tilespmem:$0x1F600] =	vst v63  }
0x4f: {  	_ =	swait.ge [sflag:s10], $0x3C00  }
0x50: {  	[sflag:s10] =	ssyncset.done $0x0  }
0x51: {  	s17 =	rddreg [dreg:$0x9];
	[sflag:s10] =	ssyncadd.s32 $0xFFFFC400  }
0x52: {  	[spmem:s17] =	stream.linear.scatter [tilespmem:s24], [sflag:$0xD], $0x1000, $0x38;
	[tilespmem:$0x1F600] =	vst v63  }
0x53: {  	_ =	swait.ge [sflag:s10], $0x1000  }
0x54: {  	[sflag:s10] =	ssyncset.done $0x0  }
0x55: {  	[sflag:s10] =	ssyncadd.s32 $0xFFFFF000  }
0x56: {  	[bflag:$0x0] =	sbarrier.arrive $0xFFFF  }
0x57: {  	s9 =	simm.s32 $0x0;
	s10 =	simm.s32 $0x13C00;
	s25 =	rddreg [dreg:$0xa]  }
0x58: {  	[tilespmem:s10], [sflag:$0x7] =	stream.linear.gather [hbm4b:s25+s9], $0x80, $0x38;
	[tilespmem:$0x1F600] =	vst v63  }
0x59: {  	s17 =	simm.s32 $0x13C80;
	s28 =	rddreg [dreg:$0xb]  }
0x5a: {  	[tilespmem:s17], [sflag:$0x8] =	stream.linear.gather [hbm4b:s28+s9], $0x80, $0x38;
	[tilespmem:$0x1F600] =	vst v63  }
0x5b: {  	s29 =	rddreg [dreg:$0xc];
	s25 =	simm.s32 $0x13D00  }
0x5c: {  	[tilespmem:s25], [sflag:$0x9] =	stream.linear.gather [hbm4b:s29+s9], $0x80, $0x38;
	[tilespmem:$0x1F600] =	vst v63  }
0x5d: {  	s28 =	rddreg [dreg:$0xd];
	s29 =	simm.s32 $0x13E00  }
0x5e: {  	[tilespmem:s29], [sflag:$0xA] =	stream.linear.gather [hbm4b:s28+s9], $0x80, $0x38;
	[tilespmem:$0x1F600] =	vst v63  }
0x5f: {  	s28 =	rddreg [dreg:$0xe]  }
0x60: {  	[tilespmem:s31], [sflag:$0xA] =	stream.linear.gather [hbm4b:s28+s9], $0x80, $0x38;
	[tilespmem:$0x1F600] =	vst v63  }
0x61: {  	s29 =	rddreg [dreg:$0xf]  }
0x62: {  	[tilespmem:s0], [sflag:$0xB] =	stream.linear.gather [hbm4b:s29+s9], $0x80, $0x38;
	[tilespmem:$0x1F600] =	vst v63  }
0x63: {  	s25 =	rddreg [dreg:$0x10];
	s28 =	simm.s32 $0x14080;
	s29 =	simm.s32 $0x7  }
0x64: {  	[tilespmem:s28], [sflag:$0xB] =	stream.linear.gather [hbm4b:s25+s9], $0x80, $0x38;
	[tilespmem:$0x1F600] =	vst v63  }
0x65: {  	_ =	swait.ge [sflag:s29], $0x80  }
0x66: {  	[sflag:s29] =	ssyncset.done $0x0  }
0x67: {  	[sflag:s29] =	ssyncadd.s32 $0xFFFFFF80  }
0x68: {  	[tilespmem:s24], [sflag:$0x1] =	stream.indirect.gather [hbm4b:s1+s11], $0x80, s10, s11, $0xb8;
	[tilespmem:$0x1F600] =	vst v63  }
0x69: {  	_ =	swait.ge [sflag:s12], $0x80  }
0x6a: {  	[sflag:s12] =	ssyncset.done $0x0  }
0x6b: {  	s10 =	simm.s32 $0x0;
	[sflag:s12] =	ssyncadd.s32 $0xFFFFFF80  }
0x6c: {  	[tilespmem:s13], [sflag:$0x2] =	stream.indirect.gather [hbm4b:s1+s11], $0x80, s17, s11, $0xb8;
	[tilespmem:$0x1F600] =	vst v63  }
.LBB2_4:
0x6d: {  	p0 =	seq.s32 s10, $0x1B  }
0x6e: {  	s3 =	smul.u32 @!p0 $0x180, s10;
	_ =	sdelay $0x1  }
0x6f: {  	s3 =	sadd.s32 @!p0 $0x180, s3  }
0x70: {  	s17 =	sand.u32 @!p0 $0x7C00, s3  }
0x71: {  	s3 =	sand.u32 @!p0 $0x380, s3;
	s17 =	sadd.s32 @!p0 s8, s17  }
0x72: {  	_ =	swait.ge [sflag:s14], $0x3C00;
	s3 =	sor.u32 @!p0 s3, s17  }
0x73: {  	[sflag:s14] =	ssyncset.done $0x0;
	s25 =	simm.s32 @!p0 $0x13C00;
	s3 =	sshrl.u32 @!p0 s3, $0x3  }
0x74: {  	[sflag:s14] =	ssyncadd.s32 $0xFFFFC400;
	s17 =	simm.s32 @!p0 $0x0;
	s3 =	sadd.s32 @!p0 s5, s3  }
0x75: {  	[tilespmem:s25], [sflag:$0x7] =	stream.linear.gather @!p0 [hbm4b:s3+s17], $0x80, $0x38;
	[tilespmem:$0x1F600] =	vst v63  }
0x76: {  	_ =	swait.ge [sflag:s16], $0x80  }
0x77: {  	[sflag:s16] =	ssyncset.done $0x0  }
0x78: {  	[sflag:s16] =	ssyncadd.s32 $0xFFFFFF80  }
0x79: {  	_ =	swait.ge [sflag:s16], $0x80  }
0x7a: {  	v1 =	vmov s9;
	[sflag:s16] =	ssyncset.done $0x0  }
0x7b: {  	s3 =	simm.s32 $0x14240;
	[sflag:s16] =	ssyncadd.s32 $0xFFFFFF80  }
0x7c: {  	v5 =	vld [tilespmem:s3+$0x30]  }
0x7d: {  	v8 =	vld [tilespmem:s3+$0x10]  }
0x7e: {  	v6 =	vld [tilespmem:s3+$0xFFFFFFC0]  }
0x7f: {  	v2 =	vld.idx.msk [tilespmem:v1+s31+$0x0], $0xffff  }
0x80: {  	v10 =	vld [tilespmem:s3+$0xFFFFFFE0]  }
0x81: {  	v1 =	vld [tilespmem:s3+$0xFFFFFFF0]  }
0x82: {  	v3 =	vld [tilespmem:s3+$0x20]  }
0x83: {  	v4 =	vld [tilespmem:s3+$0xFFFFFFD0]  }
0x84: {  	v9 =	vmul.f32 v5, v2;
	v5 =	vld [tilespmem:s3+$0x0]  }
0x85: {  	v7 =	vmul.f32 v6, v2  }
0x86: {  	s17 =	simm.s32 $0x1;
	s25 =	simm.s32 $0x14240;
	v6 =	vmul.f32 v10, v2;
	v8 =	vmul.f32 v8, v2  }
.LBB2_5:
0x87: {  	p1 =	sne.s32 s17, $0x77  }
0x88: {  	v4 =	vmul.f32 v4, v2;
	v3 =	vmul.f32 v3, v2;
	[tilespmem:s3+$0x30] =	vst v9;
	s25 =	sadd.s32 $0x80, s25;
	s28 =	smov.u32 s17;
	s17 =	sadd.s32 $0x1, s17  }
0x89: {  	[tilespmem:s3+$0xFFFFFFC0] =	vst v7;
	v7 =	vmul.f32 v1, v2;
	v2 =	vmul.f32 v5, v2  }
0x8a: {  	[tilespmem:s3+$0x10] =	vst v8  }
0x8b: {  	v5 =	vmov s28;
	[tilespmem:s3+$0xFFFFFFE0] =	vst v6  }
0x8c: {  	v1 =	vld [tilespmem:s25+$0xFFFFFFF0];
	[tilespmem:s3+$0xFFFFFFF0] =	vst v7  }
0x8d: {  	v6 =	vld [tilespmem:s25+$0x30];
	[tilespmem:s3+$0x0] =	vst v2  }
0x8e: {  	v8 =	vld [tilespmem:s25+$0x10];
	[tilespmem:s3+$0x20] =	vst v3  }
0x8f: {  	v7 =	vld [tilespmem:s25+$0xFFFFFFC0];
	[tilespmem:s3+$0xFFFFFFD0] =	vst v4;
	s3 =	smov.u32 s25  }
0x90: {  	v2 =	vld.idx.msk [tilespmem:v5+s31+$0x0], $0xffff  }
0x91: {  	v10 =	vld [tilespmem:s25+$0xFFFFFFE0]  }
0x92: {  	v3 =	vld [tilespmem:s25+$0x20]  }
.Ltmp3:
0x93: {  	v4 =	vld [tilespmem:s25+$0xFFFFFFD0];
	(pc) =	sbr.rel @p1 .LBB2_5-.Ltmp3, $3  }
0x94: {  	v5 =	vld [tilespmem:s25+$0x0];
	_ =	sdelay $0x1  }
0x95: {  	v7 =	vmul.f32 v7, v2;
	v9 =	vmul.f32 v6, v2  }
0x96: {  	v8 =	vmul.f32 v8, v2;
	v6 =	vmul.f32 v10, v2  }
0x97: {  	[tilespmem:s3+$0x30] =	vst v9  }
0x98: {  	[tilespmem:s3+$0xFFFFFFC0] =	vst v7  }
0x99: {  	v1 =	vmul.f32 v1, v2;
	[tilespmem:s3+$0x10] =	vst v8  }
0x9a: {  	v3 =	vmul.f32 v3, v2;
	[tilespmem:s3+$0xFFFFFFE0] =	vst v6  }
0x9b: {  	v5 =	vmul.f32 v5, v2;
	[tilespmem:s3+$0xFFFFFFF0] =	vst v1  }
0x9c: {  	s25 =	smul.u32 $0x180, s10;
	v1 =	vmul.f32 v4, v2;
	[tilespmem:s3+$0x20] =	vst v3  }
0x9d: {  	[tilespmem:s3+$0x0] =	vst v5  }
0x9e: {  	s17 =	simm.s32 $0x13E00;
	s29 =	sadd.s32 $0x100, s25;
	[tilespmem:s3+$0xFFFFFFD0] =	vst v1  }
0x9f: {  	[spmem:s2] =	stream.indirect.scatter.add.f32 [tilespmem:s24], [sflag:$0x4], $0x80, s17, s11, $0xb8;
	[tilespmem:$0x1F600] =	vst v63  }
0xa0: {  	p1 =	seq.s32 s10, $0x0;
	s17 =	sand.u32 $0x7C00, s29  }
0xa1: {  	s28 =	simm.s32 @!p1 $0x6;
	s3 =	sand.u32 $0x380, s29;
	s17 =	sadd.s32 s8, s17  }
0xa2: {  	_ =	swait.ge @!p1 [sflag:s28], $0x3C00;
	s3 =	sor.u32 s3, s17  }
0xa3: {  	[sflag:s28] =	ssyncset.done @!p1 $0x0;
	s3 =	sshrl.u32 s3, $0x3  }
0xa4: {  	[sflag:s28] =	ssyncadd.s32 @!p1 $0xFFFFC400;
	s29 =	sadd.s32 s6, s3  }
0xa5: {  	[tilespmem:s26], [sflag:$0xC] =	stream.linear.gather [hbm4b:s29+s4], $0x80, $0x38;
	[tilespmem:$0x1F600] =	vst v63  }
0xa6: {  	s3 =	sadd.s32 s7, s3;
	s29 =	simm.s32 $0x14100  }
0xa7: {  	[tilespmem:s29], [sflag:$0xC] =	stream.linear.gather [hbm4b:s3+s4], $0x80, $0x38;
	[tilespmem:$0x1F600] =	vst v63  }
0xa8: {  	s3 =	sadd.s32 @!p0 $0x200, s25;
	_ =	swait.ge [sflag:s18], $0x80  }
0xa9: {  	s29 =	simm.s32 $0x13D00;
	s17 =	sand.u32 @!p0 $0x7C00, s3;
	[sflag:s18] =	ssyncset.done $0x0  }
0xaa: {  	s3 =	sand.u32 @!p0 $0x380, s3;
	s17 =	sadd.s32 @!p0 s8, s17;
	[sflag:s18] =	ssyncadd.s32 $0xFFFFFF80  }
0xab: {  	[tilespmem:s19], [sflag:$0x3] =	stream.indirect.gather [hbm4b:s1+s11], $0x80, s29, s11, $0xb8;
	[tilespmem:$0x1F600] =	vst v63  }
0xac: {  	s3 =	sor.u32 @!p0 s3, s17;
	_ =	swait.ge [sflag:s20], $0x3C00  }
0xad: {  	s28 =	simm.s32 @!p0 $0x13C80;
	s3 =	sshrl.u32 @!p0 s3, $0x3;
	[sflag:s20] =	ssyncset.done $0x0  }
0xae: {  	s17 =	simm.s32 @!p0 $0x0;
	s3 =	sadd.s32 @!p0 s5, s3;
	[sflag:s20] =	ssyncadd.s32 $0xFFFFC400  }
0xaf: {  	[tilespmem:s28], [sflag:$0x8] =	stream.linear.gather @!p0 [hbm4b:s3+s17], $0x80, $0x38;
	[tilespmem:$0x1F600] =	vst v63  }
0xb0: {  	s17 =	simm.s32 $0x0  }
0xb1: {  	_ =	swait.ge [sflag:s21], $0x80;
	v1 =	vmov s17  }
0xb2: {  	[sflag:s21] =	ssyncset.done $0x0;
	v1 =	vand.u32 $0x7F, v1  }
0xb3: {  	[sflag:s21] =	ssyncadd.s32 $0xFFFFFF80;
	v1 =	vor.u32 $0x80, v1  }
0xb4: {  	_ =	swait.ge [sflag:s21], $0x80;
	v1 =	vbroadcast v1, $0x0  }
0xb5: {  	[sflag:s21] =	ssyncset.done $0x0  }
0xb6: {  	s3 =	simm.s32 $0x17E40;
	[sflag:s21] =	ssyncadd.s32 $0xFFFFFF80  }
0xb7: {  	v5 =	vld [tilespmem:s3+$0x30]  }
0xb8: {  	v8 =	vld [tilespmem:s3+$0x10]  }
0xb9: {  	v6 =	vld [tilespmem:s3+$0xFFFFFFC0]  }
0xba: {  	v2 =	vld.idx.msk [tilespmem:v1+s31+$0x0], $0xffff  }
0xbb: {  	v11 =	vld [tilespmem:s3+$0xFFFFFFE0]  }
0xbc: {  	v3 =	vld [tilespmem:s3+$0x20]  }
0xbd: {  	v4 =	vld [tilespmem:s3+$0xFFFFFFD0]  }
0xbe: {  	v1 =	vld [tilespmem:s3+$0xFFFFFFF0]  }
0xbf: {  	v9 =	vmul.f32 v5, v2;
	v5 =	vld [tilespmem:s3+$0x0]  }
0xc0: {  	s29 =	simm.s32 $0x1;
	v7 =	vmul.f32 v6, v2  }
0xc1: {  	v10 =	vmov s29;
	s28 =	simm.s32 $0x2;
	s17 =	simm.s32 $0x17E40;
	v6 =	vmul.f32 v11, v2;
	v8 =	vmul.f32 v8, v2  }
.LBB2_7:
0xc2: {  	p1 =	sne.s32 s28, $0x77  }
0xc3: {  	v10 =	vand.u32 $0x7F, v10;
	v4 =	vmul.f32 v4, v2;
	v3 =	vmul.f32 v3, v2;
	[tilespmem:s3+$0x30] =	vst v9;
	s17 =	sadd.s32 $0x80, s17;
	s29 =	smov.u32 s28;
	s28 =	sadd.s32 $0x1, s28  }
0xc4: {  	v9 =	vor.u32 $0x80, v10;
	[tilespmem:s3+$0xFFFFFFC0] =	vst v7;
	v7 =	vmul.f32 v1, v2;
	v2 =	vmul.f32 v5, v2  }
0xc5: {  	v5 =	vbroadcast v9, $0x0;
	[tilespmem:s3+$0x10] =	vst v8  }
0xc6: {  	[tilespmem:s3+$0xFFFFFFE0] =	vst v6  }
0xc7: {  	v1 =	vld [tilespmem:s17+$0xFFFFFFF0];
	[tilespmem:s3+$0xFFFFFFF0] =	vst v7  }
0xc8: {  	v6 =	vld [tilespmem:s17+$0x30];
	[tilespmem:s3+$0x0] =	vst v2  }
0xc9: {  	v8 =	vld [tilespmem:s17+$0x10];
	[tilespmem:s3+$0x20] =	vst v3  }
0xca: {  	v7 =	vld [tilespmem:s17+$0xFFFFFFC0];
	[tilespmem:s3+$0xFFFFFFD0] =	vst v4;
	s3 =	smov.u32 s17  }
0xcb: {  	v2 =	vld.idx.msk [tilespmem:v5+s31+$0x0], $0xffff  }
0xcc: {  	v11 =	vld [tilespmem:s17+$0xFFFFFFE0]  }
0xcd: {  	v3 =	vld [tilespmem:s17+$0x20]  }
.Ltmp4:
0xce: {  	v4 =	vld [tilespmem:s17+$0xFFFFFFD0];
	(pc) =	sbr.rel @p1 .LBB2_7-.Ltmp4, $3  }
0xcf: {  	v5 =	vld [tilespmem:s17+$0x0];
	_ =	sdelay $0x1  }
0xd0: {  	v7 =	vmul.f32 v7, v2;
	v9 =	vmul.f32 v6, v2  }
0xd1: {  	v10 =	vmov s29;
	v8 =	vmul.f32 v8, v2;
	v6 =	vmul.f32 v11, v2  }
0xd2: {  	[tilespmem:s3+$0xFFFFFFC0] =	vst v7;
	v7 =	vand.u32 $0x7F, v10  }
0xd3: {  	[tilespmem:s3+$0x30] =	vst v9;
	v7 =	vor.u32 $0x80, v7  }
0xd4: {  	v1 =	vmul.f32 v1, v2;
	[tilespmem:s3+$0xFFFFFFE0] =	vst v6;
	v6 =	vbroadcast v7, $0x0  }
0xd5: {  	s17 =	sadd.s32 $0x80, s17;
	[tilespmem:s3+$0x10] =	vst v8;
	v5 =	vmul.f32 v5, v2  }
0xd6: {  	v3 =	vmul.f32 v3, v2;
	v7 =	vld [tilespmem:s17+$0xFFFFFFF0];
	[tilespmem:s3+$0xFFFFFFF0] =	vst v1  }
0xd7: {  	v2 =	vmul.f32 v4, v2;
	v1 =	vld [tilespmem:s17+$0x30];
	[tilespmem:s3+$0x0] =	vst v5  }
0xd8: {  	v4 =	vld [tilespmem:s17+$0x10];
	[tilespmem:s3+$0x20] =	vst v3  }
0xd9: {  	v3 =	vld [tilespmem:s17+$0xFFFFFFC0];
	[tilespmem:s3+$0xFFFFFFD0] =	vst v2  }
0xda: {  	v2 =	vld.idx.msk [tilespmem:v6+s31+$0x0], $0xffff;
	_ =	sdelay $0x2  }
0xdb: {  	v5 =	vld [tilespmem:s17+$0xFFFFFFE0];
	_ =	sdelay $0x1  }
0xdc: {  	v6 =	vld [tilespmem:s17+$0x0];
	v1 =	vmul.f32 v1, v2  }
0xdd: {  	v8 =	vld [tilespmem:s17+$0x20];
	v3 =	vmul.f32 v3, v2  }
0xde: {  	v9 =	vld [tilespmem:s17+$0xFFFFFFD0];
	v4 =	vmul.f32 v4, v2;
	[tilespmem:s17+$0x30] =	vst v1  }
0xdf: {  	v1 =	vmul.f32 v5, v2;
	[tilespmem:s17+$0xFFFFFFC0] =	vst v3  }
0xe0: {  	v3 =	vmul.f32 v7, v2;
	[tilespmem:s17+$0x10] =	vst v4  }
0xe1: {  	v4 =	vmul.f32 v6, v2;
	[tilespmem:s17+$0xFFFFFFE0] =	vst v1  }
0xe2: {  	v1 =	vmul.f32 v8, v2;
	[tilespmem:s17+$0xFFFFFFF0] =	vst v3  }
0xe3: {  	p1 =	sne.s32 s10, $0x1B;
	v2 =	vmul.f32 v9, v2;
	[tilespmem:s17+$0x0] =	vst v4  }
0xe4: {  	s3 =	sadd.s32 @p1 $0x180, s25;
	[tilespmem:s17+$0x20] =	vst v1  }
0xe5: {  	[tilespmem:s17+$0xFFFFFFD0] =	vst v2;
	s17 =	sand.u32 @p1 $0x7C00, s3  }
0xe6: {  	[spmem:s2] =	stream.indirect.scatter.add.f32 [tilespmem:s13], [sflag:$0x5], $0x80, s0, s11, $0xb8;
	[tilespmem:$0x1F600] =	vst v63  }
0xe7: {  	s3 =	sand.u32 @p1 $0x380, s3;
	s17 =	sadd.s32 @p1 s8, s17  }
0xe8: {  	_ =	swait.ge [sflag:s22], $0x3C00;
	s3 =	sor.u32 @p1 s3, s17  }
0xe9: {  	s28 =	simm.s32 @p1 $0x0;
	[sflag:s22] =	ssyncset.done $0x0;
	s3 =	sshrl.u32 @p1 s3, $0x3  }
0xea: {  	s29 =	simm.s32 @p1 $0x13E00;
	[sflag:s22] =	ssyncadd.s32 $0xFFFFC400;
	s17 =	sadd.s32 @p1 s6, s3  }
0xeb: {  	[tilespmem:s29], [sflag:$0xA] =	stream.linear.gather @p1 [hbm4b:s17+s28], $0x80, $0x38;
	[tilespmem:$0x1F600] =	vst v63  }
0xec: {  	s3 =	sadd.s32 @p1 s7, s3;
	s17 =	simm.s32 @p1 $0x14000  }
0xed: {  	[tilespmem:s17], [sflag:$0xA] =	stream.linear.gather @p1 [hbm4b:s3+s28], $0x80, $0x38;
	[tilespmem:$0x1F600] =	vst v63  }
0xee: {  	s3 =	simm.s32 @p1 $0x7  }
0xef: {  	_ =	swait.ge @p1 [sflag:s3], $0x80  }
0xf0: {  	s29 =	simm.s32 @p1 $0x14200;
	[sflag:s3] =	ssyncset.done @p1 $0x0  }
0xf1: {  	s17 =	simm.s32 @p1 $0x13C00;
	[sflag:s3] =	ssyncadd.s32 @p1 $0xFFFFFF80;
	s3 =	simm.s32 @p1 $0x78  }
0xf2: {  	[tilespmem:s29], [sflag:$0x1] =	stream.indirect.gather @p1 [hbm4b:s1+s3], $0x80, s17, s3, $0xb8;
	[tilespmem:$0x1F600] =	vst v63  }
0xf3: {  	s3 =	sadd.s32 @p1 $0x280, s25  }
0xf4: {  	s17 =	sand.u32 @p1 $0x7C00, s3  }
0xf5: {  	s29 =	simm.s32 @p1 $0x3;
	s3 =	sand.u32 @p1 $0x380, s3;
	s17 =	sadd.s32 @p1 s8, s17  }
0xf6: {  	_ =	swait.ge @p1 [sflag:s29], $0x3C00;
	s3 =	sor.u32 @p1 s3, s17  }
0xf7: {  	[sflag:s29] =	ssyncset.done @p1 $0x0;
	s3 =	sshrl.u32 @p1 s3, $0x3  }
0xf8: {  	[sflag:s29] =	ssyncadd.s32 @p1 $0xFFFFC400;
	s17 =	simm.s32 @p1 $0x13D00;
	s3 =	sadd.s32 @p1 s5, s3  }
0xf9: {  	[tilespmem:s17], [sflag:$0x9] =	stream.linear.gather @p1 [hbm4b:s3+s28], $0x80, $0x38;
	[tilespmem:$0x1F600] =	vst v63  }
0xfa: {  	s3 =	simm.s32 @!p1 $0x3  }
0xfb: {  	_ =	swait.ge @!p1 [sflag:s3], $0x3C00  }
0xfc: {  	[sflag:s3] =	ssyncset.done @!p1 $0x0  }
0xfd: {  	s17 =	simm.s32 $0x0;
	[sflag:s3] =	ssyncadd.s32 @!p1 $0xFFFFC400  }
0xfe: {  	v1 =	vmov s17;
	_ =	swait.ge [sflag:s23], $0x80  }
0xff: {  	v1 =	vand.u32 $0x7F, v1;
	[sflag:s23] =	ssyncset.done $0x0  }
0x100: {  	v1 =	vor.u32 $0x100, v1;
	[sflag:s23] =	ssyncadd.s32 $0xFFFFFF80  }
0x101: {  	v1 =	vbroadcast v1, $0x0;
	_ =	swait.ge [sflag:s23], $0x80  }
0x102: {  	[sflag:s23] =	ssyncset.done $0x0  }
0x103: {  	s3 =	simm.s32 $0x1BA40;
	[sflag:s23] =	ssyncadd.s32 $0xFFFFFF80  }
0x104: {  	v5 =	vld [tilespmem:s3+$0x30]  }
0x105: {  	v8 =	vld [tilespmem:s3+$0x10]  }
0x106: {  	v6 =	vld [tilespmem:s3+$0xFFFFFFC0]  }
0x107: {  	v2 =	vld.idx.msk [tilespmem:v1+s31+$0x0], $0xffff  }
0x108: {  	v11 =	vld [tilespmem:s3+$0xFFFFFFE0]  }
0x109: {  	v1 =	vld [tilespmem:s3+$0xFFFFFFF0]  }
0x10a: {  	v3 =	vld [tilespmem:s3+$0x20]  }
0x10b: {  	v4 =	vld [tilespmem:s3+$0xFFFFFFD0]  }
0x10c: {  	v9 =	vmul.f32 v5, v2;
	v5 =	vld [tilespmem:s3+$0x0]  }
0x10d: {  	s29 =	simm.s32 $0x1;
	v7 =	vmul.f32 v6, v2  }
0x10e: {  	v10 =	vmov s29;
	s28 =	simm.s32 $0x2;
	s17 =	simm.s32 $0x1BA40;
	v6 =	vmul.f32 v11, v2;
	v8 =	vmul.f32 v8, v2  }
.LBB2_9:
0x10f: {  	p1 =	sne.s32 s28, $0x77  }
0x110: {  	v10 =	vand.u32 $0x7F, v10;
	v4 =	vmul.f32 v4, v2;
	v3 =	vmul.f32 v3, v2;
	[tilespmem:s3+$0x30] =	vst v9;
	s17 =	sadd.s32 $0x80, s17;
	s29 =	smov.u32 s28;
	s28 =	sadd.s32 $0x1, s28  }
0x111: {  	v9 =	vor.u32 $0x100, v10;
	[tilespmem:s3+$0xFFFFFFC0] =	vst v7;
	v7 =	vmul.f32 v1, v2;
	v2 =	vmul.f32 v5, v2  }
0x112: {  	v5 =	vbroadcast v9, $0x0;
	[tilespmem:s3+$0x10] =	vst v8  }
0x113: {  	[tilespmem:s3+$0xFFFFFFE0] =	vst v6  }
0x114: {  	v1 =	vld [tilespmem:s17+$0xFFFFFFF0];
	[tilespmem:s3+$0xFFFFFFF0] =	vst v7  }
0x115: {  	v6 =	vld [tilespmem:s17+$0x30];
	[tilespmem:s3+$0x0] =	vst v2  }
0x116: {  	v8 =	vld [tilespmem:s17+$0x10];
	[tilespmem:s3+$0x20] =	vst v3  }
0x117: {  	v7 =	vld [tilespmem:s17+$0xFFFFFFC0];
	[tilespmem:s3+$0xFFFFFFD0] =	vst v4;
	s3 =	smov.u32 s17  }
0x118: {  	v2 =	vld.idx.msk [tilespmem:v5+s31+$0x0], $0xffff  }
0x119: {  	v11 =	vld [tilespmem:s17+$0xFFFFFFE0]  }
0x11a: {  	v3 =	vld [tilespmem:s17+$0x20]  }
.Ltmp5:
0x11b: {  	v4 =	vld [tilespmem:s17+$0xFFFFFFD0];
	(pc) =	sbr.rel @p1 .LBB2_9-.Ltmp5, $3  }
0x11c: {  	v5 =	vld [tilespmem:s17+$0x0];
	_ =	sdelay $0x1  }
0x11d: {  	v7 =	vmul.f32 v7, v2;
	v9 =	vmul.f32 v6, v2  }
0x11e: {  	v10 =	vmov s29;
	v8 =	vmul.f32 v8, v2;
	v6 =	vmul.f32 v11, v2  }
0x11f: {  	[tilespmem:s3+$0x30] =	vst v9;
	v57 =	vand.u32 $0x7F, v10  }
0x120: {  	[tilespmem:s3+$0xFFFFFFC0] =	vst v7;
	v7 =	vor.u32 $0x100, v57  }
0x121: {  	v1 =	vmul.f32 v1, v2;
	[tilespmem:s3+$0x10] =	vst v8;
	v58 =	vbroadcast v7, $0x0  }
0x122: {  	s17 =	sadd.s32 $0x80, s17;
	[tilespmem:s3+$0xFFFFFFE0] =	vst v6;
	v5 =	vmul.f32 v5, v2  }
0x123: {  	v3 =	vmul.f32 v3, v2;
	v59 =	vld [tilespmem:s17+$0xFFFFFFF0];
	[tilespmem:s3+$0xFFFFFFF0] =	vst v1  }
0x124: {  	v2 =	vmul.f32 v4, v2;
	v1 =	vld [tilespmem:s17+$0x30];
	[tilespmem:s3+$0x0] =	vst v5  }
0x125: {  	v60 =	vld [tilespmem:s17+$0x10];
	[tilespmem:s3+$0x20] =	vst v3  }
0x126: {  	v3 =	vld [tilespmem:s17+$0xFFFFFFC0];
	[tilespmem:s3+$0xFFFFFFD0] =	vst v2  }
0x127: {  	v2 =	vld.idx.msk [tilespmem:v58+s31+$0x0], $0xffff;
	_ =	sdelay $0x2  }
0x128: {  	v61 =	vld [tilespmem:s17+$0x0]  }
0x129: {  	v5 =	vld [tilespmem:s17+$0xFFFFFFE0]  }
0x12a: {  	v1 =	vmul.f32 v1, v2  }
0x12b: {  	v8 =	vld [tilespmem:s17+$0x20];
	v3 =	vmul.f32 v3, v2  }
0x12c: {  	v62 =	vld [tilespmem:s17+$0xFFFFFFD0];
	v4 =	vmul.f32 v60, v2;
	[tilespmem:s17+$0x30] =	vst v1  }
0x12d: {  	v63 =	vmul.f32 v61, v2;
	[tilespmem:s17+$0xFFFFFFC0] =	vst v3  }
0x12e: {  	v1 =	vmul.f32 v5, v2;
	[tilespmem:s17+$0x10] =	vst v4  }
0x12f: {  	v3 =	vmul.f32 v59, v2;
	[tilespmem:s17+$0x0] =	vst v63  }
0x130: {  	[tilespmem:s17+$0xFFFFFFE0] =	vst v1;
	v1 =	vmul.f32 v8, v2  }
0x131: {  	[tilespmem:s17+$0xFFFFFFF0] =	vst v3;
	v2 =	vmul.f32 v62, v2  }
0x132: {  	[tilespmem:s17+$0x20] =	vst v1  }
.Ltmp6:
0x133: {  	[tilespmem:s17+$0xFFFFFFD0] =	vst v2;
	(pc) =	sbr.rel @p0 .LBB2_12-.Ltmp6, $4  }
0x134: {  	[spmem:s2] =	stream.indirect.scatter.add.f32 [tilespmem:s19], [sflag:$0x6], $0x80, s26, s11, $0xb8;
	[tilespmem:$0x1F600] =	vst v63  }
0x135: {  	_ =	swait.ge [sflag:s15], $0x3C00  }
0x136: {  	[sflag:s15] =	ssyncset.done $0x0  }
0x137: {  	[sflag:s15] =	ssyncadd.s32 $0xFFFFC400  }
0x138: {  	s3 =	sadd.s32 $0x200, s25  }
0x139: {  	s17 =	sand.u32 $0x7C00, s3  }
0x13a: {  	s3 =	sand.u32 $0x380, s3;
	s17 =	sadd.s32 s8, s17  }
0x13b: {  	s3 =	sor.u32 s3, s17  }
0x13c: {  	s3 =	sshrl.u32 s3, $0x3  }
0x13d: {  	s28 =	sadd.s32 s6, s3  }
0x13e: {  	[tilespmem:s0], [sflag:$0xB] =	stream.linear.gather [hbm4b:s28+s4], $0x80, $0x38;
	[tilespmem:$0x1F600] =	vst v63  }
0x13f: {  	s29 =	simm.s32 $0x14080;
	s3 =	sadd.s32 s7, s3  }
0x140: {  	[tilespmem:s29], [sflag:$0xB] =	stream.linear.gather [hbm4b:s3+s4], $0x80, $0x38;
	[tilespmem:$0x1F600] =	vst v63  }
.Ltmp7:
0x141: {  	_ = 	snop;
	(pc) =	sbr.rel .LBB2_4-.Ltmp7, $4  }
0x142: {  	_ =	swait.ge [sflag:s12], $0x80  }
0x143: {  	[sflag:s12] =	ssyncset.done $0x0  }
0x144: {  	s10 =	sadd.s32 $0x1, s10;
	[sflag:s12] =	ssyncadd.s32 $0xFFFFFF80  }
0x145: {  	[tilespmem:s13], [sflag:$0x2] =	stream.indirect.gather [hbm4b:s1+s11], $0x80, s30, s11, $0xb8;
	[tilespmem:$0x1F600] =	vst v63  }
.LBB2_13:
0x146: {  	_ =	sfence.sel $0x180000  }
0x147: {  	[bflag:$0x0] =	sbarrier.arrive $0xFFFF  }
0x148: {  	_ =	strace $0x9000004A  }
0x149: {  	s0 =	stileid.u32;
	[bflag:$0x2] =	sbarrier.arrive $0xFFFF  }
0x14a: {  	p0 =	sne.s32 s0, $0x0;
	s0 =	rddreg [dreg:$0x3]  }
0x14b: {  	s0 =	sadd.s32 @!p0 $0x100000, s0  }
0x14c: {  	[sflag:s0] =	ssyncadd.tile.s32 @!p0 $0x1;
	_ =	shalt  }
.Lfunc_end2:
_tile_overlayer_lowered:
.L_overlay_start_2:
0x14d: {  	(tag) =	ssettag $0x2  }
0x14e: {  	s0 =	rddreg [dreg:$0x0];
	s2 =	stileid.u32  }
0x14f: {  	s1 =	rddreg [dreg:$0x1];
	p0 =	sne.s32 s2, $0x0  }
0x150: {  	s3 =	rddreg [dreg:$0x2];
	[bflag:$0x3] =	sbarrier.arrive $0xFFFF;
	s2 =	simm.s32 @!p0 $0x1C0D  }
0x151: {  	[timem:s3], [sflag:s2] =	dma.local @!p0 [hbm:s0], s1  }
0x152: {  	s0 =	simm.s32 @!p0 $0xD  }
0x153: {  	_ =	swait.ge @!p0 [sflag:s0], s1  }
0x154: {  	s1 =	ssub.s32 @!p0 $0x0, s1;
	[sflag:s0] =	ssyncset.done @!p0 $0x0  }
0x155: {  	[sflag:s0] =	ssyncadd.s32 @!p0 s1  }
0x156: {  	[bflag:$0x3] =	sbarrier.arrive $0xFFFF  }
0x157: {  	_ =	shalt  }

// kernel: kernel.14.cloned.1.call-start
scs
__scs_entry_jumppad:
0x0: {  	(pc) =	sbr.rel $0x88, $3  }
0x1: {  	(tag) =	ssettag $0x0;
	lr =	simm.s32 $0x1  }
0x2: {  	[smem:$0x3F9A] =	sst lr;
	_ =	strace $0xD0000000  }
0x3: {  	_ = 	snop  }
0x4: {  	_ = 	snop  }
0x5: {  	_ = 	snop  }
0x6: {  	_ = 	snop  }
0x7: {  	_ = 	snop  }
__scs_overlays_trampoline_lowered:
0x8: {  	[smem:$0x3FA9] =	sst s0  }
0x9: {  	[smem:$0x3FAA] =	sst s1  }
0xa: {  	[smem:$0x3FAB] =	sst s2  }
0xb: {  	[smem:$0x3FAC] =	sst s3  }
0xc: {  	[smem:$0x3FAD] =	sst s4  }
0xd: {  	[smem:$0x3FAE] =	sst s5  }
0xe: {  	[smem:$0x3FAF] =	sst s6  }
0xf: {  	[smem:$0x3FB0] =	sst s7  }
0x10: {  	[smem:$0x3FB1] =	sst s8  }
0x11: {  	[smem:$0x3FB2] =	sst s9;
	s0 =	simm.s32 @!p0 $0x0  }
0x12: {  	s1 =	sld [smem:$0x3F98];
	s0 =	simm.s32 @p0 $0x1  }
0x13: {  	[smem:$0x3FB3] =	sst s0;
	s0 =	simm.s32 @!p1 $0x0  }
0x14: {  	s2 =	sld [smem:$0x3F97];
	s0 =	simm.s32 @p1 $0x1  }
0x15: {  	[smem:$0x3FB4] =	sst s0;
	s0 =	simm.s32 @!p2 $0x0  }
0x16: {  	s3 =	sld [smem:$0x3FDB];
	s0 =	simm.s32 @p2 $0x1  }
0x17: {  	s4 =	simm.s32 $0x1BF5;
	[smem:$0x3FB6] =	sst s0  }
0x18: {  	s0 =	sld [smem:$0x3F99];
	_ =	swait.ge [sflag:s4], $0x0  }
0x19: {  	s7 =	sld [smem:$0x3F9A]  }
0x1a: {  	s8 =	sadd.s32 $0xFFFFE003, lr  }
0x1b: {  	s9 =	sadd.s32 $0xFFFFFEF7, lr;
	s5 =	simm.s32 $0xFFFFFFFF;
	p2 =	slt.u32 s8, $0xFFFFF086  }
0x1c: {  	p1 =	slt.u32 s9, $0xF7A;
	s5 =	simm.s32 @!p2 $0x0  }
0x1d: {  	s5 =	simm.s32 @p1 $0x1;
	p0 =	seq.s32 s7, s2  }
0x1e: {  	s7 =	smul.u32 @!p0 $0xF7A, s2;
	p2 =	seq.s32 @!p0 s5, $0x0  }
0x1f: {  	s9 =	smul.u32 $0xF7A, s1;
	s8 =	simm.s32 @!p0 $0x1BF5;
	p2 =	por !p2, p0  }
0x20: {  	[sflag:s8] =	ssyncset.s32 @!p0 $0xFFFFF086;
	s6 =	sadd.s32 @!p0 s3, s7;
	s7 =	simm.s32 @!p0 $0x108  }
0x21: {  	s3 =	sadd.s32 s3, s9;
	s6 =	sadd.s32 @!p0 $0x88, s6;
	s7 =	simm.s32 @p2 $0x1082  }
0x22: {  	[simem:s7], [sflag:s8] =	dma.local @!p0 [hbm:s6], $0xF7A  }
0x23: {  	s9 =	sor.u32 $0xD0000000, s2;
	s6 =	simm.s32 $0x108;
	_ =	swait.ge @!p0 [sflag:s8], $0x0  }
0x24: {  	s3 =	sadd.s32 $0x88, s3;
	s6 =	simm.s32 @!p1 $0x1082;
	[sflag:s4] =	ssyncset.s32 $0xFFFFF086  }
0x25: {  	[simem:s6], [sflag:s4] =	dma.local [hbm:s3], $0xF7A  }
0x26: {  	[smem:$0x3F9A] =	sst s1;
	(tag) =	ssettag s2;
	_ =	strace s9  }
0x27: {  	s1 =	sld [smem:$0x3FAA]  }
0x28: {  	s2 =	sld [smem:$0x3FAB]  }
0x29: {  	s4 =	sld [smem:$0x3FAD]  }
0x2a: {  	p0 =	seq.s32 s5, $0x0;
	s5 =	sld [smem:$0x3FAE]  }
0x2b: {  	s6 =	sld [smem:$0x3FAF]  }
0x2c: {  	s7 =	sld [smem:$0x3FB0]  }
0x2d: {  	s3 =	simm.s32 $0x108;
	s8 =	sld [smem:$0x3FB1]  }
0x2e: {  	s3 =	simm.s32 @!p0 $0x1082;
	s9 =	sld [smem:$0x3FB2]  }
0x2f: {  	lr =	sadd.s32 s0, s3;
	s0 =	sld [smem:$0x3FA9]  }
0x30: {  	s3 =	sld [smem:$0x3FAC]  }
0x31: {  	[smem:$0x3FB5] =	sst s10  }
0x32: {  	s10 =	sld [smem:$0x3FB3];
	_ =	sdelay $0x3  }
0x33: {  	p0 =	seq.s32 s10, $0x1;
	s10 =	sld [smem:$0x3FB5];
	_ =	sdelay $0x3  }
0x34: {  	[smem:$0x3FB5] =	sst s10  }
0x35: {  	s10 =	sld [smem:$0x3FB4];
	_ =	sdelay $0x3  }
0x36: {  	p1 =	seq.s32 s10, $0x1;
	s10 =	sld [smem:$0x3FB5];
	_ =	sdelay $0x3  }
0x37: {  	[smem:$0x3FB5] =	sst s10  }
0x38: {  	s10 =	sld [smem:$0x3FB6]  }
0x39: {  	_ = 	snop;
	(pc) =	sbr.ind lr, $3  }
0x3a: {  	_ = 	snop  }
0x3b: {  	_ = 	snop  }
0x3c: {  	p2 =	seq.s32 s10, $0x1;
	s10 =	sld [smem:$0x3FB5]  }
0x3d: {  	_ =	shalt  }
0x3e: {  	_ =	shalt  }
0x3f: {  	_ =	shalt  }
0x40: {  	_ =	shalt  }
0x41: {  	_ =	shalt  }
0x42: {  	_ =	shalt  }
0x43: {  	_ =	shalt  }
0x44: {  	_ =	shalt  }
0x45: {  	_ =	shalt  }
0x46: {  	_ =	shalt  }
0x47: {  	_ =	shalt  }
0x48: {  	_ =	shalt  }
0x49: {  	_ =	shalt  }
0x4a: {  	_ =	shalt  }
0x4b: {  	_ =	shalt  }
0x4c: {  	_ =	shalt  }
0x4d: {  	_ =	shalt  }
0x4e: {  	_ =	shalt  }
0x4f: {  	_ =	shalt  }
0x50: {  	_ =	shalt  }
0x51: {  	_ =	shalt  }
0x52: {  	_ =	shalt  }
0x53: {  	_ =	shalt  }
0x54: {  	_ =	shalt  }
0x55: {  	_ =	shalt  }
0x56: {  	_ =	shalt  }
0x57: {  	_ =	shalt  }
0x58: {  	_ =	shalt  }
0x59: {  	_ =	shalt  }
0x5a: {  	_ =	shalt  }
0x5b: {  	_ =	shalt  }
0x5c: {  	_ =	shalt  }
0x5d: {  	_ =	shalt  }
0x5e: {  	_ =	shalt  }
0x5f: {  	_ =	shalt  }
0x60: {  	_ =	shalt  }
0x61: {  	_ =	shalt  }
0x62: {  	_ =	shalt  }
0x63: {  	_ =	shalt  }
0x64: {  	_ =	shalt  }
0x65: {  	_ =	shalt  }
0x66: {  	_ =	shalt  }
0x67: {  	_ =	shalt  }
0x68: {  	_ =	shalt  }
0x69: {  	_ =	shalt  }
0x6a: {  	_ =	shalt  }
0x6b: {  	_ =	shalt  }
0x6c: {  	_ =	shalt  }
0x6d: {  	_ =	shalt  }
0x6e: {  	_ =	shalt  }
0x6f: {  	_ =	shalt  }
0x70: {  	_ =	shalt  }
0x71: {  	_ =	shalt  }
0x72: {  	_ =	shalt  }
0x73: {  	_ =	shalt  }
0x74: {  	_ =	shalt  }
0x75: {  	_ =	shalt  }
0x76: {  	_ =	shalt  }
0x77: {  	_ =	shalt  }
0x78: {  	_ =	shalt  }
0x79: {  	_ =	shalt  }
0x7a: {  	_ =	shalt  }
0x7b: {  	_ =	shalt  }
0x7c: {  	_ =	shalt  }
0x7d: {  	_ =	shalt  }
0x7e: {  	_ =	shalt  }
0x7f: {  	_ =	shalt  }
0x80: {  	_ =	shalt  }
0x81: {  	_ =	shalt  }
0x82: {  	_ =	shalt  }
0x83: {  	_ =	shalt  }
0x84: {  	_ =	shalt  }
0x85: {  	_ =	shalt  }
0x86: {  	_ =	shalt  }
0x87: {  	_ =	shalt  }
.Lfunc_end0:
.L_simem_size_0:
called_computation.2_lowered:
.L_overlay_start_0:
0x88: {  	s2 =	sld [smem:$0x3FD9]  }
0x89: {  	s3 =	sld [smem:$0x3FFE];
	_ =	sdelay $0x1  }
0x8a: {  	s1 =	srdreg.scid  }
0x8b: {  	s0 =	sand.u32 $0x1, s1  }
0x8c: {  	s17 =	sshll.u32 s0, $0xA;
	s2 =	sadd.s32 s3, s2  }
0x8d: {  	s2 =	sadd.s32 s2, s17  }
0x8e: {  	[smem:$0x3FC1] =	sst s2  }
0x8f: {  	_ = 	snop  }
0x90: {  	s2 =	sld [smem:$0x3FD0];
	(tm) =	ssettm $0x1  }
0x91: {  	s18 =	sld [smem:$0x3FFB];
	_ =	sdelay $0x3  }
0x92: {  	_ =	strace s18  }
0x93: {  	s3 =	sld [smem:$0x3FFC];
	_ =	sdelay $0x3  }
0x94: {  	_ =	strace s3  }
0x95: {  	s3 =	sld [smem:$0x3FFD];
	_ =	sdelay $0x3  }
0x96: {  	_ =	strace s3  }
0x97: {  	_ =	strace $0x8FFFFFFF  }
0x98: {  	s19 =	sld [smem:$0x3FDB];
	_ =	sdelay $0x1  }
0x99: {  	s4 =	simm.s32 $_scs_section_size  }
0x9a: {  	s5 =	simm.s32 $_size__tile_overlayer_lowered;
	s6 =	simm.s32 $_tile_overlayer_lowered  }
0x9b: {  	s22 =	simm.s32 $0x1BFF;
	s21 =	sshll.u32 s6, $0x1;
	s3 =	sadd.s32 s4, s19  }
0x9c: {  	s7 =	simm.s32 $0x0;
	s20 =	sshll.u32 s5, $0x1;
	s5 =	sadd.s32 s21, s3  }
0x9d: {  	[timem:s7], [sflag:s22] =	dma.local [hbm:s5], s20  }
0x9e: {  	_ =	swait.ge [sflag:s22], s20  }
0x9f: {  	s4 =	ssub.s32 $0x0, s20;
	[sflag:s22] =	ssyncset.done $0x0  }
0xa0: {  	[sflag:s22] =	ssyncadd.s32 s4;
	_ =	sdelay $0x1  }
0xa1: {  	s23 =	simm.s32 $0x1B8B  }
0xa2: {  	_ =	swait.ge [sflag:s23], $0x1  }
0xa3: {  	[sflag:s23] =	ssyncset.done $0x0  }
0xa4: {  	s25 =	simm.s32 $0x1B8E;
	s24 =	sld [smem:$0x3FFE];
	[sflag:s23] =	ssyncadd.s32 $0xFFFFFFFF  }
0xa5: {  	s26 =	simm.s32 $execute0_lowered;
	[smem:$0x3FD2] =	sst s25  }
0xa6: {  	s5 =	sshll.u32 s26, $0x1;
	_ =	strace $0x8000004C;
	[dreg:$0x1] =	wrdreg $0xFFFFFFFF  }
0xa7: {  	s28 =	simm.s32 $_size_execute0_lowered;
	s3 =	sadd.s32 s3, s5;
	[dreg:$0x0] =	wrdreg $0x0  }
0xa8: {  	s5 =	sshll.u32 s28, $0x1;
	[dreg:$0x2] =	wrdreg s3  }
0xa9: {  	[dreg:$0x3] =	wrdreg s5  }
0xaa: {  	[dreg:$0x4] =	wrdreg $0xC0  }
0xab: {  	_ =	task [dreg:s7], $0x5FFFF  }
0xac: {  	[dreg:$0x1] =	wrdreg $0xFFFFFFFF  }
0xad: {  	[dreg:$0x0] =	wrdreg $0x60  }
0xae: {  	[dreg:$0x2] =	wrdreg s2  }
0xaf: {  	[dreg:$0x3] =	wrdreg s24  }
0xb0: {  	[dreg:$0x4] =	wrdreg $0x0  }
0xb1: {  	[dreg:$0x5] =	wrdreg $0x9  }
0xb2: {  	_ =	task.clear_ibuf [dreg:s7], $0x6FFFF;
	_ =	strace $0x9000004C  }
0xb3: {  	s29 =	simm.s32 $0x9;
	_ =	strace $0x8000004E  }
0xb4: {  	_ =	swait.ge [sflag:s29], $0x1  }
0xb5: {  	[sflag:s29] =	ssyncadd.s32 $0xFFFFFFFF  }
0xb6: {  	_ =	strace $0x9000004E  }
0xb7: {  	_ =	sfence  }
0xb8: {  	s30 =	sld [smem:$0x0];
	_ =	sdelay $0x2  }
0xb9: {  	s31 =	sshll.u32 s1, $0xD;
	s1 =	sshrl.u32 s1, $0x2  }
0xba: {  	s3 =	sand.u32 $0x4000, s31;
	s1 =	sadd.s32 s1, s30  }
0xbb: {  	s0 =	sor.u32 s3, s0;
	s1 =	sshll.u32 s1, $0x11  }
0xbc: {  	s0 =	sor.u32 s1, s0  }
0xbd: {  	s0 =	sadd.s32 $0x8F2B, s0  }
0xbe: {  	[sflag:s0] =	ssyncadd.remote.s32 $0x1  }
0xbf: {  	_ =	sfence.sel $0xFFFF  }
0xc0: {  	[dreg:$0x0] =	wrdreg $0xFFFFFFFF;
	(pc) =	sbr.abs _section_cstart, $3  }
0xc1: {  	[dreg:$0x1] =	wrdreg $0xFFFFFFFF  }
0xc2: {  	_ =	task.clear_ibuf [dreg:s7], $0x2FFFF;
	_ =	strace $0x9FFFFFFF  }
0xc3: {  	(tm) =	ssettm $0x7FFFFFFF  }
tec
execute0_lowered:
.L_overlay_start_1:
0x0: {  	(tag) =	ssettag $0x1  }
0x1: {  	s1 =	rddreg [dreg:$0x0]  }
0x2: {  	s0 =	rddreg [dreg:$0x1]  }
0x3: {  	s2 =	rddreg [dreg:$0x2];
	s4 =	simm.s32 $0x0;
	s3 =	srdreg.scid  }
0x4: {  	s12 =	stileid.u32;
	s31 =	simm.s32 $0x14000;
	s30 =	simm.s32 $0x13C80  }
0x5: {  	[smem:$0x7FF] =	sst s4;
	s3 =	sand.u32 $0x1, s3;
	s9 =	smul.u32 $0x13C00, s12  }
0x6: {  	s5 =	sadd.s32 $0x18C00, s0;
	s6 =	sadd.s32 $0xDC00, s0;
	s10 =	smul.u32 $0x4F000, s12  }
0x7: {  	s7 =	sadd.s32 $0x2C00, s0;
	s8 =	smul.u32 $0x13C000, s3;
	s13 =	sshll.u32 s3, $0x4  }
0x8: {  	_ =	strace $0x8000004D;
	s3 =	ssub.s32 $0x2, s3;
	s14 =	sor.u32 s12, s13  }
0x9: {  	s15 =	sshrl.u32 s3, $0x1;
	s10 =	sshrl.u32 s10, $0x2;
	s12 =	simm.s32 $0x8  }
0xa: {  	s13 =	simm.s32 $0x17E00;
	s8 =	sadd.s32 s9, s8;
	s17 =	sadd.s32 s10, s2  }
0xb: {  	s3 =	ssub.s32 s3, s15;
	s16 =	sadd.s32 $0x3C00, s17;
	[dreg:$0x4] =	wrdreg s17  }
0xc: {  	s15 =	simm.s32 $0x5;
	s18 =	sadd.s32 $0x7800, s17;
	[dreg:$0x5] =	wrdreg s16  }
0xd: {  	s11 =	sshrl.u32 s8, $0x3;
	s10 =	sadd.s32 $0xB400, s17;
	[dreg:$0x6] =	wrdreg s18  }
0xe: {  	s8 =	smul.u32 $0x2C00, s14;
	s20 =	sadd.s32 $0xF000, s17;
	[dreg:$0x7] =	wrdreg s10  }
0xf: {  	s22 =	sadd.s32 $0x12C00, s17;
	s29 =	smax.u32 s3, $0x1;
	[dreg:$0x8] =	wrdreg s20  }
0x10: {  	s14 =	simm.s32 $0x1;
	s0 =	sadd.s32 s11, s0;
	[dreg:$0x9] =	wrdreg s22  }
0x11: {  	[dreg:$0x12] =	wrdreg s29;
	s10 =	simm.s32 $0xD;
	s16 =	simm.s32 $0xA  }
0x12: {  	s18 =	simm.s32 $0x9;
	s19 =	sshrl.u32 s8, $0x3;
	s0 =	sadd.s32 $0x23C00, s0  }
0x13: {  	s20 =	simm.s32 $0x2;
	s23 =	sadd.s32 s5, s19;
	[dreg:$0x11] =	wrdreg s0  }
0x14: {  	s22 =	simm.s32 $0x4;
	s25 =	sadd.s32 s6, s19;
	[dreg:$0xa] =	wrdreg s23  }
0x15: {  	s21 =	sor.u32 $0x10, s19;
	s9 =	sadd.s32 s7, s19;
	[dreg:$0xd] =	wrdreg s25  }
0x16: {  	s0 =	simm.s32 $0x13E80;
	s24 =	sadd.s32 s5, s21;
	[dreg:$0xe] =	wrdreg s9  }
.Ltmp0:
0x17: {  	s11 =	sadd.s32 $0x20, s23;
	[dreg:$0xb] =	wrdreg s24;
	(pc) =	sbr.rel .LBB2_1-.Ltmp0, $4  }
0x18: {  	s19 =	simm.s32 $0x1BA00;
	s26 =	sadd.s32 s6, s21;
	[dreg:$0xc] =	wrdreg s11  }
0x19: {  	s28 =	sadd.s32 s7, s21;
	s21 =	simm.s32 $0xB;
	[dreg:$0xf] =	wrdreg s26  }
0x1a: {  	s23 =	simm.s32 $0xC;
	s9 =	simm.s32 $0x0;
	[dreg:$0x10] =	wrdreg s28  }
0x1b: {  	v0 =	vimm.f32 $0.0e+00;
	s24 =	simm.s32 $0x14200;
	s11 =	simm.s32 $0x78;
	s26 =	simm.s32 $0x13F00  }
.LBB2_12:
0x1c: {  	s3 =	simm.s32 $0x6  }
0x1d: {  	_ =	swait.ge [sflag:s3], $0x3C00  }
0x1e: {  	[sflag:s3] =	ssyncset.done $0x0  }
0x1f: {  	[sflag:s3] =	ssyncadd.s32 $0xFFFFC400  }
0x20: {  	s25 =	stileid.u32;
	[bflag:$0x0] =	sbarrier.arrive $0xFFFF  }
0x21: {  	s3 =	sshll.u32 s25, $0x6;
	s17 =	rddreg [dreg:$0x4]  }
0x22: {  	s3 =	sor.u32 $0x1C0D, s3;
	s10 =	rddreg [dreg:$0x11];
	s9 =	sshrl.u32 s17, $0x3  }
0x23: {  	[hbm:s10], [sflag:s3] =	dma.local [spmem:s9], $0x2780  }
0x24: {  	s10 =	simm.s32 $0xD  }
0x25: {  	_ =	swait.ge [sflag:s10], $0x2780  }
0x26: {  	s28 =	rddreg [dreg:$0x13]  }
0x27: {  	s29 =	rddreg [dreg:$0x12];
	s9 =	sadd.s32 $0x1, s28  }
0x28: {  	p0 =	sne.s32 s9, s29  }
.Ltmp1:
0x29: {  	_ = 	snop;
	(pc) =	sbr.rel @!p0 .LBB2_13-.Ltmp1, $3  }
0x2a: {  	_ =	sdelay $0x1  }
0x2b: {  	[sflag:s10] =	ssyncset.done $0x0  }
0x2c: {  	[sflag:s10] =	ssyncadd.s32 $0xFFFFD880  }
.LBB2_1:
0x2d: {  	[dreg:$0x13] =	wrdreg s9;
	s3 =	simm.s32 $0x0;
	s9 =	simm.s32 $0x200  }
.LBB2_2:
0x2e: {  	p0 =	sne.s32 s9, $0xEE00;
	[tilespmem:s3+$0x14270] =	vst v0  }
0x2f: {  	[tilespmem:s3+$0x14200] =	vst v0  }
0x30: {  	[tilespmem:s3+$0x14210] =	vst v0  }
.Ltmp2:
0x31: {  	[tilespmem:s3+$0x14220] =	vst v0;
	(pc) =	sbr.rel @p0 .LBB2_2-.Ltmp2, $4  }
0x32: {  	[tilespmem:s3+$0x14230] =	vst v0  }
0x33: {  	[tilespmem:s3+$0x14240] =	vst v0  }
0x34: {  	[tilespmem:s3+$0x14250] =	vst v0  }
0x35: {  	[tilespmem:s3+$0x14260] =	vst v0;
	s3 =	sshra.s32 s9, $0x2;
	s9 =	sadd.s32 $0x200, s9  }
0x36: {  	[tilespmem:s3+$0x14270] =	vst v0  }
0x37: {  	[tilespmem:s3+$0x14200] =	vst v0  }
0x38: {  	[tilespmem:s3+$0x14210] =	vst v0  }
0x39: {  	[tilespmem:s3+$0x14220] =	vst v0  }
0x3a: {  	[tilespmem:s3+$0x14230] =	vst v0  }
0x3b: {  	[tilespmem:s3+$0x14240] =	vst v0  }
0x3c: {  	[tilespmem:s3+$0x14250] =	vst v0  }
0x3d: {  	[tilespmem:s3+$0x14260] =	vst v0  }
0x3e: {  	[spmem:s17] =	stream.linear.scatter [tilespmem:s24], [sflag:$0xD], $0x3C00, $0x38;
	[tilespmem:$0x1F600] =	vst v63  }
0x3f: {  	_ =	swait.ge [sflag:s10], $0x3C00  }
0x40: {  	[sflag:s10] =	ssyncset.done $0x0  }
0x41: {  	s25 =	rddreg [dreg:$0x5];
	[sflag:s10] =	ssyncadd.s32 $0xFFFFC400  }
0x42: {  	[spmem:s25] =	stream.linear.scatter [tilespmem:s24], [sflag:$0xD], $0x3C00, $0x38;
	[tilespmem:$0x1F600] =	vst v63  }
0x43: {  	_ =	swait.ge [sflag:s10], $0x3C00  }
0x44: {  	[sflag:s10] =	ssyncset.done $0x0  }
0x45: {  	s28 =	rddreg [dreg:$0x6];
	[sflag:s10] =	ssyncadd.s32 $0xFFFFC400  }
0x46: {  	[spmem:s28] =	stream.linear.scatter [tilespmem:s24], [sflag:$0xD], $0x3C00, $0x38;
	[tilespmem:$0x1F600] =	vst v63  }
0x47: {  	_ =	swait.ge [sflag:s10], $0x3C00  }
0x48: {  	[sflag:s10] =	ssyncset.done $0x0  }
0x49: {  	s29 =	rddreg [dreg:$0x7];
	[sflag:s10] =	ssyncadd.s32 $0xFFFFC400  }
0x4a: {  	[spmem:s29] =	stream.linear.scatter [tilespmem:s24], [sflag:$0xD], $0x3C00, $0x38;
	[tilespmem:$0x1F600] =	vst v63  }
0x4b: {  	_ =	swait.ge [sflag:s10], $0x3C00  }
0x4c: {  	[sflag:s10] =	ssyncset.done $0x0  }
0x4d: {  	s9 =	rddreg [dreg:$0x8];
	[sflag:s10] =	ssyncadd.s32 $0xFFFFC400  }
0x4e: {  	[spmem:s9] =	stream.linear.scatter [tilespmem:s24], [sflag:$0xD], $0x3C00, $0x38;
	[tilespmem:$0x1F600] =	vst v63  }
0x4f: {  	_ =	swait.ge [sflag:s10], $0x3C00  }
0x50: {  	[sflag:s10] =	ssyncset.done $0x0  }
0x51: {  	s17 =	rddreg [dreg:$0x9];
	[sflag:s10] =	ssyncadd.s32 $0xFFFFC400  }
0x52: {  	[spmem:s17] =	stream.linear.scatter [tilespmem:s24], [sflag:$0xD], $0x1000, $0x38;
	[tilespmem:$0x1F600] =	vst v63  }
0x53: {  	_ =	swait.ge [sflag:s10], $0x1000  }
0x54: {  	[sflag:s10] =	ssyncset.done $0x0  }
0x55: {  	[sflag:s10] =	ssyncadd.s32 $0xFFFFF000  }
0x56: {  	[bflag:$0x0] =	sbarrier.arrive $0xFFFF  }
0x57: {  	s9 =	simm.s32 $0x0;
	s10 =	simm.s32 $0x13C00;
	s25 =	rddreg [dreg:$0xa]  }
0x58: {  	[tilespmem:s10], [sflag:$0x7] =	stream.linear.gather [hbm4b:s25+s9], $0x80, $0x38;
	[tilespmem:$0x1F600] =	vst v63  }
0x59: {  	s17 =	simm.s32 $0x13C80;
	s28 =	rddreg [dreg:$0xb]  }
0x5a: {  	[tilespmem:s17], [sflag:$0x8] =	stream.linear.gather [hbm4b:s28+s9], $0x80, $0x38;
	[tilespmem:$0x1F600] =	vst v63  }
0x5b: {  	s29 =	rddreg [dreg:$0xc];
	s25 =	simm.s32 $0x13D00  }
0x5c: {  	[tilespmem:s25], [sflag:$0x9] =	stream.linear.gather [hbm4b:s29+s9], $0x80, $0x38;
	[tilespmem:$0x1F600] =	vst v63  }
0x5d: {  	s28 =	rddreg [dreg:$0xd];
	s29 =	simm.s32 $0x13E00  }
0x5e: {  	[tilespmem:s29], [sflag:$0xA] =	stream.linear.gather [hbm4b:s28+s9], $0x80, $0x38;
	[tilespmem:$0x1F600] =	vst v63  }
0x5f: {  	s28 =	rddreg [dreg:$0xe]  }
0x60: {  	[tilespmem:s31], [sflag:$0xA] =	stream.linear.gather [hbm4b:s28+s9], $0x80, $0x38;
	[tilespmem:$0x1F600] =	vst v63  }
0x61: {  	s29 =	rddreg [dreg:$0xf]  }
0x62: {  	[tilespmem:s0], [sflag:$0xB] =	stream.linear.gather [hbm4b:s29+s9], $0x80, $0x38;
	[tilespmem:$0x1F600] =	vst v63  }
0x63: {  	s25 =	rddreg [dreg:$0x10];
	s28 =	simm.s32 $0x14080;
	s29 =	simm.s32 $0x7  }
0x64: {  	[tilespmem:s28], [sflag:$0xB] =	stream.linear.gather [hbm4b:s25+s9], $0x80, $0x38;
	[tilespmem:$0x1F600] =	vst v63  }
0x65: {  	_ =	swait.ge [sflag:s29], $0x80  }
0x66: {  	[sflag:s29] =	ssyncset.done $0x0  }
0x67: {  	[sflag:s29] =	ssyncadd.s32 $0xFFFFFF80  }
0x68: {  	[tilespmem:s24], [sflag:$0x1] =	stream.indirect.gather [hbm4b:s1+s11], $0x80, s10, s11, $0xb8;
	[tilespmem:$0x1F600] =	vst v63  }
0x69: {  	_ =	swait.ge [sflag:s12], $0x80  }
0x6a: {  	[sflag:s12] =	ssyncset.done $0x0  }
0x6b: {  	s10 =	simm.s32 $0x0;
	[sflag:s12] =	ssyncadd.s32 $0xFFFFFF80  }
0x6c: {  	[tilespmem:s13], [sflag:$0x2] =	stream.indirect.gather [hbm4b:s1+s11], $0x80, s17, s11, $0xb8;
	[tilespmem:$0x1F600] =	vst v63  }
.LBB2_4:
0x6d: {  	p0 =	seq.s32 s10, $0x1B  }
0x6e: {  	s3 =	smul.u32 @!p0 $0x180, s10;
	_ =	sdelay $0x1  }
0x6f: {  	s3 =	sadd.s32 @!p0 $0x180, s3  }
0x70: {  	s17 =	sand.u32 @!p0 $0x7C00, s3  }
0x71: {  	s3 =	sand.u32 @!p0 $0x380, s3;
	s17 =	sadd.s32 @!p0 s8, s17  }
0x72: {  	_ =	swait.ge [sflag:s14], $0x3C00;
	s3 =	sor.u32 @!p0 s3, s17  }
0x73: {  	[sflag:s14] =	ssyncset.done $0x0;
	s25 =	simm.s32 @!p0 $0x13C00;
	s3 =	sshrl.u32 @!p0 s3, $0x3  }
0x74: {  	[sflag:s14] =	ssyncadd.s32 $0xFFFFC400;
	s17 =	simm.s32 @!p0 $0x0;
	s3 =	sadd.s32 @!p0 s5, s3  }
0x75: {  	[tilespmem:s25], [sflag:$0x7] =	stream.linear.gather @!p0 [hbm4b:s3+s17], $0x80, $0x38;
	[tilespmem:$0x1F600] =	vst v63  }
0x76: {  	_ =	swait.ge [sflag:s16], $0x80  }
0x77: {  	[sflag:s16] =	ssyncset.done $0x0  }
0x78: {  	[sflag:s16] =	ssyncadd.s32 $0xFFFFFF80  }
0x79: {  	_ =	swait.ge [sflag:s16], $0x80  }
0x7a: {  	v1 =	vmov s9;
	[sflag:s16] =	ssyncset.done $0x0  }
0x7b: {  	s3 =	simm.s32 $0x14240;
	[sflag:s16] =	ssyncadd.s32 $0xFFFFFF80  }
0x7c: {  	v5 =	vld [tilespmem:s3+$0x30]  }
0x7d: {  	v8 =	vld [tilespmem:s3+$0x10]  }
0x7e: {  	v6 =	vld [tilespmem:s3+$0xFFFFFFC0]  }
0x7f: {  	v2 =	vld.idx.msk [tilespmem:v1+s31+$0x0], $0xffff  }
0x80: {  	v10 =	vld [tilespmem:s3+$0xFFFFFFE0]  }
0x81: {  	v1 =	vld [tilespmem:s3+$0xFFFFFFF0]  }
0x82: {  	v3 =	vld [tilespmem:s3+$0x20]  }
0x83: {  	v4 =	vld [tilespmem:s3+$0xFFFFFFD0]  }
0x84: {  	v9 =	vmul.f32 v5, v2;
	v5 =	vld [tilespmem:s3+$0x0]  }
0x85: {  	v7 =	vmul.f32 v6, v2  }
0x86: {  	s17 =	simm.s32 $0x1;
	s25 =	simm.s32 $0x14240;
	v6 =	vmul.f32 v10, v2;
	v8 =	vmul.f32 v8, v2  }
.LBB2_5:
0x87: {  	p1 =	sne.s32 s17, $0x77  }
0x88: {  	v4 =	vmul.f32 v4, v2;
	v3 =	vmul.f32 v3, v2;
	[tilespmem:s3+$0x30] =	vst v9;
	s25 =	sadd.s32 $0x80, s25;
	s28 =	smov.u32 s17;
	s17 =	sadd.s32 $0x1, s17  }
0x89: {  	[tilespmem:s3+$0xFFFFFFC0] =	vst v7;
	v7 =	vmul.f32 v1, v2;
	v2 =	vmul.f32 v5, v2  }
0x8a: {  	[tilespmem:s3+$0x10] =	vst v8  }
0x8b: {  	v5 =	vmov s28;
	[tilespmem:s3+$0xFFFFFFE0] =	vst v6  }
0x8c: {  	v1 =	vld [tilespmem:s25+$0xFFFFFFF0];
	[tilespmem:s3+$0xFFFFFFF0] =	vst v7  }
0x8d: {  	v6 =	vld [tilespmem:s25+$0x30];
	[tilespmem:s3+$0x0] =	vst v2  }
0x8e: {  	v8 =	vld [tilespmem:s25+$0x10];
	[tilespmem:s3+$0x20] =	vst v3  }
0x8f: {  	v7 =	vld [tilespmem:s25+$0xFFFFFFC0];
	[tilespmem:s3+$0xFFFFFFD0] =	vst v4;
	s3 =	smov.u32 s25  }
0x90: {  	v2 =	vld.idx.msk [tilespmem:v5+s31+$0x0], $0xffff  }
0x91: {  	v10 =	vld [tilespmem:s25+$0xFFFFFFE0]  }
0x92: {  	v3 =	vld [tilespmem:s25+$0x20]  }
.Ltmp3:
0x93: {  	v4 =	vld [tilespmem:s25+$0xFFFFFFD0];
	(pc) =	sbr.rel @p1 .LBB2_5-.Ltmp3, $3  }
0x94: {  	v5 =	vld [tilespmem:s25+$0x0];
	_ =	sdelay $0x1  }
0x95: {  	v7 =	vmul.f32 v7, v2;
	v9 =	vmul.f32 v6, v2  }
0x96: {  	v8 =	vmul.f32 v8, v2;
	v6 =	vmul.f32 v10, v2  }
0x97: {  	[tilespmem:s3+$0x30] =	vst v9  }
0x98: {  	[tilespmem:s3+$0xFFFFFFC0] =	vst v7  }
0x99: {  	v1 =	vmul.f32 v1, v2;
	[tilespmem:s3+$0x10] =	vst v8  }
0x9a: {  	v3 =	vmul.f32 v3, v2;
	[tilespmem:s3+$0xFFFFFFE0] =	vst v6  }
0x9b: {  	v5 =	vmul.f32 v5, v2;
	[tilespmem:s3+$0xFFFFFFF0] =	vst v1  }
0x9c: {  	s25 =	smul.u32 $0x180, s10;
	v1 =	vmul.f32 v4, v2;
	[tilespmem:s3+$0x20] =	vst v3  }
0x9d: {  	[tilespmem:s3+$0x0] =	vst v5  }
0x9e: {  	s17 =	simm.s32 $0x13E00;
	s29 =	sadd.s32 $0x100, s25;
	[tilespmem:s3+$0xFFFFFFD0] =	vst v1  }
0x9f: {  	[spmem:s2] =	stream.indirect.scatter.add.f32 [tilespmem:s24], [sflag:$0x4], $0x80, s17, s11, $0xb8;
	[tilespmem:$0x1F600] =	vst v63  }
0xa0: {  	p1 =	seq.s32 s10, $0x0;
	s17 =	sand.u32 $0x7C00, s29  }
0xa1: {  	s28 =	simm.s32 @!p1 $0x6;
	s3 =	sand.u32 $0x380, s29;
	s17 =	sadd.s32 s8, s17  }
0xa2: {  	_ =	swait.ge @!p1 [sflag:s28], $0x3C00;
	s3 =	sor.u32 s3, s17  }
0xa3: {  	[sflag:s28] =	ssyncset.done @!p1 $0x0;
	s3 =	sshrl.u32 s3, $0x3  }
0xa4: {  	[sflag:s28] =	ssyncadd.s32 @!p1 $0xFFFFC400;
	s29 =	sadd.s32 s6, s3  }
0xa5: {  	[tilespmem:s26], [sflag:$0xC] =	stream.linear.gather [hbm4b:s29+s4], $0x80, $0x38;
	[tilespmem:$0x1F600] =	vst v63  }
0xa6: {  	s3 =	sadd.s32 s7, s3;
	s29 =	simm.s32 $0x14100  }
0xa7: {  	[tilespmem:s29], [sflag:$0xC] =	stream.linear.gather [hbm4b:s3+s4], $0x80, $0x38;
	[tilespmem:$0x1F600] =	vst v63  }
0xa8: {  	s3 =	sadd.s32 @!p0 $0x200, s25;
	_ =	swait.ge [sflag:s18], $0x80  }
0xa9: {  	s29 =	simm.s32 $0x13D00;
	s17 =	sand.u32 @!p0 $0x7C00, s3;
	[sflag:s18] =	ssyncset.done $0x0  }
0xaa: {  	s3 =	sand.u32 @!p0 $0x380, s3;
	s17 =	sadd.s32 @!p0 s8, s17;
	[sflag:s18] =	ssyncadd.s32 $0xFFFFFF80  }
0xab: {  	[tilespmem:s19], [sflag:$0x3] =	stream.indirect.gather [hbm4b:s1+s11], $0x80, s29, s11, $0xb8;
	[tilespmem:$0x1F600] =	vst v63  }
0xac: {  	s3 =	sor.u32 @!p0 s3, s17;
	_ =	swait.ge [sflag:s20], $0x3C00  }
0xad: {  	s28 =	simm.s32 @!p0 $0x13C80;
	s3 =	sshrl.u32 @!p0 s3, $0x3;
	[sflag:s20] =	ssyncset.done $0x0  }
0xae: {  	s17 =	simm.s32 @!p0 $0x0;
	s3 =	sadd.s32 @!p0 s5, s3;
	[sflag:s20] =	ssyncadd.s32 $0xFFFFC400  }
0xaf: {  	[tilespmem:s28], [sflag:$0x8] =	stream.linear.gather @!p0 [hbm4b:s3+s17], $0x80, $0x38;
	[tilespmem:$0x1F600] =	vst v63  }
0xb0: {  	s17 =	simm.s32 $0x0  }
0xb1: {  	_ =	swait.ge [sflag:s21], $0x80;
	v1 =	vmov s17  }
0xb2: {  	[sflag:s21] =	ssyncset.done $0x0;
	v1 =	vand.u32 $0x7F, v1  }
0xb3: {  	[sflag:s21] =	ssyncadd.s32 $0xFFFFFF80;
	v1 =	vor.u32 $0x80, v1  }
0xb4: {  	_ =	swait.ge [sflag:s21], $0x80;
	v1 =	vbroadcast v1, $0x0  }
0xb5: {  	[sflag:s21] =	ssyncset.done $0x0  }
0xb6: {  	s3 =	simm.s32 $0x17E40;
	[sflag:s21] =	ssyncadd.s32 $0xFFFFFF80  }
0xb7: {  	v5 =	vld [tilespmem:s3+$0x30]  }
0xb8: {  	v8 =	vld [tilespmem:s3+$0x10]  }
0xb9: {  	v6 =	vld [tilespmem:s3+$0xFFFFFFC0]  }
0xba: {  	v2 =	vld.idx.msk [tilespmem:v1+s31+$0x0], $0xffff  }
0xbb: {  	v11 =	vld [tilespmem:s3+$0xFFFFFFE0]  }
0xbc: {  	v3 =	vld [tilespmem:s3+$0x20]  }
0xbd: {  	v4 =	vld [tilespmem:s3+$0xFFFFFFD0]  }
0xbe: {  	v1 =	vld [tilespmem:s3+$0xFFFFFFF0]  }
0xbf: {  	v9 =	vmul.f32 v5, v2;
	v5 =	vld [tilespmem:s3+$0x0]  }
0xc0: {  	s29 =	simm.s32 $0x1;
	v7 =	vmul.f32 v6, v2  }
0xc1: {  	v10 =	vmov s29;
	s28 =	simm.s32 $0x2;
	s17 =	simm.s32 $0x17E40;
	v6 =	vmul.f32 v11, v2;
	v8 =	vmul.f32 v8, v2  }
.LBB2_7:
0xc2: {  	p1 =	sne.s32 s28, $0x77  }
0xc3: {  	v10 =	vand.u32 $0x7F, v10;
	v4 =	vmul.f32 v4, v2;
	v3 =	vmul.f32 v3, v2;
	[tilespmem:s3+$0x30] =	vst v9;
	s17 =	sadd.s32 $0x80, s17;
	s29 =	smov.u32 s28;
	s28 =	sadd.s32 $0x1, s28  }
0xc4: {  	v9 =	vor.u32 $0x80, v10;
	[tilespmem:s3+$0xFFFFFFC0] =	vst v7;
	v7 =	vmul.f32 v1, v2;
	v2 =	vmul.f32 v5, v2  }
0xc5: {  	v5 =	vbroadcast v9, $0x0;
	[tilespmem:s3+$0x10] =	vst v8  }
0xc6: {  	[tilespmem:s3+$0xFFFFFFE0] =	vst v6  }
0xc7: {  	v1 =	vld [tilespmem:s17+$0xFFFFFFF0];
	[tilespmem:s3+$0xFFFFFFF0] =	vst v7  }
0xc8: {  	v6 =	vld [tilespmem:s17+$0x30];
	[tilespmem:s3+$0x0] =	vst v2  }
0xc9: {  	v8 =	vld [tilespmem:s17+$0x10];
	[tilespmem:s3+$0x20] =	vst v3  }
0xca: {  	v7 =	vld [tilespmem:s17+$0xFFFFFFC0];
	[tilespmem:s3+$0xFFFFFFD0] =	vst v4;
	s3 =	smov.u32 s17  }
0xcb: {  	v2 =	vld.idx.msk [tilespmem:v5+s31+$0x0], $0xffff  }
0xcc: {  	v11 =	vld [tilespmem:s17+$0xFFFFFFE0]  }
0xcd: {  	v3 =	vld [tilespmem:s17+$0x20]  }
.Ltmp4:
0xce: {  	v4 =	vld [tilespmem:s17+$0xFFFFFFD0];
	(pc) =	sbr.rel @p1 .LBB2_7-.Ltmp4, $3  }
0xcf: {  	v5 =	vld [tilespmem:s17+$0x0];
	_ =	sdelay $0x1  }
0xd0: {  	v7 =	vmul.f32 v7, v2;
	v9 =	vmul.f32 v6, v2  }
0xd1: {  	v10 =	vmov s29;
	v8 =	vmul.f32 v8, v2;
	v6 =	vmul.f32 v11, v2  }
0xd2: {  	[tilespmem:s3+$0xFFFFFFC0] =	vst v7;
	v7 =	vand.u32 $0x7F, v10  }
0xd3: {  	[tilespmem:s3+$0x30] =	vst v9;
	v7 =	vor.u32 $0x80, v7  }
0xd4: {  	v1 =	vmul.f32 v1, v2;
	[tilespmem:s3+$0xFFFFFFE0] =	vst v6;
	v6 =	vbroadcast v7, $0x0  }
0xd5: {  	s17 =	sadd.s32 $0x80, s17;
	[tilespmem:s3+$0x10] =	vst v8;
	v5 =	vmul.f32 v5, v2  }
0xd6: {  	v3 =	vmul.f32 v3, v2;
	v7 =	vld [tilespmem:s17+$0xFFFFFFF0];
	[tilespmem:s3+$0xFFFFFFF0] =	vst v1  }
0xd7: {  	v2 =	vmul.f32 v4, v2;
	v1 =	vld [tilespmem:s17+$0x30];
	[tilespmem:s3+$0x0] =	vst v5  }
0xd8: {  	v4 =	vld [tilespmem:s17+$0x10];
	[tilespmem:s3+$0x20] =	vst v3  }
0xd9: {  	v3 =	vld [tilespmem:s17+$0xFFFFFFC0];
	[tilespmem:s3+$0xFFFFFFD0] =	vst v2  }
0xda: {  	v2 =	vld.idx.msk [tilespmem:v6+s31+$0x0], $0xffff;
	_ =	sdelay $0x2  }
0xdb: {  	v5 =	vld [tilespmem:s17+$0xFFFFFFE0];
	_ =	sdelay $0x1  }
0xdc: {  	v6 =	vld [tilespmem:s17+$0x0];
	v1 =	vmul.f32 v1, v2  }
0xdd: {  	v8 =	vld [tilespmem:s17+$0x20];
	v3 =	vmul.f32 v3, v2  }
0xde: {  	v9 =	vld [tilespmem:s17+$0xFFFFFFD0];
	v4 =	vmul.f32 v4, v2;
	[tilespmem:s17+$0x30] =	vst v1  }
0xdf: {  	v1 =	vmul.f32 v5, v2;
	[tilespmem:s17+$0xFFFFFFC0] =	vst v3  }
0xe0: {  	v3 =	vmul.f32 v7, v2;
	[tilespmem:s17+$0x10] =	vst v4  }
0xe1: {  	v4 =	vmul.f32 v6, v2;
	[tilespmem:s17+$0xFFFFFFE0] =	vst v1  }
0xe2: {  	v1 =	vmul.f32 v8, v2;
	[tilespmem:s17+$0xFFFFFFF0] =	vst v3  }
0xe3: {  	p1 =	sne.s32 s10, $0x1B;
	v2 =	vmul.f32 v9, v2;
	[tilespmem:s17+$0x0] =	vst v4  }
0xe4: {  	s3 =	sadd.s32 @p1 $0x180, s25;
	[tilespmem:s17+$0x20] =	vst v1  }
0xe5: {  	[tilespmem:s17+$0xFFFFFFD0] =	vst v2;
	s17 =	sand.u32 @p1 $0x7C00, s3  }
0xe6: {  	[spmem:s2] =	stream.indirect.scatter.add.f32 [tilespmem:s13], [sflag:$0x5], $0x80, s0, s11, $0xb8;
	[tilespmem:$0x1F600] =	vst v63  }
0xe7: {  	s3 =	sand.u32 @p1 $0x380, s3;
	s17 =	sadd.s32 @p1 s8, s17  }
0xe8: {  	_ =	swait.ge [sflag:s22], $0x3C00;
	s3 =	sor.u32 @p1 s3, s17  }
0xe9: {  	s28 =	simm.s32 @p1 $0x0;
	[sflag:s22] =	ssyncset.done $0x0;
	s3 =	sshrl.u32 @p1 s3, $0x3  }
0xea: {  	s29 =	simm.s32 @p1 $0x13E00;
	[sflag:s22] =	ssyncadd.s32 $0xFFFFC400;
	s17 =	sadd.s32 @p1 s6, s3  }
0xeb: {  	[tilespmem:s29], [sflag:$0xA] =	stream.linear.gather @p1 [hbm4b:s17+s28], $0x80, $0x38;
	[tilespmem:$0x1F600] =	vst v63  }
0xec: {  	s3 =	sadd.s32 @p1 s7, s3;
	s17 =	simm.s32 @p1 $0x14000  }
0xed: {  	[tilespmem:s17], [sflag:$0xA] =	stream.linear.gather @p1 [hbm4b:s3+s28], $0x80, $0x38;
	[tilespmem:$0x1F600] =	vst v63  }
0xee: {  	s3 =	simm.s32 @p1 $0x7  }
0xef: {  	_ =	swait.ge @p1 [sflag:s3], $0x80  }
0xf0: {  	s29 =	simm.s32 @p1 $0x14200;
	[sflag:s3] =	ssyncset.done @p1 $0x0  }
0xf1: {  	s17 =	simm.s32 @p1 $0x13C00;
	[sflag:s3] =	ssyncadd.s32 @p1 $0xFFFFFF80;
	s3 =	simm.s32 @p1 $0x78  }
0xf2: {  	[tilespmem:s29], [sflag:$0x1] =	stream.indirect.gather @p1 [hbm4b:s1+s3], $0x80, s17, s3, $0xb8;
	[tilespmem:$0x1F600] =	vst v63  }
0xf3: {  	s3 =	sadd.s32 @p1 $0x280, s25  }
0xf4: {  	s17 =	sand.u32 @p1 $0x7C00, s3  }
0xf5: {  	s29 =	simm.s32 @p1 $0x3;
	s3 =	sand.u32 @p1 $0x380, s3;
	s17 =	sadd.s32 @p1 s8, s17  }
0xf6: {  	_ =	swait.ge @p1 [sflag:s29], $0x3C00;
	s3 =	sor.u32 @p1 s3, s17  }
0xf7: {  	[sflag:s29] =	ssyncset.done @p1 $0x0;
	s3 =	sshrl.u32 @p1 s3, $0x3  }
0xf8: {  	[sflag:s29] =	ssyncadd.s32 @p1 $0xFFFFC400;
	s17 =	simm.s32 @p1 $0x13D00;
	s3 =	sadd.s32 @p1 s5, s3  }
0xf9: {  	[tilespmem:s17], [sflag:$0x9] =	stream.linear.gather @p1 [hbm4b:s3+s28], $0x80, $0x38;
	[tilespmem:$0x1F600] =	vst v63  }
0xfa: {  	s3 =	simm.s32 @!p1 $0x3  }
0xfb: {  	_ =	swait.ge @!p1 [sflag:s3], $0x3C00  }
0xfc: {  	[sflag:s3] =	ssyncset.done @!p1 $0x0  }
0xfd: {  	s17 =	simm.s32 $0x0;
	[sflag:s3] =	ssyncadd.s32 @!p1 $0xFFFFC400  }
0xfe: {  	v1 =	vmov s17;
	_ =	swait.ge [sflag:s23], $0x80  }
0xff: {  	v1 =	vand.u32 $0x7F, v1;
	[sflag:s23] =	ssyncset.done $0x0  }
0x100: {  	v1 =	vor.u32 $0x100, v1;
	[sflag:s23] =	ssyncadd.s32 $0xFFFFFF80  }
0x101: {  	v1 =	vbroadcast v1, $0x0;
	_ =	swait.ge [sflag:s23], $0x80  }
0x102: {  	[sflag:s23] =	ssyncset.done $0x0  }
0x103: {  	s3 =	simm.s32 $0x1BA40;
	[sflag:s23] =	ssyncadd.s32 $0xFFFFFF80  }
0x104: {  	v5 =	vld [tilespmem:s3+$0x30]  }
0x105: {  	v8 =	vld [tilespmem:s3+$0x10]  }
0x106: {  	v6 =	vld [tilespmem:s3+$0xFFFFFFC0]  }
0x107: {  	v2 =	vld.idx.msk [tilespmem:v1+s31+$0x0], $0xffff  }
0x108: {  	v11 =	vld [tilespmem:s3+$0xFFFFFFE0]  }
0x109: {  	v1 =	vld [tilespmem:s3+$0xFFFFFFF0]  }
0x10a: {  	v3 =	vld [tilespmem:s3+$0x20]  }
0x10b: {  	v4 =	vld [tilespmem:s3+$0xFFFFFFD0]  }
0x10c: {  	v9 =	vmul.f32 v5, v2;
	v5 =	vld [tilespmem:s3+$0x0]  }
0x10d: {  	s29 =	simm.s32 $0x1;
	v7 =	vmul.f32 v6, v2  }
0x10e: {  	v10 =	vmov s29;
	s28 =	simm.s32 $0x2;
	s17 =	simm.s32 $0x1BA40;
	v6 =	vmul.f32 v11, v2;
	v8 =	vmul.f32 v8, v2  }
.LBB2_9:
0x10f: {  	p1 =	sne.s32 s28, $0x77  }
0x110: {  	v10 =	vand.u32 $0x7F, v10;
	v4 =	vmul.f32 v4, v2;
	v3 =	vmul.f32 v3, v2;
	[tilespmem:s3+$0x30] =	vst v9;
	s17 =	sadd.s32 $0x80, s17;
	s29 =	smov.u32 s28;
	s28 =	sadd.s32 $0x1, s28  }
0x111: {  	v9 =	vor.u32 $0x100, v10;
	[tilespmem:s3+$0xFFFFFFC0] =	vst v7;
	v7 =	vmul.f32 v1, v2;
	v2 =	vmul.f32 v5, v2  }
0x112: {  	v5 =	vbroadcast v9, $0x0;
	[tilespmem:s3+$0x10] =	vst v8  }
0x113: {  	[tilespmem:s3+$0xFFFFFFE0] =	vst v6  }
0x114: {  	v1 =	vld [tilespmem:s17+$0xFFFFFFF0];
	[tilespmem:s3+$0xFFFFFFF0] =	vst v7  }
0x115: {  	v6 =	vld [tilespmem:s17+$0x30];
	[tilespmem:s3+$0x0] =	vst v2  }
0x116: {  	v8 =	vld [tilespmem:s17+$0x10];
	[tilespmem:s3+$0x20] =	vst v3  }
0x117: {  	v7 =	vld [tilespmem:s17+$0xFFFFFFC0];
	[tilespmem:s3+$0xFFFFFFD0] =	vst v4;
	s3 =	smov.u32 s17  }
0x118: {  	v2 =	vld.idx.msk [tilespmem:v5+s31+$0x0], $0xffff  }
0x119: {  	v11 =	vld [tilespmem:s17+$0xFFFFFFE0]  }
0x11a: {  	v3 =	vld [tilespmem:s17+$0x20]  }
.Ltmp5:
0x11b: {  	v4 =	vld [tilespmem:s17+$0xFFFFFFD0];
	(pc) =	sbr.rel @p1 .LBB2_9-.Ltmp5, $3  }
0x11c: {  	v5 =	vld [tilespmem:s17+$0x0];
	_ =	sdelay $0x1  }
0x11d: {  	v7 =	vmul.f32 v7, v2;
	v9 =	vmul.f32 v6, v2  }
0x11e: {  	v10 =	vmov s29;
	v8 =	vmul.f32 v8, v2;
	v6 =	vmul.f32 v11, v2  }
0x11f: {  	[tilespmem:s3+$0x30] =	vst v9;
	v57 =	vand.u32 $0x7F, v10  }
0x120: {  	[tilespmem:s3+$0xFFFFFFC0] =	vst v7;
	v7 =	vor.u32 $0x100, v57  }
0x121: {  	v1 =	vmul.f32 v1, v2;
	[tilespmem:s3+$0x10] =	vst v8;
	v58 =	vbroadcast v7, $0x0  }
0x122: {  	s17 =	sadd.s32 $0x80, s17;
	[tilespmem:s3+$0xFFFFFFE0] =	vst v6;
	v5 =	vmul.f32 v5, v2  }
0x123: {  	v3 =	vmul.f32 v3, v2;
	v59 =	vld [tilespmem:s17+$0xFFFFFFF0];
	[tilespmem:s3+$0xFFFFFFF0] =	vst v1  }
0x124: {  	v2 =	vmul.f32 v4, v2;
	v1 =	vld [tilespmem:s17+$0x30];
	[tilespmem:s3+$0x0] =	vst v5  }
0x125: {  	v60 =	vld [tilespmem:s17+$0x10];
	[tilespmem:s3+$0x20] =	vst v3  }
0x126: {  	v3 =	vld [tilespmem:s17+$0xFFFFFFC0];
	[tilespmem:s3+$0xFFFFFFD0] =	vst v2  }
0x127: {  	v2 =	vld.idx.msk [tilespmem:v58+s31+$0x0], $0xffff;
	_ =	sdelay $0x2  }
0x128: {  	v61 =	vld [tilespmem:s17+$0x0]  }
0x129: {  	v5 =	vld [tilespmem:s17+$0xFFFFFFE0]  }
0x12a: {  	v1 =	vmul.f32 v1, v2  }
0x12b: {  	v8 =	vld [tilespmem:s17+$0x20];
	v3 =	vmul.f32 v3, v2  }
0x12c: {  	v62 =	vld [tilespmem:s17+$0xFFFFFFD0];
	v4 =	vmul.f32 v60, v2;
	[tilespmem:s17+$0x30] =	vst v1  }
0x12d: {  	v63 =	vmul.f32 v61, v2;
	[tilespmem:s17+$0xFFFFFFC0] =	vst v3  }
0x12e: {  	v1 =	vmul.f32 v5, v2;
	[tilespmem:s17+$0x10] =	vst v4  }
0x12f: {  	v3 =	vmul.f32 v59, v2;
	[tilespmem:s17+$0x0] =	vst v63  }
0x130: {  	[tilespmem:s17+$0xFFFFFFE0] =	vst v1;
	v1 =	vmul.f32 v8, v2  }
0x131: {  	[tilespmem:s17+$0xFFFFFFF0] =	vst v3;
	v2 =	vmul.f32 v62, v2  }
0x132: {  	[tilespmem:s17+$0x20] =	vst v1  }
.Ltmp6:
0x133: {  	[tilespmem:s17+$0xFFFFFFD0] =	vst v2;
	(pc) =	sbr.rel @p0 .LBB2_12-.Ltmp6, $4  }
0x134: {  	[spmem:s2] =	stream.indirect.scatter.add.f32 [tilespmem:s19], [sflag:$0x6], $0x80, s26, s11, $0xb8;
	[tilespmem:$0x1F600] =	vst v63  }
0x135: {  	_ =	swait.ge [sflag:s15], $0x3C00  }
0x136: {  	[sflag:s15] =	ssyncset.done $0x0  }
0x137: {  	[sflag:s15] =	ssyncadd.s32 $0xFFFFC400  }
0x138: {  	s3 =	sadd.s32 $0x200, s25  }
0x139: {  	s17 =	sand.u32 $0x7C00, s3  }
0x13a: {  	s3 =	sand.u32 $0x380, s3;
	s17 =	sadd.s32 s8, s17  }
0x13b: {  	s3 =	sor.u32 s3, s17  }
0x13c: {  	s3 =	sshrl.u32 s3, $0x3  }
0x13d: {  	s28 =	sadd.s32 s6, s3  }
0x13e: {  	[tilespmem:s0], [sflag:$0xB] =	stream.linear.gather [hbm4b:s28+s4], $0x80, $0x38;
	[tilespmem:$0x1F600] =	vst v63  }
0x13f: {  	s29 =	simm.s32 $0x14080;
	s3 =	sadd.s32 s7, s3  }
0x140: {  	[tilespmem:s29], [sflag:$0xB] =	stream.linear.gather [hbm4b:s3+s4], $0x80, $0x38;
	[tilespmem:$0x1F600] =	vst v63  }
.Ltmp7:
0x141: {  	_ = 	snop;
	(pc) =	sbr.rel .LBB2_4-.Ltmp7, $4  }
0x142: {  	_ =	swait.ge [sflag:s12], $0x80  }
0x143: {  	[sflag:s12] =	ssyncset.done $0x0  }
0x144: {  	s10 =	sadd.s32 $0x1, s10;
	[sflag:s12] =	ssyncadd.s32 $0xFFFFFF80  }
0x145: {  	[tilespmem:s13], [sflag:$0x2] =	stream.indirect.gather [hbm4b:s1+s11], $0x80, s30, s11, $0xb8;
	[tilespmem:$0x1F600] =	vst v63  }
.LBB2_13:
0x146: {  	_ =	sfence.sel $0x180000  }
0x147: {  	[bflag:$0x0] =	sbarrier.arrive $0xFFFF  }
0x148: {  	_ =	strace $0x9000004D  }
0x149: {  	s0 =	stileid.u32;
	[bflag:$0x2] =	sbarrier.arrive $0xFFFF  }
0x14a: {  	p0 =	sne.s32 s0, $0x0;
	s0 =	rddreg [dreg:$0x3]  }
0x14b: {  	s0 =	sadd.s32 @!p0 $0x100000, s0  }
0x14c: {  	[sflag:s0] =	ssyncadd.tile.s32 @!p0 $0x1;
	_ =	shalt  }
.Lfunc_end2:
_tile_overlayer_lowered:
.L_overlay_start_2:
0x14d: {  	(tag) =	ssettag $0x2  }
0x14e: {  	s0 =	rddreg [dreg:$0x0];
	s2 =	stileid.u32  }
0x14f: {  	s1 =	rddreg [dreg:$0x1];
	p0 =	sne.s32 s2, $0x0  }
0x150: {  	s3 =	rddreg [dreg:$0x2];
	[bflag:$0x3] =	sbarrier.arrive $0xFFFF;
	s2 =	simm.s32 @!p0 $0x1C0D  }
0x151: {  	[timem:s3], [sflag:s2] =	dma.local @!p0 [hbm:s0], s1  }
0x152: {  	s0 =	simm.s32 @!p0 $0xD  }
0x153: {  	_ =	swait.ge @!p0 [sflag:s0], s1  }
0x154: {  	s1 =	ssub.s32 @!p0 $0x0, s1;
	[sflag:s0] =	ssyncset.done @!p0 $0x0  }
0x155: {  	[sflag:s0] =	ssyncadd.s32 @!p0 s1  }
0x156: {  	[bflag:$0x3] =	sbarrier.arrive $0xFFFF  }
0x157: {  	_ =	shalt  }

// kernel: kernel.8.cloned.1.call-start
scs
__scs_entry_jumppad:
0x0: {  	(pc) =	sbr.rel $0x88, $3  }
0x1: {  	(tag) =	ssettag $0x0;
	lr =	simm.s32 $0x1  }
0x2: {  	[smem:$0x3F9A] =	sst lr;
	_ =	strace $0xD0000000  }
0x3: {  	_ = 	snop  }
0x4: {  	_ = 	snop  }
0x5: {  	_ = 	snop  }
0x6: {  	_ = 	snop  }
0x7: {  	_ = 	snop  }
__scs_overlays_trampoline_lowered:
0x8: {  	[smem:$0x3FA9] =	sst s0  }
0x9: {  	[smem:$0x3FAA] =	sst s1  }
0xa: {  	[smem:$0x3FAB] =	sst s2  }
0xb: {  	[smem:$0x3FAC] =	sst s3  }
0xc: {  	[smem:$0x3FAD] =	sst s4  }
0xd: {  	[smem:$0x3FAE] =	sst s5  }
0xe: {  	[smem:$0x3FAF] =	sst s6  }
0xf: {  	[smem:$0x3FB0] =	sst s7  }
0x10: {  	[smem:$0x3FB1] =	sst s8  }
0x11: {  	[smem:$0x3FB2] =	sst s9;
	s0 =	simm.s32 @!p0 $0x0  }
0x12: {  	s1 =	sld [smem:$0x3F98];
	s0 =	simm.s32 @p0 $0x1  }
0x13: {  	[smem:$0x3FB3] =	sst s0;
	s0 =	simm.s32 @!p1 $0x0  }
0x14: {  	s2 =	sld [smem:$0x3F97];
	s0 =	simm.s32 @p1 $0x1  }
0x15: {  	[smem:$0x3FB4] =	sst s0;
	s0 =	simm.s32 @!p2 $0x0  }
0x16: {  	s3 =	sld [smem:$0x3FDB];
	s0 =	simm.s32 @p2 $0x1  }
0x17: {  	s4 =	simm.s32 $0x1BF5;
	[smem:$0x3FB6] =	sst s0  }
0x18: {  	s0 =	sld [smem:$0x3F99];
	_ =	swait.ge [sflag:s4], $0x0  }
0x19: {  	s7 =	sld [smem:$0x3F9A]  }
0x1a: {  	s8 =	sadd.s32 $0xFFFFE003, lr  }
0x1b: {  	s9 =	sadd.s32 $0xFFFFFEF7, lr;
	s5 =	simm.s32 $0xFFFFFFFF;
	p2 =	slt.u32 s8, $0xFFFFF086  }
0x1c: {  	p1 =	slt.u32 s9, $0xF7A;
	s5 =	simm.s32 @!p2 $0x0  }
0x1d: {  	s5 =	simm.s32 @p1 $0x1;
	p0 =	seq.s32 s7, s2  }
0x1e: {  	s7 =	smul.u32 @!p0 $0xF7A, s2;
	p2 =	seq.s32 @!p0 s5, $0x0  }
0x1f: {  	s9 =	smul.u32 $0xF7A, s1;
	s8 =	simm.s32 @!p0 $0x1BF5;
	p2 =	por !p2, p0  }
0x20: {  	[sflag:s8] =	ssyncset.s32 @!p0 $0xFFFFF086;
	s6 =	sadd.s32 @!p0 s3, s7;
	s7 =	simm.s32 @!p0 $0x108  }
0x21: {  	s3 =	sadd.s32 s3, s9;
	s6 =	sadd.s32 @!p0 $0x88, s6;
	s7 =	simm.s32 @p2 $0x1082  }
0x22: {  	[simem:s7], [sflag:s8] =	dma.local @!p0 [hbm:s6], $0xF7A  }
0x23: {  	s9 =	sor.u32 $0xD0000000, s2;
	s6 =	simm.s32 $0x108;
	_ =	swait.ge @!p0 [sflag:s8], $0x0  }
0x24: {  	s3 =	sadd.s32 $0x88, s3;
	s6 =	simm.s32 @!p1 $0x1082;
	[sflag:s4] =	ssyncset.s32 $0xFFFFF086  }
0x25: {  	[simem:s6], [sflag:s4] =	dma.local [hbm:s3], $0xF7A  }
0x26: {  	[smem:$0x3F9A] =	sst s1;
	(tag) =	ssettag s2;
	_ =	strace s9  }
0x27: {  	s1 =	sld [smem:$0x3FAA]  }
0x28: {  	s2 =	sld [smem:$0x3FAB]  }
0x29: {  	s4 =	sld [smem:$0x3FAD]  }
0x2a: {  	p0 =	seq.s32 s5, $0x0;
	s5 =	sld [smem:$0x3FAE]  }
0x2b: {  	s6 =	sld [smem:$0x3FAF]  }
0x2c: {  	s7 =	sld [smem:$0x3FB0]  }
0x2d: {  	s3 =	simm.s32 $0x108;
	s8 =	sld [smem:$0x3FB1]  }
0x2e: {  	s3 =	simm.s32 @!p0 $0x1082;
	s9 =	sld [smem:$0x3FB2]  }
0x2f: {  	lr =	sadd.s32 s0, s3;
	s0 =	sld [smem:$0x3FA9]  }
0x30: {  	s3 =	sld [smem:$0x3FAC]  }
0x31: {  	[smem:$0x3FB5] =	sst s10  }
0x32: {  	s10 =	sld [smem:$0x3FB3];
	_ =	sdelay $0x3  }
0x33: {  	p0 =	seq.s32 s10, $0x1;
	s10 =	sld [smem:$0x3FB5];
	_ =	sdelay $0x3  }
0x34: {  	[smem:$0x3FB5] =	sst s10  }
0x35: {  	s10 =	sld [smem:$0x3FB4];
	_ =	sdelay $0x3  }
0x36: {  	p1 =	seq.s32 s10, $0x1;
	s10 =	sld [smem:$0x3FB5];
	_ =	sdelay $0x3  }
0x37: {  	[smem:$0x3FB5] =	sst s10  }
0x38: {  	s10 =	sld [smem:$0x3FB6]  }
0x39: {  	_ = 	snop;
	(pc) =	sbr.ind lr, $3  }
0x3a: {  	_ = 	snop  }
0x3b: {  	_ = 	snop  }
0x3c: {  	p2 =	seq.s32 s10, $0x1;
	s10 =	sld [smem:$0x3FB5]  }
0x3d: {  	_ =	shalt  }
0x3e: {  	_ =	shalt  }
0x3f: {  	_ =	shalt  }
0x40: {  	_ =	shalt  }
0x41: {  	_ =	shalt  }
0x42: {  	_ =	shalt  }
0x43: {  	_ =	shalt  }
0x44: {  	_ =	shalt  }
0x45: {  	_ =	shalt  }
0x46: {  	_ =	shalt  }
0x47: {  	_ =	shalt  }
0x48: {  	_ =	shalt  }
0x49: {  	_ =	shalt  }
0x4a: {  	_ =	shalt  }
0x4b: {  	_ =	shalt  }
0x4c: {  	_ =	shalt  }
0x4d: {  	_ =	shalt  }
0x4e: {  	_ =	shalt  }
0x4f: {  	_ =	shalt  }
0x50: {  	_ =	shalt  }
0x51: {  	_ =	shalt  }
0x52: {  	_ =	shalt  }
0x53: {  	_ =	shalt  }
0x54: {  	_ =	shalt  }
0x55: {  	_ =	shalt  }
0x56: {  	_ =	shalt  }
0x57: {  	_ =	shalt  }
0x58: {  	_ =	shalt  }
0x59: {  	_ =	shalt  }
0x5a: {  	_ =	shalt  }
0x5b: {  	_ =	shalt  }
0x5c: {  	_ =	shalt  }
0x5d: {  	_ =	shalt  }
0x5e: {  	_ =	shalt  }
0x5f: {  	_ =	shalt  }
0x60: {  	_ =	shalt  }
0x61: {  	_ =	shalt  }
0x62: {  	_ =	shalt  }
0x63: {  	_ =	shalt  }
0x64: {  	_ =	shalt  }
0x65: {  	_ =	shalt  }
0x66: {  	_ =	shalt  }
0x67: {  	_ =	shalt  }
0x68: {  	_ =	shalt  }
0x69: {  	_ =	shalt  }
0x6a: {  	_ =	shalt  }
0x6b: {  	_ =	shalt  }
0x6c: {  	_ =	shalt  }
0x6d: {  	_ =	shalt  }
0x6e: {  	_ =	shalt  }
0x6f: {  	_ =	shalt  }
0x70: {  	_ =	shalt  }
0x71: {  	_ =	shalt  }
0x72: {  	_ =	shalt  }
0x73: {  	_ =	shalt  }
0x74: {  	_ =	shalt  }
0x75: {  	_ =	shalt  }
0x76: {  	_ =	shalt  }
0x77: {  	_ =	shalt  }
0x78: {  	_ =	shalt  }
0x79: {  	_ =	shalt  }
0x7a: {  	_ =	shalt  }
0x7b: {  	_ =	shalt  }
0x7c: {  	_ =	shalt  }
0x7d: {  	_ =	shalt  }
0x7e: {  	_ =	shalt  }
0x7f: {  	_ =	shalt  }
0x80: {  	_ =	shalt  }
0x81: {  	_ =	shalt  }
0x82: {  	_ =	shalt  }
0x83: {  	_ =	shalt  }
0x84: {  	_ =	shalt  }
0x85: {  	_ =	shalt  }
0x86: {  	_ =	shalt  }
0x87: {  	_ =	shalt  }
.Lfunc_end0:
.L_simem_size_0:
called_computation_lowered:
.L_overlay_start_0:
0x88: {  	s2 =	sld [smem:$0x3FD9]  }
0x89: {  	s3 =	sld [smem:$0x3FFE];
	_ =	sdelay $0x1  }
0x8a: {  	s1 =	srdreg.scid  }
0x8b: {  	s0 =	sand.u32 $0x1, s1  }
0x8c: {  	s17 =	sshll.u32 s0, $0xA;
	s2 =	sadd.s32 s3, s2  }
0x8d: {  	s2 =	sadd.s32 s2, s17  }
0x8e: {  	[smem:$0x3FC1] =	sst s2  }
0x8f: {  	_ = 	snop  }
0x90: {  	s2 =	sld [smem:$0x3FD0];
	(tm) =	ssettm $0x1  }
0x91: {  	s18 =	sld [smem:$0x3FFB];
	_ =	sdelay $0x3  }
0x92: {  	_ =	strace s18  }
0x93: {  	s3 =	sld [smem:$0x3FFC];
	_ =	sdelay $0x3  }
0x94: {  	_ =	strace s3  }
0x95: {  	s3 =	sld [smem:$0x3FFD];
	_ =	sdelay $0x3  }
0x96: {  	_ =	strace s3  }
0x97: {  	_ =	strace $0x8FFFFFFF  }
0x98: {  	s19 =	sld [smem:$0x3FDB];
	_ =	sdelay $0x1  }
0x99: {  	s4 =	simm.s32 $_scs_section_size  }
0x9a: {  	s5 =	simm.s32 $_size__tile_overlayer_lowered;
	s6 =	simm.s32 $_tile_overlayer_lowered  }
0x9b: {  	s22 =	simm.s32 $0x1BFF;
	s21 =	sshll.u32 s6, $0x1;
	s3 =	sadd.s32 s4, s19  }
0x9c: {  	s7 =	simm.s32 $0x0;
	s20 =	sshll.u32 s5, $0x1;
	s5 =	sadd.s32 s21, s3  }
0x9d: {  	[timem:s7], [sflag:s22] =	dma.local [hbm:s5], s20  }
0x9e: {  	_ =	swait.ge [sflag:s22], s20  }
0x9f: {  	s4 =	ssub.s32 $0x0, s20;
	[sflag:s22] =	ssyncset.done $0x0  }
0xa0: {  	[sflag:s22] =	ssyncadd.s32 s4;
	_ =	sdelay $0x1  }
0xa1: {  	s23 =	simm.s32 $0x1B8B  }
0xa2: {  	_ =	swait.ge [sflag:s23], $0x1  }
0xa3: {  	[sflag:s23] =	ssyncset.done $0x0  }
0xa4: {  	s25 =	simm.s32 $0x1B8E;
	s24 =	sld [smem:$0x3FFE];
	[sflag:s23] =	ssyncadd.s32 $0xFFFFFFFF  }
0xa5: {  	s26 =	simm.s32 $execute0_lowered;
	[smem:$0x3FD2] =	sst s25  }
0xa6: {  	s5 =	sshll.u32 s26, $0x1;
	_ =	strace $0x80000046;
	[dreg:$0x1] =	wrdreg $0xFFFFFFFF  }
0xa7: {  	s28 =	simm.s32 $_size_execute0_lowered;
	s3 =	sadd.s32 s3, s5;
	[dreg:$0x0] =	wrdreg $0x0  }
0xa8: {  	s5 =	sshll.u32 s28, $0x1;
	[dreg:$0x2] =	wrdreg s3  }
0xa9: {  	[dreg:$0x3] =	wrdreg s5  }
0xaa: {  	[dreg:$0x4] =	wrdreg $0xC0  }
0xab: {  	_ =	task [dreg:s7], $0x5FFFF  }
0xac: {  	[dreg:$0x1] =	wrdreg $0xFFFFFFFF  }
0xad: {  	[dreg:$0x0] =	wrdreg $0x60  }
0xae: {  	[dreg:$0x2] =	wrdreg s24  }
0xaf: {  	[dreg:$0x3] =	wrdreg s2  }
0xb0: {  	[dreg:$0x4] =	wrdreg $0x0  }
0xb1: {  	[dreg:$0x5] =	wrdreg $0x9  }
0xb2: {  	_ =	task.clear_ibuf [dreg:s7], $0x6FFFF;
	_ =	strace $0x90000046  }
0xb3: {  	s29 =	simm.s32 $0x9;
	_ =	strace $0x80000048  }
0xb4: {  	_ =	swait.ge [sflag:s29], $0x1  }
0xb5: {  	[sflag:s29] =	ssyncadd.s32 $0xFFFFFFFF  }
0xb6: {  	_ =	strace $0x90000048  }
0xb7: {  	_ =	sfence  }
0xb8: {  	s30 =	sld [smem:$0x0];
	_ =	sdelay $0x2  }
0xb9: {  	s31 =	sshll.u32 s1, $0xD;
	s1 =	sshrl.u32 s1, $0x2  }
0xba: {  	s3 =	sand.u32 $0x4000, s31;
	s1 =	sadd.s32 s1, s30  }
0xbb: {  	s0 =	sor.u32 s3, s0;
	s1 =	sshll.u32 s1, $0x11  }
0xbc: {  	s0 =	sor.u32 s1, s0  }
0xbd: {  	s0 =	sadd.s32 $0x8F2B, s0  }
0xbe: {  	[sflag:s0] =	ssyncadd.remote.s32 $0x1  }
0xbf: {  	_ =	sfence.sel $0xFFFF  }
0xc0: {  	[dreg:$0x0] =	wrdreg $0xFFFFFFFF;
	(pc) =	sbr.abs _section_cstart, $3  }
0xc1: {  	[dreg:$0x1] =	wrdreg $0xFFFFFFFF  }
0xc2: {  	_ =	task.clear_ibuf [dreg:s7], $0x2FFFF;
	_ =	strace $0x9FFFFFFF  }
0xc3: {  	(tm) =	ssettm $0x7FFFFFFF  }
tec
execute0_lowered:
.L_overlay_start_1:
0x0: {  	(tag) =	ssettag $0x1  }
0x1: {  	s4 =	rddreg [dreg:$0x0]  }
0x2: {  	s7 =	rddreg [dreg:$0x1]  }
0x3: {  	s0 =	srdreg.scid;
	s2 =	rddreg [dreg:$0x2]  }
0x4: {  	s1 =	stileid.u32;
	s3 =	simm.s32 $0x0;
	s11 =	simm.s32 $0x2E80  }
0x5: {  	s12 =	simm.s32 $0x5A80;
	s13 =	simm.s32 $0x78;
	s14 =	simm.s32 $0x1  }
0x6: {  	s17 =	simm.s32 $0x20;
	s18 =	simm.s32 $0x10;
	s19 =	simm.s32 $0x0  }
0x7: {  	s5 =	sand.u32 $0x1, s0;
	s0 =	rddreg [dreg:$0x3];
	s8 =	smul.u32 $0x500, s1  }
0x8: {  	[smem:$0x7FF] =	sst s3;
	s10 =	smul.u32 $0xA00, s1;
	s15 =	sshll.u32 s1, $0x6  }
0x9: {  	s6 =	sshll.u32 s5, $0x4;
	_ =	strace $0x80000047;
	s30 =	ssub.s32 $0x2, s5  }
0xa: {  	s5 =	sshll.u32 s5, $0x7;
	s15 =	sor.u32 $0x1C02, s15;
	s6 =	sor.u32 s1, s6  }
0xb: {  	s9 =	sshrl.u32 s30, $0x1;
	s8 =	sor.u32 s5, s8;
	s6 =	smul.u32 $0x580, s6  }
0xc: {  	s31 =	sshrl.u32 s10, $0x2;
	s10 =	simm.s32 $0x2;
	s8 =	sshrl.u32 s8, $0x3  }
0xd: {  	s9 =	ssub.s32 s30, s9;
	s7 =	sadd.s32 s7, s8;
	s6 =	sadd.s32 s6, s4  }
0xe: {  	s4 =	sadd.s32 $0xDC00, s6;
	s5 =	sadd.s32 $0x2C00, s6;
	s6 =	sadd.s32 s31, s2  }
0xf: {  	v0 =	vimm.f32 $0.0e+00;
	s8 =	smax.u32 s9, $0x1;
	s9 =	simm.s32 $0x280;
	s16 =	sshrl.u32 s6, $0x3  }
.LBB2_1:
0x10: {  	[tilespmem:s9], [sflag:$0x2] =	stream.linear.gather [hbm4b:s4+s3], $0x2A00, $0x38;
	[tilespmem:$0x5D00] =	vst v63  }
0x11: {  	_ =	swait.ge [sflag:s10], $0x2A00  }
0x12: {  	[sflag:s10] =	ssyncset.done $0x0  }
0x13: {  	[sflag:s10] =	ssyncadd.s32 $0xFFFFD600  }
0x14: {  	[tilespmem:s11], [sflag:$0x2] =	stream.linear.gather [hbm4b:s5+s3], $0x2A00, $0x38;
	[tilespmem:$0x5D00] =	vst v63  }
0x15: {  	_ =	swait.ge [sflag:s10], $0x2A00  }
0x16: {  	[sflag:s10] =	ssyncset.done $0x0  }
0x17: {  	[sflag:s10] =	ssyncadd.s32 $0xFFFFD600  }
0x18: {  	[tilespmem:$0x5A80] =	vst v0  }
0x19: {  	[tilespmem:$0x5A90] =	vst v0  }
0x1a: {  	[tilespmem:$0x5AA0] =	vst v0  }
0x1b: {  	[tilespmem:$0x5AB0] =	vst v0  }
0x1c: {  	[tilespmem:$0x5AC0] =	vst v0  }
0x1d: {  	[tilespmem:$0x5AD0] =	vst v0  }
0x1e: {  	[tilespmem:$0x5AE0] =	vst v0  }
0x1f: {  	[tilespmem:$0x5AF0] =	vst v0  }
0x20: {  	[tilespmem:$0x5B00] =	vst v0  }
0x21: {  	[tilespmem:$0x5B10] =	vst v0  }
0x22: {  	[tilespmem:$0x5B20] =	vst v0  }
0x23: {  	[tilespmem:$0x5B30] =	vst v0  }
0x24: {  	[tilespmem:$0x5B40] =	vst v0  }
0x25: {  	[tilespmem:$0x5B50] =	vst v0  }
0x26: {  	[tilespmem:$0x5B60] =	vst v0  }
0x27: {  	[tilespmem:$0x5B70] =	vst v0  }
0x28: {  	[tilespmem:$0x5B80] =	vst v0  }
0x29: {  	[tilespmem:$0x5B90] =	vst v0  }
0x2a: {  	[tilespmem:$0x5BA0] =	vst v0  }
0x2b: {  	[tilespmem:$0x5BB0] =	vst v0  }
0x2c: {  	[tilespmem:$0x5BC0] =	vst v0  }
0x2d: {  	[tilespmem:$0x5BD0] =	vst v0  }
0x2e: {  	[tilespmem:$0x5BE0] =	vst v0  }
0x2f: {  	[tilespmem:$0x5BF0] =	vst v0  }
0x30: {  	[tilespmem:$0x5C00] =	vst v0  }
0x31: {  	[tilespmem:$0x5C10] =	vst v0  }
0x32: {  	[tilespmem:$0x5C20] =	vst v0  }
0x33: {  	[tilespmem:$0x5C30] =	vst v0  }
0x34: {  	[tilespmem:$0x5C40] =	vst v0  }
0x35: {  	[tilespmem:$0x5C50] =	vst v0  }
0x36: {  	[tilespmem:$0x5C60] =	vst v0  }
0x37: {  	[tilespmem:$0x5C70] =	vst v0  }
0x38: {  	[tilespmem:$0x5C80] =	vst v0  }
0x39: {  	[tilespmem:$0x5C90] =	vst v0  }
0x3a: {  	[tilespmem:$0x5CA0] =	vst v0  }
0x3b: {  	[tilespmem:$0x5CB0] =	vst v0  }
0x3c: {  	[tilespmem:$0x5CC0] =	vst v0  }
0x3d: {  	[tilespmem:$0x5CD0] =	vst v0  }
0x3e: {  	[tilespmem:$0x5CE0] =	vst v0  }
0x3f: {  	[tilespmem:$0x5CF0] =	vst v0  }
0x40: {  	[spmem:s6] =	stream.linear.scatter [tilespmem:s12], [sflag:$0x2], $0x280, $0x38;
	[tilespmem:$0x5D00] =	vst v63  }
0x41: {  	_ =	swait.ge [sflag:s10], $0x280  }
0x42: {  	[sflag:s10] =	ssyncset.done $0x0  }
0x43: {  	[sflag:s10] =	ssyncadd.s32 $0xFFFFFD80  }
0x44: {  	s20 =	simm.s32 $0x0;
	[bflag:$0x0] =	sbarrier.arrive $0xFFFF  }
.LBB2_2:
0x45: {  	p0 =	sne.s32 s20, $0xA600  }
.Ltmp0:
0x46: {  	_ = 	snop;
	(pc) =	sbr.rel @p0 .LBB2_2-.Ltmp0, $4  }
0x47: {  	_ = 	snop  }
0x48: {  	s21 =	sshra.s32 s20, $0x2  }
0x49: {  	s20 =	sadd.s32 $0x200, s20;
	s22 =	sadd.s32 $0x2E80, s21;
	s21 =	sadd.s32 $0x280, s21  }
0x4a: {  	[spmem:s2] =	stream.indirect.scatter.add.f32 [tilespmem:s22], [sflag:$0x1], $0x1, s21, s13, $0xb8;
	[tilespmem:$0x5D00] =	vst v63  }
0x4b: {  	_ =	swait.ge [sflag:s14], $0x78  }
0x4c: {  	s20 =	simm.s32 $0x53;
	[sflag:s14] =	ssyncset.done $0x0  }
.LBB2_4:
0x4d: {  	p0 =	sne.s32 s20, $0x1;
	s20 =	sadd.s32 $0xFFFFFFFF, s20;
	[sflag:s14] =	ssyncadd.s32 $0xFFFFFF88  }
.Ltmp1:
0x4e: {  	(pc) =	sbr.rel @p0 .LBB2_4-.Ltmp1, $3  }
0x4f: {  	_ =	sdelay $0x1  }
0x50: {  	_ =	swait.ge [sflag:s14], $0x78  }
0x51: {  	[sflag:s14] =	ssyncset.done $0x0  }
0x52: {  	s19 =	sadd.s32 $0x1, s19  }
0x53: {  	[sflag:s14] =	ssyncadd.s32 $0xFFFFFF88;
	p0 =	sne.s32 s19, s8  }
.Ltmp2:
0x54: {  	[bflag:$0x0] =	sbarrier.arrive $0xFFFF;
	(pc) =	sbr.rel @p0 .LBB2_1-.Ltmp2, $4  }
0x55: {  	[hbm:s7@s17], [sflag:s15] =	dma.strided [spmem:s16@s18], $0x50, s14, $0x10   }
0x56: {  	_ =	swait.ge [sflag:s10], $0x50  }
0x57: {  	[sflag:s10] =	ssyncset.done $0x0  }
0x58: {  	[sflag:s10] =	ssyncadd.s32 $0xFFFFFFB0  }
0x59: {  	_ =	sfence.sel $0x180000  }
0x5a: {  	[bflag:$0x0] =	sbarrier.arrive $0xFFFF  }
0x5b: {  	p0 =	sne.s32 s1, $0x0;
	_ =	strace $0x90000047  }
0x5c: {  	s0 =	sadd.s32 @!p0 $0x100000, s0;
	[bflag:$0x2] =	sbarrier.arrive $0xFFFF  }
0x5d: {  	[sflag:s0] =	ssyncadd.tile.s32 @!p0 $0x1;
	_ =	shalt  }
.Lfunc_end2:
_tile_overlayer_lowered:
.L_overlay_start_2:
0x5e: {  	(tag) =	ssettag $0x2  }
0x5f: {  	s0 =	rddreg [dreg:$0x0];
	s2 =	stileid.u32  }
0x60: {  	s1 =	rddreg [dreg:$0x1];
	p0 =	sne.s32 s2, $0x0  }
0x61: {  	s3 =	rddreg [dreg:$0x2];
	[bflag:$0x3] =	sbarrier.arrive $0xFFFF;
	s2 =	simm.s32 @!p0 $0x1C02  }
0x62: {  	[timem:s3], [sflag:s2] =	dma.local @!p0 [hbm:s0], s1  }
0x63: {  	s0 =	simm.s32 @!p0 $0x2  }
0x64: {  	_ =	swait.ge @!p0 [sflag:s0], s1  }
0x65: {  	s1 =	ssub.s32 @!p0 $0x0, s1;
	[sflag:s0] =	ssyncset.done @!p0 $0x0  }
0x66: {  	[sflag:s0] =	ssyncadd.s32 @!p0 s1  }
0x67: {  	[bflag:$0x3] =	sbarrier.arrive $0xFFFF  }
0x68: {  	_ =	shalt  }

</sc_bundles>
